<compile_context>
chip_gen: v7x
topology: tpu7x:2x2x1
jax: 0.10.2.dev20260603
libtpu: 0.0.44.dev20260713+nightly
codegen_flags: <defaults>
</compile_context>

<pallas_src>
import functools

import jax
import jax.numpy as jnp
from jax import lax
from jax.experimental import pallas as pl
from jax.experimental.pallas import tpu as pltpu
from jax.experimental.pallas import tpu_sc as plsc

N_NODES = 10000
N_EDGES = 320000
D_IN = 128

NC, NS = 2, 16
NW = NC * NS
CHUNK = 128
NB = 2
KBLK = 8
NBLK0, NBLK1 = 10, 10
TBLK = NS * (NBLK0 + NBLK1)
E_PAD = TBLK * KBLK * CHUNK
N_PAD = 10240
ROWS_PER_TILE = N_PAD // NS


def _sc_aggregate(width, with_deg):
  mesh = plsc.VectorSubcoreMesh(core_axis_name="c", subcore_axis_name="s")
  out_type = [jax.ShapeDtypeStruct((NC, N_PAD, width), jnp.float32)]
  if with_deg:
    out_type.append(jax.ShapeDtypeStruct((NC, N_PAD), jnp.float32))
  scratch = (
      [pltpu.VMEM((2 * KBLK, CHUNK), jnp.int32) for _ in range(2)]
      + [pltpu.VMEM((CHUNK, width), jnp.float32) for _ in range(NB)]
      + [pltpu.VMEM_SHARED((N_PAD, width), jnp.float32)]
      + [pltpu.SemaphoreType.DMA] * NB
      + [pltpu.SemaphoreType.DMA] * NB
      + [pltpu.SemaphoreType.DMA] * 2
  )
  if with_deg:
    scratch += [
        pltpu.VMEM((CHUNK,), jnp.float32),
        pltpu.VMEM((ROWS_PER_TILE,), jnp.float32),
        pltpu.VMEM_SHARED((N_PAD,), jnp.float32),
    ]

  def body(table, eidx, *rest):
    rest = list(rest)
    agg_out = rest.pop(0)
    if with_deg:
      deg_out = rest.pop(0)
      ones, zdeg, dacc = rest[-3:]
      rest = rest[:-3]
    blkbuf = rest[0:2]
    rows = rest[2:2 + NB]
    acc = rest[2 + NB]
    gsem = rest[3 + NB:3 + 2 * NB]
    ssem = rest[3 + 2 * NB:3 + 3 * NB]
    isem = rest[3 + 3 * NB:3 + 3 * NB + 2]
    zbuf = rows[0]
    c = lax.axis_index("c")
    s = lax.axis_index("s")
    nblk = NBLK0
    base_blk = (s * NC + c) * NBLK0
    tile_base = s * ROWS_PER_TILE

    zero16 = jnp.zeros((16,), jnp.float32)

    def zrow(i, carry):
      for j in range(width // 16):
        zbuf[i, pl.ds(j * 16, 16)] = zero16
      return carry

    lax.fori_loop(0, CHUNK, zrow, 0)
    for k in range(ROWS_PER_TILE // CHUNK):
      pltpu.sync_copy(zbuf, acc.at[pl.ds(tile_base + k * CHUNK, CHUNK)])
    if with_deg:
      def zdrow(i, carry):
        zdeg[pl.ds(i * 16, 16)] = zero16
        return carry

      lax.fori_loop(0, ROWS_PER_TILE // 16, zdrow, 0)
      one16 = jnp.ones((16,), jnp.float32)
      for j in range(CHUNK // 16):
        ones[pl.ds(j * 16, 16)] = one16
      pltpu.sync_copy(zdeg, dacc.at[pl.ds(tile_base, ROWS_PER_TILE)])
    plsc.subcore_barrier()

    base_r = base_blk * 2 * KBLK

    pltpu.sync_copy(eidx.at[pl.ds(base_r, 2 * KBLK)], blkbuf[0])
    pltpu.async_copy(table.at[blkbuf[0].at[0]], rows[0], gsem[0])
    pltpu.async_copy(table.at[blkbuf[0].at[1]], rows[1], gsem[1])

    def step(i, carry):
      for bb in range(2):
        k = 2 * i + bb
        blk = blkbuf[bb]
        nxt = blkbuf[bb ^ 1]
        for m in range(KBLK):
          rb = m % NB
          j = k * KBLK + m
          drow = blk.at[KBLK + m]
          pltpu.make_async_copy(table.at[blk.at[m]], rows[rb], gsem[rb]).wait()
          pltpu.async_copy(rows[rb], acc.at[drow], ssem[rb], add=True)
          if with_deg:
            pltpu.async_copy(ones, dacc.at[drow], ssem[rb], add=True)
          if m == 2:
            @pl.when(k + 1 < nblk)
            def _():
              r1 = base_r + (k + 1) * 2 * KBLK
              pltpu.async_copy(eidx.at[pl.ds(r1, 2 * KBLK)], nxt, isem[bb ^ 1])

          pltpu.make_async_copy(rows[rb], acc.at[drow], ssem[rb]).wait()
          if with_deg:
            pltpu.make_async_copy(ones, dacc.at[drow], ssem[rb]).wait()

          if m < KBLK - 2:
            pltpu.async_copy(table.at[blk.at[m + 2]], rows[rb], gsem[rb])
          else:
            @pl.when(k + 1 < nblk)
            def _():
              if m == KBLK - 2:
                pltpu.make_async_copy(
                    eidx.at[pl.ds(base_r, 2 * KBLK)], nxt, isem[bb ^ 1]).wait()
              pltpu.async_copy(table.at[nxt.at[m + 2 - KBLK]], rows[rb], gsem[rb])
      return carry

    lax.fori_loop(0, nblk // 2, step, 0)
    plsc.subcore_barrier()

    pltpu.sync_copy(acc.at[pl.ds(tile_base, ROWS_PER_TILE)],
                    agg_out.at[c, pl.ds(tile_base, ROWS_PER_TILE)])
    if with_deg:
      pltpu.sync_copy(dacc.at[pl.ds(tile_base, ROWS_PER_TILE)],
                      deg_out.at[c, pl.ds(tile_base, ROWS_PER_TILE)])

  return pl.kernel(
      body,
      out_type=tuple(out_type) if with_deg else out_type[0],
      mesh=mesh,
      scratch_types=scratch,
      compiler_params=pltpu.CompilerParams(use_tc_tiling_on_sc=(width % 128 == 0)),
  )


_sc_agg_deg = _sc_aggregate(128, True)
_sc_agg_128 = _sc_aggregate(128, False)
_sc_agg_48 = _sc_aggregate(48, False)


def _leaky(t):
  return jnp.where(t > 0, t, 0.01 * t)


BLK = 1024
GRID = N_PAD // BLK


def _full(shape):
  return pl.BlockSpec(shape, lambda i: (0,) * len(shape))


def _rows2(w):
  return pl.BlockSpec((BLK, w), lambda i: (i, 0))


def _agg_spec(w):
  return pl.BlockSpec((NC, BLK, w), lambda i: (0, i, 0))


_DEG_SPEC = pl.BlockSpec((NC, BLK), lambda i: (0, i))


def _tc1_body(agg_ref, deg_ref, x_ref, wl1, wr1, b1r, wl2, wr2, b2r,
              y2_ref, s2_ref):
  d = jnp.maximum(deg_ref[0, :] + deg_ref[1, :], 1.0)
  mean = (agg_ref[0] + agg_ref[1]) / d[:, None]
  t = jnp.dot(mean, wl1[...], preferred_element_type=jnp.float32)
  t = t + jnp.dot(x_ref[...], wr1[...], preferred_element_type=jnp.float32)
  h1 = _leaky(t + b1r[...])
  y2_ref[...] = jnp.dot(h1, wl2[...], preferred_element_type=jnp.float32)
  s2_ref[...] = (jnp.dot(h1, wr2[...], preferred_element_type=jnp.float32)
                 + b2r[...])


def _tc2_body(agg_ref, deg_ref, s2_ref, wl3, wr3, b3r, y3_ref, s3_ref):
  d = jnp.maximum(deg_ref[0, :] + deg_ref[1, :], 1.0)
  h2 = _leaky((agg_ref[0] + agg_ref[1]) / d[:, None] + s2_ref[...])
  y3_ref[...] = jnp.dot(h2, wl3[...], preferred_element_type=jnp.float32)
  s3_ref[...] = (jnp.dot(h2, wr3[...], preferred_element_type=jnp.float32)
                 + b3r[...])


def _tc3_body(agg_ref, deg_ref, s3_ref, out_ref):
  d = jnp.maximum(deg_ref[0, :] + deg_ref[1, :], 1.0)
  z = (agg_ref[0] + agg_ref[1])[:, :40] / d[:, None] + s3_ref[...]
  m = jnp.max(z, axis=1, keepdims=True)
  e = jnp.exp(z - m)
  lse = jnp.log(jnp.sum(e, axis=1, keepdims=True))
  out_ref[...] = z - m - lse


_tc1 = pl.pallas_call(
    _tc1_body,
    grid=(GRID,),
    in_specs=[_agg_spec(128), _DEG_SPEC, _rows2(128), _full((128, 256)),
              _full((128, 256)), _full((1, 256)), _full((256, 128)),
              _full((256, 128)), _full((1, 128))],
    out_specs=[_rows2(128), _rows2(128)],
    out_shape=[jax.ShapeDtypeStruct((N_PAD, 128), jnp.float32),
               jax.ShapeDtypeStruct((N_PAD, 128), jnp.float32)],
)

_tc2 = pl.pallas_call(
    _tc2_body,
    grid=(GRID,),
    in_specs=[_agg_spec(128), _DEG_SPEC, _rows2(128), _full((128, 48)),
              _full((128, 40)), _full((1, 40))],
    out_specs=[_rows2(48), _rows2(40)],
    out_shape=[jax.ShapeDtypeStruct((N_PAD, 48), jnp.float32),
               jax.ShapeDtypeStruct((N_PAD, 40), jnp.float32)],
)

_tc3 = pl.pallas_call(
    _tc3_body,
    grid=(GRID,),
    in_specs=[_agg_spec(48), _DEG_SPEC, _rows2(40)],
    out_specs=_rows2(40),
    out_shape=jax.ShapeDtypeStruct((N_PAD, 40), jnp.float32),
)


@jax.jit
def kernel(x, edge_index, W_l1, W_r1, b1, W_l2, W_r2, b2, W_l3, W_r3, b3):
  src = edge_index[0].astype(jnp.int32)
  dst = edge_index[1].astype(jnp.int32)
  pad_e = E_PAD - N_EDGES
  src_p = jnp.concatenate([src, jnp.zeros((pad_e,), jnp.int32)])
  trash = N_NODES + jnp.arange(pad_e, dtype=jnp.int32) % (N_PAD - N_NODES)
  dst_p = jnp.concatenate([dst, trash])
  srcb = src_p.reshape(TBLK, KBLK, CHUNK)
  dstb = dst_p.reshape(TBLK, KBLK, CHUNK)
  eidx = jnp.concatenate([srcb, dstb], axis=1).reshape(TBLK * 2 * KBLK, CHUNK)
  x_p = jnp.zeros((N_PAD, D_IN), jnp.float32).at[:N_NODES].set(x)

  agg1, deg = _sc_agg_deg(x_p, eidx)
  y2, s2 = _tc1(agg1, deg, x_p, W_l1, W_r1, b1.reshape(1, -1),
                W_l2, W_r2, b2.reshape(1, -1))
  agg2 = _sc_agg_128(y2, eidx)
  wl3p = jnp.pad(W_l3, ((0, 0), (0, 8)))
  y3, s3 = _tc2(agg2, deg, s2, wl3p, W_r3, b3.reshape(1, -1))
  agg3 = _sc_agg_48(y3, eidx)
  out = _tc3(agg3, deg, s3)
  return out[:N_NODES]

# --- scband reference (transcript-rebuilt; emitter-appended) ---
"""Pipeline reference for scband-graph-sage-3083786519231 (READ-ONLY COPY).

The authoritative reference and input builder live on the scoring server;
editing this copy changes nothing except your own understanding.
"""

import jax, jax.numpy as jnp
import numpy as np

N_NODES = 10000
N_EDGES = 320000
D_IN = 128
D_H1 = 256
D_H2 = 128
D_OUT = 40


def glorot(key, shape):
    fan_in, fan_out = shape[0], shape[1]
    limit = np.sqrt(6.0 / (fan_in + fan_out))
    return jax.random.uniform(key, shape, dtype=jnp.float32, minval=-limit, maxval=limit)


def setup_inputs(seed: int = 0) -> dict:
    key = jax.random.key(seed)
    ks = jax.random.split(key, 12)
    x = jax.random.normal(ks[0], (N_NODES, D_IN), dtype=jnp.float32)
    edge_index = jax.random.randint(ks[1], (2, N_EDGES), 0, N_NODES, dtype=jnp.int64)
    params = {
        'W_l1': glorot(ks[2], (D_IN, D_H1)),
        'W_r1': glorot(ks[3], (D_IN, D_H1)),
        'b1': jnp.zeros((D_H1,), dtype=jnp.float32),
        'W_l2': glorot(ks[4], (D_H1, D_H2)),
        'W_r2': glorot(ks[5], (D_H1, D_H2)),
        'b2': jnp.zeros((D_H2,), dtype=jnp.float32),
        'W_l3': glorot(ks[6], (D_H2, D_OUT)),
        'W_r3': glorot(ks[7], (D_H2, D_OUT)),
        'b3': jnp.zeros((D_OUT,), dtype=jnp.float32),
    }
    out = {'x': x, 'edge_index': edge_index}
    out.update(params)
    return out


def _sage_conv(x, edge_index, W_l, W_r, b):
    # PyG SAGEConv with mean aggregation:
    # out = W_l @ mean_{j in N(i)} x_j + W_r @ x_i + b
    src = edge_index[0]
    dst = edge_index[1]
    msgs = jnp.take(x, src, axis=0)                 # gather (SparseCore)
    agg = jax.ops.segment_sum(msgs, dst, num_segments=N_NODES)  # scatter-add
    deg = jax.ops.segment_sum(jnp.ones((edge_index.shape[1],), dtype=x.dtype), dst, num_segments=N_NODES)
    mean = agg / jnp.clip(deg, 1.0)[:, None]
    return mean @ W_l + x @ W_r + b


def reference(x, edge_index, W_l1, W_r1, b1, W_l2, W_r2, b2, W_l3, W_r3, b3):
    h = _sage_conv(x, edge_index, W_l1, W_r1, b1)
    h = jax.nn.leaky_relu(h, negative_slope=0.01)
    # dropout is identity in eval / deterministic reference
    h = _sage_conv(h, edge_index, W_l2, W_r2, b2)
    h = jax.nn.leaky_relu(h, negative_slope=0.01)
    h = _sage_conv(h, edge_index, W_l3, W_r3, b3)
    return jax.nn.log_softmax(h, axis=1)

if __name__ == "__main__":
    import jax
    _d = setup_inputs()
    print(jax.jit(kernel)(*tuple(_d.values())))

</pallas_src>

<mosaic_0001>
#map = affine_map<(d0, d1) -> (0, 0)>
#map1 = affine_map<(d0, d1) -> (0, 0, 0)>
module attributes {stable_mosaic.version = 14 : i64} {
  func.func @body(%arg0: i32, %arg1: i32, %arg2: memref<10240x128xf32, #tpu.memory_space<hbm>>, %arg3: memref<5120x128xi32, #tpu.memory_space<hbm>>, %arg4: memref<2x10240x128xf32, #tpu.memory_space<hbm>>, %arg5: memref<16x128xi32, #tpu.memory_space<vmem>>, %arg6: memref<16x128xi32, #tpu.memory_space<vmem>>, %arg7: memref<128x128xf32, #tpu.memory_space<vmem>>, %arg8: memref<128x128xf32, #tpu.memory_space<vmem>>, %arg9: memref<10240x128xf32, #tpu.memory_space<vmem_shared>>, %arg10: memref<!tpu.dma_semaphore, #tpu.memory_space<semaphore_mem>>, %arg11: memref<!tpu.dma_semaphore, #tpu.memory_space<semaphore_mem>>, %arg12: memref<!tpu.dma_semaphore, #tpu.memory_space<semaphore_mem>>, %arg13: memref<!tpu.dma_semaphore, #tpu.memory_space<semaphore_mem>>, %arg14: memref<!tpu.dma_semaphore, #tpu.memory_space<semaphore_mem>>, %arg15: memref<!tpu.dma_semaphore, #tpu.memory_space<semaphore_mem>>) attributes {dimension_semantics = [#tpu.dimension_semantics<core_parallel>, #tpu.dimension_semantics<subcore_parallel>], iteration_bounds = array<i64: 2, 16>, scalar_prefetch = 0 : i64, scratch_operands = 11 : i64, tpu.core_type = #tpu.core_type<sc_vector_subcore>, window_params = [{transform_indices = #map}, {transform_indices = #map}, {transform_indices = #map1}]} {
    %mul3A = arith.constant 2 : i32
    %mul3A_0 = arith.muli %arg1, %mul3A : i32
    %add3A = arith.addi %mul3A_0, %arg0 : i32
    %mul3A_1 = arith.constant 10 : i32
    %mul3A_2 = arith.muli %add3A, %mul3A_1 : i32
    %mul3A_3 = arith.constant 640 : i32
    %mul3A_4 = arith.muli %arg1, %mul3A_3 : i32
    %broadcast_in_dim3A = arith.constant 0.000000e+00 : f32
    %broadcast_in_dim3A_5 = vector.broadcast %broadcast_in_dim3A : f32 to vector<16xf32>
    %scan3A = arith.constant 0 : i32
    %scan3A_6 = arith.constant 0 : i32
    %scan3A_7 = arith.constant 128 : i32
    %scan3A_8 = arith.addi %scan3A_6, %scan3A_7 : i32
    %scan3A_9 = arith.constant 1 : i32
    scf.for %scan3A_45 = %scan3A_6 to %scan3A_8 step %scan3A_9  : i32 {
      %swap3A = arith.index_cast %scan3A_45 : i32 to index
      %swap3A_46 = arith.constant 0 : index
      %swap3A_47 = tpu.vector_load %arg7[%swap3A, %swap3A_46] {strides = array<i32>} : memref<128x128xf32, #tpu.memory_space<vmem>>, vector<1x16xf32>,
      %swap3A_48 = vector.shape_cast %swap3A_47 : vector<1x16xf32> to vector<16xf32>
      %swap3A_49 = vector.shape_cast %broadcast_in_dim3A_5 : vector<16xf32> to vector<1x16xf32>
      tpu.vector_store %arg7[%swap3A, %swap3A_46], %swap3A_49 {strides = array<i32>} : memref<128x128xf32, #tpu.memory_space<vmem>>, vector<1x16xf32>,
      %swap3A_50 = arith.index_cast %scan3A_45 : i32 to index
      %swap3A_51 = arith.constant 16 : index
      %swap3A_52 = tpu.vector_load %arg7[%swap3A_50, %swap3A_51] {strides = array<i32>} : memref<128x128xf32, #tpu.memory_space<vmem>>, vector<1x16xf32>,
      %swap3A_53 = vector.shape_cast %swap3A_52 : vector<1x16xf32> to vector<16xf32>
      %swap3A_54 = vector.shape_cast %broadcast_in_dim3A_5 : vector<16xf32> to vector<1x16xf32>
      tpu.vector_store %arg7[%swap3A_50, %swap3A_51], %swap3A_54 {strides = array<i32>} : memref<128x128xf32, #tpu.memory_space<vmem>>, vector<1x16xf32>,
      %swap3A_55 = arith.index_cast %scan3A_45 : i32 to index
      %swap3A_56 = arith.constant 32 : index
      %swap3A_57 = tpu.vector_load %arg7[%swap3A_55, %swap3A_56] {strides = array<i32>} : memref<128x128xf32, #tpu.memory_space<vmem>>, vector<1x16xf32>,
      %swap3A_58 = vector.shape_cast %swap3A_57 : vector<1x16xf32> to vector<16xf32>
      %swap3A_59 = vector.shape_cast %broadcast_in_dim3A_5 : vector<16xf32> to vector<1x16xf32>
      tpu.vector_store %arg7[%swap3A_55, %swap3A_56], %swap3A_59 {strides = array<i32>} : memref<128x128xf32, #tpu.memory_space<vmem>>, vector<1x16xf32>,
      %swap3A_60 = arith.index_cast %scan3A_45 : i32 to index
      %swap3A_61 = arith.constant 48 : index
      %swap3A_62 = tpu.vector_load %arg7[%swap3A_60, %swap3A_61] {strides = array<i32>} : memref<128x128xf32, #tpu.memory_space<vmem>>, vector<1x16xf32>,
      %swap3A_63 = vector.shape_cast %swap3A_62 : vector<1x16xf32> to vector<16xf32>
      %swap3A_64 = vector.shape_cast %broadcast_in_dim3A_5 : vector<16xf32> to vector<1x16xf32>
      tpu.vector_store %arg7[%swap3A_60, %swap3A_61], %swap3A_64 {strides = array<i32>} : memref<128x128xf32, #tpu.memory_space<vmem>>, vector<1x16xf32>,
      %swap3A_65 = arith.index_cast %scan3A_45 : i32 to index
      %swap3A_66 = arith.constant 64 : index
      %swap3A_67 = tpu.vector_load %arg7[%swap3A_65, %swap3A_66] {strides = array<i32>} : memref<128x128xf32, #tpu.memory_space<vmem>>, vector<1x16xf32>,
      %swap3A_68 = vector.shape_cast %swap3A_67 : vector<1x16xf32> to vector<16xf32>
      %swap3A_69 = vector.shape_cast %broadcast_in_dim3A_5 : vector<16xf32> to vector<1x16xf32>
      tpu.vector_store %arg7[%swap3A_65, %swap3A_66], %swap3A_69 {strides = array<i32>} : memref<128x128xf32, #tpu.memory_space<vmem>>, vector<1x16xf32>,
      %swap3A_70 = arith.index_cast %scan3A_45 : i32 to index
      %swap3A_71 = arith.constant 80 : index
      %swap3A_72 = tpu.vector_load %arg7[%swap3A_70, %swap3A_71] {strides = array<i32>} : memref<128x128xf32, #tpu.memory_space<vmem>>, vector<1x16xf32>,
      %swap3A_73 = vector.shape_cast %swap3A_72 : vector<1x16xf32> to vector<16xf32>
      %swap3A_74 = vector.shape_cast %broadcast_in_dim3A_5 : vector<16xf32> to vector<1x16xf32>
      tpu.vector_store %arg7[%swap3A_70, %swap3A_71], %swap3A_74 {strides = array<i32>} : memref<128x128xf32, #tpu.memory_space<vmem>>, vector<1x16xf32>,
      %swap3A_75 = arith.index_cast %scan3A_45 : i32 to index
      %swap3A_76 = arith.constant 96 : index
      %swap3A_77 = tpu.vector_load %arg7[%swap3A_75, %swap3A_76] {strides = array<i32>} : memref<128x128xf32, #tpu.memory_space<vmem>>, vector<1x16xf32>,
      %swap3A_78 = vector.shape_cast %swap3A_77 : vector<1x16xf32> to vector<16xf32>
      %swap3A_79 = vector.shape_cast %broadcast_in_dim3A_5 : vector<16xf32> to vector<1x16xf32>
      tpu.vector_store %arg7[%swap3A_75, %swap3A_76], %swap3A_79 {strides = array<i32>} : memref<128x128xf32, #tpu.memory_space<vmem>>, vector<1x16xf32>,
      %swap3A_80 = arith.index_cast %scan3A_45 : i32 to index
      %swap3A_81 = arith.constant 112 : index
      %swap3A_82 = tpu.vector_load %arg7[%swap3A_80, %swap3A_81] {strides = array<i32>} : memref<128x128xf32, #tpu.memory_space<vmem>>, vector<1x16xf32>,
      %swap3A_83 = vector.shape_cast %swap3A_82 : vector<1x16xf32> to vector<16xf32>
      %swap3A_84 = vector.shape_cast %broadcast_in_dim3A_5 : vector<16xf32> to vector<1x16xf32>
      tpu.vector_store %arg7[%swap3A_80, %swap3A_81], %swap3A_84 {strides = array<i32>} : memref<128x128xf32, #tpu.memory_space<vmem>>, vector<1x16xf32>,
    }
    %scan3A_10 = arith.constant 128 : i32
    %add3A_11 = arith.constant 0 : i32
    %add3A_12 = arith.addi %mul3A_4, %add3A_11 : i32
    "tpu.region"() ({
      %run_scoped3A = tpu.sem_alloc : memref<!tpu.dma_semaphore, #tpu.memory_space<semaphore_mem>>
      %dma_start3A_45 = arith.constant 0 : i32
      %dma_start3A_46 = tpu.memref_slice %arg9[%add3A_12, %dma_start3A_45] : memref<10240x128xf32, #tpu.memory_space<vmem_shared>> -> memref<128x128xf32, #tpu.memory_space<vmem_shared>>
      %dma_start3A_47 = arith.constant 0 : i32
      %dma_start3A_48 = tpu.memref_slice %arg9[%add3A_12, %dma_start3A_47] : memref<10240x128xf32, #tpu.memory_space<vmem_shared>> -> memref<128x128xf32, #tpu.memory_space<vmem_shared>>
      tpu.enqueue_dma source(%arg7 : memref<128x128xf32, #tpu.memory_space<vmem>>) target(%dma_start3A_48 : memref<128x128xf32, #tpu.memory_space<vmem_shared>>) target_semaphore(%run_scoped3A : memref<!tpu.dma_semaphore, #tpu.memory_space<semaphore_mem>>)
      %dma_wait3A = arith.constant 0 : i32
      %dma_wait3A_49 = tpu.memref_slice %arg9[%add3A_12, %dma_wait3A] : memref<10240x128xf32, #tpu.memory_space<vmem_shared>> -> memref<128x128xf32, #tpu.memory_space<vmem_shared>>
      %dma_wait3A_50 = arith.constant 0 : i32
      %dma_wait3A_51 = tpu.memref_slice %arg9[%add3A_12, %dma_wait3A_50] : memref<10240x128xf32, #tpu.memory_space<vmem_shared>> -> memref<128x128xf32, #tpu.memory_space<vmem_shared>>
      tpu.wait_dma2 semaphore(%run_scoped3A : memref<!tpu.dma_semaphore, #tpu.memory_space<semaphore_mem>>) src(%arg7 : memref<128x128xf32, #tpu.memory_space<vmem>>) dst(%dma_wait3A_51 : memref<128x128xf32, #tpu.memory_space<vmem_shared>>)
      tpu.yield
    }) : () -> ()
    %add3A_13 = arith.constant 128 : i32
    %add3A_14 = arith.addi %mul3A_4, %add3A_13 : i32
    "tpu.region"() ({
      %run_scoped3A = tpu.sem_alloc : memref<!tpu.dma_semaphore, #tpu.memory_space<semaphore_mem>>
      %dma_start3A_45 = arith.constant 0 : i32
      %dma_start3A_46 = tpu.memref_slice %arg9[%add3A_14, %dma_start3A_45] : memref<10240x128xf32, #tpu.memory_space<vmem_shared>> -> memref<128x128xf32, #tpu.memory_space<vmem_shared>>
      %dma_start3A_47 = arith.constant 0 : i32
      %dma_start3A_48 = tpu.memref_slice %arg9[%add3A_14, %dma_start3A_47] : memref<10240x128xf32, #tpu.memory_space<vmem_shared>> -> memref<128x128xf32, #tpu.memory_space<vmem_shared>>
      tpu.enqueue_dma source(%arg7 : memref<128x128xf32, #tpu.memory_space<vmem>>) target(%dma_start3A_48 : memref<128x128xf32, #tpu.memory_space<vmem_shared>>) target_semaphore(%run_scoped3A : memref<!tpu.dma_semaphore, #tpu.memory_space<semaphore_mem>>)
      %dma_wait3A = arith.constant 0 : i32
      %dma_wait3A_49 = tpu.memref_slice %arg9[%add3A_14, %dma_wait3A] : memref<10240x128xf32, #tpu.memory_space<vmem_shared>> -> memref<128x128xf32, #tpu.memory_space<vmem_shared>>
      %dma_wait3A_50 = arith.constant 0 : i32
      %dma_wait3A_51 = tpu.memref_slice %arg9[%add3A_14, %dma_wait3A_50] : memref<10240x128xf32, #tpu.memory_space<vmem_shared>> -> memref<128x128xf32, #tpu.memory_space<vmem_shared>>
      tpu.wait_dma2 semaphore(%run_scoped3A : memref<!tpu.dma_semaphore, #tpu.memory_space<semaphore_mem>>) src(%arg7 : memref<128x128xf32, #tpu.memory_space<vmem>>) dst(%dma_wait3A_51 : memref<128x128xf32, #tpu.memory_space<vmem_shared>>)
      tpu.yield
    }) : () -> ()
    %add3A_15 = arith.constant 256 : i32
    %add3A_16 = arith.addi %mul3A_4, %add3A_15 : i32
    "tpu.region"() ({
      %run_scoped3A = tpu.sem_alloc : memref<!tpu.dma_semaphore, #tpu.memory_space<semaphore_mem>>
      %dma_start3A_45 = arith.constant 0 : i32
      %dma_start3A_46 = tpu.memref_slice %arg9[%add3A_16, %dma_start3A_45] : memref<10240x128xf32, #tpu.memory_space<vmem_shared>> -> memref<128x128xf32, #tpu.memory_space<vmem_shared>>
      %dma_start3A_47 = arith.constant 0 : i32
      %dma_start3A_48 = tpu.memref_slice %arg9[%add3A_16, %dma_start3A_47] : memref<10240x128xf32, #tpu.memory_space<vmem_shared>> -> memref<128x128xf32, #tpu.memory_space<vmem_shared>>
      tpu.enqueue_dma source(%arg7 : memref<128x128xf32, #tpu.memory_space<vmem>>) target(%dma_start3A_48 : memref<128x128xf32, #tpu.memory_space<vmem_shared>>) target_semaphore(%run_scoped3A : memref<!tpu.dma_semaphore, #tpu.memory_space<semaphore_mem>>)
      %dma_wait3A = arith.constant 0 : i32
      %dma_wait3A_49 = tpu.memref_slice %arg9[%add3A_16, %dma_wait3A] : memref<10240x128xf32, #tpu.memory_space<vmem_shared>> -> memref<128x128xf32, #tpu.memory_space<vmem_shared>>
      %dma_wait3A_50 = arith.constant 0 : i32
      %dma_wait3A_51 = tpu.memref_slice %arg9[%add3A_16, %dma_wait3A_50] : memref<10240x128xf32, #tpu.memory_space<vmem_shared>> -> memref<128x128xf32, #tpu.memory_space<vmem_shared>>
      tpu.wait_dma2 semaphore(%run_scoped3A : memref<!tpu.dma_semaphore, #tpu.memory_space<semaphore_mem>>) src(%arg7 : memref<128x128xf32, #tpu.memory_space<vmem>>) dst(%dma_wait3A_51 : memref<128x128xf32, #tpu.memory_space<vmem_shared>>)
      tpu.yield
    }) : () -> ()
    %add3A_17 = arith.constant 384 : i32
    %add3A_18 = arith.addi %mul3A_4, %add3A_17 : i32
    "tpu.region"() ({
      %run_scoped3A = tpu.sem_alloc : memref<!tpu.dma_semaphore, #tpu.memory_space<semaphore_mem>>
      %dma_start3A_45 = arith.constant 0 : i32
      %dma_start3A_46 = tpu.memref_slice %arg9[%add3A_18, %dma_start3A_45] : memref<10240x128xf32, #tpu.memory_space<vmem_shared>> -> memref<128x128xf32, #tpu.memory_space<vmem_shared>>
      %dma_start3A_47 = arith.constant 0 : i32
      %dma_start3A_48 = tpu.memref_slice %arg9[%add3A_18, %dma_start3A_47] : memref<10240x128xf32, #tpu.memory_space<vmem_shared>> -> memref<128x128xf32, #tpu.memory_space<vmem_shared>>
      tpu.enqueue_dma source(%arg7 : memref<128x128xf32, #tpu.memory_space<vmem>>) target(%dma_start3A_48 : memref<128x128xf32, #tpu.memory_space<vmem_shared>>) target_semaphore(%run_scoped3A : memref<!tpu.dma_semaphore, #tpu.memory_space<semaphore_mem>>)
      %dma_wait3A = arith.constant 0 : i32
      %dma_wait3A_49 = tpu.memref_slice %arg9[%add3A_18, %dma_wait3A] : memref<10240x128xf32, #tpu.memory_space<vmem_shared>> -> memref<128x128xf32, #tpu.memory_space<vmem_shared>>
      %dma_wait3A_50 = arith.constant 0 : i32
      %dma_wait3A_51 = tpu.memref_slice %arg9[%add3A_18, %dma_wait3A_50] : memref<10240x128xf32, #tpu.memory_space<vmem_shared>> -> memref<128x128xf32, #tpu.memory_space<vmem_shared>>
      tpu.wait_dma2 semaphore(%run_scoped3A : memref<!tpu.dma_semaphore, #tpu.memory_space<semaphore_mem>>) src(%arg7 : memref<128x128xf32, #tpu.memory_space<vmem>>) dst(%dma_wait3A_51 : memref<128x128xf32, #tpu.memory_space<vmem_shared>>)
      tpu.yield
    }) : () -> ()
    %add3A_19 = arith.constant 512 : i32
    %add3A_20 = arith.addi %mul3A_4, %add3A_19 : i32
    "tpu.region"() ({
      %run_scoped3A = tpu.sem_alloc : memref<!tpu.dma_semaphore, #tpu.memory_space<semaphore_mem>>
      %dma_start3A_45 = arith.constant 0 : i32
      %dma_start3A_46 = tpu.memref_slice %arg9[%add3A_20, %dma_start3A_45] : memref<10240x128xf32, #tpu.memory_space<vmem_shared>> -> memref<128x128xf32, #tpu.memory_space<vmem_shared>>
      %dma_start3A_47 = arith.constant 0 : i32
      %dma_start3A_48 = tpu.memref_slice %arg9[%add3A_20, %dma_start3A_47] : memref<10240x128xf32, #tpu.memory_space<vmem_shared>> -> memref<128x128xf32, #tpu.memory_space<vmem_shared>>
      tpu.enqueue_dma source(%arg7 : memref<128x128xf32, #tpu.memory_space<vmem>>) target(%dma_start3A_48 : memref<128x128xf32, #tpu.memory_space<vmem_shared>>) target_semaphore(%run_scoped3A : memref<!tpu.dma_semaphore, #tpu.memory_space<semaphore_mem>>)
      %dma_wait3A = arith.constant 0 : i32
      %dma_wait3A_49 = tpu.memref_slice %arg9[%add3A_20, %dma_wait3A] : memref<10240x128xf32, #tpu.memory_space<vmem_shared>> -> memref<128x128xf32, #tpu.memory_space<vmem_shared>>
      %dma_wait3A_50 = arith.constant 0 : i32
      %dma_wait3A_51 = tpu.memref_slice %arg9[%add3A_20, %dma_wait3A_50] : memref<10240x128xf32, #tpu.memory_space<vmem_shared>> -> memref<128x128xf32, #tpu.memory_space<vmem_shared>>
      tpu.wait_dma2 semaphore(%run_scoped3A : memref<!tpu.dma_semaphore, #tpu.memory_space<semaphore_mem>>) src(%arg7 : memref<128x128xf32, #tpu.memory_space<vmem>>) dst(%dma_wait3A_51 : memref<128x128xf32, #tpu.memory_space<vmem_shared>>)
      tpu.yield
    }) : () -> ()
    %barrier3A = arith.constant 0 : index
    tpu.barrier barrier_id(%barrier3A)
    %mul3A_21 = arith.constant 2 : i32
    %mul3A_22 = arith.muli %mul3A_2, %mul3A_21 : i32
    %mul3A_23 = arith.constant 8 : i32
    %mul3A_24 = arith.muli %mul3A_22, %mul3A_23 : i32
    "tpu.region"() ({
      %run_scoped3A = tpu.sem_alloc : memref<!tpu.dma_semaphore, #tpu.memory_space<semaphore_mem>>
      %dma_start3A_45 = arith.constant 0 : i32
      %dma_start3A_46 = tpu.memref_slice %arg3[%mul3A_24, %dma_start3A_45] : memref<5120x128xi32, #tpu.memory_space<hbm>> -> memref<16x128xi32, #tpu.memory_space<hbm>>
      %dma_start3A_47 = arith.constant 0 : i32
      %dma_start3A_48 = tpu.memref_slice %arg3[%mul3A_24, %dma_start3A_47] : memref<5120x128xi32, #tpu.memory_space<hbm>> -> memref<16x128xi32, #tpu.memory_space<hbm>>
      tpu.enqueue_dma source(%dma_start3A_48 : memref<16x128xi32, #tpu.memory_space<hbm>>) target(%arg5 : memref<16x128xi32, #tpu.memory_space<vmem>>) target_semaphore(%run_scoped3A : memref<!tpu.dma_semaphore, #tpu.memory_space<semaphore_mem>>)
      %dma_wait3A = arith.constant 0 : i32
      %dma_wait3A_49 = tpu.memref_slice %arg3[%mul3A_24, %dma_wait3A] : memref<5120x128xi32, #tpu.memory_space<hbm>> -> memref<16x128xi32, #tpu.memory_space<hbm>>
      %dma_wait3A_50 = arith.constant 0 : i32
      %dma_wait3A_51 = tpu.memref_slice %arg3[%mul3A_24, %dma_wait3A_50] : memref<5120x128xi32, #tpu.memory_space<hbm>> -> memref<16x128xi32, #tpu.memory_space<hbm>>
      tpu.wait_dma2 semaphore(%run_scoped3A : memref<!tpu.dma_semaphore, #tpu.memory_space<semaphore_mem>>) src(%dma_wait3A_51 : memref<16x128xi32, #tpu.memory_space<hbm>>) dst(%arg5 : memref<16x128xi32, #tpu.memory_space<vmem>>)
      tpu.yield
    }) : () -> ()
    %dma_start3A = arith.constant 0 : i32
    %dma_start3A_25 = arith.constant 0 : i32
    %dma_start3A_26 = tpu.memref_slice %arg5[%dma_start3A, %dma_start3A_25] : memref<16x128xi32, #tpu.memory_space<vmem>> -> memref<1x128xi32, #tpu.memory_space<vmem>>
    %dma_start3A_27 = tpu.memref_squeeze %dma_start3A_26 : memref<1x128xi32, #tpu.memory_space<vmem>> -> memref<128xi32, #tpu.memory_space<vmem>>
    %dma_start3A_28 = arith.constant 0 : i32
    %dma_start3A_29 = arith.constant 0 : i32
    %dma_start3A_30 = tpu.memref_slice %arg2[%dma_start3A_28, %dma_start3A_29] : memref<10240x128xf32, #tpu.memory_space<hbm>> -> memref<10240x128xf32, #tpu.memory_space<hbm>>
    tpu.enqueue_indirect_dma source(%dma_start3A_30 : memref<10240x128xf32, #tpu.memory_space<hbm>>) target(%arg7 : memref<128x128xf32, #tpu.memory_space<vmem>>) offsets(%dma_start3A_27 : memref<128xi32, #tpu.memory_space<vmem>>) semaphore(%arg10 : memref<!tpu.dma_semaphore, #tpu.memory_space<semaphore_mem>>)
    %dma_start3A_31 = arith.constant 1 : i32
    %dma_start3A_32 = arith.constant 0 : i32
    %dma_start3A_33 = tpu.memref_slice %arg5[%dma_start3A_31, %dma_start3A_32] : memref<16x128xi32, #tpu.memory_space<vmem>> -> memref<1x128xi32, #tpu.memory_space<vmem>>
    %dma_start3A_34 = tpu.memref_squeeze %dma_start3A_33 : memref<1x128xi32, #tpu.memory_space<vmem>> -> memref<128xi32, #tpu.memory_space<vmem>>
    %dma_start3A_35 = arith.constant 0 : i32
    %dma_start3A_36 = arith.constant 0 : i32
    %dma_start3A_37 = tpu.memref_slice %arg2[%dma_start3A_35, %dma_start3A_36] : memref<10240x128xf32, #tpu.memory_space<hbm>> -> memref<10240x128xf32, #tpu.memory_space<hbm>>
    tpu.enqueue_indirect_dma source(%dma_start3A_37 : memref<10240x128xf32, #tpu.memory_space<hbm>>) target(%arg8 : memref<128x128xf32, #tpu.memory_space<vmem>>) offsets(%dma_start3A_34 : memref<128xi32, #tpu.memory_space<vmem>>) semaphore(%arg11 : memref<!tpu.dma_semaphore, #tpu.memory_space<semaphore_mem>>)
    %scan3A_38 = arith.constant 0 : i32
    %scan3A_39 = arith.constant 0 : i32
    %scan3A_40 = arith.constant 5 : i32
    %scan3A_41 = arith.addi %scan3A_39, %scan3A_40 : i32
    %scan3A_42 = arith.constant 1 : i32
    scf.for %scan3A_45 = %scan3A_39 to %scan3A_41 step %scan3A_42  : i32 {
      %mul3A_46 = arith.constant 2 : i32
      %mul3A_47 = arith.muli %mul3A_46, %scan3A_45 : i32
      %add3A_48 = arith.constant 0 : i32
      %add3A_49 = arith.addi %mul3A_47, %add3A_48 : i32
      %mul3A_50 = arith.constant 8 : i32
      %mul3A_51 = arith.muli %add3A_49, %mul3A_50 : i32
      %add3A_52 = arith.constant 0 : i32
      %add3A_53 = arith.addi %mul3A_51, %add3A_52 : i32
      %dma_wait3A = arith.constant 0 : i32
      %dma_wait3A_54 = arith.constant 0 : i32
      %dma_wait3A_55 = tpu.memref_slice %arg5[%dma_wait3A, %dma_wait3A_54] : memref<16x128xi32, #tpu.memory_space<vmem>> -> memref<1x128xi32, #tpu.memory_space<vmem>>
      %dma_wait3A_56 = tpu.memref_squeeze %dma_wait3A_55 : memref<1x128xi32, #tpu.memory_space<vmem>> -> memref<128xi32, #tpu.memory_space<vmem>>
      %dma_wait3A_57 = arith.constant 0 : i32
      %dma_wait3A_58 = arith.constant 0 : i32
      %dma_wait3A_59 = tpu.memref_slice %arg2[%dma_wait3A_57, %dma_wait3A_58] : memref<10240x128xf32, #tpu.memory_space<hbm>> -> memref<10240x128xf32, #tpu.memory_space<hbm>>
      tpu.wait_indirect_dma semaphore(%arg10 : memref<!tpu.dma_semaphore, #tpu.memory_space<semaphore_mem>>) src(%dma_wait3A_59 : memref<10240x128xf32, #tpu.memory_space<hbm>>) dst(%arg7 : memref<128x128xf32, #tpu.memory_space<vmem>>)
      %dma_start3A_60 = arith.constant 8 : i32
      %dma_start3A_61 = arith.constant 0 : i32
      %dma_start3A_62 = tpu.memref_slice %arg5[%dma_start3A_60, %dma_start3A_61] : memref<16x128xi32, #tpu.memory_space<vmem>> -> memref<1x128xi32, #tpu.memory_space<vmem>>
      %dma_start3A_63 = tpu.memref_squeeze %dma_start3A_62 : memref<1x128xi32, #tpu.memory_space<vmem>> -> memref<128xi32, #tpu.memory_space<vmem>>
      %dma_start3A_64 = arith.constant 0 : i32
      %dma_start3A_65 = arith.constant 0 : i32
      %dma_start3A_66 = tpu.memref_slice %arg9[%dma_start3A_64, %dma_start3A_65] : memref<10240x128xf32, #tpu.memory_space<vmem_shared>> -> memref<10240x128xf32, #tpu.memory_space<vmem_shared>>
      tpu.enqueue_indirect_dma source(%arg7 : memref<128x128xf32, #tpu.memory_space<vmem>>) target(%dma_start3A_66 : memref<10240x128xf32, #tpu.memory_space<vmem_shared>>) offsets(%dma_start3A_63 : memref<128xi32, #tpu.memory_space<vmem>>) semaphore(%arg12 : memref<!tpu.dma_semaphore, #tpu.memory_space<semaphore_mem>>) {add = true}
      %dma_wait3A_67 = arith.constant 8 : i32
      %dma_wait3A_68 = arith.constant 0 : i32
      %dma_wait3A_69 = tpu.memref_slice %arg5[%dma_wait3A_67, %dma_wait3A_68] : memref<16x128xi32, #tpu.memory_space<vmem>> -> memref<1x128xi32, #tpu.memory_space<vmem>>
      %dma_wait3A_70 = tpu.memref_squeeze %dma_wait3A_69 : memref<1x128xi32, #tpu.memory_space<vmem>> -> memref<128xi32, #tpu.memory_space<vmem>>
      %dma_wait3A_71 = arith.constant 0 : i32
      %dma_wait3A_72 = arith.constant 0 : i32
      %dma_wait3A_73 = tpu.memref_slice %arg9[%dma_wait3A_71, %dma_wait3A_72] : memref<10240x128xf32, #tpu.memory_space<vmem_shared>> -> memref<10240x128xf32, #tpu.memory_space<vmem_shared>>
      tpu.wait_indirect_dma semaphore(%arg12 : memref<!tpu.dma_semaphore, #tpu.memory_space<semaphore_mem>>) src(%arg7 : memref<128x128xf32, #tpu.memory_space<vmem>>) dst(%dma_wait3A_73 : memref<10240x128xf32, #tpu.memory_space<vmem_shared>>)
      %dma_start3A_74 = arith.constant 2 : i32
      %dma_start3A_75 = arith.constant 0 : i32
      %dma_start3A_76 = tpu.memref_slice %arg5[%dma_start3A_74, %dma_start3A_75] : memref<16x128xi32, #tpu.memory_space<vmem>> -> memref<1x128xi32, #tpu.memory_space<vmem>>
      %dma_start3A_77 = tpu.memref_squeeze %dma_start3A_76 : memref<1x128xi32, #tpu.memory_space<vmem>> -> memref<128xi32, #tpu.memory_space<vmem>>
      %dma_start3A_78 = arith.constant 0 : i32
      %dma_start3A_79 = arith.constant 0 : i32
      %dma_start3A_80 = tpu.memref_slice %arg2[%dma_start3A_78, %dma_start3A_79] : memref<10240x128xf32, #tpu.memory_space<hbm>> -> memref<10240x128xf32, #tpu.memory_space<hbm>>
      tpu.enqueue_indirect_dma source(%dma_start3A_80 : memref<10240x128xf32, #tpu.memory_space<hbm>>) target(%arg7 : memref<128x128xf32, #tpu.memory_space<vmem>>) offsets(%dma_start3A_77 : memref<128xi32, #tpu.memory_space<vmem>>) semaphore(%arg10 : memref<!tpu.dma_semaphore, #tpu.memory_space<semaphore_mem>>)
      %mul3A_81 = arith.constant 8 : i32
      %mul3A_82 = arith.muli %add3A_49, %mul3A_81 : i32
      %add3A_83 = arith.constant 1 : i32
      %add3A_84 = arith.addi %mul3A_82, %add3A_83 : i32
      %dma_wait3A_85 = arith.constant 1 : i32
      %dma_wait3A_86 = arith.constant 0 : i32
      %dma_wait3A_87 = tpu.memref_slice %arg5[%dma_wait3A_85, %dma_wait3A_86] : memref<16x128xi32, #tpu.memory_space<vmem>> -> memref<1x128xi32, #tpu.memory_space<vmem>>
      %dma_wait3A_88 = tpu.memref_squeeze %dma_wait3A_87 : memref<1x128xi32, #tpu.memory_space<vmem>> -> memref<128xi32, #tpu.memory_space<vmem>>
      %dma_wait3A_89 = arith.constant 0 : i32
      %dma_wait3A_90 = arith.constant 0 : i32
      %dma_wait3A_91 = tpu.memref_slice %arg2[%dma_wait3A_89, %dma_wait3A_90] : memref<10240x128xf32, #tpu.memory_space<hbm>> -> memref<10240x128xf32, #tpu.memory_space<hbm>>
      tpu.wait_indirect_dma semaphore(%arg11 : memref<!tpu.dma_semaphore, #tpu.memory_space<semaphore_mem>>) src(%dma_wait3A_91 : memref<10240x128xf32, #tpu.memory_space<hbm>>) dst(%arg8 : memref<128x128xf32, #tpu.memory_space<vmem>>)
      %dma_start3A_92 = arith.constant 9 : i32
      %dma_start3A_93 = arith.constant 0 : i32
      %dma_start3A_94 = tpu.memref_slice %arg5[%dma_start3A_92, %dma_start3A_93] : memref<16x128xi32, #tpu.memory_space<vmem>> -> memref<1x128xi32, #tpu.memory_space<vmem>>
      %dma_start3A_95 = tpu.memref_squeeze %dma_start3A_94 : memref<1x128xi32, #tpu.memory_space<vmem>> -> memref<128xi32, #tpu.memory_space<vmem>>
      %dma_start3A_96 = arith.constant 0 : i32
      %dma_start3A_97 = arith.constant 0 : i32
      %dma_start3A_98 = tpu.memref_slice %arg9[%dma_start3A_96, %dma_start3A_97] : memref<10240x128xf32, #tpu.memory_space<vmem_shared>> -> memref<10240x128xf32, #tpu.memory_space<vmem_shared>>
      tpu.enqueue_indirect_dma source(%arg8 : memref<128x128xf32, #tpu.memory_space<vmem>>) target(%dma_start3A_98 : memref<10240x128xf32, #tpu.memory_space<vmem_shared>>) offsets(%dma_start3A_95 : memref<128xi32, #tpu.memory_space<vmem>>) semaphore(%arg13 : memref<!tpu.dma_semaphore, #tpu.memory_space<semaphore_mem>>) {add = true}
      %dma_wait3A_99 = arith.constant 9 : i32
      %dma_wait3A_100 = arith.constant 0 : i32
      %dma_wait3A_101 = tpu.memref_slice %arg5[%dma_wait3A_99, %dma_wait3A_100] : memref<16x128xi32, #tpu.memory_space<vmem>> -> memref<1x128xi32, #tpu.memory_space<vmem>>
      %dma_wait3A_102 = tpu.memref_squeeze %dma_wait3A_101 : memref<1x128xi32, #tpu.memory_space<vmem>> -> memref<128xi32, #tpu.memory_space<vmem>>
      %dma_wait3A_103 = arith.constant 0 : i32
      %dma_wait3A_104 = arith.constant 0 : i32
      %dma_wait3A_105 = tpu.memref_slice %arg9[%dma_wait3A_103, %dma_wait3A_104] : memref<10240x128xf32, #tpu.memory_space<vmem_shared>> -> memref<10240x128xf32, #tpu.memory_space<vmem_shared>>
      tpu.wait_indirect_dma semaphore(%arg13 : memref<!tpu.dma_semaphore, #tpu.memory_space<semaphore_mem>>) src(%arg8 : memref<128x128xf32, #tpu.memory_space<vmem>>) dst(%dma_wait3A_105 : memref<10240x128xf32, #tpu.memory_space<vmem_shared>>)
      %dma_start3A_106 = arith.constant 3 : i32
      %dma_start3A_107 = arith.constant 0 : i32
      %dma_start3A_108 = tpu.memref_slice %arg5[%dma_start3A_106, %dma_start3A_107] : memref<16x128xi32, #tpu.memory_space<vmem>> -> memref<1x128xi32, #tpu.memory_space<vmem>>
      %dma_start3A_109 = tpu.memref_squeeze %dma_start3A_108 : memref<1x128xi32, #tpu.memory_space<vmem>> -> memref<128xi32, #tpu.memory_space<vmem>>
      %dma_start3A_110 = arith.constant 0 : i32
      %dma_start3A_111 = arith.constant 0 : i32
      %dma_start3A_112 = tpu.memref_slice %arg2[%dma_start3A_110, %dma_start3A_111] : memref<10240x128xf32, #tpu.memory_space<hbm>> -> memref<10240x128xf32, #tpu.memory_space<hbm>>
      tpu.enqueue_indirect_dma source(%dma_start3A_112 : memref<10240x128xf32, #tpu.memory_space<hbm>>) target(%arg8 : memref<128x128xf32, #tpu.memory_space<vmem>>) offsets(%dma_start3A_109 : memref<128xi32, #tpu.memory_space<vmem>>) semaphore(%arg11 : memref<!tpu.dma_semaphore, #tpu.memory_space<semaphore_mem>>)
      %mul3A_113 = arith.constant 8 : i32
      %mul3A_114 = arith.muli %add3A_49, %mul3A_113 : i32
      %add3A_115 = arith.constant 2 : i32
      %add3A_116 = arith.addi %mul3A_114, %add3A_115 : i32
      %dma_wait3A_117 = arith.constant 2 : i32
      %dma_wait3A_118 = arith.constant 0 : i32
      %dma_wait3A_119 = tpu.memref_slice %arg5[%dma_wait3A_117, %dma_wait3A_118] : memref<16x128xi32, #tpu.memory_space<vmem>> -> memref<1x128xi32, #tpu.memory_space<vmem>>
      %dma_wait3A_120 = tpu.memref_squeeze %dma_wait3A_119 : memref<1x128xi32, #tpu.memory_space<vmem>> -> memref<128xi32, #tpu.memory_space<vmem>>
      %dma_wait3A_121 = arith.constant 0 : i32
      %dma_wait3A_122 = arith.constant 0 : i32
      %dma_wait3A_123 = tpu.memref_slice %arg2[%dma_wait3A_121, %dma_wait3A_122] : memref<10240x128xf32, #tpu.memory_space<hbm>> -> memref<10240x128xf32, #tpu.memory_space<hbm>>
      tpu.wait_indirect_dma semaphore(%arg10 : memref<!tpu.dma_semaphore, #tpu.memory_space<semaphore_mem>>) src(%dma_wait3A_123 : memref<10240x128xf32, #tpu.memory_space<hbm>>) dst(%arg7 : memref<128x128xf32, #tpu.memory_space<vmem>>)
      %dma_start3A_124 = arith.constant 10 : i32
      %dma_start3A_125 = arith.constant 0 : i32
      %dma_start3A_126 = tpu.memref_slice %arg5[%dma_start3A_124, %dma_start3A_125] : memref<16x128xi32, #tpu.memory_space<vmem>> -> memref<1x128xi32, #tpu.memory_space<vmem>>
      %dma_start3A_127 = tpu.memref_squeeze %dma_start3A_126 : memref<1x128xi32, #tpu.memory_space<vmem>> -> memref<128xi32, #tpu.memory_space<vmem>>
      %dma_start3A_128 = arith.constant 0 : i32
      %dma_start3A_129 = arith.constant 0 : i32
      %dma_start3A_130 = tpu.memref_slice %arg9[%dma_start3A_128, %dma_start3A_129] : memref<10240x128xf32, #tpu.memory_space<vmem_shared>> -> memref<10240x128xf32, #tpu.memory_space<vmem_shared>>
      tpu.enqueue_indirect_dma source(%arg7 : memref<128x128xf32, #tpu.memory_space<vmem>>) target(%dma_start3A_130 : memref<10240x128xf32, #tpu.memory_space<vmem_shared>>) offsets(%dma_start3A_127 : memref<128xi32, #tpu.memory_space<vmem>>) semaphore(%arg12 : memref<!tpu.dma_semaphore, #tpu.memory_space<semaphore_mem>>) {add = true}
      %add3A_131 = arith.constant 1 : i32
      %add3A_132 = arith.addi %add3A_49, %add3A_131 : i32
      %lt3A = arith.constant 10 : i32
      %lt3A_133 = arith.cmpi slt, %add3A_132, %lt3A : i32
      %convert_element_type3A = arith.extui %lt3A_133 : i1 to i32
      %cond3A = arith.constant 0 : i32
      %cond3A_134 = arith.cmpi ne, %convert_element_type3A, %cond3A : i32
      scf.if %cond3A_134 {
        %add3A_576 = arith.constant 1 : i32
        %add3A_577 = arith.addi %add3A_49, %add3A_576 : i32
        %mul3A_578 = arith.constant 2 : i32
        %mul3A_579 = arith.muli %add3A_577, %mul3A_578 : i32
        %mul3A_580 = arith.constant 8 : i32
        %mul3A_581 = arith.muli %mul3A_579, %mul3A_580 : i32
        %add3A_582 = arith.addi %mul3A_24, %mul3A_581 : i32
        %dma_start3A_583 = arith.constant 0 : i32
        %dma_start3A_584 = tpu.memref_slice %arg3[%add3A_582, %dma_start3A_583] : memref<5120x128xi32, #tpu.memory_space<hbm>> -> memref<16x128xi32, #tpu.memory_space<hbm>>
        %dma_start3A_585 = arith.constant 0 : i32
        %dma_start3A_586 = tpu.memref_slice %arg3[%add3A_582, %dma_start3A_585] : memref<5120x128xi32, #tpu.memory_space<hbm>> -> memref<16x128xi32, #tpu.memory_space<hbm>>
        tpu.enqueue_dma source(%dma_start3A_586 : memref<16x128xi32, #tpu.memory_space<hbm>>) target(%arg6 : memref<16x128xi32, #tpu.memory_space<vmem>>) target_semaphore(%arg15 : memref<!tpu.dma_semaphore, #tpu.memory_space<semaphore_mem>>)
      } else {
      }
      %dma_wait3A_135 = arith.constant 10 : i32
      %dma_wait3A_136 = arith.constant 0 : i32
      %dma_wait3A_137 = tpu.memref_slice %arg5[%dma_wait3A_135, %dma_wait3A_136] : memref<16x128xi32, #tpu.memory_space<vmem>> -> memref<1x128xi32, #tpu.memory_space<vmem>>
      %dma_wait3A_138 = tpu.memref_squeeze %dma_wait3A_137 : memref<1x128xi32, #tpu.memory_space<vmem>> -> memref<128xi32, #tpu.memory_space<vmem>>
      %dma_wait3A_139 = arith.constant 0 : i32
      %dma_wait3A_140 = arith.constant 0 : i32
      %dma_wait3A_141 = tpu.memref_slice %arg9[%dma_wait3A_139, %dma_wait3A_140] : memref<10240x128xf32, #tpu.memory_space<vmem_shared>> -> memref<10240x128xf32, #tpu.memory_space<vmem_shared>>
      tpu.wait_indirect_dma semaphore(%arg12 : memref<!tpu.dma_semaphore, #tpu.memory_space<semaphore_mem>>) src(%arg7 : memref<128x128xf32, #tpu.memory_space<vmem>>) dst(%dma_wait3A_141 : memref<10240x128xf32, #tpu.memory_space<vmem_shared>>)
      %dma_start3A_142 = arith.constant 4 : i32
      %dma_start3A_143 = arith.constant 0 : i32
      %dma_start3A_144 = tpu.memref_slice %arg5[%dma_start3A_142, %dma_start3A_143] : memref<16x128xi32, #tpu.memory_space<vmem>> -> memref<1x128xi32, #tpu.memory_space<vmem>>
      %dma_start3A_145 = tpu.memref_squeeze %dma_start3A_144 : memref<1x128xi32, #tpu.memory_space<vmem>> -> memref<128xi32, #tpu.memory_space<vmem>>
      %dma_start3A_146 = arith.constant 0 : i32
      %dma_start3A_147 = arith.constant 0 : i32
      %dma_start3A_148 = tpu.memref_slice %arg2[%dma_start3A_146, %dma_start3A_147] : memref<10240x128xf32, #tpu.memory_space<hbm>> -> memref<10240x128xf32, #tpu.memory_space<hbm>>
      tpu.enqueue_indirect_dma source(%dma_start3A_148 : memref<10240x128xf32, #tpu.memory_space<hbm>>) target(%arg7 : memref<128x128xf32, #tpu.memory_space<vmem>>) offsets(%dma_start3A_145 : memref<128xi32, #tpu.memory_space<vmem>>) semaphore(%arg10 : memref<!tpu.dma_semaphore, #tpu.memory_space<semaphore_mem>>)
      %mul3A_149 = arith.constant 8 : i32
      %mul3A_150 = arith.muli %add3A_49, %mul3A_149 : i32
      %add3A_151 = arith.constant 3 : i32
      %add3A_152 = arith.addi %mul3A_150, %add3A_151 : i32
      %dma_wait3A_153 = arith.constant 3 : i32
      %dma_wait3A_154 = arith.constant 0 : i32
      %dma_wait3A_155 = tpu.memref_slice %arg5[%dma_wait3A_153, %dma_wait3A_154] : memref<16x128xi32, #tpu.memory_space<vmem>> -> memref<1x128xi32, #tpu.memory_space<vmem>>
      %dma_wait3A_156 = tpu.memref_squeeze %dma_wait3A_155 : memref<1x128xi32, #tpu.memory_space<vmem>> -> memref<128xi32, #tpu.memory_space<vmem>>
      %dma_wait3A_157 = arith.constant 0 : i32
      %dma_wait3A_158 = arith.constant 0 : i32
      %dma_wait3A_159 = tpu.memref_slice %arg2[%dma_wait3A_157, %dma_wait3A_158] : memref<10240x128xf32, #tpu.memory_space<hbm>> -> memref<10240x128xf32, #tpu.memory_space<hbm>>
      tpu.wait_indirect_dma semaphore(%arg11 : memref<!tpu.dma_semaphore, #tpu.memory_space<semaphore_mem>>) src(%dma_wait3A_159 : memref<10240x128xf32, #tpu.memory_space<hbm>>) dst(%arg8 : memref<128x128xf32, #tpu.memory_space<vmem>>)
      %dma_start3A_160 = arith.constant 11 : i32
      %dma_start3A_161 = arith.constant 0 : i32
      %dma_start3A_162 = tpu.memref_slice %arg5[%dma_start3A_160, %dma_start3A_161] : memref<16x128xi32, #tpu.memory_space<vmem>> -> memref<1x128xi32, #tpu.memory_space<vmem>>
      %dma_start3A_163 = tpu.memref_squeeze %dma_start3A_162 : memref<1x128xi32, #tpu.memory_space<vmem>> -> memref<128xi32, #tpu.memory_space<vmem>>
      %dma_start3A_164 = arith.constant 0 : i32
      %dma_start3A_165 = arith.constant 0 : i32
      %dma_start3A_166 = tpu.memref_slice %arg9[%dma_start3A_164, %dma_start3A_165] : memref<10240x128xf32, #tpu.memory_space<vmem_shared>> -> memref<10240x128xf32, #tpu.memory_space<vmem_shared>>
      tpu.enqueue_indirect_dma source(%arg8 : memref<128x128xf32, #tpu.memory_space<vmem>>) target(%dma_start3A_166 : memref<10240x128xf32, #tpu.memory_space<vmem_shared>>) offsets(%dma_start3A_163 : memref<128xi32, #tpu.memory_space<vmem>>) semaphore(%arg13 : memref<!tpu.dma_semaphore, #tpu.memory_space<semaphore_mem>>) {add = true}
      %dma_wait3A_167 = arith.constant 11 : i32
      %dma_wait3A_168 = arith.constant 0 : i32
      %dma_wait3A_169 = tpu.memref_slice %arg5[%dma_wait3A_167, %dma_wait3A_168] : memref<16x128xi32, #tpu.memory_space<vmem>> -> memref<1x128xi32, #tpu.memory_space<vmem>>
      %dma_wait3A_170 = tpu.memref_squeeze %dma_wait3A_169 : memref<1x128xi32, #tpu.memory_space<vmem>> -> memref<128xi32, #tpu.memory_space<vmem>>
      %dma_wait3A_171 = arith.constant 0 : i32
      %dma_wait3A_172 = arith.constant 0 : i32
      %dma_wait3A_173 = tpu.memref_slice %arg9[%dma_wait3A_171, %dma_wait3A_172] : memref<10240x128xf32, #tpu.memory_space<vmem_shared>> -> memref<10240x128xf32, #tpu.memory_space<vmem_shared>>
      tpu.wait_indirect_dma semaphore(%arg13 : memref<!tpu.dma_semaphore, #tpu.memory_space<semaphore_mem>>) src(%arg8 : memref<128x128xf32, #tpu.memory_space<vmem>>) dst(%dma_wait3A_173 : memref<10240x128xf32, #tpu.memory_space<vmem_shared>>)
      %dma_start3A_174 = arith.constant 5 : i32
      %dma_start3A_175 = arith.constant 0 : i32
      %dma_start3A_176 = tpu.memref_slice %arg5[%dma_start3A_174, %dma_start3A_175] : memref<16x128xi32, #tpu.memory_space<vmem>> -> memref<1x128xi32, #tpu.memory_space<vmem>>
      %dma_start3A_177 = tpu.memref_squeeze %dma_start3A_176 : memref<1x128xi32, #tpu.memory_space<vmem>> -> memref<128xi32, #tpu.memory_space<vmem>>
      %dma_start3A_178 = arith.constant 0 : i32
      %dma_start3A_179 = arith.constant 0 : i32
      %dma_start3A_180 = tpu.memref_slice %arg2[%dma_start3A_178, %dma_start3A_179] : memref<10240x128xf32, #tpu.memory_space<hbm>> -> memref<10240x128xf32, #tpu.memory_space<hbm>>
      tpu.enqueue_indirect_dma source(%dma_start3A_180 : memref<10240x128xf32, #tpu.memory_space<hbm>>) target(%arg8 : memref<128x128xf32, #tpu.memory_space<vmem>>) offsets(%dma_start3A_177 : memref<128xi32, #tpu.memory_space<vmem>>) semaphore(%arg11 : memref<!tpu.dma_semaphore, #tpu.memory_space<semaphore_mem>>)
      %mul3A_181 = arith.constant 8 : i32
      %mul3A_182 = arith.muli %add3A_49, %mul3A_181 : i32
      %add3A_183 = arith.constant 4 : i32
      %add3A_184 = arith.addi %mul3A_182, %add3A_183 : i32
      %dma_wait3A_185 = arith.constant 4 : i32
      %dma_wait3A_186 = arith.constant 0 : i32
      %dma_wait3A_187 = tpu.memref_slice %arg5[%dma_wait3A_185, %dma_wait3A_186] : memref<16x128xi32, #tpu.memory_space<vmem>> -> memref<1x128xi32, #tpu.memory_space<vmem>>
      %dma_wait3A_188 = tpu.memref_squeeze %dma_wait3A_187 : memref<1x128xi32, #tpu.memory_space<vmem>> -> memref<128xi32, #tpu.memory_space<vmem>>
      %dma_wait3A_189 = arith.constant 0 : i32
      %dma_wait3A_190 = arith.constant 0 : i32
      %dma_wait3A_191 = tpu.memref_slice %arg2[%dma_wait3A_189, %dma_wait3A_190] : memref<10240x128xf32, #tpu.memory_space<hbm>> -> memref<10240x128xf32, #tpu.memory_space<hbm>>
      tpu.wait_indirect_dma semaphore(%arg10 : memref<!tpu.dma_semaphore, #tpu.memory_space<semaphore_mem>>) src(%dma_wait3A_191 : memref<10240x128xf32, #tpu.memory_space<hbm>>) dst(%arg7 : memref<128x128xf32, #tpu.memory_space<vmem>>)
      %dma_start3A_192 = arith.constant 12 : i32
      %dma_start3A_193 = arith.constant 0 : i32
      %dma_start3A_194 = tpu.memref_slice %arg5[%dma_start3A_192, %dma_start3A_193] : memref<16x128xi32, #tpu.memory_space<vmem>> -> memref<1x128xi32, #tpu.memory_space<vmem>>
      %dma_start3A_195 = tpu.memref_squeeze %dma_start3A_194 : memref<1x128xi32, #tpu.memory_space<vmem>> -> memref<128xi32, #tpu.memory_space<vmem>>
      %dma_start3A_196 = arith.constant 0 : i32
      %dma_start3A_197 = arith.constant 0 : i32
      %dma_start3A_198 = tpu.memref_slice %arg9[%dma_start3A_196, %dma_start3A_197] : memref<10240x128xf32, #tpu.memory_space<vmem_shared>> -> memref<10240x128xf32, #tpu.memory_space<vmem_shared>>
      tpu.enqueue_indirect_dma source(%arg7 : memref<128x128xf32, #tpu.memory_space<vmem>>) target(%dma_start3A_198 : memref<10240x128xf32, #tpu.memory_space<vmem_shared>>) offsets(%dma_start3A_195 : memref<128xi32, #tpu.memory_space<vmem>>) semaphore(%arg12 : memref<!tpu.dma_semaphore, #tpu.memory_space<semaphore_mem>>) {add = true}
      %dma_wait3A_199 = arith.constant 12 : i32
      %dma_wait3A_200 = arith.constant 0 : i32
      %dma_wait3A_201 = tpu.memref_slice %arg5[%dma_wait3A_199, %dma_wait3A_200] : memref<16x128xi32, #tpu.memory_space<vmem>> -> memref<1x128xi32, #tpu.memory_space<vmem>>
      %dma_wait3A_202 = tpu.memref_squeeze %dma_wait3A_201 : memref<1x128xi32, #tpu.memory_space<vmem>> -> memref<128xi32, #tpu.memory_space<vmem>>
      %dma_wait3A_203 = arith.constant 0 : i32
      %dma_wait3A_204 = arith.constant 0 : i32
      %dma_wait3A_205 = tpu.memref_slice %arg9[%dma_wait3A_203, %dma_wait3A_204] : memref<10240x128xf32, #tpu.memory_space<vmem_shared>> -> memref<10240x128xf32, #tpu.memory_space<vmem_shared>>
      tpu.wait_indirect_dma semaphore(%arg12 : memref<!tpu.dma_semaphore, #tpu.memory_space<semaphore_mem>>) src(%arg7 : memref<128x128xf32, #tpu.memory_space<vmem>>) dst(%dma_wait3A_205 : memref<10240x128xf32, #tpu.memory_space<vmem_shared>>)
      %dma_start3A_206 = arith.constant 6 : i32
      %dma_start3A_207 = arith.constant 0 : i32
      %dma_start3A_208 = tpu.memref_slice %arg5[%dma_start3A_206, %dma_start3A_207] : memref<16x128xi32, #tpu.memory_space<vmem>> -> memref<1x128xi32, #tpu.memory_space<vmem>>
      %dma_start3A_209 = tpu.memref_squeeze %dma_start3A_208 : memref<1x128xi32, #tpu.memory_space<vmem>> -> memref<128xi32, #tpu.memory_space<vmem>>
      %dma_start3A_210 = arith.constant 0 : i32
      %dma_start3A_211 = arith.constant 0 : i32
      %dma_start3A_212 = tpu.memref_slice %arg2[%dma_start3A_210, %dma_start3A_211] : memref<10240x128xf32, #tpu.memory_space<hbm>> -> memref<10240x128xf32, #tpu.memory_space<hbm>>
      tpu.enqueue_indirect_dma source(%dma_start3A_212 : memref<10240x128xf32, #tpu.memory_space<hbm>>) target(%arg7 : memref<128x128xf32, #tpu.memory_space<vmem>>) offsets(%dma_start3A_209 : memref<128xi32, #tpu.memory_space<vmem>>) semaphore(%arg10 : memref<!tpu.dma_semaphore, #tpu.memory_space<semaphore_mem>>)
      %mul3A_213 = arith.constant 8 : i32
      %mul3A_214 = arith.muli %add3A_49, %mul3A_213 : i32
      %add3A_215 = arith.constant 5 : i32
      %add3A_216 = arith.addi %mul3A_214, %add3A_215 : i32
      %dma_wait3A_217 = arith.constant 5 : i32
      %dma_wait3A_218 = arith.constant 0 : i32
      %dma_wait3A_219 = tpu.memref_slice %arg5[%dma_wait3A_217, %dma_wait3A_218] : memref<16x128xi32, #tpu.memory_space<vmem>> -> memref<1x128xi32, #tpu.memory_space<vmem>>
      %dma_wait3A_220 = tpu.memref_squeeze %dma_wait3A_219 : memref<1x128xi32, #tpu.memory_space<vmem>> -> memref<128xi32, #tpu.memory_space<vmem>>
      %dma_wait3A_221 = arith.constant 0 : i32
      %dma_wait3A_222 = arith.constant 0 : i32
      %dma_wait3A_223 = tpu.memref_slice %arg2[%dma_wait3A_221, %dma_wait3A_222] : memref<10240x128xf32, #tpu.memory_space<hbm>> -> memref<10240x128xf32, #tpu.memory_space<hbm>>
      tpu.wait_indirect_dma semaphore(%arg11 : memref<!tpu.dma_semaphore, #tpu.memory_space<semaphore_mem>>) src(%dma_wait3A_223 : memref<10240x128xf32, #tpu.memory_space<hbm>>) dst(%arg8 : memref<128x128xf32, #tpu.memory_space<vmem>>)
      %dma_start3A_224 = arith.constant 13 : i32
      %dma_start3A_225 = arith.constant 0 : i32
      %dma_start3A_226 = tpu.memref_slice %arg5[%dma_start3A_224, %dma_start3A_225] : memref<16x128xi32, #tpu.memory_space<vmem>> -> memref<1x128xi32, #tpu.memory_space<vmem>>
      %dma_start3A_227 = tpu.memref_squeeze %dma_start3A_226 : memref<1x128xi32, #tpu.memory_space<vmem>> -> memref<128xi32, #tpu.memory_space<vmem>>
      %dma_start3A_228 = arith.constant 0 : i32
      %dma_start3A_229 = arith.constant 0 : i32
      %dma_start3A_230 = tpu.memref_slice %arg9[%dma_start3A_228, %dma_start3A_229] : memref<10240x128xf32, #tpu.memory_space<vmem_shared>> -> memref<10240x128xf32, #tpu.memory_space<vmem_shared>>
      tpu.enqueue_indirect_dma source(%arg8 : memref<128x128xf32, #tpu.memory_space<vmem>>) target(%dma_start3A_230 : memref<10240x128xf32, #tpu.memory_space<vmem_shared>>) offsets(%dma_start3A_227 : memref<128xi32, #tpu.memory_space<vmem>>) semaphore(%arg13 : memref<!tpu.dma_semaphore, #tpu.memory_space<semaphore_mem>>) {add = true}
      %dma_wait3A_231 = arith.constant 13 : i32
      %dma_wait3A_232 = arith.constant 0 : i32
      %dma_wait3A_233 = tpu.memref_slice %arg5[%dma_wait3A_231, %dma_wait3A_232] : memref<16x128xi32, #tpu.memory_space<vmem>> -> memref<1x128xi32, #tpu.memory_space<vmem>>
      %dma_wait3A_234 = tpu.memref_squeeze %dma_wait3A_233 : memref<1x128xi32, #tpu.memory_space<vmem>> -> memref<128xi32, #tpu.memory_space<vmem>>
      %dma_wait3A_235 = arith.constant 0 : i32
      %dma_wait3A_236 = arith.constant 0 : i32
      %dma_wait3A_237 = tpu.memref_slice %arg9[%dma_wait3A_235, %dma_wait3A_236] : memref<10240x128xf32, #tpu.memory_space<vmem_shared>> -> memref<10240x128xf32, #tpu.memory_space<vmem_shared>>
      tpu.wait_indirect_dma semaphore(%arg13 : memref<!tpu.dma_semaphore, #tpu.memory_space<semaphore_mem>>) src(%arg8 : memref<128x128xf32, #tpu.memory_space<vmem>>) dst(%dma_wait3A_237 : memref<10240x128xf32, #tpu.memory_space<vmem_shared>>)
      %dma_start3A_238 = arith.constant 7 : i32
      %dma_start3A_239 = arith.constant 0 : i32
      %dma_start3A_240 = tpu.memref_slice %arg5[%dma_start3A_238, %dma_start3A_239] : memref<16x128xi32, #tpu.memory_space<vmem>> -> memref<1x128xi32, #tpu.memory_space<vmem>>
      %dma_start3A_241 = tpu.memref_squeeze %dma_start3A_240 : memref<1x128xi32, #tpu.memory_space<vmem>> -> memref<128xi32, #tpu.memory_space<vmem>>
      %dma_start3A_242 = arith.constant 0 : i32
      %dma_start3A_243 = arith.constant 0 : i32
      %dma_start3A_244 = tpu.memref_slice %arg2[%dma_start3A_242, %dma_start3A_243] : memref<10240x128xf32, #tpu.memory_space<hbm>> -> memref<10240x128xf32, #tpu.memory_space<hbm>>
      tpu.enqueue_indirect_dma source(%dma_start3A_244 : memref<10240x128xf32, #tpu.memory_space<hbm>>) target(%arg8 : memref<128x128xf32, #tpu.memory_space<vmem>>) offsets(%dma_start3A_241 : memref<128xi32, #tpu.memory_space<vmem>>) semaphore(%arg11 : memref<!tpu.dma_semaphore, #tpu.memory_space<semaphore_mem>>)
      %mul3A_245 = arith.constant 8 : i32
      %mul3A_246 = arith.muli %add3A_49, %mul3A_245 : i32
      %add3A_247 = arith.constant 6 : i32
      %add3A_248 = arith.addi %mul3A_246, %add3A_247 : i32
      %dma_wait3A_249 = arith.constant 6 : i32
      %dma_wait3A_250 = arith.constant 0 : i32
      %dma_wait3A_251 = tpu.memref_slice %arg5[%dma_wait3A_249, %dma_wait3A_250] : memref<16x128xi32, #tpu.memory_space<vmem>> -> memref<1x128xi32, #tpu.memory_space<vmem>>
      %dma_wait3A_252 = tpu.memref_squeeze %dma_wait3A_251 : memref<1x128xi32, #tpu.memory_space<vmem>> -> memref<128xi32, #tpu.memory_space<vmem>>
      %dma_wait3A_253 = arith.constant 0 : i32
      %dma_wait3A_254 = arith.constant 0 : i32
      %dma_wait3A_255 = tpu.memref_slice %arg2[%dma_wait3A_253, %dma_wait3A_254] : memref<10240x128xf32, #tpu.memory_space<hbm>> -> memref<10240x128xf32, #tpu.memory_space<hbm>>
      tpu.wait_indirect_dma semaphore(%arg10 : memref<!tpu.dma_semaphore, #tpu.memory_space<semaphore_mem>>) src(%dma_wait3A_255 : memref<10240x128xf32, #tpu.memory_space<hbm>>) dst(%arg7 : memref<128x128xf32, #tpu.memory_space<vmem>>)
      %dma_start3A_256 = arith.constant 14 : i32
      %dma_start3A_257 = arith.constant 0 : i32
      %dma_start3A_258 = tpu.memref_slice %arg5[%dma_start3A_256, %dma_start3A_257] : memref<16x128xi32, #tpu.memory_space<vmem>> -> memref<1x128xi32, #tpu.memory_space<vmem>>
      %dma_start3A_259 = tpu.memref_squeeze %dma_start3A_258 : memref<1x128xi32, #tpu.memory_space<vmem>> -> memref<128xi32, #tpu.memory_space<vmem>>
      %dma_start3A_260 = arith.constant 0 : i32
      %dma_start3A_261 = arith.constant 0 : i32
      %dma_start3A_262 = tpu.memref_slice %arg9[%dma_start3A_260, %dma_start3A_261] : memref<10240x128xf32, #tpu.memory_space<vmem_shared>> -> memref<10240x128xf32, #tpu.memory_space<vmem_shared>>
      tpu.enqueue_indirect_dma source(%arg7 : memref<128x128xf32, #tpu.memory_space<vmem>>) target(%dma_start3A_262 : memref<10240x128xf32, #tpu.memory_space<vmem_shared>>) offsets(%dma_start3A_259 : memref<128xi32, #tpu.memory_space<vmem>>) semaphore(%arg12 : memref<!tpu.dma_semaphore, #tpu.memory_space<semaphore_mem>>) {add = true}
      %dma_wait3A_263 = arith.constant 14 : i32
      %dma_wait3A_264 = arith.constant 0 : i32
      %dma_wait3A_265 = tpu.memref_slice %arg5[%dma_wait3A_263, %dma_wait3A_264] : memref<16x128xi32, #tpu.memory_space<vmem>> -> memref<1x128xi32, #tpu.memory_space<vmem>>
      %dma_wait3A_266 = tpu.memref_squeeze %dma_wait3A_265 : memref<1x128xi32, #tpu.memory_space<vmem>> -> memref<128xi32, #tpu.memory_space<vmem>>
      %dma_wait3A_267 = arith.constant 0 : i32
      %dma_wait3A_268 = arith.constant 0 : i32
      %dma_wait3A_269 = tpu.memref_slice %arg9[%dma_wait3A_267, %dma_wait3A_268] : memref<10240x128xf32, #tpu.memory_space<vmem_shared>> -> memref<10240x128xf32, #tpu.memory_space<vmem_shared>>
      tpu.wait_indirect_dma semaphore(%arg12 : memref<!tpu.dma_semaphore, #tpu.memory_space<semaphore_mem>>) src(%arg7 : memref<128x128xf32, #tpu.memory_space<vmem>>) dst(%dma_wait3A_269 : memref<10240x128xf32, #tpu.memory_space<vmem_shared>>)
      %add3A_270 = arith.constant 1 : i32
      %add3A_271 = arith.addi %add3A_49, %add3A_270 : i32
      %lt3A_272 = arith.constant 10 : i32
      %lt3A_273 = arith.cmpi slt, %add3A_271, %lt3A_272 : i32
      %convert_element_type3A_274 = arith.extui %lt3A_273 : i1 to i32
      %cond3A_275 = arith.constant 0 : i32
      %cond3A_276 = arith.cmpi ne, %convert_element_type3A_274, %cond3A_275 : i32
      scf.if %cond3A_276 {
        %dma_wait3A_576 = arith.constant 0 : i32
        %dma_wait3A_577 = tpu.memref_slice %arg3[%mul3A_24, %dma_wait3A_576] : memref<5120x128xi32, #tpu.memory_space<hbm>> -> memref<16x128xi32, #tpu.memory_space<hbm>>
        %dma_wait3A_578 = arith.constant 0 : i32
        %dma_wait3A_579 = tpu.memref_slice %arg3[%mul3A_24, %dma_wait3A_578] : memref<5120x128xi32, #tpu.memory_space<hbm>> -> memref<16x128xi32, #tpu.memory_space<hbm>>
        tpu.wait_dma2 semaphore(%arg15 : memref<!tpu.dma_semaphore, #tpu.memory_space<semaphore_mem>>) src(%dma_wait3A_579 : memref<16x128xi32, #tpu.memory_space<hbm>>) dst(%arg6 : memref<16x128xi32, #tpu.memory_space<vmem>>)
        %dma_start3A_580 = arith.constant 0 : i32
        %dma_start3A_581 = arith.constant 0 : i32
        %dma_start3A_582 = tpu.memref_slice %arg6[%dma_start3A_580, %dma_start3A_581] : memref<16x128xi32, #tpu.memory_space<vmem>> -> memref<1x128xi32, #tpu.memory_space<vmem>>
        %dma_start3A_583 = tpu.memref_squeeze %dma_start3A_582 : memref<1x128xi32, #tpu.memory_space<vmem>> -> memref<128xi32, #tpu.memory_space<vmem>>
        %dma_start3A_584 = arith.constant 0 : i32
        %dma_start3A_585 = arith.constant 0 : i32
        %dma_start3A_586 = tpu.memref_slice %arg2[%dma_start3A_584, %dma_start3A_585] : memref<10240x128xf32, #tpu.memory_space<hbm>> -> memref<10240x128xf32, #tpu.memory_space<hbm>>
        tpu.enqueue_indirect_dma source(%dma_start3A_586 : memref<10240x128xf32, #tpu.memory_space<hbm>>) target(%arg7 : memref<128x128xf32, #tpu.memory_space<vmem>>) offsets(%dma_start3A_583 : memref<128xi32, #tpu.memory_space<vmem>>) semaphore(%arg10 : memref<!tpu.dma_semaphore, #tpu.memory_space<semaphore_mem>>)
      } else {
      }
      %mul3A_277 = arith.constant 8 : i32
      %mul3A_278 = arith.muli %add3A_49, %mul3A_277 : i32
      %add3A_279 = arith.constant 7 : i32
      %add3A_280 = arith.addi %mul3A_278, %add3A_279 : i32
      %dma_wait3A_281 = arith.constant 7 : i32
      %dma_wait3A_282 = arith.constant 0 : i32
      %dma_wait3A_283 = tpu.memref_slice %arg5[%dma_wait3A_281, %dma_wait3A_282] : memref<16x128xi32, #tpu.memory_space<vmem>> -> memref<1x128xi32, #tpu.memory_space<vmem>>
      %dma_wait3A_284 = tpu.memref_squeeze %dma_wait3A_283 : memref<1x128xi32, #tpu.memory_space<vmem>> -> memref<128xi32, #tpu.memory_space<vmem>>
      %dma_wait3A_285 = arith.constant 0 : i32
      %dma_wait3A_286 = arith.constant 0 : i32
      %dma_wait3A_287 = tpu.memref_slice %arg2[%dma_wait3A_285, %dma_wait3A_286] : memref<10240x128xf32, #tpu.memory_space<hbm>> -> memref<10240x128xf32, #tpu.memory_space<hbm>>
      tpu.wait_indirect_dma semaphore(%arg11 : memref<!tpu.dma_semaphore, #tpu.memory_space<semaphore_mem>>) src(%dma_wait3A_287 : memref<10240x128xf32, #tpu.memory_space<hbm>>) dst(%arg8 : memref<128x128xf32, #tpu.memory_space<vmem>>)
      %dma_start3A_288 = arith.constant 15 : i32
      %dma_start3A_289 = arith.constant 0 : i32
      %dma_start3A_290 = tpu.memref_slice %arg5[%dma_start3A_288, %dma_start3A_289] : memref<16x128xi32, #tpu.memory_space<vmem>> -> memref<1x128xi32, #tpu.memory_space<vmem>>
      %dma_start3A_291 = tpu.memref_squeeze %dma_start3A_290 : memref<1x128xi32, #tpu.memory_space<vmem>> -> memref<128xi32, #tpu.memory_space<vmem>>
      %dma_start3A_292 = arith.constant 0 : i32
      %dma_start3A_293 = arith.constant 0 : i32
      %dma_start3A_294 = tpu.memref_slice %arg9[%dma_start3A_292, %dma_start3A_293] : memref<10240x128xf32, #tpu.memory_space<vmem_shared>> -> memref<10240x128xf32, #tpu.memory_space<vmem_shared>>
      tpu.enqueue_indirect_dma source(%arg8 : memref<128x128xf32, #tpu.memory_space<vmem>>) target(%dma_start3A_294 : memref<10240x128xf32, #tpu.memory_space<vmem_shared>>) offsets(%dma_start3A_291 : memref<128xi32, #tpu.memory_space<vmem>>) semaphore(%arg13 : memref<!tpu.dma_semaphore, #tpu.memory_space<semaphore_mem>>) {add = true}
      %dma_wait3A_295 = arith.constant 15 : i32
      %dma_wait3A_296 = arith.constant 0 : i32
      %dma_wait3A_297 = tpu.memref_slice %arg5[%dma_wait3A_295, %dma_wait3A_296] : memref<16x128xi32, #tpu.memory_space<vmem>> -> memref<1x128xi32, #tpu.memory_space<vmem>>
      %dma_wait3A_298 = tpu.memref_squeeze %dma_wait3A_297 : memref<1x128xi32, #tpu.memory_space<vmem>> -> memref<128xi32, #tpu.memory_space<vmem>>
      %dma_wait3A_299 = arith.constant 0 : i32
      %dma_wait3A_300 = arith.constant 0 : i32
      %dma_wait3A_301 = tpu.memref_slice %arg9[%dma_wait3A_299, %dma_wait3A_300] : memref<10240x128xf32, #tpu.memory_space<vmem_shared>> -> memref<10240x128xf32, #tpu.memory_space<vmem_shared>>
      tpu.wait_indirect_dma semaphore(%arg13 : memref<!tpu.dma_semaphore, #tpu.memory_space<semaphore_mem>>) src(%arg8 : memref<128x128xf32, #tpu.memory_space<vmem>>) dst(%dma_wait3A_301 : memref<10240x128xf32, #tpu.memory_space<vmem_shared>>)
      %add3A_302 = arith.constant 1 : i32
      %add3A_303 = arith.addi %add3A_49, %add3A_302 : i32
      %lt3A_304 = arith.constant 10 : i32
      %lt3A_305 = arith.cmpi slt, %add3A_303, %lt3A_304 : i32
      %convert_element_type3A_306 = arith.extui %lt3A_305 : i1 to i32
      %cond3A_307 = arith.constant 0 : i32
      %cond3A_308 = arith.cmpi ne, %convert_element_type3A_306, %cond3A_307 : i32
      scf.if %cond3A_308 {
        %dma_start3A_576 = arith.constant 1 : i32
        %dma_start3A_577 = arith.constant 0 : i32
        %dma_start3A_578 = tpu.memref_slice %arg6[%dma_start3A_576, %dma_start3A_577] : memref<16x128xi32, #tpu.memory_space<vmem>> -> memref<1x128xi32, #tpu.memory_space<vmem>>
        %dma_start3A_579 = tpu.memref_squeeze %dma_start3A_578 : memref<1x128xi32, #tpu.memory_space<vmem>> -> memref<128xi32, #tpu.memory_space<vmem>>
        %dma_start3A_580 = arith.constant 0 : i32
        %dma_start3A_581 = arith.constant 0 : i32
        %dma_start3A_582 = tpu.memref_slice %arg2[%dma_start3A_580, %dma_start3A_581] : memref<10240x128xf32, #tpu.memory_space<hbm>> -> memref<10240x128xf32, #tpu.memory_space<hbm>>
        tpu.enqueue_indirect_dma source(%dma_start3A_582 : memref<10240x128xf32, #tpu.memory_space<hbm>>) target(%arg8 : memref<128x128xf32, #tpu.memory_space<vmem>>) offsets(%dma_start3A_579 : memref<128xi32, #tpu.memory_space<vmem>>) semaphore(%arg11 : memref<!tpu.dma_semaphore, #tpu.memory_space<semaphore_mem>>)
      } else {
      }
      %mul3A_309 = arith.constant 2 : i32
      %mul3A_310 = arith.muli %mul3A_309, %scan3A_45 : i32
      %add3A_311 = arith.constant 1 : i32
      %add3A_312 = arith.addi %mul3A_310, %add3A_311 : i32
      %mul3A_313 = arith.constant 8 : i32
      %mul3A_314 = arith.muli %add3A_312, %mul3A_313 : i32
      %add3A_315 = arith.constant 0 : i32
      %add3A_316 = arith.addi %mul3A_314, %add3A_315 : i32
      %dma_wait3A_317 = arith.constant 0 : i32
      %dma_wait3A_318 = arith.constant 0 : i32
      %dma_wait3A_319 = tpu.memref_slice %arg6[%dma_wait3A_317, %dma_wait3A_318] : memref<16x128xi32, #tpu.memory_space<vmem>> -> memref<1x128xi32, #tpu.memory_space<vmem>>
      %dma_wait3A_320 = tpu.memref_squeeze %dma_wait3A_319 : memref<1x128xi32, #tpu.memory_space<vmem>> -> memref<128xi32, #tpu.memory_space<vmem>>
      %dma_wait3A_321 = arith.constant 0 : i32
      %dma_wait3A_322 = arith.constant 0 : i32
      %dma_wait3A_323 = tpu.memref_slice %arg2[%dma_wait3A_321, %dma_wait3A_322] : memref<10240x128xf32, #tpu.memory_space<hbm>> -> memref<10240x128xf32, #tpu.memory_space<hbm>>
      tpu.wait_indirect_dma semaphore(%arg10 : memref<!tpu.dma_semaphore, #tpu.memory_space<semaphore_mem>>) src(%dma_wait3A_323 : memref<10240x128xf32, #tpu.memory_space<hbm>>) dst(%arg7 : memref<128x128xf32, #tpu.memory_space<vmem>>)
      %dma_start3A_324 = arith.constant 8 : i32
      %dma_start3A_325 = arith.constant 0 : i32
      %dma_start3A_326 = tpu.memref_slice %arg6[%dma_start3A_324, %dma_start3A_325] : memref<16x128xi32, #tpu.memory_space<vmem>> -> memref<1x128xi32, #tpu.memory_space<vmem>>
      %dma_start3A_327 = tpu.memref_squeeze %dma_start3A_326 : memref<1x128xi32, #tpu.memory_space<vmem>> -> memref<128xi32, #tpu.memory_space<vmem>>
      %dma_start3A_328 = arith.constant 0 : i32
      %dma_start3A_329 = arith.constant 0 : i32
      %dma_start3A_330 = tpu.memref_slice %arg9[%dma_start3A_328, %dma_start3A_329] : memref<10240x128xf32, #tpu.memory_space<vmem_shared>> -> memref<10240x128xf32, #tpu.memory_space<vmem_shared>>
      tpu.enqueue_indirect_dma source(%arg7 : memref<128x128xf32, #tpu.memory_space<vmem>>) target(%dma_start3A_330 : memref<10240x128xf32, #tpu.memory_space<vmem_shared>>) offsets(%dma_start3A_327 : memref<128xi32, #tpu.memory_space<vmem>>) semaphore(%arg12 : memref<!tpu.dma_semaphore, #tpu.memory_space<semaphore_mem>>) {add = true}
      %dma_wait3A_331 = arith.constant 8 : i32
      %dma_wait3A_332 = arith.constant 0 : i32
      %dma_wait3A_333 = tpu.memref_slice %arg6[%dma_wait3A_331, %dma_wait3A_332] : memref<16x128xi32, #tpu.memory_space<vmem>> -> memref<1x128xi32, #tpu.memory_space<vmem>>
      %dma_wait3A_334 = tpu.memref_squeeze %dma_wait3A_333 : memref<1x128xi32, #tpu.memory_space<vmem>> -> memref<128xi32, #tpu.memory_space<vmem>>
      %dma_wait3A_335 = arith.constant 0 : i32
      %dma_wait3A_336 = arith.constant 0 : i32
      %dma_wait3A_337 = tpu.memref_slice %arg9[%dma_wait3A_335, %dma_wait3A_336] : memref<10240x128xf32, #tpu.memory_space<vmem_shared>> -> memref<10240x128xf32, #tpu.memory_space<vmem_shared>>
      tpu.wait_indirect_dma semaphore(%arg12 : memref<!tpu.dma_semaphore, #tpu.memory_space<semaphore_mem>>) src(%arg7 : memref<128x128xf32, #tpu.memory_space<vmem>>) dst(%dma_wait3A_337 : memref<10240x128xf32, #tpu.memory_space<vmem_shared>>)
      %dma_start3A_338 = arith.constant 2 : i32
      %dma_start3A_339 = arith.constant 0 : i32
      %dma_start3A_340 = tpu.memref_slice %arg6[%dma_start3A_338, %dma_start3A_339] : memref<16x128xi32, #tpu.memory_space<vmem>> -> memref<1x128xi32, #tpu.memory_space<vmem>>
      %dma_start3A_341 = tpu.memref_squeeze %dma_start3A_340 : memref<1x128xi32, #tpu.memory_space<vmem>> -> memref<128xi32, #tpu.memory_space<vmem>>
      %dma_start3A_342 = arith.constant 0 : i32
      %dma_start3A_343 = arith.constant 0 : i32
      %dma_start3A_344 = tpu.memref_slice %arg2[%dma_start3A_342, %dma_start3A_343] : memref<10240x128xf32, #tpu.memory_space<hbm>> -> memref<10240x128xf32, #tpu.memory_space<hbm>>
      tpu.enqueue_indirect_dma source(%dma_start3A_344 : memref<10240x128xf32, #tpu.memory_space<hbm>>) target(%arg7 : memref<128x128xf32, #tpu.memory_space<vmem>>) offsets(%dma_start3A_341 : memref<128xi32, #tpu.memory_space<vmem>>) semaphore(%arg10 : memref<!tpu.dma_semaphore, #tpu.memory_space<semaphore_mem>>)
      %mul3A_345 = arith.constant 8 : i32
      %mul3A_346 = arith.muli %add3A_312, %mul3A_345 : i32
      %add3A_347 = arith.constant 1 : i32
      %add3A_348 = arith.addi %mul3A_346, %add3A_347 : i32
      %dma_wait3A_349 = arith.constant 1 : i32
      %dma_wait3A_350 = arith.constant 0 : i32
      %dma_wait3A_351 = tpu.memref_slice %arg6[%dma_wait3A_349, %dma_wait3A_350] : memref<16x128xi32, #tpu.memory_space<vmem>> -> memref<1x128xi32, #tpu.memory_space<vmem>>
      %dma_wait3A_352 = tpu.memref_squeeze %dma_wait3A_351 : memref<1x128xi32, #tpu.memory_space<vmem>> -> memref<128xi32, #tpu.memory_space<vmem>>
      %dma_wait3A_353 = arith.constant 0 : i32
      %dma_wait3A_354 = arith.constant 0 : i32
      %dma_wait3A_355 = tpu.memref_slice %arg2[%dma_wait3A_353, %dma_wait3A_354] : memref<10240x128xf32, #tpu.memory_space<hbm>> -> memref<10240x128xf32, #tpu.memory_space<hbm>>
      tpu.wait_indirect_dma semaphore(%arg11 : memref<!tpu.dma_semaphore, #tpu.memory_space<semaphore_mem>>) src(%dma_wait3A_355 : memref<10240x128xf32, #tpu.memory_space<hbm>>) dst(%arg8 : memref<128x128xf32, #tpu.memory_space<vmem>>)
      %dma_start3A_356 = arith.constant 9 : i32
      %dma_start3A_357 = arith.constant 0 : i32
      %dma_start3A_358 = tpu.memref_slice %arg6[%dma_start3A_356, %dma_start3A_357] : memref<16x128xi32, #tpu.memory_space<vmem>> -> memref<1x128xi32, #tpu.memory_space<vmem>>
      %dma_start3A_359 = tpu.memref_squeeze %dma_start3A_358 : memref<1x128xi32, #tpu.memory_space<vmem>> -> memref<128xi32, #tpu.memory_space<vmem>>
      %dma_start3A_360 = arith.constant 0 : i32
      %dma_start3A_361 = arith.constant 0 : i32
      %dma_start3A_362 = tpu.memref_slice %arg9[%dma_start3A_360, %dma_start3A_361] : memref<10240x128xf32, #tpu.memory_space<vmem_shared>> -> memref<10240x128xf32, #tpu.memory_space<vmem_shared>>
      tpu.enqueue_indirect_dma source(%arg8 : memref<128x128xf32, #tpu.memory_space<vmem>>) target(%dma_start3A_362 : memref<10240x128xf32, #tpu.memory_space<vmem_shared>>) offsets(%dma_start3A_359 : memref<128xi32, #tpu.memory_space<vmem>>) semaphore(%arg13 : memref<!tpu.dma_semaphore, #tpu.memory_space<semaphore_mem>>) {add = true}
      %dma_wait3A_363 = arith.constant 9 : i32
      %dma_wait3A_364 = arith.constant 0 : i32
      %dma_wait3A_365 = tpu.memref_slice %arg6[%dma_wait3A_363, %dma_wait3A_364] : memref<16x128xi32, #tpu.memory_space<vmem>> -> memref<1x128xi32, #tpu.memory_space<vmem>>
      %dma_wait3A_366 = tpu.memref_squeeze %dma_wait3A_365 : memref<1x128xi32, #tpu.memory_space<vmem>> -> memref<128xi32, #tpu.memory_space<vmem>>
      %dma_wait3A_367 = arith.constant 0 : i32
      %dma_wait3A_368 = arith.constant 0 : i32
      %dma_wait3A_369 = tpu.memref_slice %arg9[%dma_wait3A_367, %dma_wait3A_368] : memref<10240x128xf32, #tpu.memory_space<vmem_shared>> -> memref<10240x128xf32, #tpu.memory_space<vmem_shared>>
      tpu.wait_indirect_dma semaphore(%arg13 : memref<!tpu.dma_semaphore, #tpu.memory_space<semaphore_mem>>) src(%arg8 : memref<128x128xf32, #tpu.memory_space<vmem>>) dst(%dma_wait3A_369 : memref<10240x128xf32, #tpu.memory_space<vmem_shared>>)
      %dma_start3A_370 = arith.constant 3 : i32
      %dma_start3A_371 = arith.constant 0 : i32
      %dma_start3A_372 = tpu.memref_slice %arg6[%dma_start3A_370, %dma_start3A_371] : memref<16x128xi32, #tpu.memory_space<vmem>> -> memref<1x128xi32, #tpu.memory_space<vmem>>
      %dma_start3A_373 = tpu.memref_squeeze %dma_start3A_372 : memref<1x128xi32, #tpu.memory_space<vmem>> -> memref<128xi32, #tpu.memory_space<vmem>>
      %dma_start3A_374 = arith.constant 0 : i32
      %dma_start3A_375 = arith.constant 0 : i32
      %dma_start3A_376 = tpu.memref_slice %arg2[%dma_start3A_374, %dma_start3A_375] : memref<10240x128xf32, #tpu.memory_space<hbm>> -> memref<10240x128xf32, #tpu.memory_space<hbm>>
      tpu.enqueue_indirect_dma source(%dma_start3A_376 : memref<10240x128xf32, #tpu.memory_space<hbm>>) target(%arg8 : memref<128x128xf32, #tpu.memory_space<vmem>>) offsets(%dma_start3A_373 : memref<128xi32, #tpu.memory_space<vmem>>) semaphore(%arg11 : memref<!tpu.dma_semaphore, #tpu.memory_space<semaphore_mem>>)
      %mul3A_377 = arith.constant 8 : i32
      %mul3A_378 = arith.muli %add3A_312, %mul3A_377 : i32
      %add3A_379 = arith.constant 2 : i32
      %add3A_380 = arith.addi %mul3A_378, %add3A_379 : i32
      %dma_wait3A_381 = arith.constant 2 : i32
      %dma_wait3A_382 = arith.constant 0 : i32
      %dma_wait3A_383 = tpu.memref_slice %arg6[%dma_wait3A_381, %dma_wait3A_382] : memref<16x128xi32, #tpu.memory_space<vmem>> -> memref<1x128xi32, #tpu.memory_space<vmem>>
      %dma_wait3A_384 = tpu.memref_squeeze %dma_wait3A_383 : memref<1x128xi32, #tpu.memory_space<vmem>> -> memref<128xi32, #tpu.memory_space<vmem>>
      %dma_wait3A_385 = arith.constant 0 : i32
      %dma_wait3A_386 = arith.constant 0 : i32
      %dma_wait3A_387 = tpu.memref_slice %arg2[%dma_wait3A_385, %dma_wait3A_386] : memref<10240x128xf32, #tpu.memory_space<hbm>> -> memref<10240x128xf32, #tpu.memory_space<hbm>>
      tpu.wait_indirect_dma semaphore(%arg10 : memref<!tpu.dma_semaphore, #tpu.memory_space<semaphore_mem>>) src(%dma_wait3A_387 : memref<10240x128xf32, #tpu.memory_space<hbm>>) dst(%arg7 : memref<128x128xf32, #tpu.memory_space<vmem>>)
      %dma_start3A_388 = arith.constant 10 : i32
      %dma_start3A_389 = arith.constant 0 : i32
      %dma_start3A_390 = tpu.memref_slice %arg6[%dma_start3A_388, %dma_start3A_389] : memref<16x128xi32, #tpu.memory_space<vmem>> -> memref<1x128xi32, #tpu.memory_space<vmem>>
      %dma_start3A_391 = tpu.memref_squeeze %dma_start3A_390 : memref<1x128xi32, #tpu.memory_space<vmem>> -> memref<128xi32, #tpu.memory_space<vmem>>
      %dma_start3A_392 = arith.constant 0 : i32
      %dma_start3A_393 = arith.constant 0 : i32
      %dma_start3A_394 = tpu.memref_slice %arg9[%dma_start3A_392, %dma_start3A_393] : memref<10240x128xf32, #tpu.memory_space<vmem_shared>> -> memref<10240x128xf32, #tpu.memory_space<vmem_shared>>
      tpu.enqueue_indirect_dma source(%arg7 : memref<128x128xf32, #tpu.memory_space<vmem>>) target(%dma_start3A_394 : memref<10240x128xf32, #tpu.memory_space<vmem_shared>>) offsets(%dma_start3A_391 : memref<128xi32, #tpu.memory_space<vmem>>) semaphore(%arg12 : memref<!tpu.dma_semaphore, #tpu.memory_space<semaphore_mem>>) {add = true}
      %add3A_395 = arith.constant 1 : i32
      %add3A_396 = arith.addi %add3A_312, %add3A_395 : i32
      %lt3A_397 = arith.constant 10 : i32
      %lt3A_398 = arith.cmpi slt, %add3A_396, %lt3A_397 : i32
      %convert_element_type3A_399 = arith.extui %lt3A_398 : i1 to i32
      %cond3A_400 = arith.constant 0 : i32
      %cond3A_401 = arith.cmpi ne, %convert_element_type3A_399, %cond3A_400 : i32
      scf.if %cond3A_401 {
        %add3A_576 = arith.constant 1 : i32
        %add3A_577 = arith.addi %add3A_312, %add3A_576 : i32
        %mul3A_578 = arith.constant 2 : i32
        %mul3A_579 = arith.muli %add3A_577, %mul3A_578 : i32
        %mul3A_580 = arith.constant 8 : i32
        %mul3A_581 = arith.muli %mul3A_579, %mul3A_580 : i32
        %add3A_582 = arith.addi %mul3A_24, %mul3A_581 : i32
        %dma_start3A_583 = arith.constant 0 : i32
        %dma_start3A_584 = tpu.memref_slice %arg3[%add3A_582, %dma_start3A_583] : memref<5120x128xi32, #tpu.memory_space<hbm>> -> memref<16x128xi32, #tpu.memory_space<hbm>>
        %dma_start3A_585 = arith.constant 0 : i32
        %dma_start3A_586 = tpu.memref_slice %arg3[%add3A_582, %dma_start3A_585] : memref<5120x128xi32, #tpu.memory_space<hbm>> -> memref<16x128xi32, #tpu.memory_space<hbm>>
        tpu.enqueue_dma source(%dma_start3A_586 : memref<16x128xi32, #tpu.memory_space<hbm>>) target(%arg5 : memref<16x128xi32, #tpu.memory_space<vmem>>) target_semaphore(%arg14 : memref<!tpu.dma_semaphore, #tpu.memory_space<semaphore_mem>>)
      } else {
      }
      %dma_wait3A_402 = arith.constant 10 : i32
      %dma_wait3A_403 = arith.constant 0 : i32
      %dma_wait3A_404 = tpu.memref_slice %arg6[%dma_wait3A_402, %dma_wait3A_403] : memref<16x128xi32, #tpu.memory_space<vmem>> -> memref<1x128xi32, #tpu.memory_space<vmem>>
      %dma_wait3A_405 = tpu.memref_squeeze %dma_wait3A_404 : memref<1x128xi32, #tpu.memory_space<vmem>> -> memref<128xi32, #tpu.memory_space<vmem>>
      %dma_wait3A_406 = arith.constant 0 : i32
      %dma_wait3A_407 = arith.constant 0 : i32
      %dma_wait3A_408 = tpu.memref_slice %arg9[%dma_wait3A_406, %dma_wait3A_407] : memref<10240x128xf32, #tpu.memory_space<vmem_shared>> -> memref<10240x128xf32, #tpu.memory_space<vmem_shared>>
      tpu.wait_indirect_dma semaphore(%arg12 : memref<!tpu.dma_semaphore, #tpu.memory_space<semaphore_mem>>) src(%arg7 : memref<128x128xf32, #tpu.memory_space<vmem>>) dst(%dma_wait3A_408 : memref<10240x128xf32, #tpu.memory_space<vmem_shared>>)
      %dma_start3A_409 = arith.constant 4 : i32
      %dma_start3A_410 = arith.constant 0 : i32
      %dma_start3A_411 = tpu.memref_slice %arg6[%dma_start3A_409, %dma_start3A_410] : memref<16x128xi32, #tpu.memory_space<vmem>> -> memref<1x128xi32, #tpu.memory_space<vmem>>
      %dma_start3A_412 = tpu.memref_squeeze %dma_start3A_411 : memref<1x128xi32, #tpu.memory_space<vmem>> -> memref<128xi32, #tpu.memory_space<vmem>>
      %dma_start3A_413 = arith.constant 0 : i32
      %dma_start3A_414 = arith.constant 0 : i32
      %dma_start3A_415 = tpu.memref_slice %arg2[%dma_start3A_413, %dma_start3A_414] : memref<10240x128xf32, #tpu.memory_space<hbm>> -> memref<10240x128xf32, #tpu.memory_space<hbm>>
      tpu.enqueue_indirect_dma source(%dma_start3A_415 : memref<10240x128xf32, #tpu.memory_space<hbm>>) target(%arg7 : memref<128x128xf32, #tpu.memory_space<vmem>>) offsets(%dma_start3A_412 : memref<128xi32, #tpu.memory_space<vmem>>) semaphore(%arg10 : memref<!tpu.dma_semaphore, #tpu.memory_space<semaphore_mem>>)
      %mul3A_416 = arith.constant 8 : i32
      %mul3A_417 = arith.muli %add3A_312, %mul3A_416 : i32
      %add3A_418 = arith.constant 3 : i32
      %add3A_419 = arith.addi %mul3A_417, %add3A_418 : i32
      %dma_wait3A_420 = arith.constant 3 : i32
      %dma_wait3A_421 = arith.constant 0 : i32
      %dma_wait3A_422 = tpu.memref_slice %arg6[%dma_wait3A_420, %dma_wait3A_421] : memref<16x128xi32, #tpu.memory_space<vmem>> -> memref<1x128xi32, #tpu.memory_space<vmem>>
      %dma_wait3A_423 = tpu.memref_squeeze %dma_wait3A_422 : memref<1x128xi32, #tpu.memory_space<vmem>> -> memref<128xi32, #tpu.memory_space<vmem>>
      %dma_wait3A_424 = arith.constant 0 : i32
      %dma_wait3A_425 = arith.constant 0 : i32
      %dma_wait3A_426 = tpu.memref_slice %arg2[%dma_wait3A_424, %dma_wait3A_425] : memref<10240x128xf32, #tpu.memory_space<hbm>> -> memref<10240x128xf32, #tpu.memory_space<hbm>>
      tpu.wait_indirect_dma semaphore(%arg11 : memref<!tpu.dma_semaphore, #tpu.memory_space<semaphore_mem>>) src(%dma_wait3A_426 : memref<10240x128xf32, #tpu.memory_space<hbm>>) dst(%arg8 : memref<128x128xf32, #tpu.memory_space<vmem>>)
      %dma_start3A_427 = arith.constant 11 : i32
      %dma_start3A_428 = arith.constant 0 : i32
      %dma_start3A_429 = tpu.memref_slice %arg6[%dma_start3A_427, %dma_start3A_428] : memref<16x128xi32, #tpu.memory_space<vmem>> -> memref<1x128xi32, #tpu.memory_space<vmem>>
      %dma_start3A_430 = tpu.memref_squeeze %dma_start3A_429 : memref<1x128xi32, #tpu.memory_space<vmem>> -> memref<128xi32, #tpu.memory_space<vmem>>
      %dma_start3A_431 = arith.constant 0 : i32
      %dma_start3A_432 = arith.constant 0 : i32
      %dma_start3A_433 = tpu.memref_slice %arg9[%dma_start3A_431, %dma_start3A_432] : memref<10240x128xf32, #tpu.memory_space<vmem_shared>> -> memref<10240x128xf32, #tpu.memory_space<vmem_shared>>
      tpu.enqueue_indirect_dma source(%arg8 : memref<128x128xf32, #tpu.memory_space<vmem>>) target(%dma_start3A_433 : memref<10240x128xf32, #tpu.memory_space<vmem_shared>>) offsets(%dma_start3A_430 : memref<128xi32, #tpu.memory_space<vmem>>) semaphore(%arg13 : memref<!tpu.dma_semaphore, #tpu.memory_space<semaphore_mem>>) {add = true}
      %dma_wait3A_434 = arith.constant 11 : i32
      %dma_wait3A_435 = arith.constant 0 : i32
      %dma_wait3A_436 = tpu.memref_slice %arg6[%dma_wait3A_434, %dma_wait3A_435] : memref<16x128xi32, #tpu.memory_space<vmem>> -> memref<1x128xi32, #tpu.memory_space<vmem>>
      %dma_wait3A_437 = tpu.memref_squeeze %dma_wait3A_436 : memref<1x128xi32, #tpu.memory_space<vmem>> -> memref<128xi32, #tpu.memory_space<vmem>>
      %dma_wait3A_438 = arith.constant 0 : i32
      %dma_wait3A_439 = arith.constant 0 : i32
      %dma_wait3A_440 = tpu.memref_slice %arg9[%dma_wait3A_438, %dma_wait3A_439] : memref<10240x128xf32, #tpu.memory_space<vmem_shared>> -> memref<10240x128xf32, #tpu.memory_space<vmem_shared>>
      tpu.wait_indirect_dma semaphore(%arg13 : memref<!tpu.dma_semaphore, #tpu.memory_space<semaphore_mem>>) src(%arg8 : memref<128x128xf32, #tpu.memory_space<vmem>>) dst(%dma_wait3A_440 : memref<10240x128xf32, #tpu.memory_space<vmem_shared>>)
      %dma_start3A_441 = arith.constant 5 : i32
      %dma_start3A_442 = arith.constant 0 : i32
      %dma_start3A_443 = tpu.memref_slice %arg6[%dma_start3A_441, %dma_start3A_442] : memref<16x128xi32, #tpu.memory_space<vmem>> -> memref<1x128xi32, #tpu.memory_space<vmem>>
      %dma_start3A_444 = tpu.memref_squeeze %dma_start3A_443 : memref<1x128xi32, #tpu.memory_space<vmem>> -> memref<128xi32, #tpu.memory_space<vmem>>
      %dma_start3A_445 = arith.constant 0 : i32
      %dma_start3A_446 = arith.constant 0 : i32
      %dma_start3A_447 = tpu.memref_slice %arg2[%dma_start3A_445, %dma_start3A_446] : memref<10240x128xf32, #tpu.memory_space<hbm>> -> memref<10240x128xf32, #tpu.memory_space<hbm>>
      tpu.enqueue_indirect_dma source(%dma_start3A_447 : memref<10240x128xf32, #tpu.memory_space<hbm>>) target(%arg8 : memref<128x128xf32, #tpu.memory_space<vmem>>) offsets(%dma_start3A_444 : memref<128xi32, #tpu.memory_space<vmem>>) semaphore(%arg11 : memref<!tpu.dma_semaphore, #tpu.memory_space<semaphore_mem>>)
      %mul3A_448 = arith.constant 8 : i32
      %mul3A_449 = arith.muli %add3A_312, %mul3A_448 : i32
      %add3A_450 = arith.constant 4 : i32
      %add3A_451 = arith.addi %mul3A_449, %add3A_450 : i32
      %dma_wait3A_452 = arith.constant 4 : i32
      %dma_wait3A_453 = arith.constant 0 : i32
      %dma_wait3A_454 = tpu.memref_slice %arg6[%dma_wait3A_452, %dma_wait3A_453] : memref<16x128xi32, #tpu.memory_space<vmem>> -> memref<1x128xi32, #tpu.memory_space<vmem>>
      %dma_wait3A_455 = tpu.memref_squeeze %dma_wait3A_454 : memref<1x128xi32, #tpu.memory_space<vmem>> -> memref<128xi32, #tpu.memory_space<vmem>>
      %dma_wait3A_456 = arith.constant 0 : i32
      %dma_wait3A_457 = arith.constant 0 : i32
      %dma_wait3A_458 = tpu.memref_slice %arg2[%dma_wait3A_456, %dma_wait3A_457] : memref<10240x128xf32, #tpu.memory_space<hbm>> -> memref<10240x128xf32, #tpu.memory_space<hbm>>
      tpu.wait_indirect_dma semaphore(%arg10 : memref<!tpu.dma_semaphore, #tpu.memory_space<semaphore_mem>>) src(%dma_wait3A_458 : memref<10240x128xf32, #tpu.memory_space<hbm>>) dst(%arg7 : memref<128x128xf32, #tpu.memory_space<vmem>>)
      %dma_start3A_459 = arith.constant 12 : i32
      %dma_start3A_460 = arith.constant 0 : i32
      %dma_start3A_461 = tpu.memref_slice %arg6[%dma_start3A_459, %dma_start3A_460] : memref<16x128xi32, #tpu.memory_space<vmem>> -> memref<1x128xi32, #tpu.memory_space<vmem>>
      %dma_start3A_462 = tpu.memref_squeeze %dma_start3A_461 : memref<1x128xi32, #tpu.memory_space<vmem>> -> memref<128xi32, #tpu.memory_space<vmem>>
      %dma_start3A_463 = arith.constant 0 : i32
      %dma_start3A_464 = arith.constant 0 : i32
      %dma_start3A_465 = tpu.memref_slice %arg9[%dma_start3A_463, %dma_start3A_464] : memref<10240x128xf32, #tpu.memory_space<vmem_shared>> -> memref<10240x128xf32, #tpu.memory_space<vmem_shared>>
      tpu.enqueue_indirect_dma source(%arg7 : memref<128x128xf32, #tpu.memory_space<vmem>>) target(%dma_start3A_465 : memref<10240x128xf32, #tpu.memory_space<vmem_shared>>) offsets(%dma_start3A_462 : memref<128xi32, #tpu.memory_space<vmem>>) semaphore(%arg12 : memref<!tpu.dma_semaphore, #tpu.memory_space<semaphore_mem>>) {add = true}
      %dma_wait3A_466 = arith.constant 12 : i32
      %dma_wait3A_467 = arith.constant 0 : i32
      %dma_wait3A_468 = tpu.memref_slice %arg6[%dma_wait3A_466, %dma_wait3A_467] : memref<16x128xi32, #tpu.memory_space<vmem>> -> memref<1x128xi32, #tpu.memory_space<vmem>>
      %dma_wait3A_469 = tpu.memref_squeeze %dma_wait3A_468 : memref<1x128xi32, #tpu.memory_space<vmem>> -> memref<128xi32, #tpu.memory_space<vmem>>
      %dma_wait3A_470 = arith.constant 0 : i32
      %dma_wait3A_471 = arith.constant 0 : i32
      %dma_wait3A_472 = tpu.memref_slice %arg9[%dma_wait3A_470, %dma_wait3A_471] : memref<10240x128xf32, #tpu.memory_space<vmem_shared>> -> memref<10240x128xf32, #tpu.memory_space<vmem_shared>>
      tpu.wait_indirect_dma semaphore(%arg12 : memref<!tpu.dma_semaphore, #tpu.memory_space<semaphore_mem>>) src(%arg7 : memref<128x128xf32, #tpu.memory_space<vmem>>) dst(%dma_wait3A_472 : memref<10240x128xf32, #tpu.memory_space<vmem_shared>>)
      %dma_start3A_473 = arith.constant 6 : i32
      %dma_start3A_474 = arith.constant 0 : i32
      %dma_start3A_475 = tpu.memref_slice %arg6[%dma_start3A_473, %dma_start3A_474] : memref<16x128xi32, #tpu.memory_space<vmem>> -> memref<1x128xi32, #tpu.memory_space<vmem>>
      %dma_start3A_476 = tpu.memref_squeeze %dma_start3A_475 : memref<1x128xi32, #tpu.memory_space<vmem>> -> memref<128xi32, #tpu.memory_space<vmem>>
      %dma_start3A_477 = arith.constant 0 : i32
      %dma_start3A_478 = arith.constant 0 : i32
      %dma_start3A_479 = tpu.memref_slice %arg2[%dma_start3A_477, %dma_start3A_478] : memref<10240x128xf32, #tpu.memory_space<hbm>> -> memref<10240x128xf32, #tpu.memory_space<hbm>>
      tpu.enqueue_indirect_dma source(%dma_start3A_479 : memref<10240x128xf32, #tpu.memory_space<hbm>>) target(%arg7 : memref<128x128xf32, #tpu.memory_space<vmem>>) offsets(%dma_start3A_476 : memref<128xi32, #tpu.memory_space<vmem>>) semaphore(%arg10 : memref<!tpu.dma_semaphore, #tpu.memory_space<semaphore_mem>>)
      %mul3A_480 = arith.constant 8 : i32
      %mul3A_481 = arith.muli %add3A_312, %mul3A_480 : i32
      %add3A_482 = arith.constant 5 : i32
      %add3A_483 = arith.addi %mul3A_481, %add3A_482 : i32
      %dma_wait3A_484 = arith.constant 5 : i32
      %dma_wait3A_485 = arith.constant 0 : i32
      %dma_wait3A_486 = tpu.memref_slice %arg6[%dma_wait3A_484, %dma_wait3A_485] : memref<16x128xi32, #tpu.memory_space<vmem>> -> memref<1x128xi32, #tpu.memory_space<vmem>>
      %dma_wait3A_487 = tpu.memref_squeeze %dma_wait3A_486 : memref<1x128xi32, #tpu.memory_space<vmem>> -> memref<128xi32, #tpu.memory_space<vmem>>
      %dma_wait3A_488 = arith.constant 0 : i32
      %dma_wait3A_489 = arith.constant 0 : i32
      %dma_wait3A_490 = tpu.memref_slice %arg2[%dma_wait3A_488, %dma_wait3A_489] : memref<10240x128xf32, #tpu.memory_space<hbm>> -> memref<10240x128xf32, #tpu.memory_space<hbm>>
      tpu.wait_indirect_dma semaphore(%arg11 : memref<!tpu.dma_semaphore, #tpu.memory_space<semaphore_mem>>) src(%dma_wait3A_490 : memref<10240x128xf32, #tpu.memory_space<hbm>>) dst(%arg8 : memref<128x128xf32, #tpu.memory_space<vmem>>)
      %dma_start3A_491 = arith.constant 13 : i32
      %dma_start3A_492 = arith.constant 0 : i32
      %dma_start3A_493 = tpu.memref_slice %arg6[%dma_start3A_491, %dma_start3A_492] : memref<16x128xi32, #tpu.memory_space<vmem>> -> memref<1x128xi32, #tpu.memory_space<vmem>>
      %dma_start3A_494 = tpu.memref_squeeze %dma_start3A_493 : memref<1x128xi32, #tpu.memory_space<vmem>> -> memref<128xi32, #tpu.memory_space<vmem>>
      %dma_start3A_495 = arith.constant 0 : i32
      %dma_start3A_496 = arith.constant 0 : i32
      %dma_start3A_497 = tpu.memref_slice %arg9[%dma_start3A_495, %dma_start3A_496] : memref<10240x128xf32, #tpu.memory_space<vmem_shared>> -> memref<10240x128xf32, #tpu.memory_space<vmem_shared>>
      tpu.enqueue_indirect_dma source(%arg8 : memref<128x128xf32, #tpu.memory_space<vmem>>) target(%dma_start3A_497 : memref<10240x128xf32, #tpu.memory_space<vmem_shared>>) offsets(%dma_start3A_494 : memref<128xi32, #tpu.memory_space<vmem>>) semaphore(%arg13 : memref<!tpu.dma_semaphore, #tpu.memory_space<semaphore_mem>>) {add = true}
      %dma_wait3A_498 = arith.constant 13 : i32
      %dma_wait3A_499 = arith.constant 0 : i32
      %dma_wait3A_500 = tpu.memref_slice %arg6[%dma_wait3A_498, %dma_wait3A_499] : memref<16x128xi32, #tpu.memory_space<vmem>> -> memref<1x128xi32, #tpu.memory_space<vmem>>
      %dma_wait3A_501 = tpu.memref_squeeze %dma_wait3A_500 : memref<1x128xi32, #tpu.memory_space<vmem>> -> memref<128xi32, #tpu.memory_space<vmem>>
      %dma_wait3A_502 = arith.constant 0 : i32
      %dma_wait3A_503 = arith.constant 0 : i32
      %dma_wait3A_504 = tpu.memref_slice %arg9[%dma_wait3A_502, %dma_wait3A_503] : memref<10240x128xf32, #tpu.memory_space<vmem_shared>> -> memref<10240x128xf32, #tpu.memory_space<vmem_shared>>
      tpu.wait_indirect_dma semaphore(%arg13 : memref<!tpu.dma_semaphore, #tpu.memory_space<semaphore_mem>>) src(%arg8 : memref<128x128xf32, #tpu.memory_space<vmem>>) dst(%dma_wait3A_504 : memref<10240x128xf32, #tpu.memory_space<vmem_shared>>)
      %dma_start3A_505 = arith.constant 7 : i32
      %dma_start3A_506 = arith.constant 0 : i32
      %dma_start3A_507 = tpu.memref_slice %arg6[%dma_start3A_505, %dma_start3A_506] : memref<16x128xi32, #tpu.memory_space<vmem>> -> memref<1x128xi32, #tpu.memory_space<vmem>>
      %dma_start3A_508 = tpu.memref_squeeze %dma_start3A_507 : memref<1x128xi32, #tpu.memory_space<vmem>> -> memref<128xi32, #tpu.memory_space<vmem>>
      %dma_start3A_509 = arith.constant 0 : i32
      %dma_start3A_510 = arith.constant 0 : i32
      %dma_start3A_511 = tpu.memref_slice %arg2[%dma_start3A_509, %dma_start3A_510] : memref<10240x128xf32, #tpu.memory_space<hbm>> -> memref<10240x128xf32, #tpu.memory_space<hbm>>
      tpu.enqueue_indirect_dma source(%dma_start3A_511 : memref<10240x128xf32, #tpu.memory_space<hbm>>) target(%arg8 : memref<128x128xf32, #tpu.memory_space<vmem>>) offsets(%dma_start3A_508 : memref<128xi32, #tpu.memory_space<vmem>>) semaphore(%arg11 : memref<!tpu.dma_semaphore, #tpu.memory_space<semaphore_mem>>)
      %mul3A_512 = arith.constant 8 : i32
      %mul3A_513 = arith.muli %add3A_312, %mul3A_512 : i32
      %add3A_514 = arith.constant 6 : i32
      %add3A_515 = arith.addi %mul3A_513, %add3A_514 : i32
      %dma_wait3A_516 = arith.constant 6 : i32
      %dma_wait3A_517 = arith.constant 0 : i32
      %dma_wait3A_518 = tpu.memref_slice %arg6[%dma_wait3A_516, %dma_wait3A_517] : memref<16x128xi32, #tpu.memory_space<vmem>> -> memref<1x128xi32, #tpu.memory_space<vmem>>
      %dma_wait3A_519 = tpu.memref_squeeze %dma_wait3A_518 : memref<1x128xi32, #tpu.memory_space<vmem>> -> memref<128xi32, #tpu.memory_space<vmem>>
      %dma_wait3A_520 = arith.constant 0 : i32
      %dma_wait3A_521 = arith.constant 0 : i32
      %dma_wait3A_522 = tpu.memref_slice %arg2[%dma_wait3A_520, %dma_wait3A_521] : memref<10240x128xf32, #tpu.memory_space<hbm>> -> memref<10240x128xf32, #tpu.memory_space<hbm>>
      tpu.wait_indirect_dma semaphore(%arg10 : memref<!tpu.dma_semaphore, #tpu.memory_space<semaphore_mem>>) src(%dma_wait3A_522 : memref<10240x128xf32, #tpu.memory_space<hbm>>) dst(%arg7 : memref<128x128xf32, #tpu.memory_space<vmem>>)
      %dma_start3A_523 = arith.constant 14 : i32
      %dma_start3A_524 = arith.constant 0 : i32
      %dma_start3A_525 = tpu.memref_slice %arg6[%dma_start3A_523, %dma_start3A_524] : memref<16x128xi32, #tpu.memory_space<vmem>> -> memref<1x128xi32, #tpu.memory_space<vmem>>
      %dma_start3A_526 = tpu.memref_squeeze %dma_start3A_525 : memref<1x128xi32, #tpu.memory_space<vmem>> -> memref<128xi32, #tpu.memory_space<vmem>>
      %dma_start3A_527 = arith.constant 0 : i32
      %dma_start3A_528 = arith.constant 0 : i32
      %dma_start3A_529 = tpu.memref_slice %arg9[%dma_start3A_527, %dma_start3A_528] : memref<10240x128xf32, #tpu.memory_space<vmem_shared>> -> memref<10240x128xf32, #tpu.memory_space<vmem_shared>>
      tpu.enqueue_indirect_dma source(%arg7 : memref<128x128xf32, #tpu.memory_space<vmem>>) target(%dma_start3A_529 : memref<10240x128xf32, #tpu.memory_space<vmem_shared>>) offsets(%dma_start3A_526 : memref<128xi32, #tpu.memory_space<vmem>>) semaphore(%arg12 : memref<!tpu.dma_semaphore, #tpu.memory_space<semaphore_mem>>) {add = true}
      %dma_wait3A_530 = arith.constant 14 : i32
      %dma_wait3A_531 = arith.constant 0 : i32
      %dma_wait3A_532 = tpu.memref_slice %arg6[%dma_wait3A_530, %dma_wait3A_531] : memref<16x128xi32, #tpu.memory_space<vmem>> -> memref<1x128xi32, #tpu.memory_space<vmem>>
      %dma_wait3A_533 = tpu.memref_squeeze %dma_wait3A_532 : memref<1x128xi32, #tpu.memory_space<vmem>> -> memref<128xi32, #tpu.memory_space<vmem>>
      %dma_wait3A_534 = arith.constant 0 : i32
      %dma_wait3A_535 = arith.constant 0 : i32
      %dma_wait3A_536 = tpu.memref_slice %arg9[%dma_wait3A_534, %dma_wait3A_535] : memref<10240x128xf32, #tpu.memory_space<vmem_shared>> -> memref<10240x128xf32, #tpu.memory_space<vmem_shared>>
      tpu.wait_indirect_dma semaphore(%arg12 : memref<!tpu.dma_semaphore, #tpu.memory_space<semaphore_mem>>) src(%arg7 : memref<128x128xf32, #tpu.memory_space<vmem>>) dst(%dma_wait3A_536 : memref<10240x128xf32, #tpu.memory_space<vmem_shared>>)
      %add3A_537 = arith.constant 1 : i32
      %add3A_538 = arith.addi %add3A_312, %add3A_537 : i32
      %lt3A_539 = arith.constant 10 : i32
      %lt3A_540 = arith.cmpi slt, %add3A_538, %lt3A_539 : i32
      %convert_element_type3A_541 = arith.extui %lt3A_540 : i1 to i32
      %cond3A_542 = arith.constant 0 : i32
      %cond3A_543 = arith.cmpi ne, %convert_element_type3A_541, %cond3A_542 : i32
      scf.if %cond3A_543 {
        %dma_wait3A_576 = arith.constant 0 : i32
        %dma_wait3A_577 = tpu.memref_slice %arg3[%mul3A_24, %dma_wait3A_576] : memref<5120x128xi32, #tpu.memory_space<hbm>> -> memref<16x128xi32, #tpu.memory_space<hbm>>
        %dma_wait3A_578 = arith.constant 0 : i32
        %dma_wait3A_579 = tpu.memref_slice %arg3[%mul3A_24, %dma_wait3A_578] : memref<5120x128xi32, #tpu.memory_space<hbm>> -> memref<16x128xi32, #tpu.memory_space<hbm>>
        tpu.wait_dma2 semaphore(%arg14 : memref<!tpu.dma_semaphore, #tpu.memory_space<semaphore_mem>>) src(%dma_wait3A_579 : memref<16x128xi32, #tpu.memory_space<hbm>>) dst(%arg5 : memref<16x128xi32, #tpu.memory_space<vmem>>)
        %dma_start3A_580 = arith.constant 0 : i32
        %dma_start3A_581 = arith.constant 0 : i32
        %dma_start3A_582 = tpu.memref_slice %arg5[%dma_start3A_580, %dma_start3A_581] : memref<16x128xi32, #tpu.memory_space<vmem>> -> memref<1x128xi32, #tpu.memory_space<vmem>>
        %dma_start3A_583 = tpu.memref_squeeze %dma_start3A_582 : memref<1x128xi32, #tpu.memory_space<vmem>> -> memref<128xi32, #tpu.memory_space<vmem>>
        %dma_start3A_584 = arith.constant 0 : i32
        %dma_start3A_585 = arith.constant 0 : i32
        %dma_start3A_586 = tpu.memref_slice %arg2[%dma_start3A_584, %dma_start3A_585] : memref<10240x128xf32, #tpu.memory_space<hbm>> -> memref<10240x128xf32, #tpu.memory_space<hbm>>
        tpu.enqueue_indirect_dma source(%dma_start3A_586 : memref<10240x128xf32, #tpu.memory_space<hbm>>) target(%arg7 : memref<128x128xf32, #tpu.memory_space<vmem>>) offsets(%dma_start3A_583 : memref<128xi32, #tpu.memory_space<vmem>>) semaphore(%arg10 : memref<!tpu.dma_semaphore, #tpu.memory_space<semaphore_mem>>)
      } else {
      }
      %mul3A_544 = arith.constant 8 : i32
      %mul3A_545 = arith.muli %add3A_312, %mul3A_544 : i32
      %add3A_546 = arith.constant 7 : i32
      %add3A_547 = arith.addi %mul3A_545, %add3A_546 : i32
      %dma_wait3A_548 = arith.constant 7 : i32
      %dma_wait3A_549 = arith.constant 0 : i32
      %dma_wait3A_550 = tpu.memref_slice %arg6[%dma_wait3A_548, %dma_wait3A_549] : memref<16x128xi32, #tpu.memory_space<vmem>> -> memref<1x128xi32, #tpu.memory_space<vmem>>
      %dma_wait3A_551 = tpu.memref_squeeze %dma_wait3A_550 : memref<1x128xi32, #tpu.memory_space<vmem>> -> memref<128xi32, #tpu.memory_space<vmem>>
      %dma_wait3A_552 = arith.constant 0 : i32
      %dma_wait3A_553 = arith.constant 0 : i32
      %dma_wait3A_554 = tpu.memref_slice %arg2[%dma_wait3A_552, %dma_wait3A_553] : memref<10240x128xf32, #tpu.memory_space<hbm>> -> memref<10240x128xf32, #tpu.memory_space<hbm>>
      tpu.wait_indirect_dma semaphore(%arg11 : memref<!tpu.dma_semaphore, #tpu.memory_space<semaphore_mem>>) src(%dma_wait3A_554 : memref<10240x128xf32, #tpu.memory_space<hbm>>) dst(%arg8 : memref<128x128xf32, #tpu.memory_space<vmem>>)
      %dma_start3A_555 = arith.constant 15 : i32
      %dma_start3A_556 = arith.constant 0 : i32
      %dma_start3A_557 = tpu.memref_slice %arg6[%dma_start3A_555, %dma_start3A_556] : memref<16x128xi32, #tpu.memory_space<vmem>> -> memref<1x128xi32, #tpu.memory_space<vmem>>
      %dma_start3A_558 = tpu.memref_squeeze %dma_start3A_557 : memref<1x128xi32, #tpu.memory_space<vmem>> -> memref<128xi32, #tpu.memory_space<vmem>>
      %dma_start3A_559 = arith.constant 0 : i32
      %dma_start3A_560 = arith.constant 0 : i32
      %dma_start3A_561 = tpu.memref_slice %arg9[%dma_start3A_559, %dma_start3A_560] : memref<10240x128xf32, #tpu.memory_space<vmem_shared>> -> memref<10240x128xf32, #tpu.memory_space<vmem_shared>>
      tpu.enqueue_indirect_dma source(%arg8 : memref<128x128xf32, #tpu.memory_space<vmem>>) target(%dma_start3A_561 : memref<10240x128xf32, #tpu.memory_space<vmem_shared>>) offsets(%dma_start3A_558 : memref<128xi32, #tpu.memory_space<vmem>>) semaphore(%arg13 : memref<!tpu.dma_semaphore, #tpu.memory_space<semaphore_mem>>) {add = true}
      %dma_wait3A_562 = arith.constant 15 : i32
      %dma_wait3A_563 = arith.constant 0 : i32
      %dma_wait3A_564 = tpu.memref_slice %arg6[%dma_wait3A_562, %dma_wait3A_563] : memref<16x128xi32, #tpu.memory_space<vmem>> -> memref<1x128xi32, #tpu.memory_space<vmem>>
      %dma_wait3A_565 = tpu.memref_squeeze %dma_wait3A_564 : memref<1x128xi32, #tpu.memory_space<vmem>> -> memref<128xi32, #tpu.memory_space<vmem>>
      %dma_wait3A_566 = arith.constant 0 : i32
      %dma_wait3A_567 = arith.constant 0 : i32
      %dma_wait3A_568 = tpu.memref_slice %arg9[%dma_wait3A_566, %dma_wait3A_567] : memref<10240x128xf32, #tpu.memory_space<vmem_shared>> -> memref<10240x128xf32, #tpu.memory_space<vmem_shared>>
      tpu.wait_indirect_dma semaphore(%arg13 : memref<!tpu.dma_semaphore, #tpu.memory_space<semaphore_mem>>) src(%arg8 : memref<128x128xf32, #tpu.memory_space<vmem>>) dst(%dma_wait3A_568 : memref<10240x128xf32, #tpu.memory_space<vmem_shared>>)
      %add3A_569 = arith.constant 1 : i32
      %add3A_570 = arith.addi %add3A_312, %add3A_569 : i32
      %lt3A_571 = arith.constant 10 : i32
      %lt3A_572 = arith.cmpi slt, %add3A_570, %lt3A_571 : i32
      %convert_element_type3A_573 = arith.extui %lt3A_572 : i1 to i32
      %cond3A_574 = arith.constant 0 : i32
      %cond3A_575 = arith.cmpi ne, %convert_element_type3A_573, %cond3A_574 : i32
      scf.if %cond3A_575 {
        %dma_start3A_576 = arith.constant 1 : i32
        %dma_start3A_577 = arith.constant 0 : i32
        %dma_start3A_578 = tpu.memref_slice %arg5[%dma_start3A_576, %dma_start3A_577] : memref<16x128xi32, #tpu.memory_space<vmem>> -> memref<1x128xi32, #tpu.memory_space<vmem>>
        %dma_start3A_579 = tpu.memref_squeeze %dma_start3A_578 : memref<1x128xi32, #tpu.memory_space<vmem>> -> memref<128xi32, #tpu.memory_space<vmem>>
        %dma_start3A_580 = arith.constant 0 : i32
        %dma_start3A_581 = arith.constant 0 : i32
        %dma_start3A_582 = tpu.memref_slice %arg2[%dma_start3A_580, %dma_start3A_581] : memref<10240x128xf32, #tpu.memory_space<hbm>> -> memref<10240x128xf32, #tpu.memory_space<hbm>>
        tpu.enqueue_indirect_dma source(%dma_start3A_582 : memref<10240x128xf32, #tpu.memory_space<hbm>>) target(%arg8 : memref<128x128xf32, #tpu.memory_space<vmem>>) offsets(%dma_start3A_579 : memref<128xi32, #tpu.memory_space<vmem>>) semaphore(%arg11 : memref<!tpu.dma_semaphore, #tpu.memory_space<semaphore_mem>>)
      } else {
      }
    }
    %scan3A_43 = arith.constant 5 : i32
    %barrier3A_44 = arith.constant 0 : index
    tpu.barrier barrier_id(%barrier3A_44)
    "tpu.region"() ({
      %run_scoped3A = tpu.sem_alloc : memref<!tpu.dma_semaphore, #tpu.memory_space<semaphore_mem>>
      %dma_start3A_45 = arith.constant 0 : i32
      %dma_start3A_46 = tpu.memref_slice %arg4[%arg0, %mul3A_4, %dma_start3A_45] : memref<2x10240x128xf32, #tpu.memory_space<hbm>> -> memref<1x640x128xf32, #tpu.memory_space<hbm>>
      %dma_start3A_47 = tpu.memref_squeeze %dma_start3A_46 : memref<1x640x128xf32, #tpu.memory_space<hbm>> -> memref<640x128xf32, #tpu.memory_space<hbm>>
      %dma_start3A_48 = arith.constant 0 : i32
      %dma_start3A_49 = tpu.memref_slice %arg9[%mul3A_4, %dma_start3A_48] : memref<10240x128xf32, #tpu.memory_space<vmem_shared>> -> memref<640x128xf32, #tpu.memory_space<vmem_shared>>
      tpu.enqueue_dma source(%dma_start3A_49 : memref<640x128xf32, #tpu.memory_space<vmem_shared>>) target(%dma_start3A_47 : memref<640x128xf32, #tpu.memory_space<hbm>>) target_semaphore(%run_scoped3A : memref<!tpu.dma_semaphore, #tpu.memory_space<semaphore_mem>>)
      %dma_wait3A = arith.constant 0 : i32
      %dma_wait3A_50 = tpu.memref_slice %arg4[%arg0, %mul3A_4, %dma_wait3A] : memref<2x10240x128xf32, #tpu.memory_space<hbm>> -> memref<1x640x128xf32, #tpu.memory_space<hbm>>
      %dma_wait3A_51 = tpu.memref_squeeze %dma_wait3A_50 : memref<1x640x128xf32, #tpu.memory_space<hbm>> -> memref<640x128xf32, #tpu.memory_space<hbm>>
      %dma_wait3A_52 = arith.constant 0 : i32
      %dma_wait3A_53 = tpu.memref_slice %arg9[%mul3A_4, %dma_wait3A_52] : memref<10240x128xf32, #tpu.memory_space<vmem_shared>> -> memref<640x128xf32, #tpu.memory_space<vmem_shared>>
      tpu.wait_dma2 semaphore(%run_scoped3A : memref<!tpu.dma_semaphore, #tpu.memory_space<semaphore_mem>>) src(%dma_wait3A_53 : memref<640x128xf32, #tpu.memory_space<vmem_shared>>) dst(%dma_wait3A_51 : memref<640x128xf32, #tpu.memory_space<hbm>>)
      tpu.yield
    }) : () -> ()
    return
  }
}

#map = affine_map<(d0, d1) -> (0, 0)>
#map1 = affine_map<(d0, d1) -> (0, 0, 0)>
module attributes {stable_mosaic.version = 14 : i64} {
  func.func @body(%arg0: i32, %arg1: i32, %arg2: memref<10240x128xf32, #tpu.memory_space<hbm>>, %arg3: memref<5120x128xi32, #tpu.memory_space<hbm>>, %arg4: memref<2x10240x128xf32, #tpu.memory_space<hbm>>, %arg5: memref<2x10240xf32, #tpu.memory_space<hbm>>, %arg6: memref<16x128xi32, #tpu.memory_space<vmem>>, %arg7: memref<16x128xi32, #tpu.memory_space<vmem>>, %arg8: memref<128x128xf32, #tpu.memory_space<vmem>>, %arg9: memref<128x128xf32, #tpu.memory_space<vmem>>, %arg10: memref<10240x128xf32, #tpu.memory_space<vmem_shared>>, %arg11: memref<!tpu.dma_semaphore, #tpu.memory_space<semaphore_mem>>, %arg12: memref<!tpu.dma_semaphore, #tpu.memory_space<semaphore_mem>>, %arg13: memref<!tpu.dma_semaphore, #tpu.memory_space<semaphore_mem>>, %arg14: memref<!tpu.dma_semaphore, #tpu.memory_space<semaphore_mem>>, %arg15: memref<!tpu.dma_semaphore, #tpu.memory_space<semaphore_mem>>, %arg16: memref<!tpu.dma_semaphore, #tpu.memory_space<semaphore_mem>>, %arg17: memref<128xf32, #tpu.memory_space<vmem>>, %arg18: memref<640xf32, #tpu.memory_space<vmem>>, %arg19: memref<10240xf32, #tpu.memory_space<vmem_shared>>) attributes {dimension_semantics = [#tpu.dimension_semantics<core_parallel>, #tpu.dimension_semantics<subcore_parallel>], iteration_bounds = array<i64: 2, 16>, scalar_prefetch = 0 : i64, scratch_operands = 14 : i64, tpu.core_type = #tpu.core_type<sc_vector_subcore>, window_params = [{transform_indices = #map}, {transform_indices = #map}, {transform_indices = #map1}, {transform_indices = #map}]} {
    %mul3A = arith.constant 2 : i32
    %mul3A_0 = arith.muli %arg1, %mul3A : i32
    %add3A = arith.addi %mul3A_0, %arg0 : i32
    %mul3A_1 = arith.constant 10 : i32
    %mul3A_2 = arith.muli %add3A, %mul3A_1 : i32
    %mul3A_3 = arith.constant 640 : i32
    %mul3A_4 = arith.muli %arg1, %mul3A_3 : i32
    %broadcast_in_dim3A = arith.constant 0.000000e+00 : f32
    %broadcast_in_dim3A_5 = vector.broadcast %broadcast_in_dim3A : f32 to vector<16xf32>
    %scan3A = arith.constant 0 : i32
    %scan3A_6 = arith.constant 0 : i32
    %scan3A_7 = arith.constant 128 : i32
    %scan3A_8 = arith.addi %scan3A_6, %scan3A_7 : i32
    %scan3A_9 = arith.constant 1 : i32
    scf.for %scan3A_84 = %scan3A_6 to %scan3A_8 step %scan3A_9  : i32 {
      %swap3A_85 = arith.index_cast %scan3A_84 : i32 to index
      %swap3A_86 = arith.constant 0 : index
      %swap3A_87 = tpu.vector_load %arg8[%swap3A_85, %swap3A_86] {strides = array<i32>} : memref<128x128xf32, #tpu.memory_space<vmem>>, vector<1x16xf32>,
      %swap3A_88 = vector.shape_cast %swap3A_87 : vector<1x16xf32> to vector<16xf32>
      %swap3A_89 = vector.shape_cast %broadcast_in_dim3A_5 : vector<16xf32> to vector<1x16xf32>
      tpu.vector_store %arg8[%swap3A_85, %swap3A_86], %swap3A_89 {strides = array<i32>} : memref<128x128xf32, #tpu.memory_space<vmem>>, vector<1x16xf32>,
      %swap3A_90 = arith.index_cast %scan3A_84 : i32 to index
      %swap3A_91 = arith.constant 16 : index
      %swap3A_92 = tpu.vector_load %arg8[%swap3A_90, %swap3A_91] {strides = array<i32>} : memref<128x128xf32, #tpu.memory_space<vmem>>, vector<1x16xf32>,
      %swap3A_93 = vector.shape_cast %swap3A_92 : vector<1x16xf32> to vector<16xf32>
      %swap3A_94 = vector.shape_cast %broadcast_in_dim3A_5 : vector<16xf32> to vector<1x16xf32>
      tpu.vector_store %arg8[%swap3A_90, %swap3A_91], %swap3A_94 {strides = array<i32>} : memref<128x128xf32, #tpu.memory_space<vmem>>, vector<1x16xf32>,
      %swap3A_95 = arith.index_cast %scan3A_84 : i32 to index
      %swap3A_96 = arith.constant 32 : index
      %swap3A_97 = tpu.vector_load %arg8[%swap3A_95, %swap3A_96] {strides = array<i32>} : memref<128x128xf32, #tpu.memory_space<vmem>>, vector<1x16xf32>,
      %swap3A_98 = vector.shape_cast %swap3A_97 : vector<1x16xf32> to vector<16xf32>
      %swap3A_99 = vector.shape_cast %broadcast_in_dim3A_5 : vector<16xf32> to vector<1x16xf32>
      tpu.vector_store %arg8[%swap3A_95, %swap3A_96], %swap3A_99 {strides = array<i32>} : memref<128x128xf32, #tpu.memory_space<vmem>>, vector<1x16xf32>,
      %swap3A_100 = arith.index_cast %scan3A_84 : i32 to index
      %swap3A_101 = arith.constant 48 : index
      %swap3A_102 = tpu.vector_load %arg8[%swap3A_100, %swap3A_101] {strides = array<i32>} : memref<128x128xf32, #tpu.memory_space<vmem>>, vector<1x16xf32>,
      %swap3A_103 = vector.shape_cast %swap3A_102 : vector<1x16xf32> to vector<16xf32>
      %swap3A_104 = vector.shape_cast %broadcast_in_dim3A_5 : vector<16xf32> to vector<1x16xf32>
      tpu.vector_store %arg8[%swap3A_100, %swap3A_101], %swap3A_104 {strides = array<i32>} : memref<128x128xf32, #tpu.memory_space<vmem>>, vector<1x16xf32>,
      %swap3A_105 = arith.index_cast %scan3A_84 : i32 to index
      %swap3A_106 = arith.constant 64 : index
      %swap3A_107 = tpu.vector_load %arg8[%swap3A_105, %swap3A_106] {strides = array<i32>} : memref<128x128xf32, #tpu.memory_space<vmem>>, vector<1x16xf32>,
      %swap3A_108 = vector.shape_cast %swap3A_107 : vector<1x16xf32> to vector<16xf32>
      %swap3A_109 = vector.shape_cast %broadcast_in_dim3A_5 : vector<16xf32> to vector<1x16xf32>
      tpu.vector_store %arg8[%swap3A_105, %swap3A_106], %swap3A_109 {strides = array<i32>} : memref<128x128xf32, #tpu.memory_space<vmem>>, vector<1x16xf32>,
      %swap3A_110 = arith.index_cast %scan3A_84 : i32 to index
      %swap3A_111 = arith.constant 80 : index
      %swap3A_112 = tpu.vector_load %arg8[%swap3A_110, %swap3A_111] {strides = array<i32>} : memref<128x128xf32, #tpu.memory_space<vmem>>, vector<1x16xf32>,
      %swap3A_113 = vector.shape_cast %swap3A_112 : vector<1x16xf32> to vector<16xf32>
      %swap3A_114 = vector.shape_cast %broadcast_in_dim3A_5 : vector<16xf32> to vector<1x16xf32>
      tpu.vector_store %arg8[%swap3A_110, %swap3A_111], %swap3A_114 {strides = array<i32>} : memref<128x128xf32, #tpu.memory_space<vmem>>, vector<1x16xf32>,
      %swap3A_115 = arith.index_cast %scan3A_84 : i32 to index
      %swap3A_116 = arith.constant 96 : index
      %swap3A_117 = tpu.vector_load %arg8[%swap3A_115, %swap3A_116] {strides = array<i32>} : memref<128x128xf32, #tpu.memory_space<vmem>>, vector<1x16xf32>,
      %swap3A_118 = vector.shape_cast %swap3A_117 : vector<1x16xf32> to vector<16xf32>
      %swap3A_119 = vector.shape_cast %broadcast_in_dim3A_5 : vector<16xf32> to vector<1x16xf32>
      tpu.vector_store %arg8[%swap3A_115, %swap3A_116], %swap3A_119 {strides = array<i32>} : memref<128x128xf32, #tpu.memory_space<vmem>>, vector<1x16xf32>,
      %swap3A_120 = arith.index_cast %scan3A_84 : i32 to index
      %swap3A_121 = arith.constant 112 : index
      %swap3A_122 = tpu.vector_load %arg8[%swap3A_120, %swap3A_121] {strides = array<i32>} : memref<128x128xf32, #tpu.memory_space<vmem>>, vector<1x16xf32>,
      %swap3A_123 = vector.shape_cast %swap3A_122 : vector<1x16xf32> to vector<16xf32>
      %swap3A_124 = vector.shape_cast %broadcast_in_dim3A_5 : vector<16xf32> to vector<1x16xf32>
      tpu.vector_store %arg8[%swap3A_120, %swap3A_121], %swap3A_124 {strides = array<i32>} : memref<128x128xf32, #tpu.memory_space<vmem>>, vector<1x16xf32>,
    }
    %scan3A_10 = arith.constant 128 : i32
    %add3A_11 = arith.constant 0 : i32
    %add3A_12 = arith.addi %mul3A_4, %add3A_11 : i32
    "tpu.region"() ({
      %run_scoped3A = tpu.sem_alloc : memref<!tpu.dma_semaphore, #tpu.memory_space<semaphore_mem>>
      %dma_start3A_84 = arith.constant 0 : i32
      %dma_start3A_85 = tpu.memref_slice %arg10[%add3A_12, %dma_start3A_84] : memref<10240x128xf32, #tpu.memory_space<vmem_shared>> -> memref<128x128xf32, #tpu.memory_space<vmem_shared>>
      %dma_start3A_86 = arith.constant 0 : i32
      %dma_start3A_87 = tpu.memref_slice %arg10[%add3A_12, %dma_start3A_86] : memref<10240x128xf32, #tpu.memory_space<vmem_shared>> -> memref<128x128xf32, #tpu.memory_space<vmem_shared>>
      tpu.enqueue_dma source(%arg8 : memref<128x128xf32, #tpu.memory_space<vmem>>) target(%dma_start3A_87 : memref<128x128xf32, #tpu.memory_space<vmem_shared>>) target_semaphore(%run_scoped3A : memref<!tpu.dma_semaphore, #tpu.memory_space<semaphore_mem>>)
      %dma_wait3A = arith.constant 0 : i32
      %dma_wait3A_88 = tpu.memref_slice %arg10[%add3A_12, %dma_wait3A] : memref<10240x128xf32, #tpu.memory_space<vmem_shared>> -> memref<128x128xf32, #tpu.memory_space<vmem_shared>>
      %dma_wait3A_89 = arith.constant 0 : i32
      %dma_wait3A_90 = tpu.memref_slice %arg10[%add3A_12, %dma_wait3A_89] : memref<10240x128xf32, #tpu.memory_space<vmem_shared>> -> memref<128x128xf32, #tpu.memory_space<vmem_shared>>
      tpu.wait_dma2 semaphore(%run_scoped3A : memref<!tpu.dma_semaphore, #tpu.memory_space<semaphore_mem>>) src(%arg8 : memref<128x128xf32, #tpu.memory_space<vmem>>) dst(%dma_wait3A_90 : memref<128x128xf32, #tpu.memory_space<vmem_shared>>)
      tpu.yield
    }) : () -> ()
    %add3A_13 = arith.constant 128 : i32
    %add3A_14 = arith.addi %mul3A_4, %add3A_13 : i32
    "tpu.region"() ({
      %run_scoped3A = tpu.sem_alloc : memref<!tpu.dma_semaphore, #tpu.memory_space<semaphore_mem>>
      %dma_start3A_84 = arith.constant 0 : i32
      %dma_start3A_85 = tpu.memref_slice %arg10[%add3A_14, %dma_start3A_84] : memref<10240x128xf32, #tpu.memory_space<vmem_shared>> -> memref<128x128xf32, #tpu.memory_space<vmem_shared>>
      %dma_start3A_86 = arith.constant 0 : i32
      %dma_start3A_87 = tpu.memref_slice %arg10[%add3A_14, %dma_start3A_86] : memref<10240x128xf32, #tpu.memory_space<vmem_shared>> -> memref<128x128xf32, #tpu.memory_space<vmem_shared>>
      tpu.enqueue_dma source(%arg8 : memref<128x128xf32, #tpu.memory_space<vmem>>) target(%dma_start3A_87 : memref<128x128xf32, #tpu.memory_space<vmem_shared>>) target_semaphore(%run_scoped3A : memref<!tpu.dma_semaphore, #tpu.memory_space<semaphore_mem>>)
      %dma_wait3A = arith.constant 0 : i32
      %dma_wait3A_88 = tpu.memref_slice %arg10[%add3A_14, %dma_wait3A] : memref<10240x128xf32, #tpu.memory_space<vmem_shared>> -> memref<128x128xf32, #tpu.memory_space<vmem_shared>>
      %dma_wait3A_89 = arith.constant 0 : i32
      %dma_wait3A_90 = tpu.memref_slice %arg10[%add3A_14, %dma_wait3A_89] : memref<10240x128xf32, #tpu.memory_space<vmem_shared>> -> memref<128x128xf32, #tpu.memory_space<vmem_shared>>
      tpu.wait_dma2 semaphore(%run_scoped3A : memref<!tpu.dma_semaphore, #tpu.memory_space<semaphore_mem>>) src(%arg8 : memref<128x128xf32, #tpu.memory_space<vmem>>) dst(%dma_wait3A_90 : memref<128x128xf32, #tpu.memory_space<vmem_shared>>)
      tpu.yield
    }) : () -> ()
    %add3A_15 = arith.constant 256 : i32
    %add3A_16 = arith.addi %mul3A_4, %add3A_15 : i32
    "tpu.region"() ({
      %run_scoped3A = tpu.sem_alloc : memref<!tpu.dma_semaphore, #tpu.memory_space<semaphore_mem>>
      %dma_start3A_84 = arith.constant 0 : i32
      %dma_start3A_85 = tpu.memref_slice %arg10[%add3A_16, %dma_start3A_84] : memref<10240x128xf32, #tpu.memory_space<vmem_shared>> -> memref<128x128xf32, #tpu.memory_space<vmem_shared>>
      %dma_start3A_86 = arith.constant 0 : i32
      %dma_start3A_87 = tpu.memref_slice %arg10[%add3A_16, %dma_start3A_86] : memref<10240x128xf32, #tpu.memory_space<vmem_shared>> -> memref<128x128xf32, #tpu.memory_space<vmem_shared>>
      tpu.enqueue_dma source(%arg8 : memref<128x128xf32, #tpu.memory_space<vmem>>) target(%dma_start3A_87 : memref<128x128xf32, #tpu.memory_space<vmem_shared>>) target_semaphore(%run_scoped3A : memref<!tpu.dma_semaphore, #tpu.memory_space<semaphore_mem>>)
      %dma_wait3A = arith.constant 0 : i32
      %dma_wait3A_88 = tpu.memref_slice %arg10[%add3A_16, %dma_wait3A] : memref<10240x128xf32, #tpu.memory_space<vmem_shared>> -> memref<128x128xf32, #tpu.memory_space<vmem_shared>>
      %dma_wait3A_89 = arith.constant 0 : i32
      %dma_wait3A_90 = tpu.memref_slice %arg10[%add3A_16, %dma_wait3A_89] : memref<10240x128xf32, #tpu.memory_space<vmem_shared>> -> memref<128x128xf32, #tpu.memory_space<vmem_shared>>
      tpu.wait_dma2 semaphore(%run_scoped3A : memref<!tpu.dma_semaphore, #tpu.memory_space<semaphore_mem>>) src(%arg8 : memref<128x128xf32, #tpu.memory_space<vmem>>) dst(%dma_wait3A_90 : memref<128x128xf32, #tpu.memory_space<vmem_shared>>)
      tpu.yield
    }) : () -> ()
    %add3A_17 = arith.constant 384 : i32
    %add3A_18 = arith.addi %mul3A_4, %add3A_17 : i32
    "tpu.region"() ({
      %run_scoped3A = tpu.sem_alloc : memref<!tpu.dma_semaphore, #tpu.memory_space<semaphore_mem>>
      %dma_start3A_84 = arith.constant 0 : i32
      %dma_start3A_85 = tpu.memref_slice %arg10[%add3A_18, %dma_start3A_84] : memref<10240x128xf32, #tpu.memory_space<vmem_shared>> -> memref<128x128xf32, #tpu.memory_space<vmem_shared>>
      %dma_start3A_86 = arith.constant 0 : i32
      %dma_start3A_87 = tpu.memref_slice %arg10[%add3A_18, %dma_start3A_86] : memref<10240x128xf32, #tpu.memory_space<vmem_shared>> -> memref<128x128xf32, #tpu.memory_space<vmem_shared>>
      tpu.enqueue_dma source(%arg8 : memref<128x128xf32, #tpu.memory_space<vmem>>) target(%dma_start3A_87 : memref<128x128xf32, #tpu.memory_space<vmem_shared>>) target_semaphore(%run_scoped3A : memref<!tpu.dma_semaphore, #tpu.memory_space<semaphore_mem>>)
      %dma_wait3A = arith.constant 0 : i32
      %dma_wait3A_88 = tpu.memref_slice %arg10[%add3A_18, %dma_wait3A] : memref<10240x128xf32, #tpu.memory_space<vmem_shared>> -> memref<128x128xf32, #tpu.memory_space<vmem_shared>>
      %dma_wait3A_89 = arith.constant 0 : i32
      %dma_wait3A_90 = tpu.memref_slice %arg10[%add3A_18, %dma_wait3A_89] : memref<10240x128xf32, #tpu.memory_space<vmem_shared>> -> memref<128x128xf32, #tpu.memory_space<vmem_shared>>
      tpu.wait_dma2 semaphore(%run_scoped3A : memref<!tpu.dma_semaphore, #tpu.memory_space<semaphore_mem>>) src(%arg8 : memref<128x128xf32, #tpu.memory_space<vmem>>) dst(%dma_wait3A_90 : memref<128x128xf32, #tpu.memory_space<vmem_shared>>)
      tpu.yield
    }) : () -> ()
    %add3A_19 = arith.constant 512 : i32
    %add3A_20 = arith.addi %mul3A_4, %add3A_19 : i32
    "tpu.region"() ({
      %run_scoped3A = tpu.sem_alloc : memref<!tpu.dma_semaphore, #tpu.memory_space<semaphore_mem>>
      %dma_start3A_84 = arith.constant 0 : i32
      %dma_start3A_85 = tpu.memref_slice %arg10[%add3A_20, %dma_start3A_84] : memref<10240x128xf32, #tpu.memory_space<vmem_shared>> -> memref<128x128xf32, #tpu.memory_space<vmem_shared>>
      %dma_start3A_86 = arith.constant 0 : i32
      %dma_start3A_87 = tpu.memref_slice %arg10[%add3A_20, %dma_start3A_86] : memref<10240x128xf32, #tpu.memory_space<vmem_shared>> -> memref<128x128xf32, #tpu.memory_space<vmem_shared>>
      tpu.enqueue_dma source(%arg8 : memref<128x128xf32, #tpu.memory_space<vmem>>) target(%dma_start3A_87 : memref<128x128xf32, #tpu.memory_space<vmem_shared>>) target_semaphore(%run_scoped3A : memref<!tpu.dma_semaphore, #tpu.memory_space<semaphore_mem>>)
      %dma_wait3A = arith.constant 0 : i32
      %dma_wait3A_88 = tpu.memref_slice %arg10[%add3A_20, %dma_wait3A] : memref<10240x128xf32, #tpu.memory_space<vmem_shared>> -> memref<128x128xf32, #tpu.memory_space<vmem_shared>>
      %dma_wait3A_89 = arith.constant 0 : i32
      %dma_wait3A_90 = tpu.memref_slice %arg10[%add3A_20, %dma_wait3A_89] : memref<10240x128xf32, #tpu.memory_space<vmem_shared>> -> memref<128x128xf32, #tpu.memory_space<vmem_shared>>
      tpu.wait_dma2 semaphore(%run_scoped3A : memref<!tpu.dma_semaphore, #tpu.memory_space<semaphore_mem>>) src(%arg8 : memref<128x128xf32, #tpu.memory_space<vmem>>) dst(%dma_wait3A_90 : memref<128x128xf32, #tpu.memory_space<vmem_shared>>)
      tpu.yield
    }) : () -> ()
    %scan3A_21 = arith.constant 0 : i32
    %scan3A_22 = arith.constant 0 : i32
    %scan3A_23 = arith.constant 40 : i32
    %scan3A_24 = arith.addi %scan3A_22, %scan3A_23 : i32
    %scan3A_25 = arith.constant 1 : i32
    scf.for %scan3A_84 = %scan3A_22 to %scan3A_24 step %scan3A_25  : i32 {
      %mul3A_85 = arith.constant 16 : i32
      %mul3A_86 = arith.muli %scan3A_84, %mul3A_85 : i32
      %swap3A_87 = arith.index_cast %mul3A_86 : i32 to index
      %swap3A_88 = tpu.vector_load %arg18[%swap3A_87] {strides = array<i32>} : memref<640xf32, #tpu.memory_space<vmem>>, vector<16xf32>,
      %swap3A_89 = vector.shape_cast %swap3A_88 : vector<16xf32> to vector<16xf32>
      %swap3A_90 = vector.shape_cast %broadcast_in_dim3A_5 : vector<16xf32> to vector<16xf32>
      tpu.vector_store %arg18[%swap3A_87], %swap3A_90 {strides = array<i32>} : memref<640xf32, #tpu.memory_space<vmem>>, vector<16xf32>,
    }
    %scan3A_26 = arith.constant 40 : i32
    %broadcast_in_dim3A_27 = arith.constant 1.000000e+00 : f32
    %broadcast_in_dim3A_28 = vector.broadcast %broadcast_in_dim3A_27 : f32 to vector<16xf32>
    %swap3A = arith.constant 0 : index
    %swap3A_29 = tpu.vector_load %arg17[%swap3A] {strides = array<i32>} : memref<128xf32, #tpu.memory_space<vmem>>, vector<16xf32>,
    %swap3A_30 = vector.shape_cast %swap3A_29 : vector<16xf32> to vector<16xf32>
    %swap3A_31 = vector.shape_cast %broadcast_in_dim3A_28 : vector<16xf32> to vector<16xf32>
    tpu.vector_store %arg17[%swap3A], %swap3A_31 {strides = array<i32>} : memref<128xf32, #tpu.memory_space<vmem>>, vector<16xf32>,
    %swap3A_32 = arith.constant 16 : index
    %swap3A_33 = tpu.vector_load %arg17[%swap3A_32] {strides = array<i32>} : memref<128xf32, #tpu.memory_space<vmem>>, vector<16xf32>,
    %swap3A_34 = vector.shape_cast %swap3A_33 : vector<16xf32> to vector<16xf32>
    %swap3A_35 = vector.shape_cast %broadcast_in_dim3A_28 : vector<16xf32> to vector<16xf32>
    tpu.vector_store %arg17[%swap3A_32], %swap3A_35 {strides = array<i32>} : memref<128xf32, #tpu.memory_space<vmem>>, vector<16xf32>,
    %swap3A_36 = arith.constant 32 : index
    %swap3A_37 = tpu.vector_load %arg17[%swap3A_36] {strides = array<i32>} : memref<128xf32, #tpu.memory_space<vmem>>, vector<16xf32>,
    %swap3A_38 = vector.shape_cast %swap3A_37 : vector<16xf32> to vector<16xf32>
    %swap3A_39 = vector.shape_cast %broadcast_in_dim3A_28 : vector<16xf32> to vector<16xf32>
    tpu.vector_store %arg17[%swap3A_36], %swap3A_39 {strides = array<i32>} : memref<128xf32, #tpu.memory_space<vmem>>, vector<16xf32>,
    %swap3A_40 = arith.constant 48 : index
    %swap3A_41 = tpu.vector_load %arg17[%swap3A_40] {strides = array<i32>} : memref<128xf32, #tpu.memory_space<vmem>>, vector<16xf32>,
    %swap3A_42 = vector.shape_cast %swap3A_41 : vector<16xf32> to vector<16xf32>
    %swap3A_43 = vector.shape_cast %broadcast_in_dim3A_28 : vector<16xf32> to vector<16xf32>
    tpu.vector_store %arg17[%swap3A_40], %swap3A_43 {strides = array<i32>} : memref<128xf32, #tpu.memory_space<vmem>>, vector<16xf32>,
    %swap3A_44 = arith.constant 64 : index
    %swap3A_45 = tpu.vector_load %arg17[%swap3A_44] {strides = array<i32>} : memref<128xf32, #tpu.memory_space<vmem>>, vector<16xf32>,
    %swap3A_46 = vector.shape_cast %swap3A_45 : vector<16xf32> to vector<16xf32>
    %swap3A_47 = vector.shape_cast %broadcast_in_dim3A_28 : vector<16xf32> to vector<16xf32>
    tpu.vector_store %arg17[%swap3A_44], %swap3A_47 {strides = array<i32>} : memref<128xf32, #tpu.memory_space<vmem>>, vector<16xf32>,
    %swap3A_48 = arith.constant 80 : index
    %swap3A_49 = tpu.vector_load %arg17[%swap3A_48] {strides = array<i32>} : memref<128xf32, #tpu.memory_space<vmem>>, vector<16xf32>,
    %swap3A_50 = vector.shape_cast %swap3A_49 : vector<16xf32> to vector<16xf32>
    %swap3A_51 = vector.shape_cast %broadcast_in_dim3A_28 : vector<16xf32> to vector<16xf32>
    tpu.vector_store %arg17[%swap3A_48], %swap3A_51 {strides = array<i32>} : memref<128xf32, #tpu.memory_space<vmem>>, vector<16xf32>,
    %swap3A_52 = arith.constant 96 : index
    %swap3A_53 = tpu.vector_load %arg17[%swap3A_52] {strides = array<i32>} : memref<128xf32, #tpu.memory_space<vmem>>, vector<16xf32>,
    %swap3A_54 = vector.shape_cast %swap3A_53 : vector<16xf32> to vector<16xf32>
    %swap3A_55 = vector.shape_cast %broadcast_in_dim3A_28 : vector<16xf32> to vector<16xf32>
    tpu.vector_store %arg17[%swap3A_52], %swap3A_55 {strides = array<i32>} : memref<128xf32, #tpu.memory_space<vmem>>, vector<16xf32>,
    %swap3A_56 = arith.constant 112 : index
    %swap3A_57 = tpu.vector_load %arg17[%swap3A_56] {strides = array<i32>} : memref<128xf32, #tpu.memory_space<vmem>>, vector<16xf32>,
    %swap3A_58 = vector.shape_cast %swap3A_57 : vector<16xf32> to vector<16xf32>
    %swap3A_59 = vector.shape_cast %broadcast_in_dim3A_28 : vector<16xf32> to vector<16xf32>
    tpu.vector_store %arg17[%swap3A_56], %swap3A_59 {strides = array<i32>} : memref<128xf32, #tpu.memory_space<vmem>>, vector<16xf32>,
    "tpu.region"() ({
      %run_scoped3A = tpu.sem_alloc : memref<!tpu.dma_semaphore, #tpu.memory_space<semaphore_mem>>
      %dma_start3A_84 = tpu.memref_slice %arg19[%mul3A_4] : memref<10240xf32, #tpu.memory_space<vmem_shared>> -> memref<640xf32, #tpu.memory_space<vmem_shared>>
      %dma_start3A_85 = tpu.memref_slice %arg19[%mul3A_4] : memref<10240xf32, #tpu.memory_space<vmem_shared>> -> memref<640xf32, #tpu.memory_space<vmem_shared>>
      tpu.enqueue_dma source(%arg18 : memref<640xf32, #tpu.memory_space<vmem>>) target(%dma_start3A_85 : memref<640xf32, #tpu.memory_space<vmem_shared>>) target_semaphore(%run_scoped3A : memref<!tpu.dma_semaphore, #tpu.memory_space<semaphore_mem>>)
      %dma_wait3A = tpu.memref_slice %arg19[%mul3A_4] : memref<10240xf32, #tpu.memory_space<vmem_shared>> -> memref<640xf32, #tpu.memory_space<vmem_shared>>
      %dma_wait3A_86 = tpu.memref_slice %arg19[%mul3A_4] : memref<10240xf32, #tpu.memory_space<vmem_shared>> -> memref<640xf32, #tpu.memory_space<vmem_shared>>
      tpu.wait_dma2 semaphore(%run_scoped3A : memref<!tpu.dma_semaphore, #tpu.memory_space<semaphore_mem>>) src(%arg18 : memref<640xf32, #tpu.memory_space<vmem>>) dst(%dma_wait3A_86 : memref<640xf32, #tpu.memory_space<vmem_shared>>)
      tpu.yield
    }) : () -> ()
    %barrier3A = arith.constant 0 : index
    tpu.barrier barrier_id(%barrier3A)
    %mul3A_60 = arith.constant 2 : i32
    %mul3A_61 = arith.muli %mul3A_2, %mul3A_60 : i32
    %mul3A_62 = arith.constant 8 : i32
    %mul3A_63 = arith.muli %mul3A_61, %mul3A_62 : i32
    "tpu.region"() ({
      %run_scoped3A = tpu.sem_alloc : memref<!tpu.dma_semaphore, #tpu.memory_space<semaphore_mem>>
      %dma_start3A_84 = arith.constant 0 : i32
      %dma_start3A_85 = tpu.memref_slice %arg3[%mul3A_63, %dma_start3A_84] : memref<5120x128xi32, #tpu.memory_space<hbm>> -> memref<16x128xi32, #tpu.memory_space<hbm>>
      %dma_start3A_86 = arith.constant 0 : i32
      %dma_start3A_87 = tpu.memref_slice %arg3[%mul3A_63, %dma_start3A_86] : memref<5120x128xi32, #tpu.memory_space<hbm>> -> memref<16x128xi32, #tpu.memory_space<hbm>>
      tpu.enqueue_dma source(%dma_start3A_87 : memref<16x128xi32, #tpu.memory_space<hbm>>) target(%arg6 : memref<16x128xi32, #tpu.memory_space<vmem>>) target_semaphore(%run_scoped3A : memref<!tpu.dma_semaphore, #tpu.memory_space<semaphore_mem>>)
      %dma_wait3A = arith.constant 0 : i32
      %dma_wait3A_88 = tpu.memref_slice %arg3[%mul3A_63, %dma_wait3A] : memref<5120x128xi32, #tpu.memory_space<hbm>> -> memref<16x128xi32, #tpu.memory_space<hbm>>
      %dma_wait3A_89 = arith.constant 0 : i32
      %dma_wait3A_90 = tpu.memref_slice %arg3[%mul3A_63, %dma_wait3A_89] : memref<5120x128xi32, #tpu.memory_space<hbm>> -> memref<16x128xi32, #tpu.memory_space<hbm>>
      tpu.wait_dma2 semaphore(%run_scoped3A : memref<!tpu.dma_semaphore, #tpu.memory_space<semaphore_mem>>) src(%dma_wait3A_90 : memref<16x128xi32, #tpu.memory_space<hbm>>) dst(%arg6 : memref<16x128xi32, #tpu.memory_space<vmem>>)
      tpu.yield
    }) : () -> ()
    %dma_start3A = arith.constant 0 : i32
    %dma_start3A_64 = arith.constant 0 : i32
    %dma_start3A_65 = tpu.memref_slice %arg6[%dma_start3A, %dma_start3A_64] : memref<16x128xi32, #tpu.memory_space<vmem>> -> memref<1x128xi32, #tpu.memory_space<vmem>>
    %dma_start3A_66 = tpu.memref_squeeze %dma_start3A_65 : memref<1x128xi32, #tpu.memory_space<vmem>> -> memref<128xi32, #tpu.memory_space<vmem>>
    %dma_start3A_67 = arith.constant 0 : i32
    %dma_start3A_68 = arith.constant 0 : i32
    %dma_start3A_69 = tpu.memref_slice %arg2[%dma_start3A_67, %dma_start3A_68] : memref<10240x128xf32, #tpu.memory_space<hbm>> -> memref<10240x128xf32, #tpu.memory_space<hbm>>
    tpu.enqueue_indirect_dma source(%dma_start3A_69 : memref<10240x128xf32, #tpu.memory_space<hbm>>) target(%arg8 : memref<128x128xf32, #tpu.memory_space<vmem>>) offsets(%dma_start3A_66 : memref<128xi32, #tpu.memory_space<vmem>>) semaphore(%arg11 : memref<!tpu.dma_semaphore, #tpu.memory_space<semaphore_mem>>)
    %dma_start3A_70 = arith.constant 1 : i32
    %dma_start3A_71 = arith.constant 0 : i32
    %dma_start3A_72 = tpu.memref_slice %arg6[%dma_start3A_70, %dma_start3A_71] : memref<16x128xi32, #tpu.memory_space<vmem>> -> memref<1x128xi32, #tpu.memory_space<vmem>>
    %dma_start3A_73 = tpu.memref_squeeze %dma_start3A_72 : memref<1x128xi32, #tpu.memory_space<vmem>> -> memref<128xi32, #tpu.memory_space<vmem>>
    %dma_start3A_74 = arith.constant 0 : i32
    %dma_start3A_75 = arith.constant 0 : i32
    %dma_start3A_76 = tpu.memref_slice %arg2[%dma_start3A_74, %dma_start3A_75] : memref<10240x128xf32, #tpu.memory_space<hbm>> -> memref<10240x128xf32, #tpu.memory_space<hbm>>
    tpu.enqueue_indirect_dma source(%dma_start3A_76 : memref<10240x128xf32, #tpu.memory_space<hbm>>) target(%arg9 : memref<128x128xf32, #tpu.memory_space<vmem>>) offsets(%dma_start3A_73 : memref<128xi32, #tpu.memory_space<vmem>>) semaphore(%arg12 : memref<!tpu.dma_semaphore, #tpu.memory_space<semaphore_mem>>)
    %scan3A_77 = arith.constant 0 : i32
    %scan3A_78 = arith.constant 0 : i32
    %scan3A_79 = arith.constant 5 : i32
    %scan3A_80 = arith.addi %scan3A_78, %scan3A_79 : i32
    %scan3A_81 = arith.constant 1 : i32
    scf.for %scan3A_84 = %scan3A_78 to %scan3A_80 step %scan3A_81  : i32 {
      %mul3A_85 = arith.constant 2 : i32
      %mul3A_86 = arith.muli %mul3A_85, %scan3A_84 : i32
      %add3A_87 = arith.constant 0 : i32
      %add3A_88 = arith.addi %mul3A_86, %add3A_87 : i32
      %mul3A_89 = arith.constant 8 : i32
      %mul3A_90 = arith.muli %add3A_88, %mul3A_89 : i32
      %add3A_91 = arith.constant 0 : i32
      %add3A_92 = arith.addi %mul3A_90, %add3A_91 : i32
      %dma_wait3A = arith.constant 0 : i32
      %dma_wait3A_93 = arith.constant 0 : i32
      %dma_wait3A_94 = tpu.memref_slice %arg6[%dma_wait3A, %dma_wait3A_93] : memref<16x128xi32, #tpu.memory_space<vmem>> -> memref<1x128xi32, #tpu.memory_space<vmem>>
      %dma_wait3A_95 = tpu.memref_squeeze %dma_wait3A_94 : memref<1x128xi32, #tpu.memory_space<vmem>> -> memref<128xi32, #tpu.memory_space<vmem>>
      %dma_wait3A_96 = arith.constant 0 : i32
      %dma_wait3A_97 = arith.constant 0 : i32
      %dma_wait3A_98 = tpu.memref_slice %arg2[%dma_wait3A_96, %dma_wait3A_97] : memref<10240x128xf32, #tpu.memory_space<hbm>> -> memref<10240x128xf32, #tpu.memory_space<hbm>>
      tpu.wait_indirect_dma semaphore(%arg11 : memref<!tpu.dma_semaphore, #tpu.memory_space<semaphore_mem>>) src(%dma_wait3A_98 : memref<10240x128xf32, #tpu.memory_space<hbm>>) dst(%arg8 : memref<128x128xf32, #tpu.memory_space<vmem>>)
      %dma_start3A_99 = arith.constant 8 : i32
      %dma_start3A_100 = arith.constant 0 : i32
      %dma_start3A_101 = tpu.memref_slice %arg6[%dma_start3A_99, %dma_start3A_100] : memref<16x128xi32, #tpu.memory_space<vmem>> -> memref<1x128xi32, #tpu.memory_space<vmem>>
      %dma_start3A_102 = tpu.memref_squeeze %dma_start3A_101 : memref<1x128xi32, #tpu.memory_space<vmem>> -> memref<128xi32, #tpu.memory_space<vmem>>
      %dma_start3A_103 = arith.constant 0 : i32
      %dma_start3A_104 = arith.constant 0 : i32
      %dma_start3A_105 = tpu.memref_slice %arg10[%dma_start3A_103, %dma_start3A_104] : memref<10240x128xf32, #tpu.memory_space<vmem_shared>> -> memref<10240x128xf32, #tpu.memory_space<vmem_shared>>
      tpu.enqueue_indirect_dma source(%arg8 : memref<128x128xf32, #tpu.memory_space<vmem>>) target(%dma_start3A_105 : memref<10240x128xf32, #tpu.memory_space<vmem_shared>>) offsets(%dma_start3A_102 : memref<128xi32, #tpu.memory_space<vmem>>) semaphore(%arg13 : memref<!tpu.dma_semaphore, #tpu.memory_space<semaphore_mem>>) {add = true}
      %dma_start3A_106 = arith.constant 8 : i32
      %dma_start3A_107 = arith.constant 0 : i32
      %dma_start3A_108 = tpu.memref_slice %arg6[%dma_start3A_106, %dma_start3A_107] : memref<16x128xi32, #tpu.memory_space<vmem>> -> memref<1x128xi32, #tpu.memory_space<vmem>>
      %dma_start3A_109 = tpu.memref_squeeze %dma_start3A_108 : memref<1x128xi32, #tpu.memory_space<vmem>> -> memref<128xi32, #tpu.memory_space<vmem>>
      %dma_start3A_110 = arith.constant 0 : i32
      %dma_start3A_111 = tpu.memref_slice %arg19[%dma_start3A_110] : memref<10240xf32, #tpu.memory_space<vmem_shared>> -> memref<10240xf32, #tpu.memory_space<vmem_shared>>
      tpu.enqueue_indirect_dma source(%arg17 : memref<128xf32, #tpu.memory_space<vmem>>) target(%dma_start3A_111 : memref<10240xf32, #tpu.memory_space<vmem_shared>>) offsets(%dma_start3A_109 : memref<128xi32, #tpu.memory_space<vmem>>) semaphore(%arg13 : memref<!tpu.dma_semaphore, #tpu.memory_space<semaphore_mem>>) {add = true}
      %dma_wait3A_112 = arith.constant 8 : i32
      %dma_wait3A_113 = arith.constant 0 : i32
      %dma_wait3A_114 = tpu.memref_slice %arg6[%dma_wait3A_112, %dma_wait3A_113] : memref<16x128xi32, #tpu.memory_space<vmem>> -> memref<1x128xi32, #tpu.memory_space<vmem>>
      %dma_wait3A_115 = tpu.memref_squeeze %dma_wait3A_114 : memref<1x128xi32, #tpu.memory_space<vmem>> -> memref<128xi32, #tpu.memory_space<vmem>>
      %dma_wait3A_116 = arith.constant 0 : i32
      %dma_wait3A_117 = arith.constant 0 : i32
      %dma_wait3A_118 = tpu.memref_slice %arg10[%dma_wait3A_116, %dma_wait3A_117] : memref<10240x128xf32, #tpu.memory_space<vmem_shared>> -> memref<10240x128xf32, #tpu.memory_space<vmem_shared>>
      tpu.wait_indirect_dma semaphore(%arg13 : memref<!tpu.dma_semaphore, #tpu.memory_space<semaphore_mem>>) src(%arg8 : memref<128x128xf32, #tpu.memory_space<vmem>>) dst(%dma_wait3A_118 : memref<10240x128xf32, #tpu.memory_space<vmem_shared>>)
      %dma_wait3A_119 = arith.constant 8 : i32
      %dma_wait3A_120 = arith.constant 0 : i32
      %dma_wait3A_121 = tpu.memref_slice %arg6[%dma_wait3A_119, %dma_wait3A_120] : memref<16x128xi32, #tpu.memory_space<vmem>> -> memref<1x128xi32, #tpu.memory_space<vmem>>
      %dma_wait3A_122 = tpu.memref_squeeze %dma_wait3A_121 : memref<1x128xi32, #tpu.memory_space<vmem>> -> memref<128xi32, #tpu.memory_space<vmem>>
      %dma_wait3A_123 = arith.constant 0 : i32
      %dma_wait3A_124 = tpu.memref_slice %arg19[%dma_wait3A_123] : memref<10240xf32, #tpu.memory_space<vmem_shared>> -> memref<10240xf32, #tpu.memory_space<vmem_shared>>
      tpu.wait_indirect_dma semaphore(%arg13 : memref<!tpu.dma_semaphore, #tpu.memory_space<semaphore_mem>>) src(%arg17 : memref<128xf32, #tpu.memory_space<vmem>>) dst(%dma_wait3A_124 : memref<10240xf32, #tpu.memory_space<vmem_shared>>)
      %dma_start3A_125 = arith.constant 2 : i32
      %dma_start3A_126 = arith.constant 0 : i32
      %dma_start3A_127 = tpu.memref_slice %arg6[%dma_start3A_125, %dma_start3A_126] : memref<16x128xi32, #tpu.memory_space<vmem>> -> memref<1x128xi32, #tpu.memory_space<vmem>>
      %dma_start3A_128 = tpu.memref_squeeze %dma_start3A_127 : memref<1x128xi32, #tpu.memory_space<vmem>> -> memref<128xi32, #tpu.memory_space<vmem>>
      %dma_start3A_129 = arith.constant 0 : i32
      %dma_start3A_130 = arith.constant 0 : i32
      %dma_start3A_131 = tpu.memref_slice %arg2[%dma_start3A_129, %dma_start3A_130] : memref<10240x128xf32, #tpu.memory_space<hbm>> -> memref<10240x128xf32, #tpu.memory_space<hbm>>
      tpu.enqueue_indirect_dma source(%dma_start3A_131 : memref<10240x128xf32, #tpu.memory_space<hbm>>) target(%arg8 : memref<128x128xf32, #tpu.memory_space<vmem>>) offsets(%dma_start3A_128 : memref<128xi32, #tpu.memory_space<vmem>>) semaphore(%arg11 : memref<!tpu.dma_semaphore, #tpu.memory_space<semaphore_mem>>)
      %mul3A_132 = arith.constant 8 : i32
      %mul3A_133 = arith.muli %add3A_88, %mul3A_132 : i32
      %add3A_134 = arith.constant 1 : i32
      %add3A_135 = arith.addi %mul3A_133, %add3A_134 : i32
      %dma_wait3A_136 = arith.constant 1 : i32
      %dma_wait3A_137 = arith.constant 0 : i32
      %dma_wait3A_138 = tpu.memref_slice %arg6[%dma_wait3A_136, %dma_wait3A_137] : memref<16x128xi32, #tpu.memory_space<vmem>> -> memref<1x128xi32, #tpu.memory_space<vmem>>
      %dma_wait3A_139 = tpu.memref_squeeze %dma_wait3A_138 : memref<1x128xi32, #tpu.memory_space<vmem>> -> memref<128xi32, #tpu.memory_space<vmem>>
      %dma_wait3A_140 = arith.constant 0 : i32
      %dma_wait3A_141 = arith.constant 0 : i32
      %dma_wait3A_142 = tpu.memref_slice %arg2[%dma_wait3A_140, %dma_wait3A_141] : memref<10240x128xf32, #tpu.memory_space<hbm>> -> memref<10240x128xf32, #tpu.memory_space<hbm>>
      tpu.wait_indirect_dma semaphore(%arg12 : memref<!tpu.dma_semaphore, #tpu.memory_space<semaphore_mem>>) src(%dma_wait3A_142 : memref<10240x128xf32, #tpu.memory_space<hbm>>) dst(%arg9 : memref<128x128xf32, #tpu.memory_space<vmem>>)
      %dma_start3A_143 = arith.constant 9 : i32
      %dma_start3A_144 = arith.constant 0 : i32
      %dma_start3A_145 = tpu.memref_slice %arg6[%dma_start3A_143, %dma_start3A_144] : memref<16x128xi32, #tpu.memory_space<vmem>> -> memref<1x128xi32, #tpu.memory_space<vmem>>
      %dma_start3A_146 = tpu.memref_squeeze %dma_start3A_145 : memref<1x128xi32, #tpu.memory_space<vmem>> -> memref<128xi32, #tpu.memory_space<vmem>>
      %dma_start3A_147 = arith.constant 0 : i32
      %dma_start3A_148 = arith.constant 0 : i32
      %dma_start3A_149 = tpu.memref_slice %arg10[%dma_start3A_147, %dma_start3A_148] : memref<10240x128xf32, #tpu.memory_space<vmem_shared>> -> memref<10240x128xf32, #tpu.memory_space<vmem_shared>>
      tpu.enqueue_indirect_dma source(%arg9 : memref<128x128xf32, #tpu.memory_space<vmem>>) target(%dma_start3A_149 : memref<10240x128xf32, #tpu.memory_space<vmem_shared>>) offsets(%dma_start3A_146 : memref<128xi32, #tpu.memory_space<vmem>>) semaphore(%arg14 : memref<!tpu.dma_semaphore, #tpu.memory_space<semaphore_mem>>) {add = true}
      %dma_start3A_150 = arith.constant 9 : i32
      %dma_start3A_151 = arith.constant 0 : i32
      %dma_start3A_152 = tpu.memref_slice %arg6[%dma_start3A_150, %dma_start3A_151] : memref<16x128xi32, #tpu.memory_space<vmem>> -> memref<1x128xi32, #tpu.memory_space<vmem>>
      %dma_start3A_153 = tpu.memref_squeeze %dma_start3A_152 : memref<1x128xi32, #tpu.memory_space<vmem>> -> memref<128xi32, #tpu.memory_space<vmem>>
      %dma_start3A_154 = arith.constant 0 : i32
      %dma_start3A_155 = tpu.memref_slice %arg19[%dma_start3A_154] : memref<10240xf32, #tpu.memory_space<vmem_shared>> -> memref<10240xf32, #tpu.memory_space<vmem_shared>>
      tpu.enqueue_indirect_dma source(%arg17 : memref<128xf32, #tpu.memory_space<vmem>>) target(%dma_start3A_155 : memref<10240xf32, #tpu.memory_space<vmem_shared>>) offsets(%dma_start3A_153 : memref<128xi32, #tpu.memory_space<vmem>>) semaphore(%arg14 : memref<!tpu.dma_semaphore, #tpu.memory_space<semaphore_mem>>) {add = true}
      %dma_wait3A_156 = arith.constant 9 : i32
      %dma_wait3A_157 = arith.constant 0 : i32
      %dma_wait3A_158 = tpu.memref_slice %arg6[%dma_wait3A_156, %dma_wait3A_157] : memref<16x128xi32, #tpu.memory_space<vmem>> -> memref<1x128xi32, #tpu.memory_space<vmem>>
      %dma_wait3A_159 = tpu.memref_squeeze %dma_wait3A_158 : memref<1x128xi32, #tpu.memory_space<vmem>> -> memref<128xi32, #tpu.memory_space<vmem>>
      %dma_wait3A_160 = arith.constant 0 : i32
      %dma_wait3A_161 = arith.constant 0 : i32
      %dma_wait3A_162 = tpu.memref_slice %arg10[%dma_wait3A_160, %dma_wait3A_161] : memref<10240x128xf32, #tpu.memory_space<vmem_shared>> -> memref<10240x128xf32, #tpu.memory_space<vmem_shared>>
      tpu.wait_indirect_dma semaphore(%arg14 : memref<!tpu.dma_semaphore, #tpu.memory_space<semaphore_mem>>) src(%arg9 : memref<128x128xf32, #tpu.memory_space<vmem>>) dst(%dma_wait3A_162 : memref<10240x128xf32, #tpu.memory_space<vmem_shared>>)
      %dma_wait3A_163 = arith.constant 9 : i32
      %dma_wait3A_164 = arith.constant 0 : i32
      %dma_wait3A_165 = tpu.memref_slice %arg6[%dma_wait3A_163, %dma_wait3A_164] : memref<16x128xi32, #tpu.memory_space<vmem>> -> memref<1x128xi32, #tpu.memory_space<vmem>>
      %dma_wait3A_166 = tpu.memref_squeeze %dma_wait3A_165 : memref<1x128xi32, #tpu.memory_space<vmem>> -> memref<128xi32, #tpu.memory_space<vmem>>
      %dma_wait3A_167 = arith.constant 0 : i32
      %dma_wait3A_168 = tpu.memref_slice %arg19[%dma_wait3A_167] : memref<10240xf32, #tpu.memory_space<vmem_shared>> -> memref<10240xf32, #tpu.memory_space<vmem_shared>>
      tpu.wait_indirect_dma semaphore(%arg14 : memref<!tpu.dma_semaphore, #tpu.memory_space<semaphore_mem>>) src(%arg17 : memref<128xf32, #tpu.memory_space<vmem>>) dst(%dma_wait3A_168 : memref<10240xf32, #tpu.memory_space<vmem_shared>>)
      %dma_start3A_169 = arith.constant 3 : i32
      %dma_start3A_170 = arith.constant 0 : i32
      %dma_start3A_171 = tpu.memref_slice %arg6[%dma_start3A_169, %dma_start3A_170] : memref<16x128xi32, #tpu.memory_space<vmem>> -> memref<1x128xi32, #tpu.memory_space<vmem>>
      %dma_start3A_172 = tpu.memref_squeeze %dma_start3A_171 : memref<1x128xi32, #tpu.memory_space<vmem>> -> memref<128xi32, #tpu.memory_space<vmem>>
      %dma_start3A_173 = arith.constant 0 : i32
      %dma_start3A_174 = arith.constant 0 : i32
      %dma_start3A_175 = tpu.memref_slice %arg2[%dma_start3A_173, %dma_start3A_174] : memref<10240x128xf32, #tpu.memory_space<hbm>> -> memref<10240x128xf32, #tpu.memory_space<hbm>>
      tpu.enqueue_indirect_dma source(%dma_start3A_175 : memref<10240x128xf32, #tpu.memory_space<hbm>>) target(%arg9 : memref<128x128xf32, #tpu.memory_space<vmem>>) offsets(%dma_start3A_172 : memref<128xi32, #tpu.memory_space<vmem>>) semaphore(%arg12 : memref<!tpu.dma_semaphore, #tpu.memory_space<semaphore_mem>>)
      %mul3A_176 = arith.constant 8 : i32
      %mul3A_177 = arith.muli %add3A_88, %mul3A_176 : i32
      %add3A_178 = arith.constant 2 : i32
      %add3A_179 = arith.addi %mul3A_177, %add3A_178 : i32
      %dma_wait3A_180 = arith.constant 2 : i32
      %dma_wait3A_181 = arith.constant 0 : i32
      %dma_wait3A_182 = tpu.memref_slice %arg6[%dma_wait3A_180, %dma_wait3A_181] : memref<16x128xi32, #tpu.memory_space<vmem>> -> memref<1x128xi32, #tpu.memory_space<vmem>>
      %dma_wait3A_183 = tpu.memref_squeeze %dma_wait3A_182 : memref<1x128xi32, #tpu.memory_space<vmem>> -> memref<128xi32, #tpu.memory_space<vmem>>
      %dma_wait3A_184 = arith.constant 0 : i32
      %dma_wait3A_185 = arith.constant 0 : i32
      %dma_wait3A_186 = tpu.memref_slice %arg2[%dma_wait3A_184, %dma_wait3A_185] : memref<10240x128xf32, #tpu.memory_space<hbm>> -> memref<10240x128xf32, #tpu.memory_space<hbm>>
      tpu.wait_indirect_dma semaphore(%arg11 : memref<!tpu.dma_semaphore, #tpu.memory_space<semaphore_mem>>) src(%dma_wait3A_186 : memref<10240x128xf32, #tpu.memory_space<hbm>>) dst(%arg8 : memref<128x128xf32, #tpu.memory_space<vmem>>)
      %dma_start3A_187 = arith.constant 10 : i32
      %dma_start3A_188 = arith.constant 0 : i32
      %dma_start3A_189 = tpu.memref_slice %arg6[%dma_start3A_187, %dma_start3A_188] : memref<16x128xi32, #tpu.memory_space<vmem>> -> memref<1x128xi32, #tpu.memory_space<vmem>>
      %dma_start3A_190 = tpu.memref_squeeze %dma_start3A_189 : memref<1x128xi32, #tpu.memory_space<vmem>> -> memref<128xi32, #tpu.memory_space<vmem>>
      %dma_start3A_191 = arith.constant 0 : i32
      %dma_start3A_192 = arith.constant 0 : i32
      %dma_start3A_193 = tpu.memref_slice %arg10[%dma_start3A_191, %dma_start3A_192] : memref<10240x128xf32, #tpu.memory_space<vmem_shared>> -> memref<10240x128xf32, #tpu.memory_space<vmem_shared>>
      tpu.enqueue_indirect_dma source(%arg8 : memref<128x128xf32, #tpu.memory_space<vmem>>) target(%dma_start3A_193 : memref<10240x128xf32, #tpu.memory_space<vmem_shared>>) offsets(%dma_start3A_190 : memref<128xi32, #tpu.memory_space<vmem>>) semaphore(%arg13 : memref<!tpu.dma_semaphore, #tpu.memory_space<semaphore_mem>>) {add = true}
      %dma_start3A_194 = arith.constant 10 : i32
      %dma_start3A_195 = arith.constant 0 : i32
      %dma_start3A_196 = tpu.memref_slice %arg6[%dma_start3A_194, %dma_start3A_195] : memref<16x128xi32, #tpu.memory_space<vmem>> -> memref<1x128xi32, #tpu.memory_space<vmem>>
      %dma_start3A_197 = tpu.memref_squeeze %dma_start3A_196 : memref<1x128xi32, #tpu.memory_space<vmem>> -> memref<128xi32, #tpu.memory_space<vmem>>
      %dma_start3A_198 = arith.constant 0 : i32
      %dma_start3A_199 = tpu.memref_slice %arg19[%dma_start3A_198] : memref<10240xf32, #tpu.memory_space<vmem_shared>> -> memref<10240xf32, #tpu.memory_space<vmem_shared>>
      tpu.enqueue_indirect_dma source(%arg17 : memref<128xf32, #tpu.memory_space<vmem>>) target(%dma_start3A_199 : memref<10240xf32, #tpu.memory_space<vmem_shared>>) offsets(%dma_start3A_197 : memref<128xi32, #tpu.memory_space<vmem>>) semaphore(%arg13 : memref<!tpu.dma_semaphore, #tpu.memory_space<semaphore_mem>>) {add = true}
      %add3A_200 = arith.constant 1 : i32
      %add3A_201 = arith.addi %add3A_88, %add3A_200 : i32
      %lt3A = arith.constant 10 : i32
      %lt3A_202 = arith.cmpi slt, %add3A_201, %lt3A : i32
      %convert_element_type3A = arith.extui %lt3A_202 : i1 to i32
      %cond3A = arith.constant 0 : i32
      %cond3A_203 = arith.cmpi ne, %convert_element_type3A, %cond3A : i32
      scf.if %cond3A_203 {
        %add3A_807 = arith.constant 1 : i32
        %add3A_808 = arith.addi %add3A_88, %add3A_807 : i32
        %mul3A_809 = arith.constant 2 : i32
        %mul3A_810 = arith.muli %add3A_808, %mul3A_809 : i32
        %mul3A_811 = arith.constant 8 : i32
        %mul3A_812 = arith.muli %mul3A_810, %mul3A_811 : i32
        %add3A_813 = arith.addi %mul3A_63, %mul3A_812 : i32
        %dma_start3A_814 = arith.constant 0 : i32
        %dma_start3A_815 = tpu.memref_slice %arg3[%add3A_813, %dma_start3A_814] : memref<5120x128xi32, #tpu.memory_space<hbm>> -> memref<16x128xi32, #tpu.memory_space<hbm>>
        %dma_start3A_816 = arith.constant 0 : i32
        %dma_start3A_817 = tpu.memref_slice %arg3[%add3A_813, %dma_start3A_816] : memref<5120x128xi32, #tpu.memory_space<hbm>> -> memref<16x128xi32, #tpu.memory_space<hbm>>
        tpu.enqueue_dma source(%dma_start3A_817 : memref<16x128xi32, #tpu.memory_space<hbm>>) target(%arg7 : memref<16x128xi32, #tpu.memory_space<vmem>>) target_semaphore(%arg16 : memref<!tpu.dma_semaphore, #tpu.memory_space<semaphore_mem>>)
      } else {
      }
      %dma_wait3A_204 = arith.constant 10 : i32
      %dma_wait3A_205 = arith.constant 0 : i32
      %dma_wait3A_206 = tpu.memref_slice %arg6[%dma_wait3A_204, %dma_wait3A_205] : memref<16x128xi32, #tpu.memory_space<vmem>> -> memref<1x128xi32, #tpu.memory_space<vmem>>
      %dma_wait3A_207 = tpu.memref_squeeze %dma_wait3A_206 : memref<1x128xi32, #tpu.memory_space<vmem>> -> memref<128xi32, #tpu.memory_space<vmem>>
      %dma_wait3A_208 = arith.constant 0 : i32
      %dma_wait3A_209 = arith.constant 0 : i32
      %dma_wait3A_210 = tpu.memref_slice %arg10[%dma_wait3A_208, %dma_wait3A_209] : memref<10240x128xf32, #tpu.memory_space<vmem_shared>> -> memref<10240x128xf32, #tpu.memory_space<vmem_shared>>
      tpu.wait_indirect_dma semaphore(%arg13 : memref<!tpu.dma_semaphore, #tpu.memory_space<semaphore_mem>>) src(%arg8 : memref<128x128xf32, #tpu.memory_space<vmem>>) dst(%dma_wait3A_210 : memref<10240x128xf32, #tpu.memory_space<vmem_shared>>)
      %dma_wait3A_211 = arith.constant 10 : i32
      %dma_wait3A_212 = arith.constant 0 : i32
      %dma_wait3A_213 = tpu.memref_slice %arg6[%dma_wait3A_211, %dma_wait3A_212] : memref<16x128xi32, #tpu.memory_space<vmem>> -> memref<1x128xi32, #tpu.memory_space<vmem>>
      %dma_wait3A_214 = tpu.memref_squeeze %dma_wait3A_213 : memref<1x128xi32, #tpu.memory_space<vmem>> -> memref<128xi32, #tpu.memory_space<vmem>>
      %dma_wait3A_215 = arith.constant 0 : i32
      %dma_wait3A_216 = tpu.memref_slice %arg19[%dma_wait3A_215] : memref<10240xf32, #tpu.memory_space<vmem_shared>> -> memref<10240xf32, #tpu.memory_space<vmem_shared>>
      tpu.wait_indirect_dma semaphore(%arg13 : memref<!tpu.dma_semaphore, #tpu.memory_space<semaphore_mem>>) src(%arg17 : memref<128xf32, #tpu.memory_space<vmem>>) dst(%dma_wait3A_216 : memref<10240xf32, #tpu.memory_space<vmem_shared>>)
      %dma_start3A_217 = arith.constant 4 : i32
      %dma_start3A_218 = arith.constant 0 : i32
      %dma_start3A_219 = tpu.memref_slice %arg6[%dma_start3A_217, %dma_start3A_218] : memref<16x128xi32, #tpu.memory_space<vmem>> -> memref<1x128xi32, #tpu.memory_space<vmem>>
      %dma_start3A_220 = tpu.memref_squeeze %dma_start3A_219 : memref<1x128xi32, #tpu.memory_space<vmem>> -> memref<128xi32, #tpu.memory_space<vmem>>
      %dma_start3A_221 = arith.constant 0 : i32
      %dma_start3A_222 = arith.constant 0 : i32
      %dma_start3A_223 = tpu.memref_slice %arg2[%dma_start3A_221, %dma_start3A_222] : memref<10240x128xf32, #tpu.memory_space<hbm>> -> memref<10240x128xf32, #tpu.memory_space<hbm>>
      tpu.enqueue_indirect_dma source(%dma_start3A_223 : memref<10240x128xf32, #tpu.memory_space<hbm>>) target(%arg8 : memref<128x128xf32, #tpu.memory_space<vmem>>) offsets(%dma_start3A_220 : memref<128xi32, #tpu.memory_space<vmem>>) semaphore(%arg11 : memref<!tpu.dma_semaphore, #tpu.memory_space<semaphore_mem>>)
      %mul3A_224 = arith.constant 8 : i32
      %mul3A_225 = arith.muli %add3A_88, %mul3A_224 : i32
      %add3A_226 = arith.constant 3 : i32
      %add3A_227 = arith.addi %mul3A_225, %add3A_226 : i32
      %dma_wait3A_228 = arith.constant 3 : i32
      %dma_wait3A_229 = arith.constant 0 : i32
      %dma_wait3A_230 = tpu.memref_slice %arg6[%dma_wait3A_228, %dma_wait3A_229] : memref<16x128xi32, #tpu.memory_space<vmem>> -> memref<1x128xi32, #tpu.memory_space<vmem>>
      %dma_wait3A_231 = tpu.memref_squeeze %dma_wait3A_230 : memref<1x128xi32, #tpu.memory_space<vmem>> -> memref<128xi32, #tpu.memory_space<vmem>>
      %dma_wait3A_232 = arith.constant 0 : i32
      %dma_wait3A_233 = arith.constant 0 : i32
      %dma_wait3A_234 = tpu.memref_slice %arg2[%dma_wait3A_232, %dma_wait3A_233] : memref<10240x128xf32, #tpu.memory_space<hbm>> -> memref<10240x128xf32, #tpu.memory_space<hbm>>
      tpu.wait_indirect_dma semaphore(%arg12 : memref<!tpu.dma_semaphore, #tpu.memory_space<semaphore_mem>>) src(%dma_wait3A_234 : memref<10240x128xf32, #tpu.memory_space<hbm>>) dst(%arg9 : memref<128x128xf32, #tpu.memory_space<vmem>>)
      %dma_start3A_235 = arith.constant 11 : i32
      %dma_start3A_236 = arith.constant 0 : i32
      %dma_start3A_237 = tpu.memref_slice %arg6[%dma_start3A_235, %dma_start3A_236] : memref<16x128xi32, #tpu.memory_space<vmem>> -> memref<1x128xi32, #tpu.memory_space<vmem>>
      %dma_start3A_238 = tpu.memref_squeeze %dma_start3A_237 : memref<1x128xi32, #tpu.memory_space<vmem>> -> memref<128xi32, #tpu.memory_space<vmem>>
      %dma_start3A_239 = arith.constant 0 : i32
      %dma_start3A_240 = arith.constant 0 : i32
      %dma_start3A_241 = tpu.memref_slice %arg10[%dma_start3A_239, %dma_start3A_240] : memref<10240x128xf32, #tpu.memory_space<vmem_shared>> -> memref<10240x128xf32, #tpu.memory_space<vmem_shared>>
      tpu.enqueue_indirect_dma source(%arg9 : memref<128x128xf32, #tpu.memory_space<vmem>>) target(%dma_start3A_241 : memref<10240x128xf32, #tpu.memory_space<vmem_shared>>) offsets(%dma_start3A_238 : memref<128xi32, #tpu.memory_space<vmem>>) semaphore(%arg14 : memref<!tpu.dma_semaphore, #tpu.memory_space<semaphore_mem>>) {add = true}
      %dma_start3A_242 = arith.constant 11 : i32
      %dma_start3A_243 = arith.constant 0 : i32
      %dma_start3A_244 = tpu.memref_slice %arg6[%dma_start3A_242, %dma_start3A_243] : memref<16x128xi32, #tpu.memory_space<vmem>> -> memref<1x128xi32, #tpu.memory_space<vmem>>
      %dma_start3A_245 = tpu.memref_squeeze %dma_start3A_244 : memref<1x128xi32, #tpu.memory_space<vmem>> -> memref<128xi32, #tpu.memory_space<vmem>>
      %dma_start3A_246 = arith.constant 0 : i32
      %dma_start3A_247 = tpu.memref_slice %arg19[%dma_start3A_246] : memref<10240xf32, #tpu.memory_space<vmem_shared>> -> memref<10240xf32, #tpu.memory_space<vmem_shared>>
      tpu.enqueue_indirect_dma source(%arg17 : memref<128xf32, #tpu.memory_space<vmem>>) target(%dma_start3A_247 : memref<10240xf32, #tpu.memory_space<vmem_shared>>) offsets(%dma_start3A_245 : memref<128xi32, #tpu.memory_space<vmem>>) semaphore(%arg14 : memref<!tpu.dma_semaphore, #tpu.memory_space<semaphore_mem>>) {add = true}
      %dma_wait3A_248 = arith.constant 11 : i32
      %dma_wait3A_249 = arith.constant 0 : i32
      %dma_wait3A_250 = tpu.memref_slice %arg6[%dma_wait3A_248, %dma_wait3A_249] : memref<16x128xi32, #tpu.memory_space<vmem>> -> memref<1x128xi32, #tpu.memory_space<vmem>>
      %dma_wait3A_251 = tpu.memref_squeeze %dma_wait3A_250 : memref<1x128xi32, #tpu.memory_space<vmem>> -> memref<128xi32, #tpu.memory_space<vmem>>
      %dma_wait3A_252 = arith.constant 0 : i32
      %dma_wait3A_253 = arith.constant 0 : i32
      %dma_wait3A_254 = tpu.memref_slice %arg10[%dma_wait3A_252, %dma_wait3A_253] : memref<10240x128xf32, #tpu.memory_space<vmem_shared>> -> memref<10240x128xf32, #tpu.memory_space<vmem_shared>>
      tpu.wait_indirect_dma semaphore(%arg14 : memref<!tpu.dma_semaphore, #tpu.memory_space<semaphore_mem>>) src(%arg9 : memref<128x128xf32, #tpu.memory_space<vmem>>) dst(%dma_wait3A_254 : memref<10240x128xf32, #tpu.memory_space<vmem_shared>>)
      %dma_wait3A_255 = arith.constant 11 : i32
      %dma_wait3A_256 = arith.constant 0 : i32
      %dma_wait3A_257 = tpu.memref_slice %arg6[%dma_wait3A_255, %dma_wait3A_256] : memref<16x128xi32, #tpu.memory_space<vmem>> -> memref<1x128xi32, #tpu.memory_space<vmem>>
      %dma_wait3A_258 = tpu.memref_squeeze %dma_wait3A_257 : memref<1x128xi32, #tpu.memory_space<vmem>> -> memref<128xi32, #tpu.memory_space<vmem>>
      %dma_wait3A_259 = arith.constant 0 : i32
      %dma_wait3A_260 = tpu.memref_slice %arg19[%dma_wait3A_259] : memref<10240xf32, #tpu.memory_space<vmem_shared>> -> memref<10240xf32, #tpu.memory_space<vmem_shared>>
      tpu.wait_indirect_dma semaphore(%arg14 : memref<!tpu.dma_semaphore, #tpu.memory_space<semaphore_mem>>) src(%arg17 : memref<128xf32, #tpu.memory_space<vmem>>) dst(%dma_wait3A_260 : memref<10240xf32, #tpu.memory_space<vmem_shared>>)
      %dma_start3A_261 = arith.constant 5 : i32
      %dma_start3A_262 = arith.constant 0 : i32
      %dma_start3A_263 = tpu.memref_slice %arg6[%dma_start3A_261, %dma_start3A_262] : memref<16x128xi32, #tpu.memory_space<vmem>> -> memref<1x128xi32, #tpu.memory_space<vmem>>
      %dma_start3A_264 = tpu.memref_squeeze %dma_start3A_263 : memref<1x128xi32, #tpu.memory_space<vmem>> -> memref<128xi32, #tpu.memory_space<vmem>>
      %dma_start3A_265 = arith.constant 0 : i32
      %dma_start3A_266 = arith.constant 0 : i32
      %dma_start3A_267 = tpu.memref_slice %arg2[%dma_start3A_265, %dma_start3A_266] : memref<10240x128xf32, #tpu.memory_space<hbm>> -> memref<10240x128xf32, #tpu.memory_space<hbm>>
      tpu.enqueue_indirect_dma source(%dma_start3A_267 : memref<10240x128xf32, #tpu.memory_space<hbm>>) target(%arg9 : memref<128x128xf32, #tpu.memory_space<vmem>>) offsets(%dma_start3A_264 : memref<128xi32, #tpu.memory_space<vmem>>) semaphore(%arg12 : memref<!tpu.dma_semaphore, #tpu.memory_space<semaphore_mem>>)
      %mul3A_268 = arith.constant 8 : i32
      %mul3A_269 = arith.muli %add3A_88, %mul3A_268 : i32
      %add3A_270 = arith.constant 4 : i32
      %add3A_271 = arith.addi %mul3A_269, %add3A_270 : i32
      %dma_wait3A_272 = arith.constant 4 : i32
      %dma_wait3A_273 = arith.constant 0 : i32
      %dma_wait3A_274 = tpu.memref_slice %arg6[%dma_wait3A_272, %dma_wait3A_273] : memref<16x128xi32, #tpu.memory_space<vmem>> -> memref<1x128xi32, #tpu.memory_space<vmem>>
      %dma_wait3A_275 = tpu.memref_squeeze %dma_wait3A_274 : memref<1x128xi32, #tpu.memory_space<vmem>> -> memref<128xi32, #tpu.memory_space<vmem>>
      %dma_wait3A_276 = arith.constant 0 : i32
      %dma_wait3A_277 = arith.constant 0 : i32
      %dma_wait3A_278 = tpu.memref_slice %arg2[%dma_wait3A_276, %dma_wait3A_277] : memref<10240x128xf32, #tpu.memory_space<hbm>> -> memref<10240x128xf32, #tpu.memory_space<hbm>>
      tpu.wait_indirect_dma semaphore(%arg11 : memref<!tpu.dma_semaphore, #tpu.memory_space<semaphore_mem>>) src(%dma_wait3A_278 : memref<10240x128xf32, #tpu.memory_space<hbm>>) dst(%arg8 : memref<128x128xf32, #tpu.memory_space<vmem>>)
      %dma_start3A_279 = arith.constant 12 : i32
      %dma_start3A_280 = arith.constant 0 : i32
      %dma_start3A_281 = tpu.memref_slice %arg6[%dma_start3A_279, %dma_start3A_280] : memref<16x128xi32, #tpu.memory_space<vmem>> -> memref<1x128xi32, #tpu.memory_space<vmem>>
      %dma_start3A_282 = tpu.memref_squeeze %dma_start3A_281 : memref<1x128xi32, #tpu.memory_space<vmem>> -> memref<128xi32, #tpu.memory_space<vmem>>
      %dma_start3A_283 = arith.constant 0 : i32
      %dma_start3A_284 = arith.constant 0 : i32
      %dma_start3A_285 = tpu.memref_slice %arg10[%dma_start3A_283, %dma_start3A_284] : memref<10240x128xf32, #tpu.memory_space<vmem_shared>> -> memref<10240x128xf32, #tpu.memory_space<vmem_shared>>
      tpu.enqueue_indirect_dma source(%arg8 : memref<128x128xf32, #tpu.memory_space<vmem>>) target(%dma_start3A_285 : memref<10240x128xf32, #tpu.memory_space<vmem_shared>>) offsets(%dma_start3A_282 : memref<128xi32, #tpu.memory_space<vmem>>) semaphore(%arg13 : memref<!tpu.dma_semaphore, #tpu.memory_space<semaphore_mem>>) {add = true}
      %dma_start3A_286 = arith.constant 12 : i32
      %dma_start3A_287 = arith.constant 0 : i32
      %dma_start3A_288 = tpu.memref_slice %arg6[%dma_start3A_286, %dma_start3A_287] : memref<16x128xi32, #tpu.memory_space<vmem>> -> memref<1x128xi32, #tpu.memory_space<vmem>>
      %dma_start3A_289 = tpu.memref_squeeze %dma_start3A_288 : memref<1x128xi32, #tpu.memory_space<vmem>> -> memref<128xi32, #tpu.memory_space<vmem>>
      %dma_start3A_290 = arith.constant 0 : i32
      %dma_start3A_291 = tpu.memref_slice %arg19[%dma_start3A_290] : memref<10240xf32, #tpu.memory_space<vmem_shared>> -> memref<10240xf32, #tpu.memory_space<vmem_shared>>
      tpu.enqueue_indirect_dma source(%arg17 : memref<128xf32, #tpu.memory_space<vmem>>) target(%dma_start3A_291 : memref<10240xf32, #tpu.memory_space<vmem_shared>>) offsets(%dma_start3A_289 : memref<128xi32, #tpu.memory_space<vmem>>) semaphore(%arg13 : memref<!tpu.dma_semaphore, #tpu.memory_space<semaphore_mem>>) {add = true}
      %dma_wait3A_292 = arith.constant 12 : i32
      %dma_wait3A_293 = arith.constant 0 : i32
      %dma_wait3A_294 = tpu.memref_slice %arg6[%dma_wait3A_292, %dma_wait3A_293] : memref<16x128xi32, #tpu.memory_space<vmem>> -> memref<1x128xi32, #tpu.memory_space<vmem>>
      %dma_wait3A_295 = tpu.memref_squeeze %dma_wait3A_294 : memref<1x128xi32, #tpu.memory_space<vmem>> -> memref<128xi32, #tpu.memory_space<vmem>>
      %dma_wait3A_296 = arith.constant 0 : i32
      %dma_wait3A_297 = arith.constant 0 : i32
      %dma_wait3A_298 = tpu.memref_slice %arg10[%dma_wait3A_296, %dma_wait3A_297] : memref<10240x128xf32, #tpu.memory_space<vmem_shared>> -> memref<10240x128xf32, #tpu.memory_space<vmem_shared>>
      tpu.wait_indirect_dma semaphore(%arg13 : memref<!tpu.dma_semaphore, #tpu.memory_space<semaphore_mem>>) src(%arg8 : memref<128x128xf32, #tpu.memory_space<vmem>>) dst(%dma_wait3A_298 : memref<10240x128xf32, #tpu.memory_space<vmem_shared>>)
      %dma_wait3A_299 = arith.constant 12 : i32
      %dma_wait3A_300 = arith.constant 0 : i32
      %dma_wait3A_301 = tpu.memref_slice %arg6[%dma_wait3A_299, %dma_wait3A_300] : memref<16x128xi32, #tpu.memory_space<vmem>> -> memref<1x128xi32, #tpu.memory_space<vmem>>
      %dma_wait3A_302 = tpu.memref_squeeze %dma_wait3A_301 : memref<1x128xi32, #tpu.memory_space<vmem>> -> memref<128xi32, #tpu.memory_space<vmem>>
      %dma_wait3A_303 = arith.constant 0 : i32
      %dma_wait3A_304 = tpu.memref_slice %arg19[%dma_wait3A_303] : memref<10240xf32, #tpu.memory_space<vmem_shared>> -> memref<10240xf32, #tpu.memory_space<vmem_shared>>
      tpu.wait_indirect_dma semaphore(%arg13 : memref<!tpu.dma_semaphore, #tpu.memory_space<semaphore_mem>>) src(%arg17 : memref<128xf32, #tpu.memory_space<vmem>>) dst(%dma_wait3A_304 : memref<10240xf32, #tpu.memory_space<vmem_shared>>)
      %dma_start3A_305 = arith.constant 6 : i32
      %dma_start3A_306 = arith.constant 0 : i32
      %dma_start3A_307 = tpu.memref_slice %arg6[%dma_start3A_305, %dma_start3A_306] : memref<16x128xi32, #tpu.memory_space<vmem>> -> memref<1x128xi32, #tpu.memory_space<vmem>>
      %dma_start3A_308 = tpu.memref_squeeze %dma_start3A_307 : memref<1x128xi32, #tpu.memory_space<vmem>> -> memref<128xi32, #tpu.memory_space<vmem>>
      %dma_start3A_309 = arith.constant 0 : i32
      %dma_start3A_310 = arith.constant 0 : i32
      %dma_start3A_311 = tpu.memref_slice %arg2[%dma_start3A_309, %dma_start3A_310] : memref<10240x128xf32, #tpu.memory_space<hbm>> -> memref<10240x128xf32, #tpu.memory_space<hbm>>
      tpu.enqueue_indirect_dma source(%dma_start3A_311 : memref<10240x128xf32, #tpu.memory_space<hbm>>) target(%arg8 : memref<128x128xf32, #tpu.memory_space<vmem>>) offsets(%dma_start3A_308 : memref<128xi32, #tpu.memory_space<vmem>>) semaphore(%arg11 : memref<!tpu.dma_semaphore, #tpu.memory_space<semaphore_mem>>)
      %mul3A_312 = arith.constant 8 : i32
      %mul3A_313 = arith.muli %add3A_88, %mul3A_312 : i32
      %add3A_314 = arith.constant 5 : i32
      %add3A_315 = arith.addi %mul3A_313, %add3A_314 : i32
      %dma_wait3A_316 = arith.constant 5 : i32
      %dma_wait3A_317 = arith.constant 0 : i32
      %dma_wait3A_318 = tpu.memref_slice %arg6[%dma_wait3A_316, %dma_wait3A_317] : memref<16x128xi32, #tpu.memory_space<vmem>> -> memref<1x128xi32, #tpu.memory_space<vmem>>
      %dma_wait3A_319 = tpu.memref_squeeze %dma_wait3A_318 : memref<1x128xi32, #tpu.memory_space<vmem>> -> memref<128xi32, #tpu.memory_space<vmem>>
      %dma_wait3A_320 = arith.constant 0 : i32
      %dma_wait3A_321 = arith.constant 0 : i32
      %dma_wait3A_322 = tpu.memref_slice %arg2[%dma_wait3A_320, %dma_wait3A_321] : memref<10240x128xf32, #tpu.memory_space<hbm>> -> memref<10240x128xf32, #tpu.memory_space<hbm>>
      tpu.wait_indirect_dma semaphore(%arg12 : memref<!tpu.dma_semaphore, #tpu.memory_space<semaphore_mem>>) src(%dma_wait3A_322 : memref<10240x128xf32, #tpu.memory_space<hbm>>) dst(%arg9 : memref<128x128xf32, #tpu.memory_space<vmem>>)
      %dma_start3A_323 = arith.constant 13 : i32
      %dma_start3A_324 = arith.constant 0 : i32
      %dma_start3A_325 = tpu.memref_slice %arg6[%dma_start3A_323, %dma_start3A_324] : memref<16x128xi32, #tpu.memory_space<vmem>> -> memref<1x128xi32, #tpu.memory_space<vmem>>
      %dma_start3A_326 = tpu.memref_squeeze %dma_start3A_325 : memref<1x128xi32, #tpu.memory_space<vmem>> -> memref<128xi32, #tpu.memory_space<vmem>>
      %dma_start3A_327 = arith.constant 0 : i32
      %dma_start3A_328 = arith.constant 0 : i32
      %dma_start3A_329 = tpu.memref_slice %arg10[%dma_start3A_327, %dma_start3A_328] : memref<10240x128xf32, #tpu.memory_space<vmem_shared>> -> memref<10240x128xf32, #tpu.memory_space<vmem_shared>>
      tpu.enqueue_indirect_dma source(%arg9 : memref<128x128xf32, #tpu.memory_space<vmem>>) target(%dma_start3A_329 : memref<10240x128xf32, #tpu.memory_space<vmem_shared>>) offsets(%dma_start3A_326 : memref<128xi32, #tpu.memory_space<vmem>>) semaphore(%arg14 : memref<!tpu.dma_semaphore, #tpu.memory_space<semaphore_mem>>) {add = true}
      %dma_start3A_330 = arith.constant 13 : i32
      %dma_start3A_331 = arith.constant 0 : i32
      %dma_start3A_332 = tpu.memref_slice %arg6[%dma_start3A_330, %dma_start3A_331] : memref<16x128xi32, #tpu.memory_space<vmem>> -> memref<1x128xi32, #tpu.memory_space<vmem>>
      %dma_start3A_333 = tpu.memref_squeeze %dma_start3A_332 : memref<1x128xi32, #tpu.memory_space<vmem>> -> memref<128xi32, #tpu.memory_space<vmem>>
      %dma_start3A_334 = arith.constant 0 : i32
      %dma_start3A_335 = tpu.memref_slice %arg19[%dma_start3A_334] : memref<10240xf32, #tpu.memory_space<vmem_shared>> -> memref<10240xf32, #tpu.memory_space<vmem_shared>>
      tpu.enqueue_indirect_dma source(%arg17 : memref<128xf32, #tpu.memory_space<vmem>>) target(%dma_start3A_335 : memref<10240xf32, #tpu.memory_space<vmem_shared>>) offsets(%dma_start3A_333 : memref<128xi32, #tpu.memory_space<vmem>>) semaphore(%arg14 : memref<!tpu.dma_semaphore, #tpu.memory_space<semaphore_mem>>) {add = true}
      %dma_wait3A_336 = arith.constant 13 : i32
      %dma_wait3A_337 = arith.constant 0 : i32
      %dma_wait3A_338 = tpu.memref_slice %arg6[%dma_wait3A_336, %dma_wait3A_337] : memref<16x128xi32, #tpu.memory_space<vmem>> -> memref<1x128xi32, #tpu.memory_space<vmem>>
      %dma_wait3A_339 = tpu.memref_squeeze %dma_wait3A_338 : memref<1x128xi32, #tpu.memory_space<vmem>> -> memref<128xi32, #tpu.memory_space<vmem>>
      %dma_wait3A_340 = arith.constant 0 : i32
      %dma_wait3A_341 = arith.constant 0 : i32
      %dma_wait3A_342 = tpu.memref_slice %arg10[%dma_wait3A_340, %dma_wait3A_341] : memref<10240x128xf32, #tpu.memory_space<vmem_shared>> -> memref<10240x128xf32, #tpu.memory_space<vmem_shared>>
      tpu.wait_indirect_dma semaphore(%arg14 : memref<!tpu.dma_semaphore, #tpu.memory_space<semaphore_mem>>) src(%arg9 : memref<128x128xf32, #tpu.memory_space<vmem>>) dst(%dma_wait3A_342 : memref<10240x128xf32, #tpu.memory_space<vmem_shared>>)
      %dma_wait3A_343 = arith.constant 13 : i32
      %dma_wait3A_344 = arith.constant 0 : i32
      %dma_wait3A_345 = tpu.memref_slice %arg6[%dma_wait3A_343, %dma_wait3A_344] : memref<16x128xi32, #tpu.memory_space<vmem>> -> memref<1x128xi32, #tpu.memory_space<vmem>>
      %dma_wait3A_346 = tpu.memref_squeeze %dma_wait3A_345 : memref<1x128xi32, #tpu.memory_space<vmem>> -> memref<128xi32, #tpu.memory_space<vmem>>
      %dma_wait3A_347 = arith.constant 0 : i32
      %dma_wait3A_348 = tpu.memref_slice %arg19[%dma_wait3A_347] : memref<10240xf32, #tpu.memory_space<vmem_shared>> -> memref<10240xf32, #tpu.memory_space<vmem_shared>>
      tpu.wait_indirect_dma semaphore(%arg14 : memref<!tpu.dma_semaphore, #tpu.memory_space<semaphore_mem>>) src(%arg17 : memref<128xf32, #tpu.memory_space<vmem>>) dst(%dma_wait3A_348 : memref<10240xf32, #tpu.memory_space<vmem_shared>>)
      %dma_start3A_349 = arith.constant 7 : i32
      %dma_start3A_350 = arith.constant 0 : i32
      %dma_start3A_351 = tpu.memref_slice %arg6[%dma_start3A_349, %dma_start3A_350] : memref<16x128xi32, #tpu.memory_space<vmem>> -> memref<1x128xi32, #tpu.memory_space<vmem>>
      %dma_start3A_352 = tpu.memref_squeeze %dma_start3A_351 : memref<1x128xi32, #tpu.memory_space<vmem>> -> memref<128xi32, #tpu.memory_space<vmem>>
      %dma_start3A_353 = arith.constant 0 : i32
      %dma_start3A_354 = arith.constant 0 : i32
      %dma_start3A_355 = tpu.memref_slice %arg2[%dma_start3A_353, %dma_start3A_354] : memref<10240x128xf32, #tpu.memory_space<hbm>> -> memref<10240x128xf32, #tpu.memory_space<hbm>>
      tpu.enqueue_indirect_dma source(%dma_start3A_355 : memref<10240x128xf32, #tpu.memory_space<hbm>>) target(%arg9 : memref<128x128xf32, #tpu.memory_space<vmem>>) offsets(%dma_start3A_352 : memref<128xi32, #tpu.memory_space<vmem>>) semaphore(%arg12 : memref<!tpu.dma_semaphore, #tpu.memory_space<semaphore_mem>>)
      %mul3A_356 = arith.constant 8 : i32
      %mul3A_357 = arith.muli %add3A_88, %mul3A_356 : i32
      %add3A_358 = arith.constant 6 : i32
      %add3A_359 = arith.addi %mul3A_357, %add3A_358 : i32
      %dma_wait3A_360 = arith.constant 6 : i32
      %dma_wait3A_361 = arith.constant 0 : i32
      %dma_wait3A_362 = tpu.memref_slice %arg6[%dma_wait3A_360, %dma_wait3A_361] : memref<16x128xi32, #tpu.memory_space<vmem>> -> memref<1x128xi32, #tpu.memory_space<vmem>>
      %dma_wait3A_363 = tpu.memref_squeeze %dma_wait3A_362 : memref<1x128xi32, #tpu.memory_space<vmem>> -> memref<128xi32, #tpu.memory_space<vmem>>
      %dma_wait3A_364 = arith.constant 0 : i32
      %dma_wait3A_365 = arith.constant 0 : i32
      %dma_wait3A_366 = tpu.memref_slice %arg2[%dma_wait3A_364, %dma_wait3A_365] : memref<10240x128xf32, #tpu.memory_space<hbm>> -> memref<10240x128xf32, #tpu.memory_space<hbm>>
      tpu.wait_indirect_dma semaphore(%arg11 : memref<!tpu.dma_semaphore, #tpu.memory_space<semaphore_mem>>) src(%dma_wait3A_366 : memref<10240x128xf32, #tpu.memory_space<hbm>>) dst(%arg8 : memref<128x128xf32, #tpu.memory_space<vmem>>)
      %dma_start3A_367 = arith.constant 14 : i32
      %dma_start3A_368 = arith.constant 0 : i32
      %dma_start3A_369 = tpu.memref_slice %arg6[%dma_start3A_367, %dma_start3A_368] : memref<16x128xi32, #tpu.memory_space<vmem>> -> memref<1x128xi32, #tpu.memory_space<vmem>>
      %dma_start3A_370 = tpu.memref_squeeze %dma_start3A_369 : memref<1x128xi32, #tpu.memory_space<vmem>> -> memref<128xi32, #tpu.memory_space<vmem>>
      %dma_start3A_371 = arith.constant 0 : i32
      %dma_start3A_372 = arith.constant 0 : i32
      %dma_start3A_373 = tpu.memref_slice %arg10[%dma_start3A_371, %dma_start3A_372] : memref<10240x128xf32, #tpu.memory_space<vmem_shared>> -> memref<10240x128xf32, #tpu.memory_space<vmem_shared>>
      tpu.enqueue_indirect_dma source(%arg8 : memref<128x128xf32, #tpu.memory_space<vmem>>) target(%dma_start3A_373 : memref<10240x128xf32, #tpu.memory_space<vmem_shared>>) offsets(%dma_start3A_370 : memref<128xi32, #tpu.memory_space<vmem>>) semaphore(%arg13 : memref<!tpu.dma_semaphore, #tpu.memory_space<semaphore_mem>>) {add = true}
      %dma_start3A_374 = arith.constant 14 : i32
      %dma_start3A_375 = arith.constant 0 : i32
      %dma_start3A_376 = tpu.memref_slice %arg6[%dma_start3A_374, %dma_start3A_375] : memref<16x128xi32, #tpu.memory_space<vmem>> -> memref<1x128xi32, #tpu.memory_space<vmem>>
      %dma_start3A_377 = tpu.memref_squeeze %dma_start3A_376 : memref<1x128xi32, #tpu.memory_space<vmem>> -> memref<128xi32, #tpu.memory_space<vmem>>
      %dma_start3A_378 = arith.constant 0 : i32
      %dma_start3A_379 = tpu.memref_slice %arg19[%dma_start3A_378] : memref<10240xf32, #tpu.memory_space<vmem_shared>> -> memref<10240xf32, #tpu.memory_space<vmem_shared>>
      tpu.enqueue_indirect_dma source(%arg17 : memref<128xf32, #tpu.memory_space<vmem>>) target(%dma_start3A_379 : memref<10240xf32, #tpu.memory_space<vmem_shared>>) offsets(%dma_start3A_377 : memref<128xi32, #tpu.memory_space<vmem>>) semaphore(%arg13 : memref<!tpu.dma_semaphore, #tpu.memory_space<semaphore_mem>>) {add = true}
      %dma_wait3A_380 = arith.constant 14 : i32
      %dma_wait3A_381 = arith.constant 0 : i32
      %dma_wait3A_382 = tpu.memref_slice %arg6[%dma_wait3A_380, %dma_wait3A_381] : memref<16x128xi32, #tpu.memory_space<vmem>> -> memref<1x128xi32, #tpu.memory_space<vmem>>
      %dma_wait3A_383 = tpu.memref_squeeze %dma_wait3A_382 : memref<1x128xi32, #tpu.memory_space<vmem>> -> memref<128xi32, #tpu.memory_space<vmem>>
      %dma_wait3A_384 = arith.constant 0 : i32
      %dma_wait3A_385 = arith.constant 0 : i32
      %dma_wait3A_386 = tpu.memref_slice %arg10[%dma_wait3A_384, %dma_wait3A_385] : memref<10240x128xf32, #tpu.memory_space<vmem_shared>> -> memref<10240x128xf32, #tpu.memory_space<vmem_shared>>
      tpu.wait_indirect_dma semaphore(%arg13 : memref<!tpu.dma_semaphore, #tpu.memory_space<semaphore_mem>>) src(%arg8 : memref<128x128xf32, #tpu.memory_space<vmem>>) dst(%dma_wait3A_386 : memref<10240x128xf32, #tpu.memory_space<vmem_shared>>)
      %dma_wait3A_387 = arith.constant 14 : i32
      %dma_wait3A_388 = arith.constant 0 : i32
      %dma_wait3A_389 = tpu.memref_slice %arg6[%dma_wait3A_387, %dma_wait3A_388] : memref<16x128xi32, #tpu.memory_space<vmem>> -> memref<1x128xi32, #tpu.memory_space<vmem>>
      %dma_wait3A_390 = tpu.memref_squeeze %dma_wait3A_389 : memref<1x128xi32, #tpu.memory_space<vmem>> -> memref<128xi32, #tpu.memory_space<vmem>>
      %dma_wait3A_391 = arith.constant 0 : i32
      %dma_wait3A_392 = tpu.memref_slice %arg19[%dma_wait3A_391] : memref<10240xf32, #tpu.memory_space<vmem_shared>> -> memref<10240xf32, #tpu.memory_space<vmem_shared>>
      tpu.wait_indirect_dma semaphore(%arg13 : memref<!tpu.dma_semaphore, #tpu.memory_space<semaphore_mem>>) src(%arg17 : memref<128xf32, #tpu.memory_space<vmem>>) dst(%dma_wait3A_392 : memref<10240xf32, #tpu.memory_space<vmem_shared>>)
      %add3A_393 = arith.constant 1 : i32
      %add3A_394 = arith.addi %add3A_88, %add3A_393 : i32
      %lt3A_395 = arith.constant 10 : i32
      %lt3A_396 = arith.cmpi slt, %add3A_394, %lt3A_395 : i32
      %convert_element_type3A_397 = arith.extui %lt3A_396 : i1 to i32
      %cond3A_398 = arith.constant 0 : i32
      %cond3A_399 = arith.cmpi ne, %convert_element_type3A_397, %cond3A_398 : i32
      scf.if %cond3A_399 {
        %dma_wait3A_807 = arith.constant 0 : i32
        %dma_wait3A_808 = tpu.memref_slice %arg3[%mul3A_63, %dma_wait3A_807] : memref<5120x128xi32, #tpu.memory_space<hbm>> -> memref<16x128xi32, #tpu.memory_space<hbm>>
        %dma_wait3A_809 = arith.constant 0 : i32
        %dma_wait3A_810 = tpu.memref_slice %arg3[%mul3A_63, %dma_wait3A_809] : memref<5120x128xi32, #tpu.memory_space<hbm>> -> memref<16x128xi32, #tpu.memory_space<hbm>>
        tpu.wait_dma2 semaphore(%arg16 : memref<!tpu.dma_semaphore, #tpu.memory_space<semaphore_mem>>) src(%dma_wait3A_810 : memref<16x128xi32, #tpu.memory_space<hbm>>) dst(%arg7 : memref<16x128xi32, #tpu.memory_space<vmem>>)
        %dma_start3A_811 = arith.constant 0 : i32
        %dma_start3A_812 = arith.constant 0 : i32
        %dma_start3A_813 = tpu.memref_slice %arg7[%dma_start3A_811, %dma_start3A_812] : memref<16x128xi32, #tpu.memory_space<vmem>> -> memref<1x128xi32, #tpu.memory_space<vmem>>
        %dma_start3A_814 = tpu.memref_squeeze %dma_start3A_813 : memref<1x128xi32, #tpu.memory_space<vmem>> -> memref<128xi32, #tpu.memory_space<vmem>>
        %dma_start3A_815 = arith.constant 0 : i32
        %dma_start3A_816 = arith.constant 0 : i32
        %dma_start3A_817 = tpu.memref_slice %arg2[%dma_start3A_815, %dma_start3A_816] : memref<10240x128xf32, #tpu.memory_space<hbm>> -> memref<10240x128xf32, #tpu.memory_space<hbm>>
        tpu.enqueue_indirect_dma source(%dma_start3A_817 : memref<10240x128xf32, #tpu.memory_space<hbm>>) target(%arg8 : memref<128x128xf32, #tpu.memory_space<vmem>>) offsets(%dma_start3A_814 : memref<128xi32, #tpu.memory_space<vmem>>) semaphore(%arg11 : memref<!tpu.dma_semaphore, #tpu.memory_space<semaphore_mem>>)
      } else {
      }
      %mul3A_400 = arith.constant 8 : i32
      %mul3A_401 = arith.muli %add3A_88, %mul3A_400 : i32
      %add3A_402 = arith.constant 7 : i32
      %add3A_403 = arith.addi %mul3A_401, %add3A_402 : i32
      %dma_wait3A_404 = arith.constant 7 : i32
      %dma_wait3A_405 = arith.constant 0 : i32
      %dma_wait3A_406 = tpu.memref_slice %arg6[%dma_wait3A_404, %dma_wait3A_405] : memref<16x128xi32, #tpu.memory_space<vmem>> -> memref<1x128xi32, #tpu.memory_space<vmem>>
      %dma_wait3A_407 = tpu.memref_squeeze %dma_wait3A_406 : memref<1x128xi32, #tpu.memory_space<vmem>> -> memref<128xi32, #tpu.memory_space<vmem>>
      %dma_wait3A_408 = arith.constant 0 : i32
      %dma_wait3A_409 = arith.constant 0 : i32
      %dma_wait3A_410 = tpu.memref_slice %arg2[%dma_wait3A_408, %dma_wait3A_409] : memref<10240x128xf32, #tpu.memory_space<hbm>> -> memref<10240x128xf32, #tpu.memory_space<hbm>>
      tpu.wait_indirect_dma semaphore(%arg12 : memref<!tpu.dma_semaphore, #tpu.memory_space<semaphore_mem>>) src(%dma_wait3A_410 : memref<10240x128xf32, #tpu.memory_space<hbm>>) dst(%arg9 : memref<128x128xf32, #tpu.memory_space<vmem>>)
      %dma_start3A_411 = arith.constant 15 : i32
      %dma_start3A_412 = arith.constant 0 : i32
      %dma_start3A_413 = tpu.memref_slice %arg6[%dma_start3A_411, %dma_start3A_412] : memref<16x128xi32, #tpu.memory_space<vmem>> -> memref<1x128xi32, #tpu.memory_space<vmem>>
      %dma_start3A_414 = tpu.memref_squeeze %dma_start3A_413 : memref<1x128xi32, #tpu.memory_space<vmem>> -> memref<128xi32, #tpu.memory_space<vmem>>
      %dma_start3A_415 = arith.constant 0 : i32
      %dma_start3A_416 = arith.constant 0 : i32
      %dma_start3A_417 = tpu.memref_slice %arg10[%dma_start3A_415, %dma_start3A_416] : memref<10240x128xf32, #tpu.memory_space<vmem_shared>> -> memref<10240x128xf32, #tpu.memory_space<vmem_shared>>
      tpu.enqueue_indirect_dma source(%arg9 : memref<128x128xf32, #tpu.memory_space<vmem>>) target(%dma_start3A_417 : memref<10240x128xf32, #tpu.memory_space<vmem_shared>>) offsets(%dma_start3A_414 : memref<128xi32, #tpu.memory_space<vmem>>) semaphore(%arg14 : memref<!tpu.dma_semaphore, #tpu.memory_space<semaphore_mem>>) {add = true}
      %dma_start3A_418 = arith.constant 15 : i32
      %dma_start3A_419 = arith.constant 0 : i32
      %dma_start3A_420 = tpu.memref_slice %arg6[%dma_start3A_418, %dma_start3A_419] : memref<16x128xi32, #tpu.memory_space<vmem>> -> memref<1x128xi32, #tpu.memory_space<vmem>>
      %dma_start3A_421 = tpu.memref_squeeze %dma_start3A_420 : memref<1x128xi32, #tpu.memory_space<vmem>> -> memref<128xi32, #tpu.memory_space<vmem>>
      %dma_start3A_422 = arith.constant 0 : i32
      %dma_start3A_423 = tpu.memref_slice %arg19[%dma_start3A_422] : memref<10240xf32, #tpu.memory_space<vmem_shared>> -> memref<10240xf32, #tpu.memory_space<vmem_shared>>
      tpu.enqueue_indirect_dma source(%arg17 : memref<128xf32, #tpu.memory_space<vmem>>) target(%dma_start3A_423 : memref<10240xf32, #tpu.memory_space<vmem_shared>>) offsets(%dma_start3A_421 : memref<128xi32, #tpu.memory_space<vmem>>) semaphore(%arg14 : memref<!tpu.dma_semaphore, #tpu.memory_space<semaphore_mem>>) {add = true}
      %dma_wait3A_424 = arith.constant 15 : i32
      %dma_wait3A_425 = arith.constant 0 : i32
      %dma_wait3A_426 = tpu.memref_slice %arg6[%dma_wait3A_424, %dma_wait3A_425] : memref<16x128xi32, #tpu.memory_space<vmem>> -> memref<1x128xi32, #tpu.memory_space<vmem>>
      %dma_wait3A_427 = tpu.memref_squeeze %dma_wait3A_426 : memref<1x128xi32, #tpu.memory_space<vmem>> -> memref<128xi32, #tpu.memory_space<vmem>>
      %dma_wait3A_428 = arith.constant 0 : i32
      %dma_wait3A_429 = arith.constant 0 : i32
      %dma_wait3A_430 = tpu.memref_slice %arg10[%dma_wait3A_428, %dma_wait3A_429] : memref<10240x128xf32, #tpu.memory_space<vmem_shared>> -> memref<10240x128xf32, #tpu.memory_space<vmem_shared>>
      tpu.wait_indirect_dma semaphore(%arg14 : memref<!tpu.dma_semaphore, #tpu.memory_space<semaphore_mem>>) src(%arg9 : memref<128x128xf32, #tpu.memory_space<vmem>>) dst(%dma_wait3A_430 : memref<10240x128xf32, #tpu.memory_space<vmem_shared>>)
      %dma_wait3A_431 = arith.constant 15 : i32
      %dma_wait3A_432 = arith.constant 0 : i32
      %dma_wait3A_433 = tpu.memref_slice %arg6[%dma_wait3A_431, %dma_wait3A_432] : memref<16x128xi32, #tpu.memory_space<vmem>> -> memref<1x128xi32, #tpu.memory_space<vmem>>
      %dma_wait3A_434 = tpu.memref_squeeze %dma_wait3A_433 : memref<1x128xi32, #tpu.memory_space<vmem>> -> memref<128xi32, #tpu.memory_space<vmem>>
      %dma_wait3A_435 = arith.constant 0 : i32
      %dma_wait3A_436 = tpu.memref_slice %arg19[%dma_wait3A_435] : memref<10240xf32, #tpu.memory_space<vmem_shared>> -> memref<10240xf32, #tpu.memory_space<vmem_shared>>
      tpu.wait_indirect_dma semaphore(%arg14 : memref<!tpu.dma_semaphore, #tpu.memory_space<semaphore_mem>>) src(%arg17 : memref<128xf32, #tpu.memory_space<vmem>>) dst(%dma_wait3A_436 : memref<10240xf32, #tpu.memory_space<vmem_shared>>)
      %add3A_437 = arith.constant 1 : i32
      %add3A_438 = arith.addi %add3A_88, %add3A_437 : i32
      %lt3A_439 = arith.constant 10 : i32
      %lt3A_440 = arith.cmpi slt, %add3A_438, %lt3A_439 : i32
      %convert_element_type3A_441 = arith.extui %lt3A_440 : i1 to i32
      %cond3A_442 = arith.constant 0 : i32
      %cond3A_443 = arith.cmpi ne, %convert_element_type3A_441, %cond3A_442 : i32
      scf.if %cond3A_443 {
        %dma_start3A_807 = arith.constant 1 : i32
        %dma_start3A_808 = arith.constant 0 : i32
        %dma_start3A_809 = tpu.memref_slice %arg7[%dma_start3A_807, %dma_start3A_808] : memref<16x128xi32, #tpu.memory_space<vmem>> -> memref<1x128xi32, #tpu.memory_space<vmem>>
        %dma_start3A_810 = tpu.memref_squeeze %dma_start3A_809 : memref<1x128xi32, #tpu.memory_space<vmem>> -> memref<128xi32, #tpu.memory_space<vmem>>
        %dma_start3A_811 = arith.constant 0 : i32
        %dma_start3A_812 = arith.constant 0 : i32
        %dma_start3A_813 = tpu.memref_slice %arg2[%dma_start3A_811, %dma_start3A_812] : memref<10240x128xf32, #tpu.memory_space<hbm>> -> memref<10240x128xf32, #tpu.memory_space<hbm>>
        tpu.enqueue_indirect_dma source(%dma_start3A_813 : memref<10240x128xf32, #tpu.memory_space<hbm>>) target(%arg9 : memref<128x128xf32, #tpu.memory_space<vmem>>) offsets(%dma_start3A_810 : memref<128xi32, #tpu.memory_space<vmem>>) semaphore(%arg12 : memref<!tpu.dma_semaphore, #tpu.memory_space<semaphore_mem>>)
      } else {
      }
      %mul3A_444 = arith.constant 2 : i32
      %mul3A_445 = arith.muli %mul3A_444, %scan3A_84 : i32
      %add3A_446 = arith.constant 1 : i32
      %add3A_447 = arith.addi %mul3A_445, %add3A_446 : i32
      %mul3A_448 = arith.constant 8 : i32
      %mul3A_449 = arith.muli %add3A_447, %mul3A_448 : i32
      %add3A_450 = arith.constant 0 : i32
      %add3A_451 = arith.addi %mul3A_449, %add3A_450 : i32
      %dma_wait3A_452 = arith.constant 0 : i32
      %dma_wait3A_453 = arith.constant 0 : i32
      %dma_wait3A_454 = tpu.memref_slice %arg7[%dma_wait3A_452, %dma_wait3A_453] : memref<16x128xi32, #tpu.memory_space<vmem>> -> memref<1x128xi32, #tpu.memory_space<vmem>>
      %dma_wait3A_455 = tpu.memref_squeeze %dma_wait3A_454 : memref<1x128xi32, #tpu.memory_space<vmem>> -> memref<128xi32, #tpu.memory_space<vmem>>
      %dma_wait3A_456 = arith.constant 0 : i32
      %dma_wait3A_457 = arith.constant 0 : i32
      %dma_wait3A_458 = tpu.memref_slice %arg2[%dma_wait3A_456, %dma_wait3A_457] : memref<10240x128xf32, #tpu.memory_space<hbm>> -> memref<10240x128xf32, #tpu.memory_space<hbm>>
      tpu.wait_indirect_dma semaphore(%arg11 : memref<!tpu.dma_semaphore, #tpu.memory_space<semaphore_mem>>) src(%dma_wait3A_458 : memref<10240x128xf32, #tpu.memory_space<hbm>>) dst(%arg8 : memref<128x128xf32, #tpu.memory_space<vmem>>)
      %dma_start3A_459 = arith.constant 8 : i32
      %dma_start3A_460 = arith.constant 0 : i32
      %dma_start3A_461 = tpu.memref_slice %arg7[%dma_start3A_459, %dma_start3A_460] : memref<16x128xi32, #tpu.memory_space<vmem>> -> memref<1x128xi32, #tpu.memory_space<vmem>>
      %dma_start3A_462 = tpu.memref_squeeze %dma_start3A_461 : memref<1x128xi32, #tpu.memory_space<vmem>> -> memref<128xi32, #tpu.memory_space<vmem>>
      %dma_start3A_463 = arith.constant 0 : i32
      %dma_start3A_464 = arith.constant 0 : i32
      %dma_start3A_465 = tpu.memref_slice %arg10[%dma_start3A_463, %dma_start3A_464] : memref<10240x128xf32, #tpu.memory_space<vmem_shared>> -> memref<10240x128xf32, #tpu.memory_space<vmem_shared>>
      tpu.enqueue_indirect_dma source(%arg8 : memref<128x128xf32, #tpu.memory_space<vmem>>) target(%dma_start3A_465 : memref<10240x128xf32, #tpu.memory_space<vmem_shared>>) offsets(%dma_start3A_462 : memref<128xi32, #tpu.memory_space<vmem>>) semaphore(%arg13 : memref<!tpu.dma_semaphore, #tpu.memory_space<semaphore_mem>>) {add = true}
      %dma_start3A_466 = arith.constant 8 : i32
      %dma_start3A_467 = arith.constant 0 : i32
      %dma_start3A_468 = tpu.memref_slice %arg7[%dma_start3A_466, %dma_start3A_467] : memref<16x128xi32, #tpu.memory_space<vmem>> -> memref<1x128xi32, #tpu.memory_space<vmem>>
      %dma_start3A_469 = tpu.memref_squeeze %dma_start3A_468 : memref<1x128xi32, #tpu.memory_space<vmem>> -> memref<128xi32, #tpu.memory_space<vmem>>
      %dma_start3A_470 = arith.constant 0 : i32
      %dma_start3A_471 = tpu.memref_slice %arg19[%dma_start3A_470] : memref<10240xf32, #tpu.memory_space<vmem_shared>> -> memref<10240xf32, #tpu.memory_space<vmem_shared>>
      tpu.enqueue_indirect_dma source(%arg17 : memref<128xf32, #tpu.memory_space<vmem>>) target(%dma_start3A_471 : memref<10240xf32, #tpu.memory_space<vmem_shared>>) offsets(%dma_start3A_469 : memref<128xi32, #tpu.memory_space<vmem>>) semaphore(%arg13 : memref<!tpu.dma_semaphore, #tpu.memory_space<semaphore_mem>>) {add = true}
      %dma_wait3A_472 = arith.constant 8 : i32
      %dma_wait3A_473 = arith.constant 0 : i32
      %dma_wait3A_474 = tpu.memref_slice %arg7[%dma_wait3A_472, %dma_wait3A_473] : memref<16x128xi32, #tpu.memory_space<vmem>> -> memref<1x128xi32, #tpu.memory_space<vmem>>
      %dma_wait3A_475 = tpu.memref_squeeze %dma_wait3A_474 : memref<1x128xi32, #tpu.memory_space<vmem>> -> memref<128xi32, #tpu.memory_space<vmem>>
      %dma_wait3A_476 = arith.constant 0 : i32
      %dma_wait3A_477 = arith.constant 0 : i32
      %dma_wait3A_478 = tpu.memref_slice %arg10[%dma_wait3A_476, %dma_wait3A_477] : memref<10240x128xf32, #tpu.memory_space<vmem_shared>> -> memref<10240x128xf32, #tpu.memory_space<vmem_shared>>
      tpu.wait_indirect_dma semaphore(%arg13 : memref<!tpu.dma_semaphore, #tpu.memory_space<semaphore_mem>>) src(%arg8 : memref<128x128xf32, #tpu.memory_space<vmem>>) dst(%dma_wait3A_478 : memref<10240x128xf32, #tpu.memory_space<vmem_shared>>)
      %dma_wait3A_479 = arith.constant 8 : i32
      %dma_wait3A_480 = arith.constant 0 : i32
      %dma_wait3A_481 = tpu.memref_slice %arg7[%dma_wait3A_479, %dma_wait3A_480] : memref<16x128xi32, #tpu.memory_space<vmem>> -> memref<1x128xi32, #tpu.memory_space<vmem>>
      %dma_wait3A_482 = tpu.memref_squeeze %dma_wait3A_481 : memref<1x128xi32, #tpu.memory_space<vmem>> -> memref<128xi32, #tpu.memory_space<vmem>>
      %dma_wait3A_483 = arith.constant 0 : i32
      %dma_wait3A_484 = tpu.memref_slice %arg19[%dma_wait3A_483] : memref<10240xf32, #tpu.memory_space<vmem_shared>> -> memref<10240xf32, #tpu.memory_space<vmem_shared>>
      tpu.wait_indirect_dma semaphore(%arg13 : memref<!tpu.dma_semaphore, #tpu.memory_space<semaphore_mem>>) src(%arg17 : memref<128xf32, #tpu.memory_space<vmem>>) dst(%dma_wait3A_484 : memref<10240xf32, #tpu.memory_space<vmem_shared>>)
      %dma_start3A_485 = arith.constant 2 : i32
      %dma_start3A_486 = arith.constant 0 : i32
      %dma_start3A_487 = tpu.memref_slice %arg7[%dma_start3A_485, %dma_start3A_486] : memref<16x128xi32, #tpu.memory_space<vmem>> -> memref<1x128xi32, #tpu.memory_space<vmem>>
      %dma_start3A_488 = tpu.memref_squeeze %dma_start3A_487 : memref<1x128xi32, #tpu.memory_space<vmem>> -> memref<128xi32, #tpu.memory_space<vmem>>
      %dma_start3A_489 = arith.constant 0 : i32
      %dma_start3A_490 = arith.constant 0 : i32
      %dma_start3A_491 = tpu.memref_slice %arg2[%dma_start3A_489, %dma_start3A_490] : memref<10240x128xf32, #tpu.memory_space<hbm>> -> memref<10240x128xf32, #tpu.memory_space<hbm>>
      tpu.enqueue_indirect_dma source(%dma_start3A_491 : memref<10240x128xf32, #tpu.memory_space<hbm>>) target(%arg8 : memref<128x128xf32, #tpu.memory_space<vmem>>) offsets(%dma_start3A_488 : memref<128xi32, #tpu.memory_space<vmem>>) semaphore(%arg11 : memref<!tpu.dma_semaphore, #tpu.memory_space<semaphore_mem>>)
      %mul3A_492 = arith.constant 8 : i32
      %mul3A_493 = arith.muli %add3A_447, %mul3A_492 : i32
      %add3A_494 = arith.constant 1 : i32
      %add3A_495 = arith.addi %mul3A_493, %add3A_494 : i32
      %dma_wait3A_496 = arith.constant 1 : i32
      %dma_wait3A_497 = arith.constant 0 : i32
      %dma_wait3A_498 = tpu.memref_slice %arg7[%dma_wait3A_496, %dma_wait3A_497] : memref<16x128xi32, #tpu.memory_space<vmem>> -> memref<1x128xi32, #tpu.memory_space<vmem>>
      %dma_wait3A_499 = tpu.memref_squeeze %dma_wait3A_498 : memref<1x128xi32, #tpu.memory_space<vmem>> -> memref<128xi32, #tpu.memory_space<vmem>>
      %dma_wait3A_500 = arith.constant 0 : i32
      %dma_wait3A_501 = arith.constant 0 : i32
      %dma_wait3A_502 = tpu.memref_slice %arg2[%dma_wait3A_500, %dma_wait3A_501] : memref<10240x128xf32, #tpu.memory_space<hbm>> -> memref<10240x128xf32, #tpu.memory_space<hbm>>
      tpu.wait_indirect_dma semaphore(%arg12 : memref<!tpu.dma_semaphore, #tpu.memory_space<semaphore_mem>>) src(%dma_wait3A_502 : memref<10240x128xf32, #tpu.memory_space<hbm>>) dst(%arg9 : memref<128x128xf32, #tpu.memory_space<vmem>>)
      %dma_start3A_503 = arith.constant 9 : i32
      %dma_start3A_504 = arith.constant 0 : i32
      %dma_start3A_505 = tpu.memref_slice %arg7[%dma_start3A_503, %dma_start3A_504] : memref<16x128xi32, #tpu.memory_space<vmem>> -> memref<1x128xi32, #tpu.memory_space<vmem>>
      %dma_start3A_506 = tpu.memref_squeeze %dma_start3A_505 : memref<1x128xi32, #tpu.memory_space<vmem>> -> memref<128xi32, #tpu.memory_space<vmem>>
      %dma_start3A_507 = arith.constant 0 : i32
      %dma_start3A_508 = arith.constant 0 : i32
      %dma_start3A_509 = tpu.memref_slice %arg10[%dma_start3A_507, %dma_start3A_508] : memref<10240x128xf32, #tpu.memory_space<vmem_shared>> -> memref<10240x128xf32, #tpu.memory_space<vmem_shared>>
      tpu.enqueue_indirect_dma source(%arg9 : memref<128x128xf32, #tpu.memory_space<vmem>>) target(%dma_start3A_509 : memref<10240x128xf32, #tpu.memory_space<vmem_shared>>) offsets(%dma_start3A_506 : memref<128xi32, #tpu.memory_space<vmem>>) semaphore(%arg14 : memref<!tpu.dma_semaphore, #tpu.memory_space<semaphore_mem>>) {add = true}
      %dma_start3A_510 = arith.constant 9 : i32
      %dma_start3A_511 = arith.constant 0 : i32
      %dma_start3A_512 = tpu.memref_slice %arg7[%dma_start3A_510, %dma_start3A_511] : memref<16x128xi32, #tpu.memory_space<vmem>> -> memref<1x128xi32, #tpu.memory_space<vmem>>
      %dma_start3A_513 = tpu.memref_squeeze %dma_start3A_512 : memref<1x128xi32, #tpu.memory_space<vmem>> -> memref<128xi32, #tpu.memory_space<vmem>>
      %dma_start3A_514 = arith.constant 0 : i32
      %dma_start3A_515 = tpu.memref_slice %arg19[%dma_start3A_514] : memref<10240xf32, #tpu.memory_space<vmem_shared>> -> memref<10240xf32, #tpu.memory_space<vmem_shared>>
      tpu.enqueue_indirect_dma source(%arg17 : memref<128xf32, #tpu.memory_space<vmem>>) target(%dma_start3A_515 : memref<10240xf32, #tpu.memory_space<vmem_shared>>) offsets(%dma_start3A_513 : memref<128xi32, #tpu.memory_space<vmem>>) semaphore(%arg14 : memref<!tpu.dma_semaphore, #tpu.memory_space<semaphore_mem>>) {add = true}
      %dma_wait3A_516 = arith.constant 9 : i32
      %dma_wait3A_517 = arith.constant 0 : i32
      %dma_wait3A_518 = tpu.memref_slice %arg7[%dma_wait3A_516, %dma_wait3A_517] : memref<16x128xi32, #tpu.memory_space<vmem>> -> memref<1x128xi32, #tpu.memory_space<vmem>>
      %dma_wait3A_519 = tpu.memref_squeeze %dma_wait3A_518 : memref<1x128xi32, #tpu.memory_space<vmem>> -> memref<128xi32, #tpu.memory_space<vmem>>
      %dma_wait3A_520 = arith.constant 0 : i32
      %dma_wait3A_521 = arith.constant 0 : i32
      %dma_wait3A_522 = tpu.memref_slice %arg10[%dma_wait3A_520, %dma_wait3A_521] : memref<10240x128xf32, #tpu.memory_space<vmem_shared>> -> memref<10240x128xf32, #tpu.memory_space<vmem_shared>>
      tpu.wait_indirect_dma semaphore(%arg14 : memref<!tpu.dma_semaphore, #tpu.memory_space<semaphore_mem>>) src(%arg9 : memref<128x128xf32, #tpu.memory_space<vmem>>) dst(%dma_wait3A_522 : memref<10240x128xf32, #tpu.memory_space<vmem_shared>>)
      %dma_wait3A_523 = arith.constant 9 : i32
      %dma_wait3A_524 = arith.constant 0 : i32
      %dma_wait3A_525 = tpu.memref_slice %arg7[%dma_wait3A_523, %dma_wait3A_524] : memref<16x128xi32, #tpu.memory_space<vmem>> -> memref<1x128xi32, #tpu.memory_space<vmem>>
      %dma_wait3A_526 = tpu.memref_squeeze %dma_wait3A_525 : memref<1x128xi32, #tpu.memory_space<vmem>> -> memref<128xi32, #tpu.memory_space<vmem>>
      %dma_wait3A_527 = arith.constant 0 : i32
      %dma_wait3A_528 = tpu.memref_slice %arg19[%dma_wait3A_527] : memref<10240xf32, #tpu.memory_space<vmem_shared>> -> memref<10240xf32, #tpu.memory_space<vmem_shared>>
      tpu.wait_indirect_dma semaphore(%arg14 : memref<!tpu.dma_semaphore, #tpu.memory_space<semaphore_mem>>) src(%arg17 : memref<128xf32, #tpu.memory_space<vmem>>) dst(%dma_wait3A_528 : memref<10240xf32, #tpu.memory_space<vmem_shared>>)
      %dma_start3A_529 = arith.constant 3 : i32
      %dma_start3A_530 = arith.constant 0 : i32
      %dma_start3A_531 = tpu.memref_slice %arg7[%dma_start3A_529, %dma_start3A_530] : memref<16x128xi32, #tpu.memory_space<vmem>> -> memref<1x128xi32, #tpu.memory_space<vmem>>
      %dma_start3A_532 = tpu.memref_squeeze %dma_start3A_531 : memref<1x128xi32, #tpu.memory_space<vmem>> -> memref<128xi32, #tpu.memory_space<vmem>>
      %dma_start3A_533 = arith.constant 0 : i32
      %dma_start3A_534 = arith.constant 0 : i32
      %dma_start3A_535 = tpu.memref_slice %arg2[%dma_start3A_533, %dma_start3A_534] : memref<10240x128xf32, #tpu.memory_space<hbm>> -> memref<10240x128xf32, #tpu.memory_space<hbm>>
      tpu.enqueue_indirect_dma source(%dma_start3A_535 : memref<10240x128xf32, #tpu.memory_space<hbm>>) target(%arg9 : memref<128x128xf32, #tpu.memory_space<vmem>>) offsets(%dma_start3A_532 : memref<128xi32, #tpu.memory_space<vmem>>) semaphore(%arg12 : memref<!tpu.dma_semaphore, #tpu.memory_space<semaphore_mem>>)
      %mul3A_536 = arith.constant 8 : i32
      %mul3A_537 = arith.muli %add3A_447, %mul3A_536 : i32
      %add3A_538 = arith.constant 2 : i32
      %add3A_539 = arith.addi %mul3A_537, %add3A_538 : i32
      %dma_wait3A_540 = arith.constant 2 : i32
      %dma_wait3A_541 = arith.constant 0 : i32
      %dma_wait3A_542 = tpu.memref_slice %arg7[%dma_wait3A_540, %dma_wait3A_541] : memref<16x128xi32, #tpu.memory_space<vmem>> -> memref<1x128xi32, #tpu.memory_space<vmem>>
      %dma_wait3A_543 = tpu.memref_squeeze %dma_wait3A_542 : memref<1x128xi32, #tpu.memory_space<vmem>> -> memref<128xi32, #tpu.memory_space<vmem>>
      %dma_wait3A_544 = arith.constant 0 : i32
      %dma_wait3A_545 = arith.constant 0 : i32
      %dma_wait3A_546 = tpu.memref_slice %arg2[%dma_wait3A_544, %dma_wait3A_545] : memref<10240x128xf32, #tpu.memory_space<hbm>> -> memref<10240x128xf32, #tpu.memory_space<hbm>>
      tpu.wait_indirect_dma semaphore(%arg11 : memref<!tpu.dma_semaphore, #tpu.memory_space<semaphore_mem>>) src(%dma_wait3A_546 : memref<10240x128xf32, #tpu.memory_space<hbm>>) dst(%arg8 : memref<128x128xf32, #tpu.memory_space<vmem>>)
      %dma_start3A_547 = arith.constant 10 : i32
      %dma_start3A_548 = arith.constant 0 : i32
      %dma_start3A_549 = tpu.memref_slice %arg7[%dma_start3A_547, %dma_start3A_548] : memref<16x128xi32, #tpu.memory_space<vmem>> -> memref<1x128xi32, #tpu.memory_space<vmem>>
      %dma_start3A_550 = tpu.memref_squeeze %dma_start3A_549 : memref<1x128xi32, #tpu.memory_space<vmem>> -> memref<128xi32, #tpu.memory_space<vmem>>
      %dma_start3A_551 = arith.constant 0 : i32
      %dma_start3A_552 = arith.constant 0 : i32
      %dma_start3A_553 = tpu.memref_slice %arg10[%dma_start3A_551, %dma_start3A_552] : memref<10240x128xf32, #tpu.memory_space<vmem_shared>> -> memref<10240x128xf32, #tpu.memory_space<vmem_shared>>
      tpu.enqueue_indirect_dma source(%arg8 : memref<128x128xf32, #tpu.memory_space<vmem>>) target(%dma_start3A_553 : memref<10240x128xf32, #tpu.memory_space<vmem_shared>>) offsets(%dma_start3A_550 : memref<128xi32, #tpu.memory_space<vmem>>) semaphore(%arg13 : memref<!tpu.dma_semaphore, #tpu.memory_space<semaphore_mem>>) {add = true}
      %dma_start3A_554 = arith.constant 10 : i32
      %dma_start3A_555 = arith.constant 0 : i32
      %dma_start3A_556 = tpu.memref_slice %arg7[%dma_start3A_554, %dma_start3A_555] : memref<16x128xi32, #tpu.memory_space<vmem>> -> memref<1x128xi32, #tpu.memory_space<vmem>>
      %dma_start3A_557 = tpu.memref_squeeze %dma_start3A_556 : memref<1x128xi32, #tpu.memory_space<vmem>> -> memref<128xi32, #tpu.memory_space<vmem>>
      %dma_start3A_558 = arith.constant 0 : i32
      %dma_start3A_559 = tpu.memref_slice %arg19[%dma_start3A_558] : memref<10240xf32, #tpu.memory_space<vmem_shared>> -> memref<10240xf32, #tpu.memory_space<vmem_shared>>
      tpu.enqueue_indirect_dma source(%arg17 : memref<128xf32, #tpu.memory_space<vmem>>) target(%dma_start3A_559 : memref<10240xf32, #tpu.memory_space<vmem_shared>>) offsets(%dma_start3A_557 : memref<128xi32, #tpu.memory_space<vmem>>) semaphore(%arg13 : memref<!tpu.dma_semaphore, #tpu.memory_space<semaphore_mem>>) {add = true}
      %add3A_560 = arith.constant 1 : i32
      %add3A_561 = arith.addi %add3A_447, %add3A_560 : i32
      %lt3A_562 = arith.constant 10 : i32
      %lt3A_563 = arith.cmpi slt, %add3A_561, %lt3A_562 : i32
      %convert_element_type3A_564 = arith.extui %lt3A_563 : i1 to i32
      %cond3A_565 = arith.constant 0 : i32
      %cond3A_566 = arith.cmpi ne, %convert_element_type3A_564, %cond3A_565 : i32
      scf.if %cond3A_566 {
        %add3A_807 = arith.constant 1 : i32
        %add3A_808 = arith.addi %add3A_447, %add3A_807 : i32
        %mul3A_809 = arith.constant 2 : i32
        %mul3A_810 = arith.muli %add3A_808, %mul3A_809 : i32
        %mul3A_811 = arith.constant 8 : i32
        %mul3A_812 = arith.muli %mul3A_810, %mul3A_811 : i32
        %add3A_813 = arith.addi %mul3A_63, %mul3A_812 : i32
        %dma_start3A_814 = arith.constant 0 : i32
        %dma_start3A_815 = tpu.memref_slice %arg3[%add3A_813, %dma_start3A_814] : memref<5120x128xi32, #tpu.memory_space<hbm>> -> memref<16x128xi32, #tpu.memory_space<hbm>>
        %dma_start3A_816 = arith.constant 0 : i32
        %dma_start3A_817 = tpu.memref_slice %arg3[%add3A_813, %dma_start3A_816] : memref<5120x128xi32, #tpu.memory_space<hbm>> -> memref<16x128xi32, #tpu.memory_space<hbm>>
        tpu.enqueue_dma source(%dma_start3A_817 : memref<16x128xi32, #tpu.memory_space<hbm>>) target(%arg6 : memref<16x128xi32, #tpu.memory_space<vmem>>) target_semaphore(%arg15 : memref<!tpu.dma_semaphore, #tpu.memory_space<semaphore_mem>>)
      } else {
      }
      %dma_wait3A_567 = arith.constant 10 : i32
      %dma_wait3A_568 = arith.constant 0 : i32
      %dma_wait3A_569 = tpu.memref_slice %arg7[%dma_wait3A_567, %dma_wait3A_568] : memref<16x128xi32, #tpu.memory_space<vmem>> -> memref<1x128xi32, #tpu.memory_space<vmem>>
      %dma_wait3A_570 = tpu.memref_squeeze %dma_wait3A_569 : memref<1x128xi32, #tpu.memory_space<vmem>> -> memref<128xi32, #tpu.memory_space<vmem>>
      %dma_wait3A_571 = arith.constant 0 : i32
      %dma_wait3A_572 = arith.constant 0 : i32
      %dma_wait3A_573 = tpu.memref_slice %arg10[%dma_wait3A_571, %dma_wait3A_572] : memref<10240x128xf32, #tpu.memory_space<vmem_shared>> -> memref<10240x128xf32, #tpu.memory_space<vmem_shared>>
      tpu.wait_indirect_dma semaphore(%arg13 : memref<!tpu.dma_semaphore, #tpu.memory_space<semaphore_mem>>) src(%arg8 : memref<128x128xf32, #tpu.memory_space<vmem>>) dst(%dma_wait3A_573 : memref<10240x128xf32, #tpu.memory_space<vmem_shared>>)
      %dma_wait3A_574 = arith.constant 10 : i32
      %dma_wait3A_575 = arith.constant 0 : i32
      %dma_wait3A_576 = tpu.memref_slice %arg7[%dma_wait3A_574, %dma_wait3A_575] : memref<16x128xi32, #tpu.memory_space<vmem>> -> memref<1x128xi32, #tpu.memory_space<vmem>>
      %dma_wait3A_577 = tpu.memref_squeeze %dma_wait3A_576 : memref<1x128xi32, #tpu.memory_space<vmem>> -> memref<128xi32, #tpu.memory_space<vmem>>
      %dma_wait3A_578 = arith.constant 0 : i32
      %dma_wait3A_579 = tpu.memref_slice %arg19[%dma_wait3A_578] : memref<10240xf32, #tpu.memory_space<vmem_shared>> -> memref<10240xf32, #tpu.memory_space<vmem_shared>>
      tpu.wait_indirect_dma semaphore(%arg13 : memref<!tpu.dma_semaphore, #tpu.memory_space<semaphore_mem>>) src(%arg17 : memref<128xf32, #tpu.memory_space<vmem>>) dst(%dma_wait3A_579 : memref<10240xf32, #tpu.memory_space<vmem_shared>>)
      %dma_start3A_580 = arith.constant 4 : i32
      %dma_start3A_581 = arith.constant 0 : i32
      %dma_start3A_582 = tpu.memref_slice %arg7[%dma_start3A_580, %dma_start3A_581] : memref<16x128xi32, #tpu.memory_space<vmem>> -> memref<1x128xi32, #tpu.memory_space<vmem>>
      %dma_start3A_583 = tpu.memref_squeeze %dma_start3A_582 : memref<1x128xi32, #tpu.memory_space<vmem>> -> memref<128xi32, #tpu.memory_space<vmem>>
      %dma_start3A_584 = arith.constant 0 : i32
      %dma_start3A_585 = arith.constant 0 : i32
      %dma_start3A_586 = tpu.memref_slice %arg2[%dma_start3A_584, %dma_start3A_585] : memref<10240x128xf32, #tpu.memory_space<hbm>> -> memref<10240x128xf32, #tpu.memory_space<hbm>>
      tpu.enqueue_indirect_dma source(%dma_start3A_586 : memref<10240x128xf32, #tpu.memory_space<hbm>>) target(%arg8 : memref<128x128xf32, #tpu.memory_space<vmem>>) offsets(%dma_start3A_583 : memref<128xi32, #tpu.memory_space<vmem>>) semaphore(%arg11 : memref<!tpu.dma_semaphore, #tpu.memory_space<semaphore_mem>>)
      %mul3A_587 = arith.constant 8 : i32
      %mul3A_588 = arith.muli %add3A_447, %mul3A_587 : i32
      %add3A_589 = arith.constant 3 : i32
      %add3A_590 = arith.addi %mul3A_588, %add3A_589 : i32
      %dma_wait3A_591 = arith.constant 3 : i32
      %dma_wait3A_592 = arith.constant 0 : i32
      %dma_wait3A_593 = tpu.memref_slice %arg7[%dma_wait3A_591, %dma_wait3A_592] : memref<16x128xi32, #tpu.memory_space<vmem>> -> memref<1x128xi32, #tpu.memory_space<vmem>>
      %dma_wait3A_594 = tpu.memref_squeeze %dma_wait3A_593 : memref<1x128xi32, #tpu.memory_space<vmem>> -> memref<128xi32, #tpu.memory_space<vmem>>
      %dma_wait3A_595 = arith.constant 0 : i32
      %dma_wait3A_596 = arith.constant 0 : i32
      %dma_wait3A_597 = tpu.memref_slice %arg2[%dma_wait3A_595, %dma_wait3A_596] : memref<10240x128xf32, #tpu.memory_space<hbm>> -> memref<10240x128xf32, #tpu.memory_space<hbm>>
      tpu.wait_indirect_dma semaphore(%arg12 : memref<!tpu.dma_semaphore, #tpu.memory_space<semaphore_mem>>) src(%dma_wait3A_597 : memref<10240x128xf32, #tpu.memory_space<hbm>>) dst(%arg9 : memref<128x128xf32, #tpu.memory_space<vmem>>)
      %dma_start3A_598 = arith.constant 11 : i32
      %dma_start3A_599 = arith.constant 0 : i32
      %dma_start3A_600 = tpu.memref_slice %arg7[%dma_start3A_598, %dma_start3A_599] : memref<16x128xi32, #tpu.memory_space<vmem>> -> memref<1x128xi32, #tpu.memory_space<vmem>>
      %dma_start3A_601 = tpu.memref_squeeze %dma_start3A_600 : memref<1x128xi32, #tpu.memory_space<vmem>> -> memref<128xi32, #tpu.memory_space<vmem>>
      %dma_start3A_602 = arith.constant 0 : i32
      %dma_start3A_603 = arith.constant 0 : i32
      %dma_start3A_604 = tpu.memref_slice %arg10[%dma_start3A_602, %dma_start3A_603] : memref<10240x128xf32, #tpu.memory_space<vmem_shared>> -> memref<10240x128xf32, #tpu.memory_space<vmem_shared>>
      tpu.enqueue_indirect_dma source(%arg9 : memref<128x128xf32, #tpu.memory_space<vmem>>) target(%dma_start3A_604 : memref<10240x128xf32, #tpu.memory_space<vmem_shared>>) offsets(%dma_start3A_601 : memref<128xi32, #tpu.memory_space<vmem>>) semaphore(%arg14 : memref<!tpu.dma_semaphore, #tpu.memory_space<semaphore_mem>>) {add = true}
      %dma_start3A_605 = arith.constant 11 : i32
      %dma_start3A_606 = arith.constant 0 : i32
      %dma_start3A_607 = tpu.memref_slice %arg7[%dma_start3A_605, %dma_start3A_606] : memref<16x128xi32, #tpu.memory_space<vmem>> -> memref<1x128xi32, #tpu.memory_space<vmem>>
      %dma_start3A_608 = tpu.memref_squeeze %dma_start3A_607 : memref<1x128xi32, #tpu.memory_space<vmem>> -> memref<128xi32, #tpu.memory_space<vmem>>
      %dma_start3A_609 = arith.constant 0 : i32
      %dma_start3A_610 = tpu.memref_slice %arg19[%dma_start3A_609] : memref<10240xf32, #tpu.memory_space<vmem_shared>> -> memref<10240xf32, #tpu.memory_space<vmem_shared>>
      tpu.enqueue_indirect_dma source(%arg17 : memref<128xf32, #tpu.memory_space<vmem>>) target(%dma_start3A_610 : memref<10240xf32, #tpu.memory_space<vmem_shared>>) offsets(%dma_start3A_608 : memref<128xi32, #tpu.memory_space<vmem>>) semaphore(%arg14 : memref<!tpu.dma_semaphore, #tpu.memory_space<semaphore_mem>>) {add = true}
      %dma_wait3A_611 = arith.constant 11 : i32
      %dma_wait3A_612 = arith.constant 0 : i32
      %dma_wait3A_613 = tpu.memref_slice %arg7[%dma_wait3A_611, %dma_wait3A_612] : memref<16x128xi32, #tpu.memory_space<vmem>> -> memref<1x128xi32, #tpu.memory_space<vmem>>
      %dma_wait3A_614 = tpu.memref_squeeze %dma_wait3A_613 : memref<1x128xi32, #tpu.memory_space<vmem>> -> memref<128xi32, #tpu.memory_space<vmem>>
      %dma_wait3A_615 = arith.constant 0 : i32
      %dma_wait3A_616 = arith.constant 0 : i32
      %dma_wait3A_617 = tpu.memref_slice %arg10[%dma_wait3A_615, %dma_wait3A_616] : memref<10240x128xf32, #tpu.memory_space<vmem_shared>> -> memref<10240x128xf32, #tpu.memory_space<vmem_shared>>
      tpu.wait_indirect_dma semaphore(%arg14 : memref<!tpu.dma_semaphore, #tpu.memory_space<semaphore_mem>>) src(%arg9 : memref<128x128xf32, #tpu.memory_space<vmem>>) dst(%dma_wait3A_617 : memref<10240x128xf32, #tpu.memory_space<vmem_shared>>)
      %dma_wait3A_618 = arith.constant 11 : i32
      %dma_wait3A_619 = arith.constant 0 : i32
      %dma_wait3A_620 = tpu.memref_slice %arg7[%dma_wait3A_618, %dma_wait3A_619] : memref<16x128xi32, #tpu.memory_space<vmem>> -> memref<1x128xi32, #tpu.memory_space<vmem>>
      %dma_wait3A_621 = tpu.memref_squeeze %dma_wait3A_620 : memref<1x128xi32, #tpu.memory_space<vmem>> -> memref<128xi32, #tpu.memory_space<vmem>>
      %dma_wait3A_622 = arith.constant 0 : i32
      %dma_wait3A_623 = tpu.memref_slice %arg19[%dma_wait3A_622] : memref<10240xf32, #tpu.memory_space<vmem_shared>> -> memref<10240xf32, #tpu.memory_space<vmem_shared>>
      tpu.wait_indirect_dma semaphore(%arg14 : memref<!tpu.dma_semaphore, #tpu.memory_space<semaphore_mem>>) src(%arg17 : memref<128xf32, #tpu.memory_space<vmem>>) dst(%dma_wait3A_623 : memref<10240xf32, #tpu.memory_space<vmem_shared>>)
      %dma_start3A_624 = arith.constant 5 : i32
      %dma_start3A_625 = arith.constant 0 : i32
      %dma_start3A_626 = tpu.memref_slice %arg7[%dma_start3A_624, %dma_start3A_625] : memref<16x128xi32, #tpu.memory_space<vmem>> -> memref<1x128xi32, #tpu.memory_space<vmem>>
      %dma_start3A_627 = tpu.memref_squeeze %dma_start3A_626 : memref<1x128xi32, #tpu.memory_space<vmem>> -> memref<128xi32, #tpu.memory_space<vmem>>
      %dma_start3A_628 = arith.constant 0 : i32
      %dma_start3A_629 = arith.constant 0 : i32
      %dma_start3A_630 = tpu.memref_slice %arg2[%dma_start3A_628, %dma_start3A_629] : memref<10240x128xf32, #tpu.memory_space<hbm>> -> memref<10240x128xf32, #tpu.memory_space<hbm>>
      tpu.enqueue_indirect_dma source(%dma_start3A_630 : memref<10240x128xf32, #tpu.memory_space<hbm>>) target(%arg9 : memref<128x128xf32, #tpu.memory_space<vmem>>) offsets(%dma_start3A_627 : memref<128xi32, #tpu.memory_space<vmem>>) semaphore(%arg12 : memref<!tpu.dma_semaphore, #tpu.memory_space<semaphore_mem>>)
      %mul3A_631 = arith.constant 8 : i32
      %mul3A_632 = arith.muli %add3A_447, %mul3A_631 : i32
      %add3A_633 = arith.constant 4 : i32
      %add3A_634 = arith.addi %mul3A_632, %add3A_633 : i32
      %dma_wait3A_635 = arith.constant 4 : i32
      %dma_wait3A_636 = arith.constant 0 : i32
      %dma_wait3A_637 = tpu.memref_slice %arg7[%dma_wait3A_635, %dma_wait3A_636] : memref<16x128xi32, #tpu.memory_space<vmem>> -> memref<1x128xi32, #tpu.memory_space<vmem>>
      %dma_wait3A_638 = tpu.memref_squeeze %dma_wait3A_637 : memref<1x128xi32, #tpu.memory_space<vmem>> -> memref<128xi32, #tpu.memory_space<vmem>>
      %dma_wait3A_639 = arith.constant 0 : i32
      %dma_wait3A_640 = arith.constant 0 : i32
      %dma_wait3A_641 = tpu.memref_slice %arg2[%dma_wait3A_639, %dma_wait3A_640] : memref<10240x128xf32, #tpu.memory_space<hbm>> -> memref<10240x128xf32, #tpu.memory_space<hbm>>
      tpu.wait_indirect_dma semaphore(%arg11 : memref<!tpu.dma_semaphore, #tpu.memory_space<semaphore_mem>>) src(%dma_wait3A_641 : memref<10240x128xf32, #tpu.memory_space<hbm>>) dst(%arg8 : memref<128x128xf32, #tpu.memory_space<vmem>>)
      %dma_start3A_642 = arith.constant 12 : i32
      %dma_start3A_643 = arith.constant 0 : i32
      %dma_start3A_644 = tpu.memref_slice %arg7[%dma_start3A_642, %dma_start3A_643] : memref<16x128xi32, #tpu.memory_space<vmem>> -> memref<1x128xi32, #tpu.memory_space<vmem>>
      %dma_start3A_645 = tpu.memref_squeeze %dma_start3A_644 : memref<1x128xi32, #tpu.memory_space<vmem>> -> memref<128xi32, #tpu.memory_space<vmem>>
      %dma_start3A_646 = arith.constant 0 : i32
      %dma_start3A_647 = arith.constant 0 : i32
      %dma_start3A_648 = tpu.memref_slice %arg10[%dma_start3A_646, %dma_start3A_647] : memref<10240x128xf32, #tpu.memory_space<vmem_shared>> -> memref<10240x128xf32, #tpu.memory_space<vmem_shared>>
      tpu.enqueue_indirect_dma source(%arg8 : memref<128x128xf32, #tpu.memory_space<vmem>>) target(%dma_start3A_648 : memref<10240x128xf32, #tpu.memory_space<vmem_shared>>) offsets(%dma_start3A_645 : memref<128xi32, #tpu.memory_space<vmem>>) semaphore(%arg13 : memref<!tpu.dma_semaphore, #tpu.memory_space<semaphore_mem>>) {add = true}
      %dma_start3A_649 = arith.constant 12 : i32
      %dma_start3A_650 = arith.constant 0 : i32
      %dma_start3A_651 = tpu.memref_slice %arg7[%dma_start3A_649, %dma_start3A_650] : memref<16x128xi32, #tpu.memory_space<vmem>> -> memref<1x128xi32, #tpu.memory_space<vmem>>
      %dma_start3A_652 = tpu.memref_squeeze %dma_start3A_651 : memref<1x128xi32, #tpu.memory_space<vmem>> -> memref<128xi32, #tpu.memory_space<vmem>>
      %dma_start3A_653 = arith.constant 0 : i32
      %dma_start3A_654 = tpu.memref_slice %arg19[%dma_start3A_653] : memref<10240xf32, #tpu.memory_space<vmem_shared>> -> memref<10240xf32, #tpu.memory_space<vmem_shared>>
      tpu.enqueue_indirect_dma source(%arg17 : memref<128xf32, #tpu.memory_space<vmem>>) target(%dma_start3A_654 : memref<10240xf32, #tpu.memory_space<vmem_shared>>) offsets(%dma_start3A_652 : memref<128xi32, #tpu.memory_space<vmem>>) semaphore(%arg13 : memref<!tpu.dma_semaphore, #tpu.memory_space<semaphore_mem>>) {add = true}
      %dma_wait3A_655 = arith.constant 12 : i32
      %dma_wait3A_656 = arith.constant 0 : i32
      %dma_wait3A_657 = tpu.memref_slice %arg7[%dma_wait3A_655, %dma_wait3A_656] : memref<16x128xi32, #tpu.memory_space<vmem>> -> memref<1x128xi32, #tpu.memory_space<vmem>>
      %dma_wait3A_658 = tpu.memref_squeeze %dma_wait3A_657 : memref<1x128xi32, #tpu.memory_space<vmem>> -> memref<128xi32, #tpu.memory_space<vmem>>
      %dma_wait3A_659 = arith.constant 0 : i32
      %dma_wait3A_660 = arith.constant 0 : i32
      %dma_wait3A_661 = tpu.memref_slice %arg10[%dma_wait3A_659, %dma_wait3A_660] : memref<10240x128xf32, #tpu.memory_space<vmem_shared>> -> memref<10240x128xf32, #tpu.memory_space<vmem_shared>>
      tpu.wait_indirect_dma semaphore(%arg13 : memref<!tpu.dma_semaphore, #tpu.memory_space<semaphore_mem>>) src(%arg8 : memref<128x128xf32, #tpu.memory_space<vmem>>) dst(%dma_wait3A_661 : memref<10240x128xf32, #tpu.memory_space<vmem_shared>>)
      %dma_wait3A_662 = arith.constant 12 : i32
      %dma_wait3A_663 = arith.constant 0 : i32
      %dma_wait3A_664 = tpu.memref_slice %arg7[%dma_wait3A_662, %dma_wait3A_663] : memref<16x128xi32, #tpu.memory_space<vmem>> -> memref<1x128xi32, #tpu.memory_space<vmem>>
      %dma_wait3A_665 = tpu.memref_squeeze %dma_wait3A_664 : memref<1x128xi32, #tpu.memory_space<vmem>> -> memref<128xi32, #tpu.memory_space<vmem>>
      %dma_wait3A_666 = arith.constant 0 : i32
      %dma_wait3A_667 = tpu.memref_slice %arg19[%dma_wait3A_666] : memref<10240xf32, #tpu.memory_space<vmem_shared>> -> memref<10240xf32, #tpu.memory_space<vmem_shared>>
      tpu.wait_indirect_dma semaphore(%arg13 : memref<!tpu.dma_semaphore, #tpu.memory_space<semaphore_mem>>) src(%arg17 : memref<128xf32, #tpu.memory_space<vmem>>) dst(%dma_wait3A_667 : memref<10240xf32, #tpu.memory_space<vmem_shared>>)
      %dma_start3A_668 = arith.constant 6 : i32
      %dma_start3A_669 = arith.constant 0 : i32
      %dma_start3A_670 = tpu.memref_slice %arg7[%dma_start3A_668, %dma_start3A_669] : memref<16x128xi32, #tpu.memory_space<vmem>> -> memref<1x128xi32, #tpu.memory_space<vmem>>
      %dma_start3A_671 = tpu.memref_squeeze %dma_start3A_670 : memref<1x128xi32, #tpu.memory_space<vmem>> -> memref<128xi32, #tpu.memory_space<vmem>>
      %dma_start3A_672 = arith.constant 0 : i32
      %dma_start3A_673 = arith.constant 0 : i32
      %dma_start3A_674 = tpu.memref_slice %arg2[%dma_start3A_672, %dma_start3A_673] : memref<10240x128xf32, #tpu.memory_space<hbm>> -> memref<10240x128xf32, #tpu.memory_space<hbm>>
      tpu.enqueue_indirect_dma source(%dma_start3A_674 : memref<10240x128xf32, #tpu.memory_space<hbm>>) target(%arg8 : memref<128x128xf32, #tpu.memory_space<vmem>>) offsets(%dma_start3A_671 : memref<128xi32, #tpu.memory_space<vmem>>) semaphore(%arg11 : memref<!tpu.dma_semaphore, #tpu.memory_space<semaphore_mem>>)
      %mul3A_675 = arith.constant 8 : i32
      %mul3A_676 = arith.muli %add3A_447, %mul3A_675 : i32
      %add3A_677 = arith.constant 5 : i32
      %add3A_678 = arith.addi %mul3A_676, %add3A_677 : i32
      %dma_wait3A_679 = arith.constant 5 : i32
      %dma_wait3A_680 = arith.constant 0 : i32
      %dma_wait3A_681 = tpu.memref_slice %arg7[%dma_wait3A_679, %dma_wait3A_680] : memref<16x128xi32, #tpu.memory_space<vmem>> -> memref<1x128xi32, #tpu.memory_space<vmem>>
      %dma_wait3A_682 = tpu.memref_squeeze %dma_wait3A_681 : memref<1x128xi32, #tpu.memory_space<vmem>> -> memref<128xi32, #tpu.memory_space<vmem>>
      %dma_wait3A_683 = arith.constant 0 : i32
      %dma_wait3A_684 = arith.constant 0 : i32
      %dma_wait3A_685 = tpu.memref_slice %arg2[%dma_wait3A_683, %dma_wait3A_684] : memref<10240x128xf32, #tpu.memory_space<hbm>> -> memref<10240x128xf32, #tpu.memory_space<hbm>>
      tpu.wait_indirect_dma semaphore(%arg12 : memref<!tpu.dma_semaphore, #tpu.memory_space<semaphore_mem>>) src(%dma_wait3A_685 : memref<10240x128xf32, #tpu.memory_space<hbm>>) dst(%arg9 : memref<128x128xf32, #tpu.memory_space<vmem>>)
      %dma_start3A_686 = arith.constant 13 : i32
      %dma_start3A_687 = arith.constant 0 : i32
      %dma_start3A_688 = tpu.memref_slice %arg7[%dma_start3A_686, %dma_start3A_687] : memref<16x128xi32, #tpu.memory_space<vmem>> -> memref<1x128xi32, #tpu.memory_space<vmem>>
      %dma_start3A_689 = tpu.memref_squeeze %dma_start3A_688 : memref<1x128xi32, #tpu.memory_space<vmem>> -> memref<128xi32, #tpu.memory_space<vmem>>
      %dma_start3A_690 = arith.constant 0 : i32
      %dma_start3A_691 = arith.constant 0 : i32
      %dma_start3A_692 = tpu.memref_slice %arg10[%dma_start3A_690, %dma_start3A_691] : memref<10240x128xf32, #tpu.memory_space<vmem_shared>> -> memref<10240x128xf32, #tpu.memory_space<vmem_shared>>
      tpu.enqueue_indirect_dma source(%arg9 : memref<128x128xf32, #tpu.memory_space<vmem>>) target(%dma_start3A_692 : memref<10240x128xf32, #tpu.memory_space<vmem_shared>>) offsets(%dma_start3A_689 : memref<128xi32, #tpu.memory_space<vmem>>) semaphore(%arg14 : memref<!tpu.dma_semaphore, #tpu.memory_space<semaphore_mem>>) {add = true}
      %dma_start3A_693 = arith.constant 13 : i32
      %dma_start3A_694 = arith.constant 0 : i32
      %dma_start3A_695 = tpu.memref_slice %arg7[%dma_start3A_693, %dma_start3A_694] : memref<16x128xi32, #tpu.memory_space<vmem>> -> memref<1x128xi32, #tpu.memory_space<vmem>>
      %dma_start3A_696 = tpu.memref_squeeze %dma_start3A_695 : memref<1x128xi32, #tpu.memory_space<vmem>> -> memref<128xi32, #tpu.memory_space<vmem>>
      %dma_start3A_697 = arith.constant 0 : i32
      %dma_start3A_698 = tpu.memref_slice %arg19[%dma_start3A_697] : memref<10240xf32, #tpu.memory_space<vmem_shared>> -> memref<10240xf32, #tpu.memory_space<vmem_shared>>
      tpu.enqueue_indirect_dma source(%arg17 : memref<128xf32, #tpu.memory_space<vmem>>) target(%dma_start3A_698 : memref<10240xf32, #tpu.memory_space<vmem_shared>>) offsets(%dma_start3A_696 : memref<128xi32, #tpu.memory_space<vmem>>) semaphore(%arg14 : memref<!tpu.dma_semaphore, #tpu.memory_space<semaphore_mem>>) {add = true}
      %dma_wait3A_699 = arith.constant 13 : i32
      %dma_wait3A_700 = arith.constant 0 : i32
      %dma_wait3A_701 = tpu.memref_slice %arg7[%dma_wait3A_699, %dma_wait3A_700] : memref<16x128xi32, #tpu.memory_space<vmem>> -> memref<1x128xi32, #tpu.memory_space<vmem>>
      %dma_wait3A_702 = tpu.memref_squeeze %dma_wait3A_701 : memref<1x128xi32, #tpu.memory_space<vmem>> -> memref<128xi32, #tpu.memory_space<vmem>>
      %dma_wait3A_703 = arith.constant 0 : i32
      %dma_wait3A_704 = arith.constant 0 : i32
      %dma_wait3A_705 = tpu.memref_slice %arg10[%dma_wait3A_703, %dma_wait3A_704] : memref<10240x128xf32, #tpu.memory_space<vmem_shared>> -> memref<10240x128xf32, #tpu.memory_space<vmem_shared>>
      tpu.wait_indirect_dma semaphore(%arg14 : memref<!tpu.dma_semaphore, #tpu.memory_space<semaphore_mem>>) src(%arg9 : memref<128x128xf32, #tpu.memory_space<vmem>>) dst(%dma_wait3A_705 : memref<10240x128xf32, #tpu.memory_space<vmem_shared>>)
      %dma_wait3A_706 = arith.constant 13 : i32
      %dma_wait3A_707 = arith.constant 0 : i32
      %dma_wait3A_708 = tpu.memref_slice %arg7[%dma_wait3A_706, %dma_wait3A_707] : memref<16x128xi32, #tpu.memory_space<vmem>> -> memref<1x128xi32, #tpu.memory_space<vmem>>
      %dma_wait3A_709 = tpu.memref_squeeze %dma_wait3A_708 : memref<1x128xi32, #tpu.memory_space<vmem>> -> memref<128xi32, #tpu.memory_space<vmem>>
      %dma_wait3A_710 = arith.constant 0 : i32
      %dma_wait3A_711 = tpu.memref_slice %arg19[%dma_wait3A_710] : memref<10240xf32, #tpu.memory_space<vmem_shared>> -> memref<10240xf32, #tpu.memory_space<vmem_shared>>
      tpu.wait_indirect_dma semaphore(%arg14 : memref<!tpu.dma_semaphore, #tpu.memory_space<semaphore_mem>>) src(%arg17 : memref<128xf32, #tpu.memory_space<vmem>>) dst(%dma_wait3A_711 : memref<10240xf32, #tpu.memory_space<vmem_shared>>)
      %dma_start3A_712 = arith.constant 7 : i32
      %dma_start3A_713 = arith.constant 0 : i32
      %dma_start3A_714 = tpu.memref_slice %arg7[%dma_start3A_712, %dma_start3A_713] : memref<16x128xi32, #tpu.memory_space<vmem>> -> memref<1x128xi32, #tpu.memory_space<vmem>>
      %dma_start3A_715 = tpu.memref_squeeze %dma_start3A_714 : memref<1x128xi32, #tpu.memory_space<vmem>> -> memref<128xi32, #tpu.memory_space<vmem>>
      %dma_start3A_716 = arith.constant 0 : i32
      %dma_start3A_717 = arith.constant 0 : i32
      %dma_start3A_718 = tpu.memref_slice %arg2[%dma_start3A_716, %dma_start3A_717] : memref<10240x128xf32, #tpu.memory_space<hbm>> -> memref<10240x128xf32, #tpu.memory_space<hbm>>
      tpu.enqueue_indirect_dma source(%dma_start3A_718 : memref<10240x128xf32, #tpu.memory_space<hbm>>) target(%arg9 : memref<128x128xf32, #tpu.memory_space<vmem>>) offsets(%dma_start3A_715 : memref<128xi32, #tpu.memory_space<vmem>>) semaphore(%arg12 : memref<!tpu.dma_semaphore, #tpu.memory_space<semaphore_mem>>)
      %mul3A_719 = arith.constant 8 : i32
      %mul3A_720 = arith.muli %add3A_447, %mul3A_719 : i32
      %add3A_721 = arith.constant 6 : i32
      %add3A_722 = arith.addi %mul3A_720, %add3A_721 : i32
      %dma_wait3A_723 = arith.constant 6 : i32
      %dma_wait3A_724 = arith.constant 0 : i32
      %dma_wait3A_725 = tpu.memref_slice %arg7[%dma_wait3A_723, %dma_wait3A_724] : memref<16x128xi32, #tpu.memory_space<vmem>> -> memref<1x128xi32, #tpu.memory_space<vmem>>
      %dma_wait3A_726 = tpu.memref_squeeze %dma_wait3A_725 : memref<1x128xi32, #tpu.memory_space<vmem>> -> memref<128xi32, #tpu.memory_space<vmem>>
      %dma_wait3A_727 = arith.constant 0 : i32
      %dma_wait3A_728 = arith.constant 0 : i32
      %dma_wait3A_729 = tpu.memref_slice %arg2[%dma_wait3A_727, %dma_wait3A_728] : memref<10240x128xf32, #tpu.memory_space<hbm>> -> memref<10240x128xf32, #tpu.memory_space<hbm>>
      tpu.wait_indirect_dma semaphore(%arg11 : memref<!tpu.dma_semaphore, #tpu.memory_space<semaphore_mem>>) src(%dma_wait3A_729 : memref<10240x128xf32, #tpu.memory_space<hbm>>) dst(%arg8 : memref<128x128xf32, #tpu.memory_space<vmem>>)
      %dma_start3A_730 = arith.constant 14 : i32
      %dma_start3A_731 = arith.constant 0 : i32
      %dma_start3A_732 = tpu.memref_slice %arg7[%dma_start3A_730, %dma_start3A_731] : memref<16x128xi32, #tpu.memory_space<vmem>> -> memref<1x128xi32, #tpu.memory_space<vmem>>
      %dma_start3A_733 = tpu.memref_squeeze %dma_start3A_732 : memref<1x128xi32, #tpu.memory_space<vmem>> -> memref<128xi32, #tpu.memory_space<vmem>>
      %dma_start3A_734 = arith.constant 0 : i32
      %dma_start3A_735 = arith.constant 0 : i32
      %dma_start3A_736 = tpu.memref_slice %arg10[%dma_start3A_734, %dma_start3A_735] : memref<10240x128xf32, #tpu.memory_space<vmem_shared>> -> memref<10240x128xf32, #tpu.memory_space<vmem_shared>>
      tpu.enqueue_indirect_dma source(%arg8 : memref<128x128xf32, #tpu.memory_space<vmem>>) target(%dma_start3A_736 : memref<10240x128xf32, #tpu.memory_space<vmem_shared>>) offsets(%dma_start3A_733 : memref<128xi32, #tpu.memory_space<vmem>>) semaphore(%arg13 : memref<!tpu.dma_semaphore, #tpu.memory_space<semaphore_mem>>) {add = true}
      %dma_start3A_737 = arith.constant 14 : i32
      %dma_start3A_738 = arith.constant 0 : i32
      %dma_start3A_739 = tpu.memref_slice %arg7[%dma_start3A_737, %dma_start3A_738] : memref<16x128xi32, #tpu.memory_space<vmem>> -> memref<1x128xi32, #tpu.memory_space<vmem>>
      %dma_start3A_740 = tpu.memref_squeeze %dma_start3A_739 : memref<1x128xi32, #tpu.memory_space<vmem>> -> memref<128xi32, #tpu.memory_space<vmem>>
      %dma_start3A_741 = arith.constant 0 : i32
      %dma_start3A_742 = tpu.memref_slice %arg19[%dma_start3A_741] : memref<10240xf32, #tpu.memory_space<vmem_shared>> -> memref<10240xf32, #tpu.memory_space<vmem_shared>>
      tpu.enqueue_indirect_dma source(%arg17 : memref<128xf32, #tpu.memory_space<vmem>>) target(%dma_start3A_742 : memref<10240xf32, #tpu.memory_space<vmem_shared>>) offsets(%dma_start3A_740 : memref<128xi32, #tpu.memory_space<vmem>>) semaphore(%arg13 : memref<!tpu.dma_semaphore, #tpu.memory_space<semaphore_mem>>) {add = true}
      %dma_wait3A_743 = arith.constant 14 : i32
      %dma_wait3A_744 = arith.constant 0 : i32
      %dma_wait3A_745 = tpu.memref_slice %arg7[%dma_wait3A_743, %dma_wait3A_744] : memref<16x128xi32, #tpu.memory_space<vmem>> -> memref<1x128xi32, #tpu.memory_space<vmem>>
      %dma_wait3A_746 = tpu.memref_squeeze %dma_wait3A_745 : memref<1x128xi32, #tpu.memory_space<vmem>> -> memref<128xi32, #tpu.memory_space<vmem>>
      %dma_wait3A_747 = arith.constant 0 : i32
      %dma_wait3A_748 = arith.constant 0 : i32
      %dma_wait3A_749 = tpu.memref_slice %arg10[%dma_wait3A_747, %dma_wait3A_748] : memref<10240x128xf32, #tpu.memory_space<vmem_shared>> -> memref<10240x128xf32, #tpu.memory_space<vmem_shared>>
      tpu.wait_indirect_dma semaphore(%arg13 : memref<!tpu.dma_semaphore, #tpu.memory_space<semaphore_mem>>) src(%arg8 : memref<128x128xf32, #tpu.memory_space<vmem>>) dst(%dma_wait3A_749 : memref<10240x128xf32, #tpu.memory_space<vmem_shared>>)
      %dma_wait3A_750 = arith.constant 14 : i32
      %dma_wait3A_751 = arith.constant 0 : i32
      %dma_wait3A_752 = tpu.memref_slice %arg7[%dma_wait3A_750, %dma_wait3A_751] : memref<16x128xi32, #tpu.memory_space<vmem>> -> memref<1x128xi32, #tpu.memory_space<vmem>>
      %dma_wait3A_753 = tpu.memref_squeeze %dma_wait3A_752 : memref<1x128xi32, #tpu.memory_space<vmem>> -> memref<128xi32, #tpu.memory_space<vmem>>
      %dma_wait3A_754 = arith.constant 0 : i32
      %dma_wait3A_755 = tpu.memref_slice %arg19[%dma_wait3A_754] : memref<10240xf32, #tpu.memory_space<vmem_shared>> -> memref<10240xf32, #tpu.memory_space<vmem_shared>>
      tpu.wait_indirect_dma semaphore(%arg13 : memref<!tpu.dma_semaphore, #tpu.memory_space<semaphore_mem>>) src(%arg17 : memref<128xf32, #tpu.memory_space<vmem>>) dst(%dma_wait3A_755 : memref<10240xf32, #tpu.memory_space<vmem_shared>>)
      %add3A_756 = arith.constant 1 : i32
      %add3A_757 = arith.addi %add3A_447, %add3A_756 : i32
      %lt3A_758 = arith.constant 10 : i32
      %lt3A_759 = arith.cmpi slt, %add3A_757, %lt3A_758 : i32
      %convert_element_type3A_760 = arith.extui %lt3A_759 : i1 to i32
      %cond3A_761 = arith.constant 0 : i32
      %cond3A_762 = arith.cmpi ne, %convert_element_type3A_760, %cond3A_761 : i32
      scf.if %cond3A_762 {
        %dma_wait3A_807 = arith.constant 0 : i32
        %dma_wait3A_808 = tpu.memref_slice %arg3[%mul3A_63, %dma_wait3A_807] : memref<5120x128xi32, #tpu.memory_space<hbm>> -> memref<16x128xi32, #tpu.memory_space<hbm>>
        %dma_wait3A_809 = arith.constant 0 : i32
        %dma_wait3A_810 = tpu.memref_slice %arg3[%mul3A_63, %dma_wait3A_809] : memref<5120x128xi32, #tpu.memory_space<hbm>> -> memref<16x128xi32, #tpu.memory_space<hbm>>
        tpu.wait_dma2 semaphore(%arg15 : memref<!tpu.dma_semaphore, #tpu.memory_space<semaphore_mem>>) src(%dma_wait3A_810 : memref<16x128xi32, #tpu.memory_space<hbm>>) dst(%arg6 : memref<16x128xi32, #tpu.memory_space<vmem>>)
        %dma_start3A_811 = arith.constant 0 : i32
        %dma_start3A_812 = arith.constant 0 : i32
        %dma_start3A_813 = tpu.memref_slice %arg6[%dma_start3A_811, %dma_start3A_812] : memref<16x128xi32, #tpu.memory_space<vmem>> -> memref<1x128xi32, #tpu.memory_space<vmem>>
        %dma_start3A_814 = tpu.memref_squeeze %dma_start3A_813 : memref<1x128xi32, #tpu.memory_space<vmem>> -> memref<128xi32, #tpu.memory_space<vmem>>
        %dma_start3A_815 = arith.constant 0 : i32
        %dma_start3A_816 = arith.constant 0 : i32
        %dma_start3A_817 = tpu.memref_slice %arg2[%dma_start3A_815, %dma_start3A_816] : memref<10240x128xf32, #tpu.memory_space<hbm>> -> memref<10240x128xf32, #tpu.memory_space<hbm>>
        tpu.enqueue_indirect_dma source(%dma_start3A_817 : memref<10240x128xf32, #tpu.memory_space<hbm>>) target(%arg8 : memref<128x128xf32, #tpu.memory_space<vmem>>) offsets(%dma_start3A_814 : memref<128xi32, #tpu.memory_space<vmem>>) semaphore(%arg11 : memref<!tpu.dma_semaphore, #tpu.memory_space<semaphore_mem>>)
      } else {
      }
      %mul3A_763 = arith.constant 8 : i32
      %mul3A_764 = arith.muli %add3A_447, %mul3A_763 : i32
      %add3A_765 = arith.constant 7 : i32
      %add3A_766 = arith.addi %mul3A_764, %add3A_765 : i32
      %dma_wait3A_767 = arith.constant 7 : i32
      %dma_wait3A_768 = arith.constant 0 : i32
      %dma_wait3A_769 = tpu.memref_slice %arg7[%dma_wait3A_767, %dma_wait3A_768] : memref<16x128xi32, #tpu.memory_space<vmem>> -> memref<1x128xi32, #tpu.memory_space<vmem>>
      %dma_wait3A_770 = tpu.memref_squeeze %dma_wait3A_769 : memref<1x128xi32, #tpu.memory_space<vmem>> -> memref<128xi32, #tpu.memory_space<vmem>>
      %dma_wait3A_771 = arith.constant 0 : i32
      %dma_wait3A_772 = arith.constant 0 : i32
      %dma_wait3A_773 = tpu.memref_slice %arg2[%dma_wait3A_771, %dma_wait3A_772] : memref<10240x128xf32, #tpu.memory_space<hbm>> -> memref<10240x128xf32, #tpu.memory_space<hbm>>
      tpu.wait_indirect_dma semaphore(%arg12 : memref<!tpu.dma_semaphore, #tpu.memory_space<semaphore_mem>>) src(%dma_wait3A_773 : memref<10240x128xf32, #tpu.memory_space<hbm>>) dst(%arg9 : memref<128x128xf32, #tpu.memory_space<vmem>>)
      %dma_start3A_774 = arith.constant 15 : i32
      %dma_start3A_775 = arith.constant 0 : i32
      %dma_start3A_776 = tpu.memref_slice %arg7[%dma_start3A_774, %dma_start3A_775] : memref<16x128xi32, #tpu.memory_space<vmem>> -> memref<1x128xi32, #tpu.memory_space<vmem>>
      %dma_start3A_777 = tpu.memref_squeeze %dma_start3A_776 : memref<1x128xi32, #tpu.memory_space<vmem>> -> memref<128xi32, #tpu.memory_space<vmem>>
      %dma_start3A_778 = arith.constant 0 : i32
      %dma_start3A_779 = arith.constant 0 : i32
      %dma_start3A_780 = tpu.memref_slice %arg10[%dma_start3A_778, %dma_start3A_779] : memref<10240x128xf32, #tpu.memory_space<vmem_shared>> -> memref<10240x128xf32, #tpu.memory_space<vmem_shared>>
      tpu.enqueue_indirect_dma source(%arg9 : memref<128x128xf32, #tpu.memory_space<vmem>>) target(%dma_start3A_780 : memref<10240x128xf32, #tpu.memory_space<vmem_shared>>) offsets(%dma_start3A_777 : memref<128xi32, #tpu.memory_space<vmem>>) semaphore(%arg14 : memref<!tpu.dma_semaphore, #tpu.memory_space<semaphore_mem>>) {add = true}
      %dma_start3A_781 = arith.constant 15 : i32
      %dma_start3A_782 = arith.constant 0 : i32
      %dma_start3A_783 = tpu.memref_slice %arg7[%dma_start3A_781, %dma_start3A_782] : memref<16x128xi32, #tpu.memory_space<vmem>> -> memref<1x128xi32, #tpu.memory_space<vmem>>
      %dma_start3A_784 = tpu.memref_squeeze %dma_start3A_783 : memref<1x128xi32, #tpu.memory_space<vmem>> -> memref<128xi32, #tpu.memory_space<vmem>>
      %dma_start3A_785 = arith.constant 0 : i32
      %dma_start3A_786 = tpu.memref_slice %arg19[%dma_start3A_785] : memref<10240xf32, #tpu.memory_space<vmem_shared>> -> memref<10240xf32, #tpu.memory_space<vmem_shared>>
      tpu.enqueue_indirect_dma source(%arg17 : memref<128xf32, #tpu.memory_space<vmem>>) target(%dma_start3A_786 : memref<10240xf32, #tpu.memory_space<vmem_shared>>) offsets(%dma_start3A_784 : memref<128xi32, #tpu.memory_space<vmem>>) semaphore(%arg14 : memref<!tpu.dma_semaphore, #tpu.memory_space<semaphore_mem>>) {add = true}
      %dma_wait3A_787 = arith.constant 15 : i32
      %dma_wait3A_788 = arith.constant 0 : i32
      %dma_wait3A_789 = tpu.memref_slice %arg7[%dma_wait3A_787, %dma_wait3A_788] : memref<16x128xi32, #tpu.memory_space<vmem>> -> memref<1x128xi32, #tpu.memory_space<vmem>>
      %dma_wait3A_790 = tpu.memref_squeeze %dma_wait3A_789 : memref<1x128xi32, #tpu.memory_space<vmem>> -> memref<128xi32, #tpu.memory_space<vmem>>
      %dma_wait3A_791 = arith.constant 0 : i32
      %dma_wait3A_792 = arith.constant 0 : i32
      %dma_wait3A_793 = tpu.memref_slice %arg10[%dma_wait3A_791, %dma_wait3A_792] : memref<10240x128xf32, #tpu.memory_space<vmem_shared>> -> memref<10240x128xf32, #tpu.memory_space<vmem_shared>>
      tpu.wait_indirect_dma semaphore(%arg14 : memref<!tpu.dma_semaphore, #tpu.memory_space<semaphore_mem>>) src(%arg9 : memref<128x128xf32, #tpu.memory_space<vmem>>) dst(%dma_wait3A_793 : memref<10240x128xf32, #tpu.memory_space<vmem_shared>>)
      %dma_wait3A_794 = arith.constant 15 : i32
      %dma_wait3A_795 = arith.constant 0 : i32
      %dma_wait3A_796 = tpu.memref_slice %arg7[%dma_wait3A_794, %dma_wait3A_795] : memref<16x128xi32, #tpu.memory_space<vmem>> -> memref<1x128xi32, #tpu.memory_space<vmem>>
      %dma_wait3A_797 = tpu.memref_squeeze %dma_wait3A_796 : memref<1x128xi32, #tpu.memory_space<vmem>> -> memref<128xi32, #tpu.memory_space<vmem>>
      %dma_wait3A_798 = arith.constant 0 : i32
      %dma_wait3A_799 = tpu.memref_slice %arg19[%dma_wait3A_798] : memref<10240xf32, #tpu.memory_space<vmem_shared>> -> memref<10240xf32, #tpu.memory_space<vmem_shared>>
      tpu.wait_indirect_dma semaphore(%arg14 : memref<!tpu.dma_semaphore, #tpu.memory_space<semaphore_mem>>) src(%arg17 : memref<128xf32, #tpu.memory_space<vmem>>) dst(%dma_wait3A_799 : memref<10240xf32, #tpu.memory_space<vmem_shared>>)
      %add3A_800 = arith.constant 1 : i32
      %add3A_801 = arith.addi %add3A_447, %add3A_800 : i32
      %lt3A_802 = arith.constant 10 : i32
      %lt3A_803 = arith.cmpi slt, %add3A_801, %lt3A_802 : i32
      %convert_element_type3A_804 = arith.extui %lt3A_803 : i1 to i32
      %cond3A_805 = arith.constant 0 : i32
      %cond3A_806 = arith.cmpi ne, %convert_element_type3A_804, %cond3A_805 : i32
      scf.if %cond3A_806 {
        %dma_start3A_807 = arith.constant 1 : i32
        %dma_start3A_808 = arith.constant 0 : i32
        %dma_start3A_809 = tpu.memref_slice %arg6[%dma_start3A_807, %dma_start3A_808] : memref<16x128xi32, #tpu.memory_space<vmem>> -> memref<1x128xi32, #tpu.memory_space<vmem>>
        %dma_start3A_810 = tpu.memref_squeeze %dma_start3A_809 : memref<1x128xi32, #tpu.memory_space<vmem>> -> memref<128xi32, #tpu.memory_space<vmem>>
        %dma_start3A_811 = arith.constant 0 : i32
        %dma_start3A_812 = arith.constant 0 : i32
        %dma_start3A_813 = tpu.memref_slice %arg2[%dma_start3A_811, %dma_start3A_812] : memref<10240x128xf32, #tpu.memory_space<hbm>> -> memref<10240x128xf32, #tpu.memory_space<hbm>>
        tpu.enqueue_indirect_dma source(%dma_start3A_813 : memref<10240x128xf32, #tpu.memory_space<hbm>>) target(%arg9 : memref<128x128xf32, #tpu.memory_space<vmem>>) offsets(%dma_start3A_810 : memref<128xi32, #tpu.memory_space<vmem>>) semaphore(%arg12 : memref<!tpu.dma_semaphore, #tpu.memory_space<semaphore_mem>>)
      } else {
      }
    }
    %scan3A_82 = arith.constant 5 : i32
    %barrier3A_83 = arith.constant 0 : index
    tpu.barrier barrier_id(%barrier3A_83)
    "tpu.region"() ({
      %run_scoped3A = tpu.sem_alloc : memref<!tpu.dma_semaphore, #tpu.memory_space<semaphore_mem>>
      %dma_start3A_84 = arith.constant 0 : i32
      %dma_start3A_85 = tpu.memref_slice %arg4[%arg0, %mul3A_4, %dma_start3A_84] : memref<2x10240x128xf32, #tpu.memory_space<hbm>> -> memref<1x640x128xf32, #tpu.memory_space<hbm>>
      %dma_start3A_86 = tpu.memref_squeeze %dma_start3A_85 : memref<1x640x128xf32, #tpu.memory_space<hbm>> -> memref<640x128xf32, #tpu.memory_space<hbm>>
      %dma_start3A_87 = arith.constant 0 : i32
      %dma_start3A_88 = tpu.memref_slice %arg10[%mul3A_4, %dma_start3A_87] : memref<10240x128xf32, #tpu.memory_space<vmem_shared>> -> memref<640x128xf32, #tpu.memory_space<vmem_shared>>
      tpu.enqueue_dma source(%dma_start3A_88 : memref<640x128xf32, #tpu.memory_space<vmem_shared>>) target(%dma_start3A_86 : memref<640x128xf32, #tpu.memory_space<hbm>>) target_semaphore(%run_scoped3A : memref<!tpu.dma_semaphore, #tpu.memory_space<semaphore_mem>>)
      %dma_wait3A = arith.constant 0 : i32
      %dma_wait3A_89 = tpu.memref_slice %arg4[%arg0, %mul3A_4, %dma_wait3A] : memref<2x10240x128xf32, #tpu.memory_space<hbm>> -> memref<1x640x128xf32, #tpu.memory_space<hbm>>
      %dma_wait3A_90 = tpu.memref_squeeze %dma_wait3A_89 : memref<1x640x128xf32, #tpu.memory_space<hbm>> -> memref<640x128xf32, #tpu.memory_space<hbm>>
      %dma_wait3A_91 = arith.constant 0 : i32
      %dma_wait3A_92 = tpu.memref_slice %arg10[%mul3A_4, %dma_wait3A_91] : memref<10240x128xf32, #tpu.memory_space<vmem_shared>> -> memref<640x128xf32, #tpu.memory_space<vmem_shared>>
      tpu.wait_dma2 semaphore(%run_scoped3A : memref<!tpu.dma_semaphore, #tpu.memory_space<semaphore_mem>>) src(%dma_wait3A_92 : memref<640x128xf32, #tpu.memory_space<vmem_shared>>) dst(%dma_wait3A_90 : memref<640x128xf32, #tpu.memory_space<hbm>>)
      tpu.yield
    }) : () -> ()
    "tpu.region"() ({
      %run_scoped3A = tpu.sem_alloc : memref<!tpu.dma_semaphore, #tpu.memory_space<semaphore_mem>>
      %dma_start3A_84 = tpu.memref_slice %arg5[%arg0, %mul3A_4] : memref<2x10240xf32, #tpu.memory_space<hbm>> -> memref<1x640xf32, #tpu.memory_space<hbm>>
      %dma_start3A_85 = tpu.memref_squeeze %dma_start3A_84 : memref<1x640xf32, #tpu.memory_space<hbm>> -> memref<640xf32, #tpu.memory_space<hbm>>
      %dma_start3A_86 = tpu.memref_slice %arg19[%mul3A_4] : memref<10240xf32, #tpu.memory_space<vmem_shared>> -> memref<640xf32, #tpu.memory_space<vmem_shared>>
      tpu.enqueue_dma source(%dma_start3A_86 : memref<640xf32, #tpu.memory_space<vmem_shared>>) target(%dma_start3A_85 : memref<640xf32, #tpu.memory_space<hbm>>) target_semaphore(%run_scoped3A : memref<!tpu.dma_semaphore, #tpu.memory_space<semaphore_mem>>)
      %dma_wait3A = tpu.memref_slice %arg5[%arg0, %mul3A_4] : memref<2x10240xf32, #tpu.memory_space<hbm>> -> memref<1x640xf32, #tpu.memory_space<hbm>>
      %dma_wait3A_87 = tpu.memref_squeeze %dma_wait3A : memref<1x640xf32, #tpu.memory_space<hbm>> -> memref<640xf32, #tpu.memory_space<hbm>>
      %dma_wait3A_88 = tpu.memref_slice %arg19[%mul3A_4] : memref<10240xf32, #tpu.memory_space<vmem_shared>> -> memref<640xf32, #tpu.memory_space<vmem_shared>>
      tpu.wait_dma2 semaphore(%run_scoped3A : memref<!tpu.dma_semaphore, #tpu.memory_space<semaphore_mem>>) src(%dma_wait3A_88 : memref<640xf32, #tpu.memory_space<vmem_shared>>) dst(%dma_wait3A_87 : memref<640xf32, #tpu.memory_space<hbm>>)
      tpu.yield
    }) : () -> ()
    return
  }
}

#map = affine_map<(d0, d1) -> (0, 0)>
#map1 = affine_map<(d0, d1) -> (0, 0, 0)>
module attributes {stable_mosaic.version = 14 : i64} {
  func.func @body(%arg0: i32, %arg1: i32, %arg2: memref<10240x48xf32, #tpu.memory_space<hbm>>, %arg3: memref<5120x128xi32, #tpu.memory_space<hbm>>, %arg4: memref<2x10240x48xf32, #tpu.memory_space<hbm>>, %arg5: memref<16x128xi32, #tpu.memory_space<vmem>>, %arg6: memref<16x128xi32, #tpu.memory_space<vmem>>, %arg7: memref<128x48xf32, #tpu.memory_space<vmem>>, %arg8: memref<128x48xf32, #tpu.memory_space<vmem>>, %arg9: memref<10240x48xf32, #tpu.memory_space<vmem_shared>>, %arg10: memref<!tpu.dma_semaphore, #tpu.memory_space<semaphore_mem>>, %arg11: memref<!tpu.dma_semaphore, #tpu.memory_space<semaphore_mem>>, %arg12: memref<!tpu.dma_semaphore, #tpu.memory_space<semaphore_mem>>, %arg13: memref<!tpu.dma_semaphore, #tpu.memory_space<semaphore_mem>>, %arg14: memref<!tpu.dma_semaphore, #tpu.memory_space<semaphore_mem>>, %arg15: memref<!tpu.dma_semaphore, #tpu.memory_space<semaphore_mem>>) attributes {dimension_semantics = [#tpu.dimension_semantics<core_parallel>, #tpu.dimension_semantics<subcore_parallel>], iteration_bounds = array<i64: 2, 16>, scalar_prefetch = 0 : i64, scratch_operands = 11 : i64, tpu.core_type = #tpu.core_type<sc_vector_subcore>, window_params = [{transform_indices = #map}, {transform_indices = #map}, {transform_indices = #map1}]} {
    %mul3A = arith.constant 2 : i32
    %mul3A_0 = arith.muli %arg1, %mul3A : i32
    %add3A = arith.addi %mul3A_0, %arg0 : i32
    %mul3A_1 = arith.constant 10 : i32
    %mul3A_2 = arith.muli %add3A, %mul3A_1 : i32
    %mul3A_3 = arith.constant 640 : i32
    %mul3A_4 = arith.muli %arg1, %mul3A_3 : i32
    %broadcast_in_dim3A = arith.constant 0.000000e+00 : f32
    %broadcast_in_dim3A_5 = vector.broadcast %broadcast_in_dim3A : f32 to vector<16xf32>
    %scan3A = arith.constant 0 : i32
    %scan3A_6 = arith.constant 0 : i32
    %scan3A_7 = arith.constant 128 : i32
    %scan3A_8 = arith.addi %scan3A_6, %scan3A_7 : i32
    %scan3A_9 = arith.constant 1 : i32
    scf.for %scan3A_45 = %scan3A_6 to %scan3A_8 step %scan3A_9  : i32 {
      %swap3A = arith.index_cast %scan3A_45 : i32 to index
      %swap3A_46 = arith.constant 0 : index
      %swap3A_47 = tpu.vector_load %arg7[%swap3A, %swap3A_46] {strides = array<i32>} : memref<128x48xf32, #tpu.memory_space<vmem>>, vector<1x16xf32>,
      %swap3A_48 = vector.shape_cast %swap3A_47 : vector<1x16xf32> to vector<16xf32>
      %swap3A_49 = vector.shape_cast %broadcast_in_dim3A_5 : vector<16xf32> to vector<1x16xf32>
      tpu.vector_store %arg7[%swap3A, %swap3A_46], %swap3A_49 {strides = array<i32>} : memref<128x48xf32, #tpu.memory_space<vmem>>, vector<1x16xf32>,
      %swap3A_50 = arith.index_cast %scan3A_45 : i32 to index
      %swap3A_51 = arith.constant 16 : index
      %swap3A_52 = tpu.vector_load %arg7[%swap3A_50, %swap3A_51] {strides = array<i32>} : memref<128x48xf32, #tpu.memory_space<vmem>>, vector<1x16xf32>,
      %swap3A_53 = vector.shape_cast %swap3A_52 : vector<1x16xf32> to vector<16xf32>
      %swap3A_54 = vector.shape_cast %broadcast_in_dim3A_5 : vector<16xf32> to vector<1x16xf32>
      tpu.vector_store %arg7[%swap3A_50, %swap3A_51], %swap3A_54 {strides = array<i32>} : memref<128x48xf32, #tpu.memory_space<vmem>>, vector<1x16xf32>,
      %swap3A_55 = arith.index_cast %scan3A_45 : i32 to index
      %swap3A_56 = arith.constant 32 : index
      %swap3A_57 = tpu.vector_load %arg7[%swap3A_55, %swap3A_56] {strides = array<i32>} : memref<128x48xf32, #tpu.memory_space<vmem>>, vector<1x16xf32>,
      %swap3A_58 = vector.shape_cast %swap3A_57 : vector<1x16xf32> to vector<16xf32>
      %swap3A_59 = vector.shape_cast %broadcast_in_dim3A_5 : vector<16xf32> to vector<1x16xf32>
      tpu.vector_store %arg7[%swap3A_55, %swap3A_56], %swap3A_59 {strides = array<i32>} : memref<128x48xf32, #tpu.memory_space<vmem>>, vector<1x16xf32>,
    }
    %scan3A_10 = arith.constant 128 : i32
    %add3A_11 = arith.constant 0 : i32
    %add3A_12 = arith.addi %mul3A_4, %add3A_11 : i32
    "tpu.region"() ({
      %run_scoped3A = tpu.sem_alloc : memref<!tpu.dma_semaphore, #tpu.memory_space<semaphore_mem>>
      %dma_start3A_45 = arith.constant 0 : i32
      %dma_start3A_46 = tpu.memref_slice %arg9[%add3A_12, %dma_start3A_45] : memref<10240x48xf32, #tpu.memory_space<vmem_shared>> -> memref<128x48xf32, #tpu.memory_space<vmem_shared>>
      %dma_start3A_47 = arith.constant 0 : i32
      %dma_start3A_48 = tpu.memref_slice %arg9[%add3A_12, %dma_start3A_47] : memref<10240x48xf32, #tpu.memory_space<vmem_shared>> -> memref<128x48xf32, #tpu.memory_space<vmem_shared>>
      tpu.enqueue_dma source(%arg7 : memref<128x48xf32, #tpu.memory_space<vmem>>) target(%dma_start3A_48 : memref<128x48xf32, #tpu.memory_space<vmem_shared>>) target_semaphore(%run_scoped3A : memref<!tpu.dma_semaphore, #tpu.memory_space<semaphore_mem>>)
      %dma_wait3A = arith.constant 0 : i32
      %dma_wait3A_49 = tpu.memref_slice %arg9[%add3A_12, %dma_wait3A] : memref<10240x48xf32, #tpu.memory_space<vmem_shared>> -> memref<128x48xf32, #tpu.memory_space<vmem_shared>>
      %dma_wait3A_50 = arith.constant 0 : i32
      %dma_wait3A_51 = tpu.memref_slice %arg9[%add3A_12, %dma_wait3A_50] : memref<10240x48xf32, #tpu.memory_space<vmem_shared>> -> memref<128x48xf32, #tpu.memory_space<vmem_shared>>
      tpu.wait_dma2 semaphore(%run_scoped3A : memref<!tpu.dma_semaphore, #tpu.memory_space<semaphore_mem>>) src(%arg7 : memref<128x48xf32, #tpu.memory_space<vmem>>) dst(%dma_wait3A_51 : memref<128x48xf32, #tpu.memory_space<vmem_shared>>)
      tpu.yield
    }) : () -> ()
    %add3A_13 = arith.constant 128 : i32
    %add3A_14 = arith.addi %mul3A_4, %add3A_13 : i32
    "tpu.region"() ({
      %run_scoped3A = tpu.sem_alloc : memref<!tpu.dma_semaphore, #tpu.memory_space<semaphore_mem>>
      %dma_start3A_45 = arith.constant 0 : i32
      %dma_start3A_46 = tpu.memref_slice %arg9[%add3A_14, %dma_start3A_45] : memref<10240x48xf32, #tpu.memory_space<vmem_shared>> -> memref<128x48xf32, #tpu.memory_space<vmem_shared>>
      %dma_start3A_47 = arith.constant 0 : i32
      %dma_start3A_48 = tpu.memref_slice %arg9[%add3A_14, %dma_start3A_47] : memref<10240x48xf32, #tpu.memory_space<vmem_shared>> -> memref<128x48xf32, #tpu.memory_space<vmem_shared>>
      tpu.enqueue_dma source(%arg7 : memref<128x48xf32, #tpu.memory_space<vmem>>) target(%dma_start3A_48 : memref<128x48xf32, #tpu.memory_space<vmem_shared>>) target_semaphore(%run_scoped3A : memref<!tpu.dma_semaphore, #tpu.memory_space<semaphore_mem>>)
      %dma_wait3A = arith.constant 0 : i32
      %dma_wait3A_49 = tpu.memref_slice %arg9[%add3A_14, %dma_wait3A] : memref<10240x48xf32, #tpu.memory_space<vmem_shared>> -> memref<128x48xf32, #tpu.memory_space<vmem_shared>>
      %dma_wait3A_50 = arith.constant 0 : i32
      %dma_wait3A_51 = tpu.memref_slice %arg9[%add3A_14, %dma_wait3A_50] : memref<10240x48xf32, #tpu.memory_space<vmem_shared>> -> memref<128x48xf32, #tpu.memory_space<vmem_shared>>
      tpu.wait_dma2 semaphore(%run_scoped3A : memref<!tpu.dma_semaphore, #tpu.memory_space<semaphore_mem>>) src(%arg7 : memref<128x48xf32, #tpu.memory_space<vmem>>) dst(%dma_wait3A_51 : memref<128x48xf32, #tpu.memory_space<vmem_shared>>)
      tpu.yield
    }) : () -> ()
    %add3A_15 = arith.constant 256 : i32
    %add3A_16 = arith.addi %mul3A_4, %add3A_15 : i32
    "tpu.region"() ({
      %run_scoped3A = tpu.sem_alloc : memref<!tpu.dma_semaphore, #tpu.memory_space<semaphore_mem>>
      %dma_start3A_45 = arith.constant 0 : i32
      %dma_start3A_46 = tpu.memref_slice %arg9[%add3A_16, %dma_start3A_45] : memref<10240x48xf32, #tpu.memory_space<vmem_shared>> -> memref<128x48xf32, #tpu.memory_space<vmem_shared>>
      %dma_start3A_47 = arith.constant 0 : i32
      %dma_start3A_48 = tpu.memref_slice %arg9[%add3A_16, %dma_start3A_47] : memref<10240x48xf32, #tpu.memory_space<vmem_shared>> -> memref<128x48xf32, #tpu.memory_space<vmem_shared>>
      tpu.enqueue_dma source(%arg7 : memref<128x48xf32, #tpu.memory_space<vmem>>) target(%dma_start3A_48 : memref<128x48xf32, #tpu.memory_space<vmem_shared>>) target_semaphore(%run_scoped3A : memref<!tpu.dma_semaphore, #tpu.memory_space<semaphore_mem>>)
      %dma_wait3A = arith.constant 0 : i32
      %dma_wait3A_49 = tpu.memref_slice %arg9[%add3A_16, %dma_wait3A] : memref<10240x48xf32, #tpu.memory_space<vmem_shared>> -> memref<128x48xf32, #tpu.memory_space<vmem_shared>>
      %dma_wait3A_50 = arith.constant 0 : i32
      %dma_wait3A_51 = tpu.memref_slice %arg9[%add3A_16, %dma_wait3A_50] : memref<10240x48xf32, #tpu.memory_space<vmem_shared>> -> memref<128x48xf32, #tpu.memory_space<vmem_shared>>
      tpu.wait_dma2 semaphore(%run_scoped3A : memref<!tpu.dma_semaphore, #tpu.memory_space<semaphore_mem>>) src(%arg7 : memref<128x48xf32, #tpu.memory_space<vmem>>) dst(%dma_wait3A_51 : memref<128x48xf32, #tpu.memory_space<vmem_shared>>)
      tpu.yield
    }) : () -> ()
    %add3A_17 = arith.constant 384 : i32
    %add3A_18 = arith.addi %mul3A_4, %add3A_17 : i32
    "tpu.region"() ({
      %run_scoped3A = tpu.sem_alloc : memref<!tpu.dma_semaphore, #tpu.memory_space<semaphore_mem>>
      %dma_start3A_45 = arith.constant 0 : i32
      %dma_start3A_46 = tpu.memref_slice %arg9[%add3A_18, %dma_start3A_45] : memref<10240x48xf32, #tpu.memory_space<vmem_shared>> -> memref<128x48xf32, #tpu.memory_space<vmem_shared>>
      %dma_start3A_47 = arith.constant 0 : i32
      %dma_start3A_48 = tpu.memref_slice %arg9[%add3A_18, %dma_start3A_47] : memref<10240x48xf32, #tpu.memory_space<vmem_shared>> -> memref<128x48xf32, #tpu.memory_space<vmem_shared>>
      tpu.enqueue_dma source(%arg7 : memref<128x48xf32, #tpu.memory_space<vmem>>) target(%dma_start3A_48 : memref<128x48xf32, #tpu.memory_space<vmem_shared>>) target_semaphore(%run_scoped3A : memref<!tpu.dma_semaphore, #tpu.memory_space<semaphore_mem>>)
      %dma_wait3A = arith.constant 0 : i32
      %dma_wait3A_49 = tpu.memref_slice %arg9[%add3A_18, %dma_wait3A] : memref<10240x48xf32, #tpu.memory_space<vmem_shared>> -> memref<128x48xf32, #tpu.memory_space<vmem_shared>>
      %dma_wait3A_50 = arith.constant 0 : i32
      %dma_wait3A_51 = tpu.memref_slice %arg9[%add3A_18, %dma_wait3A_50] : memref<10240x48xf32, #tpu.memory_space<vmem_shared>> -> memref<128x48xf32, #tpu.memory_space<vmem_shared>>
      tpu.wait_dma2 semaphore(%run_scoped3A : memref<!tpu.dma_semaphore, #tpu.memory_space<semaphore_mem>>) src(%arg7 : memref<128x48xf32, #tpu.memory_space<vmem>>) dst(%dma_wait3A_51 : memref<128x48xf32, #tpu.memory_space<vmem_shared>>)
      tpu.yield
    }) : () -> ()
    %add3A_19 = arith.constant 512 : i32
    %add3A_20 = arith.addi %mul3A_4, %add3A_19 : i32
    "tpu.region"() ({
      %run_scoped3A = tpu.sem_alloc : memref<!tpu.dma_semaphore, #tpu.memory_space<semaphore_mem>>
      %dma_start3A_45 = arith.constant 0 : i32
      %dma_start3A_46 = tpu.memref_slice %arg9[%add3A_20, %dma_start3A_45] : memref<10240x48xf32, #tpu.memory_space<vmem_shared>> -> memref<128x48xf32, #tpu.memory_space<vmem_shared>>
      %dma_start3A_47 = arith.constant 0 : i32
      %dma_start3A_48 = tpu.memref_slice %arg9[%add3A_20, %dma_start3A_47] : memref<10240x48xf32, #tpu.memory_space<vmem_shared>> -> memref<128x48xf32, #tpu.memory_space<vmem_shared>>
      tpu.enqueue_dma source(%arg7 : memref<128x48xf32, #tpu.memory_space<vmem>>) target(%dma_start3A_48 : memref<128x48xf32, #tpu.memory_space<vmem_shared>>) target_semaphore(%run_scoped3A : memref<!tpu.dma_semaphore, #tpu.memory_space<semaphore_mem>>)
      %dma_wait3A = arith.constant 0 : i32
      %dma_wait3A_49 = tpu.memref_slice %arg9[%add3A_20, %dma_wait3A] : memref<10240x48xf32, #tpu.memory_space<vmem_shared>> -> memref<128x48xf32, #tpu.memory_space<vmem_shared>>
      %dma_wait3A_50 = arith.constant 0 : i32
      %dma_wait3A_51 = tpu.memref_slice %arg9[%add3A_20, %dma_wait3A_50] : memref<10240x48xf32, #tpu.memory_space<vmem_shared>> -> memref<128x48xf32, #tpu.memory_space<vmem_shared>>
      tpu.wait_dma2 semaphore(%run_scoped3A : memref<!tpu.dma_semaphore, #tpu.memory_space<semaphore_mem>>) src(%arg7 : memref<128x48xf32, #tpu.memory_space<vmem>>) dst(%dma_wait3A_51 : memref<128x48xf32, #tpu.memory_space<vmem_shared>>)
      tpu.yield
    }) : () -> ()
    %barrier3A = arith.constant 0 : index
    tpu.barrier barrier_id(%barrier3A)
    %mul3A_21 = arith.constant 2 : i32
    %mul3A_22 = arith.muli %mul3A_2, %mul3A_21 : i32
    %mul3A_23 = arith.constant 8 : i32
    %mul3A_24 = arith.muli %mul3A_22, %mul3A_23 : i32
    "tpu.region"() ({
      %run_scoped3A = tpu.sem_alloc : memref<!tpu.dma_semaphore, #tpu.memory_space<semaphore_mem>>
      %dma_start3A_45 = arith.constant 0 : i32
      %dma_start3A_46 = tpu.memref_slice %arg3[%mul3A_24, %dma_start3A_45] : memref<5120x128xi32, #tpu.memory_space<hbm>> -> memref<16x128xi32, #tpu.memory_space<hbm>>
      %dma_start3A_47 = arith.constant 0 : i32
      %dma_start3A_48 = tpu.memref_slice %arg3[%mul3A_24, %dma_start3A_47] : memref<5120x128xi32, #tpu.memory_space<hbm>> -> memref<16x128xi32, #tpu.memory_space<hbm>>
      tpu.enqueue_dma source(%dma_start3A_48 : memref<16x128xi32, #tpu.memory_space<hbm>>) target(%arg5 : memref<16x128xi32, #tpu.memory_space<vmem>>) target_semaphore(%run_scoped3A : memref<!tpu.dma_semaphore, #tpu.memory_space<semaphore_mem>>)
      %dma_wait3A = arith.constant 0 : i32
      %dma_wait3A_49 = tpu.memref_slice %arg3[%mul3A_24, %dma_wait3A] : memref<5120x128xi32, #tpu.memory_space<hbm>> -> memref<16x128xi32, #tpu.memory_space<hbm>>
      %dma_wait3A_50 = arith.constant 0 : i32
      %dma_wait3A_51 = tpu.memref_slice %arg3[%mul3A_24, %dma_wait3A_50] : memref<5120x128xi32, #tpu.memory_space<hbm>> -> memref<16x128xi32, #tpu.memory_space<hbm>>
      tpu.wait_dma2 semaphore(%run_scoped3A : memref<!tpu.dma_semaphore, #tpu.memory_space<semaphore_mem>>) src(%dma_wait3A_51 : memref<16x128xi32, #tpu.memory_space<hbm>>) dst(%arg5 : memref<16x128xi32, #tpu.memory_space<vmem>>)
      tpu.yield
    }) : () -> ()
    %dma_start3A = arith.constant 0 : i32
    %dma_start3A_25 = arith.constant 0 : i32
    %dma_start3A_26 = tpu.memref_slice %arg5[%dma_start3A, %dma_start3A_25] : memref<16x128xi32, #tpu.memory_space<vmem>> -> memref<1x128xi32, #tpu.memory_space<vmem>>
    %dma_start3A_27 = tpu.memref_squeeze %dma_start3A_26 : memref<1x128xi32, #tpu.memory_space<vmem>> -> memref<128xi32, #tpu.memory_space<vmem>>
    %dma_start3A_28 = arith.constant 0 : i32
    %dma_start3A_29 = arith.constant 0 : i32
    %dma_start3A_30 = tpu.memref_slice %arg2[%dma_start3A_28, %dma_start3A_29] : memref<10240x48xf32, #tpu.memory_space<hbm>> -> memref<10240x48xf32, #tpu.memory_space<hbm>>
    tpu.enqueue_indirect_dma source(%dma_start3A_30 : memref<10240x48xf32, #tpu.memory_space<hbm>>) target(%arg7 : memref<128x48xf32, #tpu.memory_space<vmem>>) offsets(%dma_start3A_27 : memref<128xi32, #tpu.memory_space<vmem>>) semaphore(%arg10 : memref<!tpu.dma_semaphore, #tpu.memory_space<semaphore_mem>>)
    %dma_start3A_31 = arith.constant 1 : i32
    %dma_start3A_32 = arith.constant 0 : i32
    %dma_start3A_33 = tpu.memref_slice %arg5[%dma_start3A_31, %dma_start3A_32] : memref<16x128xi32, #tpu.memory_space<vmem>> -> memref<1x128xi32, #tpu.memory_space<vmem>>
    %dma_start3A_34 = tpu.memref_squeeze %dma_start3A_33 : memref<1x128xi32, #tpu.memory_space<vmem>> -> memref<128xi32, #tpu.memory_space<vmem>>
    %dma_start3A_35 = arith.constant 0 : i32
    %dma_start3A_36 = arith.constant 0 : i32
    %dma_start3A_37 = tpu.memref_slice %arg2[%dma_start3A_35, %dma_start3A_36] : memref<10240x48xf32, #tpu.memory_space<hbm>> -> memref<10240x48xf32, #tpu.memory_space<hbm>>
    tpu.enqueue_indirect_dma source(%dma_start3A_37 : memref<10240x48xf32, #tpu.memory_space<hbm>>) target(%arg8 : memref<128x48xf32, #tpu.memory_space<vmem>>) offsets(%dma_start3A_34 : memref<128xi32, #tpu.memory_space<vmem>>) semaphore(%arg11 : memref<!tpu.dma_semaphore, #tpu.memory_space<semaphore_mem>>)
    %scan3A_38 = arith.constant 0 : i32
    %scan3A_39 = arith.constant 0 : i32
    %scan3A_40 = arith.constant 5 : i32
    %scan3A_41 = arith.addi %scan3A_39, %scan3A_40 : i32
    %scan3A_42 = arith.constant 1 : i32
    scf.for %scan3A_45 = %scan3A_39 to %scan3A_41 step %scan3A_42  : i32 {
      %mul3A_46 = arith.constant 2 : i32
      %mul3A_47 = arith.muli %mul3A_46, %scan3A_45 : i32
      %add3A_48 = arith.constant 0 : i32
      %add3A_49 = arith.addi %mul3A_47, %add3A_48 : i32
      %mul3A_50 = arith.constant 8 : i32
      %mul3A_51 = arith.muli %add3A_49, %mul3A_50 : i32
      %add3A_52 = arith.constant 0 : i32
      %add3A_53 = arith.addi %mul3A_51, %add3A_52 : i32
      %dma_wait3A = arith.constant 0 : i32
      %dma_wait3A_54 = arith.constant 0 : i32
      %dma_wait3A_55 = tpu.memref_slice %arg5[%dma_wait3A, %dma_wait3A_54] : memref<16x128xi32, #tpu.memory_space<vmem>> -> memref<1x128xi32, #tpu.memory_space<vmem>>
      %dma_wait3A_56 = tpu.memref_squeeze %dma_wait3A_55 : memref<1x128xi32, #tpu.memory_space<vmem>> -> memref<128xi32, #tpu.memory_space<vmem>>
      %dma_wait3A_57 = arith.constant 0 : i32
      %dma_wait3A_58 = arith.constant 0 : i32
      %dma_wait3A_59 = tpu.memref_slice %arg2[%dma_wait3A_57, %dma_wait3A_58] : memref<10240x48xf32, #tpu.memory_space<hbm>> -> memref<10240x48xf32, #tpu.memory_space<hbm>>
      tpu.wait_indirect_dma semaphore(%arg10 : memref<!tpu.dma_semaphore, #tpu.memory_space<semaphore_mem>>) src(%dma_wait3A_59 : memref<10240x48xf32, #tpu.memory_space<hbm>>) dst(%arg7 : memref<128x48xf32, #tpu.memory_space<vmem>>)
      %dma_start3A_60 = arith.constant 8 : i32
      %dma_start3A_61 = arith.constant 0 : i32
      %dma_start3A_62 = tpu.memref_slice %arg5[%dma_start3A_60, %dma_start3A_61] : memref<16x128xi32, #tpu.memory_space<vmem>> -> memref<1x128xi32, #tpu.memory_space<vmem>>
      %dma_start3A_63 = tpu.memref_squeeze %dma_start3A_62 : memref<1x128xi32, #tpu.memory_space<vmem>> -> memref<128xi32, #tpu.memory_space<vmem>>
      %dma_start3A_64 = arith.constant 0 : i32
      %dma_start3A_65 = arith.constant 0 : i32
      %dma_start3A_66 = tpu.memref_slice %arg9[%dma_start3A_64, %dma_start3A_65] : memref<10240x48xf32, #tpu.memory_space<vmem_shared>> -> memref<10240x48xf32, #tpu.memory_space<vmem_shared>>
      tpu.enqueue_indirect_dma source(%arg7 : memref<128x48xf32, #tpu.memory_space<vmem>>) target(%dma_start3A_66 : memref<10240x48xf32, #tpu.memory_space<vmem_shared>>) offsets(%dma_start3A_63 : memref<128xi32, #tpu.memory_space<vmem>>) semaphore(%arg12 : memref<!tpu.dma_semaphore, #tpu.memory_space<semaphore_mem>>) {add = true}
      %dma_wait3A_67 = arith.constant 8 : i32
      %dma_wait3A_68 = arith.constant 0 : i32
      %dma_wait3A_69 = tpu.memref_slice %arg5[%dma_wait3A_67, %dma_wait3A_68] : memref<16x128xi32, #tpu.memory_space<vmem>> -> memref<1x128xi32, #tpu.memory_space<vmem>>
      %dma_wait3A_70 = tpu.memref_squeeze %dma_wait3A_69 : memref<1x128xi32, #tpu.memory_space<vmem>> -> memref<128xi32, #tpu.memory_space<vmem>>
      %dma_wait3A_71 = arith.constant 0 : i32
      %dma_wait3A_72 = arith.constant 0 : i32
      %dma_wait3A_73 = tpu.memref_slice %arg9[%dma_wait3A_71, %dma_wait3A_72] : memref<10240x48xf32, #tpu.memory_space<vmem_shared>> -> memref<10240x48xf32, #tpu.memory_space<vmem_shared>>
      tpu.wait_indirect_dma semaphore(%arg12 : memref<!tpu.dma_semaphore, #tpu.memory_space<semaphore_mem>>) src(%arg7 : memref<128x48xf32, #tpu.memory_space<vmem>>) dst(%dma_wait3A_73 : memref<10240x48xf32, #tpu.memory_space<vmem_shared>>)
      %dma_start3A_74 = arith.constant 2 : i32
      %dma_start3A_75 = arith.constant 0 : i32
      %dma_start3A_76 = tpu.memref_slice %arg5[%dma_start3A_74, %dma_start3A_75] : memref<16x128xi32, #tpu.memory_space<vmem>> -> memref<1x128xi32, #tpu.memory_space<vmem>>
      %dma_start3A_77 = tpu.memref_squeeze %dma_start3A_76 : memref<1x128xi32, #tpu.memory_space<vmem>> -> memref<128xi32, #tpu.memory_space<vmem>>
      %dma_start3A_78 = arith.constant 0 : i32
      %dma_start3A_79 = arith.constant 0 : i32
      %dma_start3A_80 = tpu.memref_slice %arg2[%dma_start3A_78, %dma_start3A_79] : memref<10240x48xf32, #tpu.memory_space<hbm>> -> memref<10240x48xf32, #tpu.memory_space<hbm>>
      tpu.enqueue_indirect_dma source(%dma_start3A_80 : memref<10240x48xf32, #tpu.memory_space<hbm>>) target(%arg7 : memref<128x48xf32, #tpu.memory_space<vmem>>) offsets(%dma_start3A_77 : memref<128xi32, #tpu.memory_space<vmem>>) semaphore(%arg10 : memref<!tpu.dma_semaphore, #tpu.memory_space<semaphore_mem>>)
      %mul3A_81 = arith.constant 8 : i32
      %mul3A_82 = arith.muli %add3A_49, %mul3A_81 : i32
      %add3A_83 = arith.constant 1 : i32
      %add3A_84 = arith.addi %mul3A_82, %add3A_83 : i32
      %dma_wait3A_85 = arith.constant 1 : i32
      %dma_wait3A_86 = arith.constant 0 : i32
      %dma_wait3A_87 = tpu.memref_slice %arg5[%dma_wait3A_85, %dma_wait3A_86] : memref<16x128xi32, #tpu.memory_space<vmem>> -> memref<1x128xi32, #tpu.memory_space<vmem>>
      %dma_wait3A_88 = tpu.memref_squeeze %dma_wait3A_87 : memref<1x128xi32, #tpu.memory_space<vmem>> -> memref<128xi32, #tpu.memory_space<vmem>>
      %dma_wait3A_89 = arith.constant 0 : i32
      %dma_wait3A_90 = arith.constant 0 : i32
      %dma_wait3A_91 = tpu.memref_slice %arg2[%dma_wait3A_89, %dma_wait3A_90] : memref<10240x48xf32, #tpu.memory_space<hbm>> -> memref<10240x48xf32, #tpu.memory_space<hbm>>
      tpu.wait_indirect_dma semaphore(%arg11 : memref<!tpu.dma_semaphore, #tpu.memory_space<semaphore_mem>>) src(%dma_wait3A_91 : memref<10240x48xf32, #tpu.memory_space<hbm>>) dst(%arg8 : memref<128x48xf32, #tpu.memory_space<vmem>>)
      %dma_start3A_92 = arith.constant 9 : i32
      %dma_start3A_93 = arith.constant 0 : i32
      %dma_start3A_94 = tpu.memref_slice %arg5[%dma_start3A_92, %dma_start3A_93] : memref<16x128xi32, #tpu.memory_space<vmem>> -> memref<1x128xi32, #tpu.memory_space<vmem>>
      %dma_start3A_95 = tpu.memref_squeeze %dma_start3A_94 : memref<1x128xi32, #tpu.memory_space<vmem>> -> memref<128xi32, #tpu.memory_space<vmem>>
      %dma_start3A_96 = arith.constant 0 : i32
      %dma_start3A_97 = arith.constant 0 : i32
      %dma_start3A_98 = tpu.memref_slice %arg9[%dma_start3A_96, %dma_start3A_97] : memref<10240x48xf32, #tpu.memory_space<vmem_shared>> -> memref<10240x48xf32, #tpu.memory_space<vmem_shared>>
      tpu.enqueue_indirect_dma source(%arg8 : memref<128x48xf32, #tpu.memory_space<vmem>>) target(%dma_start3A_98 : memref<10240x48xf32, #tpu.memory_space<vmem_shared>>) offsets(%dma_start3A_95 : memref<128xi32, #tpu.memory_space<vmem>>) semaphore(%arg13 : memref<!tpu.dma_semaphore, #tpu.memory_space<semaphore_mem>>) {add = true}
      %dma_wait3A_99 = arith.constant 9 : i32
      %dma_wait3A_100 = arith.constant 0 : i32
      %dma_wait3A_101 = tpu.memref_slice %arg5[%dma_wait3A_99, %dma_wait3A_100] : memref<16x128xi32, #tpu.memory_space<vmem>> -> memref<1x128xi32, #tpu.memory_space<vmem>>
      %dma_wait3A_102 = tpu.memref_squeeze %dma_wait3A_101 : memref<1x128xi32, #tpu.memory_space<vmem>> -> memref<128xi32, #tpu.memory_space<vmem>>
      %dma_wait3A_103 = arith.constant 0 : i32
      %dma_wait3A_104 = arith.constant 0 : i32
      %dma_wait3A_105 = tpu.memref_slice %arg9[%dma_wait3A_103, %dma_wait3A_104] : memref<10240x48xf32, #tpu.memory_space<vmem_shared>> -> memref<10240x48xf32, #tpu.memory_space<vmem_shared>>
      tpu.wait_indirect_dma semaphore(%arg13 : memref<!tpu.dma_semaphore, #tpu.memory_space<semaphore_mem>>) src(%arg8 : memref<128x48xf32, #tpu.memory_space<vmem>>) dst(%dma_wait3A_105 : memref<10240x48xf32, #tpu.memory_space<vmem_shared>>)
      %dma_start3A_106 = arith.constant 3 : i32
      %dma_start3A_107 = arith.constant 0 : i32
      %dma_start3A_108 = tpu.memref_slice %arg5[%dma_start3A_106, %dma_start3A_107] : memref<16x128xi32, #tpu.memory_space<vmem>> -> memref<1x128xi32, #tpu.memory_space<vmem>>
      %dma_start3A_109 = tpu.memref_squeeze %dma_start3A_108 : memref<1x128xi32, #tpu.memory_space<vmem>> -> memref<128xi32, #tpu.memory_space<vmem>>
      %dma_start3A_110 = arith.constant 0 : i32
      %dma_start3A_111 = arith.constant 0 : i32
      %dma_start3A_112 = tpu.memref_slice %arg2[%dma_start3A_110, %dma_start3A_111] : memref<10240x48xf32, #tpu.memory_space<hbm>> -> memref<10240x48xf32, #tpu.memory_space<hbm>>
      tpu.enqueue_indirect_dma source(%dma_start3A_112 : memref<10240x48xf32, #tpu.memory_space<hbm>>) target(%arg8 : memref<128x48xf32, #tpu.memory_space<vmem>>) offsets(%dma_start3A_109 : memref<128xi32, #tpu.memory_space<vmem>>) semaphore(%arg11 : memref<!tpu.dma_semaphore, #tpu.memory_space<semaphore_mem>>)
      %mul3A_113 = arith.constant 8 : i32
      %mul3A_114 = arith.muli %add3A_49, %mul3A_113 : i32
      %add3A_115 = arith.constant 2 : i32
      %add3A_116 = arith.addi %mul3A_114, %add3A_115 : i32
      %dma_wait3A_117 = arith.constant 2 : i32
      %dma_wait3A_118 = arith.constant 0 : i32
      %dma_wait3A_119 = tpu.memref_slice %arg5[%dma_wait3A_117, %dma_wait3A_118] : memref<16x128xi32, #tpu.memory_space<vmem>> -> memref<1x128xi32, #tpu.memory_space<vmem>>
      %dma_wait3A_120 = tpu.memref_squeeze %dma_wait3A_119 : memref<1x128xi32, #tpu.memory_space<vmem>> -> memref<128xi32, #tpu.memory_space<vmem>>
      %dma_wait3A_121 = arith.constant 0 : i32
      %dma_wait3A_122 = arith.constant 0 : i32
      %dma_wait3A_123 = tpu.memref_slice %arg2[%dma_wait3A_121, %dma_wait3A_122] : memref<10240x48xf32, #tpu.memory_space<hbm>> -> memref<10240x48xf32, #tpu.memory_space<hbm>>
      tpu.wait_indirect_dma semaphore(%arg10 : memref<!tpu.dma_semaphore, #tpu.memory_space<semaphore_mem>>) src(%dma_wait3A_123 : memref<10240x48xf32, #tpu.memory_space<hbm>>) dst(%arg7 : memref<128x48xf32, #tpu.memory_space<vmem>>)
      %dma_start3A_124 = arith.constant 10 : i32
      %dma_start3A_125 = arith.constant 0 : i32
      %dma_start3A_126 = tpu.memref_slice %arg5[%dma_start3A_124, %dma_start3A_125] : memref<16x128xi32, #tpu.memory_space<vmem>> -> memref<1x128xi32, #tpu.memory_space<vmem>>
      %dma_start3A_127 = tpu.memref_squeeze %dma_start3A_126 : memref<1x128xi32, #tpu.memory_space<vmem>> -> memref<128xi32, #tpu.memory_space<vmem>>
      %dma_start3A_128 = arith.constant 0 : i32
      %dma_start3A_129 = arith.constant 0 : i32
      %dma_start3A_130 = tpu.memref_slice %arg9[%dma_start3A_128, %dma_start3A_129] : memref<10240x48xf32, #tpu.memory_space<vmem_shared>> -> memref<10240x48xf32, #tpu.memory_space<vmem_shared>>
      tpu.enqueue_indirect_dma source(%arg7 : memref<128x48xf32, #tpu.memory_space<vmem>>) target(%dma_start3A_130 : memref<10240x48xf32, #tpu.memory_space<vmem_shared>>) offsets(%dma_start3A_127 : memref<128xi32, #tpu.memory_space<vmem>>) semaphore(%arg12 : memref<!tpu.dma_semaphore, #tpu.memory_space<semaphore_mem>>) {add = true}
      %add3A_131 = arith.constant 1 : i32
      %add3A_132 = arith.addi %add3A_49, %add3A_131 : i32
      %lt3A = arith.constant 10 : i32
      %lt3A_133 = arith.cmpi slt, %add3A_132, %lt3A : i32
      %convert_element_type3A = arith.extui %lt3A_133 : i1 to i32
      %cond3A = arith.constant 0 : i32
      %cond3A_134 = arith.cmpi ne, %convert_element_type3A, %cond3A : i32
      scf.if %cond3A_134 {
        %add3A_576 = arith.constant 1 : i32
        %add3A_577 = arith.addi %add3A_49, %add3A_576 : i32
        %mul3A_578 = arith.constant 2 : i32
        %mul3A_579 = arith.muli %add3A_577, %mul3A_578 : i32
        %mul3A_580 = arith.constant 8 : i32
        %mul3A_581 = arith.muli %mul3A_579, %mul3A_580 : i32
        %add3A_582 = arith.addi %mul3A_24, %mul3A_581 : i32
        %dma_start3A_583 = arith.constant 0 : i32
        %dma_start3A_584 = tpu.memref_slice %arg3[%add3A_582, %dma_start3A_583] : memref<5120x128xi32, #tpu.memory_space<hbm>> -> memref<16x128xi32, #tpu.memory_space<hbm>>
        %dma_start3A_585 = arith.constant 0 : i32
        %dma_start3A_586 = tpu.memref_slice %arg3[%add3A_582, %dma_start3A_585] : memref<5120x128xi32, #tpu.memory_space<hbm>> -> memref<16x128xi32, #tpu.memory_space<hbm>>
        tpu.enqueue_dma source(%dma_start3A_586 : memref<16x128xi32, #tpu.memory_space<hbm>>) target(%arg6 : memref<16x128xi32, #tpu.memory_space<vmem>>) target_semaphore(%arg15 : memref<!tpu.dma_semaphore, #tpu.memory_space<semaphore_mem>>)
      } else {
      }
      %dma_wait3A_135 = arith.constant 10 : i32
      %dma_wait3A_136 = arith.constant 0 : i32
      %dma_wait3A_137 = tpu.memref_slice %arg5[%dma_wait3A_135, %dma_wait3A_136] : memref<16x128xi32, #tpu.memory_space<vmem>> -> memref<1x128xi32, #tpu.memory_space<vmem>>
      %dma_wait3A_138 = tpu.memref_squeeze %dma_wait3A_137 : memref<1x128xi32, #tpu.memory_space<vmem>> -> memref<128xi32, #tpu.memory_space<vmem>>
      %dma_wait3A_139 = arith.constant 0 : i32
      %dma_wait3A_140 = arith.constant 0 : i32
      %dma_wait3A_141 = tpu.memref_slice %arg9[%dma_wait3A_139, %dma_wait3A_140] : memref<10240x48xf32, #tpu.memory_space<vmem_shared>> -> memref<10240x48xf32, #tpu.memory_space<vmem_shared>>
      tpu.wait_indirect_dma semaphore(%arg12 : memref<!tpu.dma_semaphore, #tpu.memory_space<semaphore_mem>>) src(%arg7 : memref<128x48xf32, #tpu.memory_space<vmem>>) dst(%dma_wait3A_141 : memref<10240x48xf32, #tpu.memory_space<vmem_shared>>)
      %dma_start3A_142 = arith.constant 4 : i32
      %dma_start3A_143 = arith.constant 0 : i32
      %dma_start3A_144 = tpu.memref_slice %arg5[%dma_start3A_142, %dma_start3A_143] : memref<16x128xi32, #tpu.memory_space<vmem>> -> memref<1x128xi32, #tpu.memory_space<vmem>>
      %dma_start3A_145 = tpu.memref_squeeze %dma_start3A_144 : memref<1x128xi32, #tpu.memory_space<vmem>> -> memref<128xi32, #tpu.memory_space<vmem>>
      %dma_start3A_146 = arith.constant 0 : i32
      %dma_start3A_147 = arith.constant 0 : i32
      %dma_start3A_148 = tpu.memref_slice %arg2[%dma_start3A_146, %dma_start3A_147] : memref<10240x48xf32, #tpu.memory_space<hbm>> -> memref<10240x48xf32, #tpu.memory_space<hbm>>
      tpu.enqueue_indirect_dma source(%dma_start3A_148 : memref<10240x48xf32, #tpu.memory_space<hbm>>) target(%arg7 : memref<128x48xf32, #tpu.memory_space<vmem>>) offsets(%dma_start3A_145 : memref<128xi32, #tpu.memory_space<vmem>>) semaphore(%arg10 : memref<!tpu.dma_semaphore, #tpu.memory_space<semaphore_mem>>)
      %mul3A_149 = arith.constant 8 : i32
      %mul3A_150 = arith.muli %add3A_49, %mul3A_149 : i32
      %add3A_151 = arith.constant 3 : i32
      %add3A_152 = arith.addi %mul3A_150, %add3A_151 : i32
      %dma_wait3A_153 = arith.constant 3 : i32
      %dma_wait3A_154 = arith.constant 0 : i32
      %dma_wait3A_155 = tpu.memref_slice %arg5[%dma_wait3A_153, %dma_wait3A_154] : memref<16x128xi32, #tpu.memory_space<vmem>> -> memref<1x128xi32, #tpu.memory_space<vmem>>
      %dma_wait3A_156 = tpu.memref_squeeze %dma_wait3A_155 : memref<1x128xi32, #tpu.memory_space<vmem>> -> memref<128xi32, #tpu.memory_space<vmem>>
      %dma_wait3A_157 = arith.constant 0 : i32
      %dma_wait3A_158 = arith.constant 0 : i32
      %dma_wait3A_159 = tpu.memref_slice %arg2[%dma_wait3A_157, %dma_wait3A_158] : memref<10240x48xf32, #tpu.memory_space<hbm>> -> memref<10240x48xf32, #tpu.memory_space<hbm>>
      tpu.wait_indirect_dma semaphore(%arg11 : memref<!tpu.dma_semaphore, #tpu.memory_space<semaphore_mem>>) src(%dma_wait3A_159 : memref<10240x48xf32, #tpu.memory_space<hbm>>) dst(%arg8 : memref<128x48xf32, #tpu.memory_space<vmem>>)
      %dma_start3A_160 = arith.constant 11 : i32
      %dma_start3A_161 = arith.constant 0 : i32
      %dma_start3A_162 = tpu.memref_slice %arg5[%dma_start3A_160, %dma_start3A_161] : memref<16x128xi32, #tpu.memory_space<vmem>> -> memref<1x128xi32, #tpu.memory_space<vmem>>
      %dma_start3A_163 = tpu.memref_squeeze %dma_start3A_162 : memref<1x128xi32, #tpu.memory_space<vmem>> -> memref<128xi32, #tpu.memory_space<vmem>>
      %dma_start3A_164 = arith.constant 0 : i32
      %dma_start3A_165 = arith.constant 0 : i32
      %dma_start3A_166 = tpu.memref_slice %arg9[%dma_start3A_164, %dma_start3A_165] : memref<10240x48xf32, #tpu.memory_space<vmem_shared>> -> memref<10240x48xf32, #tpu.memory_space<vmem_shared>>
      tpu.enqueue_indirect_dma source(%arg8 : memref<128x48xf32, #tpu.memory_space<vmem>>) target(%dma_start3A_166 : memref<10240x48xf32, #tpu.memory_space<vmem_shared>>) offsets(%dma_start3A_163 : memref<128xi32, #tpu.memory_space<vmem>>) semaphore(%arg13 : memref<!tpu.dma_semaphore, #tpu.memory_space<semaphore_mem>>) {add = true}
      %dma_wait3A_167 = arith.constant 11 : i32
      %dma_wait3A_168 = arith.constant 0 : i32
      %dma_wait3A_169 = tpu.memref_slice %arg5[%dma_wait3A_167, %dma_wait3A_168] : memref<16x128xi32, #tpu.memory_space<vmem>> -> memref<1x128xi32, #tpu.memory_space<vmem>>
      %dma_wait3A_170 = tpu.memref_squeeze %dma_wait3A_169 : memref<1x128xi32, #tpu.memory_space<vmem>> -> memref<128xi32, #tpu.memory_space<vmem>>
      %dma_wait3A_171 = arith.constant 0 : i32
      %dma_wait3A_172 = arith.constant 0 : i32
      %dma_wait3A_173 = tpu.memref_slice %arg9[%dma_wait3A_171, %dma_wait3A_172] : memref<10240x48xf32, #tpu.memory_space<vmem_shared>> -> memref<10240x48xf32, #tpu.memory_space<vmem_shared>>
      tpu.wait_indirect_dma semaphore(%arg13 : memref<!tpu.dma_semaphore, #tpu.memory_space<semaphore_mem>>) src(%arg8 : memref<128x48xf32, #tpu.memory_space<vmem>>) dst(%dma_wait3A_173 : memref<10240x48xf32, #tpu.memory_space<vmem_shared>>)
      %dma_start3A_174 = arith.constant 5 : i32
      %dma_start3A_175 = arith.constant 0 : i32
      %dma_start3A_176 = tpu.memref_slice %arg5[%dma_start3A_174, %dma_start3A_175] : memref<16x128xi32, #tpu.memory_space<vmem>> -> memref<1x128xi32, #tpu.memory_space<vmem>>
      %dma_start3A_177 = tpu.memref_squeeze %dma_start3A_176 : memref<1x128xi32, #tpu.memory_space<vmem>> -> memref<128xi32, #tpu.memory_space<vmem>>
      %dma_start3A_178 = arith.constant 0 : i32
      %dma_start3A_179 = arith.constant 0 : i32
      %dma_start3A_180 = tpu.memref_slice %arg2[%dma_start3A_178, %dma_start3A_179] : memref<10240x48xf32, #tpu.memory_space<hbm>> -> memref<10240x48xf32, #tpu.memory_space<hbm>>
      tpu.enqueue_indirect_dma source(%dma_start3A_180 : memref<10240x48xf32, #tpu.memory_space<hbm>>) target(%arg8 : memref<128x48xf32, #tpu.memory_space<vmem>>) offsets(%dma_start3A_177 : memref<128xi32, #tpu.memory_space<vmem>>) semaphore(%arg11 : memref<!tpu.dma_semaphore, #tpu.memory_space<semaphore_mem>>)
      %mul3A_181 = arith.constant 8 : i32
      %mul3A_182 = arith.muli %add3A_49, %mul3A_181 : i32
      %add3A_183 = arith.constant 4 : i32
      %add3A_184 = arith.addi %mul3A_182, %add3A_183 : i32
      %dma_wait3A_185 = arith.constant 4 : i32
      %dma_wait3A_186 = arith.constant 0 : i32
      %dma_wait3A_187 = tpu.memref_slice %arg5[%dma_wait3A_185, %dma_wait3A_186] : memref<16x128xi32, #tpu.memory_space<vmem>> -> memref<1x128xi32, #tpu.memory_space<vmem>>
      %dma_wait3A_188 = tpu.memref_squeeze %dma_wait3A_187 : memref<1x128xi32, #tpu.memory_space<vmem>> -> memref<128xi32, #tpu.memory_space<vmem>>
      %dma_wait3A_189 = arith.constant 0 : i32
      %dma_wait3A_190 = arith.constant 0 : i32
      %dma_wait3A_191 = tpu.memref_slice %arg2[%dma_wait3A_189, %dma_wait3A_190] : memref<10240x48xf32, #tpu.memory_space<hbm>> -> memref<10240x48xf32, #tpu.memory_space<hbm>>
      tpu.wait_indirect_dma semaphore(%arg10 : memref<!tpu.dma_semaphore, #tpu.memory_space<semaphore_mem>>) src(%dma_wait3A_191 : memref<10240x48xf32, #tpu.memory_space<hbm>>) dst(%arg7 : memref<128x48xf32, #tpu.memory_space<vmem>>)
      %dma_start3A_192 = arith.constant 12 : i32
      %dma_start3A_193 = arith.constant 0 : i32
      %dma_start3A_194 = tpu.memref_slice %arg5[%dma_start3A_192, %dma_start3A_193] : memref<16x128xi32, #tpu.memory_space<vmem>> -> memref<1x128xi32, #tpu.memory_space<vmem>>
      %dma_start3A_195 = tpu.memref_squeeze %dma_start3A_194 : memref<1x128xi32, #tpu.memory_space<vmem>> -> memref<128xi32, #tpu.memory_space<vmem>>
      %dma_start3A_196 = arith.constant 0 : i32
      %dma_start3A_197 = arith.constant 0 : i32
      %dma_start3A_198 = tpu.memref_slice %arg9[%dma_start3A_196, %dma_start3A_197] : memref<10240x48xf32, #tpu.memory_space<vmem_shared>> -> memref<10240x48xf32, #tpu.memory_space<vmem_shared>>
      tpu.enqueue_indirect_dma source(%arg7 : memref<128x48xf32, #tpu.memory_space<vmem>>) target(%dma_start3A_198 : memref<10240x48xf32, #tpu.memory_space<vmem_shared>>) offsets(%dma_start3A_195 : memref<128xi32, #tpu.memory_space<vmem>>) semaphore(%arg12 : memref<!tpu.dma_semaphore, #tpu.memory_space<semaphore_mem>>) {add = true}
      %dma_wait3A_199 = arith.constant 12 : i32
      %dma_wait3A_200 = arith.constant 0 : i32
      %dma_wait3A_201 = tpu.memref_slice %arg5[%dma_wait3A_199, %dma_wait3A_200] : memref<16x128xi32, #tpu.memory_space<vmem>> -> memref<1x128xi32, #tpu.memory_space<vmem>>
      %dma_wait3A_202 = tpu.memref_squeeze %dma_wait3A_201 : memref<1x128xi32, #tpu.memory_space<vmem>> -> memref<128xi32, #tpu.memory_space<vmem>>
      %dma_wait3A_203 = arith.constant 0 : i32
      %dma_wait3A_204 = arith.constant 0 : i32
      %dma_wait3A_205 = tpu.memref_slice %arg9[%dma_wait3A_203, %dma_wait3A_204] : memref<10240x48xf32, #tpu.memory_space<vmem_shared>> -> memref<10240x48xf32, #tpu.memory_space<vmem_shared>>
      tpu.wait_indirect_dma semaphore(%arg12 : memref<!tpu.dma_semaphore, #tpu.memory_space<semaphore_mem>>) src(%arg7 : memref<128x48xf32, #tpu.memory_space<vmem>>) dst(%dma_wait3A_205 : memref<10240x48xf32, #tpu.memory_space<vmem_shared>>)
      %dma_start3A_206 = arith.constant 6 : i32
      %dma_start3A_207 = arith.constant 0 : i32
      %dma_start3A_208 = tpu.memref_slice %arg5[%dma_start3A_206, %dma_start3A_207] : memref<16x128xi32, #tpu.memory_space<vmem>> -> memref<1x128xi32, #tpu.memory_space<vmem>>
      %dma_start3A_209 = tpu.memref_squeeze %dma_start3A_208 : memref<1x128xi32, #tpu.memory_space<vmem>> -> memref<128xi32, #tpu.memory_space<vmem>>
      %dma_start3A_210 = arith.constant 0 : i32
      %dma_start3A_211 = arith.constant 0 : i32
      %dma_start3A_212 = tpu.memref_slice %arg2[%dma_start3A_210, %dma_start3A_211] : memref<10240x48xf32, #tpu.memory_space<hbm>> -> memref<10240x48xf32, #tpu.memory_space<hbm>>
      tpu.enqueue_indirect_dma source(%dma_start3A_212 : memref<10240x48xf32, #tpu.memory_space<hbm>>) target(%arg7 : memref<128x48xf32, #tpu.memory_space<vmem>>) offsets(%dma_start3A_209 : memref<128xi32, #tpu.memory_space<vmem>>) semaphore(%arg10 : memref<!tpu.dma_semaphore, #tpu.memory_space<semaphore_mem>>)
      %mul3A_213 = arith.constant 8 : i32
      %mul3A_214 = arith.muli %add3A_49, %mul3A_213 : i32
      %add3A_215 = arith.constant 5 : i32
      %add3A_216 = arith.addi %mul3A_214, %add3A_215 : i32
      %dma_wait3A_217 = arith.constant 5 : i32
      %dma_wait3A_218 = arith.constant 0 : i32
      %dma_wait3A_219 = tpu.memref_slice %arg5[%dma_wait3A_217, %dma_wait3A_218] : memref<16x128xi32, #tpu.memory_space<vmem>> -> memref<1x128xi32, #tpu.memory_space<vmem>>
      %dma_wait3A_220 = tpu.memref_squeeze %dma_wait3A_219 : memref<1x128xi32, #tpu.memory_space<vmem>> -> memref<128xi32, #tpu.memory_space<vmem>>
      %dma_wait3A_221 = arith.constant 0 : i32
      %dma_wait3A_222 = arith.constant 0 : i32
      %dma_wait3A_223 = tpu.memref_slice %arg2[%dma_wait3A_221, %dma_wait3A_222] : memref<10240x48xf32, #tpu.memory_space<hbm>> -> memref<10240x48xf32, #tpu.memory_space<hbm>>
      tpu.wait_indirect_dma semaphore(%arg11 : memref<!tpu.dma_semaphore, #tpu.memory_space<semaphore_mem>>) src(%dma_wait3A_223 : memref<10240x48xf32, #tpu.memory_space<hbm>>) dst(%arg8 : memref<128x48xf32, #tpu.memory_space<vmem>>)
      %dma_start3A_224 = arith.constant 13 : i32
      %dma_start3A_225 = arith.constant 0 : i32
      %dma_start3A_226 = tpu.memref_slice %arg5[%dma_start3A_224, %dma_start3A_225] : memref<16x128xi32, #tpu.memory_space<vmem>> -> memref<1x128xi32, #tpu.memory_space<vmem>>
      %dma_start3A_227 = tpu.memref_squeeze %dma_start3A_226 : memref<1x128xi32, #tpu.memory_space<vmem>> -> memref<128xi32, #tpu.memory_space<vmem>>
      %dma_start3A_228 = arith.constant 0 : i32
      %dma_start3A_229 = arith.constant 0 : i32
      %dma_start3A_230 = tpu.memref_slice %arg9[%dma_start3A_228, %dma_start3A_229] : memref<10240x48xf32, #tpu.memory_space<vmem_shared>> -> memref<10240x48xf32, #tpu.memory_space<vmem_shared>>
      tpu.enqueue_indirect_dma source(%arg8 : memref<128x48xf32, #tpu.memory_space<vmem>>) target(%dma_start3A_230 : memref<10240x48xf32, #tpu.memory_space<vmem_shared>>) offsets(%dma_start3A_227 : memref<128xi32, #tpu.memory_space<vmem>>) semaphore(%arg13 : memref<!tpu.dma_semaphore, #tpu.memory_space<semaphore_mem>>) {add = true}
      %dma_wait3A_231 = arith.constant 13 : i32
      %dma_wait3A_232 = arith.constant 0 : i32
      %dma_wait3A_233 = tpu.memref_slice %arg5[%dma_wait3A_231, %dma_wait3A_232] : memref<16x128xi32, #tpu.memory_space<vmem>> -> memref<1x128xi32, #tpu.memory_space<vmem>>
      %dma_wait3A_234 = tpu.memref_squeeze %dma_wait3A_233 : memref<1x128xi32, #tpu.memory_space<vmem>> -> memref<128xi32, #tpu.memory_space<vmem>>
      %dma_wait3A_235 = arith.constant 0 : i32
      %dma_wait3A_236 = arith.constant 0 : i32
      %dma_wait3A_237 = tpu.memref_slice %arg9[%dma_wait3A_235, %dma_wait3A_236] : memref<10240x48xf32, #tpu.memory_space<vmem_shared>> -> memref<10240x48xf32, #tpu.memory_space<vmem_shared>>
      tpu.wait_indirect_dma semaphore(%arg13 : memref<!tpu.dma_semaphore, #tpu.memory_space<semaphore_mem>>) src(%arg8 : memref<128x48xf32, #tpu.memory_space<vmem>>) dst(%dma_wait3A_237 : memref<10240x48xf32, #tpu.memory_space<vmem_shared>>)
      %dma_start3A_238 = arith.constant 7 : i32
      %dma_start3A_239 = arith.constant 0 : i32
      %dma_start3A_240 = tpu.memref_slice %arg5[%dma_start3A_238, %dma_start3A_239] : memref<16x128xi32, #tpu.memory_space<vmem>> -> memref<1x128xi32, #tpu.memory_space<vmem>>
      %dma_start3A_241 = tpu.memref_squeeze %dma_start3A_240 : memref<1x128xi32, #tpu.memory_space<vmem>> -> memref<128xi32, #tpu.memory_space<vmem>>
      %dma_start3A_242 = arith.constant 0 : i32
      %dma_start3A_243 = arith.constant 0 : i32
      %dma_start3A_244 = tpu.memref_slice %arg2[%dma_start3A_242, %dma_start3A_243] : memref<10240x48xf32, #tpu.memory_space<hbm>> -> memref<10240x48xf32, #tpu.memory_space<hbm>>
      tpu.enqueue_indirect_dma source(%dma_start3A_244 : memref<10240x48xf32, #tpu.memory_space<hbm>>) target(%arg8 : memref<128x48xf32, #tpu.memory_space<vmem>>) offsets(%dma_start3A_241 : memref<128xi32, #tpu.memory_space<vmem>>) semaphore(%arg11 : memref<!tpu.dma_semaphore, #tpu.memory_space<semaphore_mem>>)
      %mul3A_245 = arith.constant 8 : i32
      %mul3A_246 = arith.muli %add3A_49, %mul3A_245 : i32
      %add3A_247 = arith.constant 6 : i32
      %add3A_248 = arith.addi %mul3A_246, %add3A_247 : i32
      %dma_wait3A_249 = arith.constant 6 : i32
      %dma_wait3A_250 = arith.constant 0 : i32
      %dma_wait3A_251 = tpu.memref_slice %arg5[%dma_wait3A_249, %dma_wait3A_250] : memref<16x128xi32, #tpu.memory_space<vmem>> -> memref<1x128xi32, #tpu.memory_space<vmem>>
      %dma_wait3A_252 = tpu.memref_squeeze %dma_wait3A_251 : memref<1x128xi32, #tpu.memory_space<vmem>> -> memref<128xi32, #tpu.memory_space<vmem>>
      %dma_wait3A_253 = arith.constant 0 : i32
      %dma_wait3A_254 = arith.constant 0 : i32
      %dma_wait3A_255 = tpu.memref_slice %arg2[%dma_wait3A_253, %dma_wait3A_254] : memref<10240x48xf32, #tpu.memory_space<hbm>> -> memref<10240x48xf32, #tpu.memory_space<hbm>>
      tpu.wait_indirect_dma semaphore(%arg10 : memref<!tpu.dma_semaphore, #tpu.memory_space<semaphore_mem>>) src(%dma_wait3A_255 : memref<10240x48xf32, #tpu.memory_space<hbm>>) dst(%arg7 : memref<128x48xf32, #tpu.memory_space<vmem>>)
      %dma_start3A_256 = arith.constant 14 : i32
      %dma_start3A_257 = arith.constant 0 : i32
      %dma_start3A_258 = tpu.memref_slice %arg5[%dma_start3A_256, %dma_start3A_257] : memref<16x128xi32, #tpu.memory_space<vmem>> -> memref<1x128xi32, #tpu.memory_space<vmem>>
      %dma_start3A_259 = tpu.memref_squeeze %dma_start3A_258 : memref<1x128xi32, #tpu.memory_space<vmem>> -> memref<128xi32, #tpu.memory_space<vmem>>
      %dma_start3A_260 = arith.constant 0 : i32
      %dma_start3A_261 = arith.constant 0 : i32
      %dma_start3A_262 = tpu.memref_slice %arg9[%dma_start3A_260, %dma_start3A_261] : memref<10240x48xf32, #tpu.memory_space<vmem_shared>> -> memref<10240x48xf32, #tpu.memory_space<vmem_shared>>
      tpu.enqueue_indirect_dma source(%arg7 : memref<128x48xf32, #tpu.memory_space<vmem>>) target(%dma_start3A_262 : memref<10240x48xf32, #tpu.memory_space<vmem_shared>>) offsets(%dma_start3A_259 : memref<128xi32, #tpu.memory_space<vmem>>) semaphore(%arg12 : memref<!tpu.dma_semaphore, #tpu.memory_space<semaphore_mem>>) {add = true}
      %dma_wait3A_263 = arith.constant 14 : i32
      %dma_wait3A_264 = arith.constant 0 : i32
      %dma_wait3A_265 = tpu.memref_slice %arg5[%dma_wait3A_263, %dma_wait3A_264] : memref<16x128xi32, #tpu.memory_space<vmem>> -> memref<1x128xi32, #tpu.memory_space<vmem>>
      %dma_wait3A_266 = tpu.memref_squeeze %dma_wait3A_265 : memref<1x128xi32, #tpu.memory_space<vmem>> -> memref<128xi32, #tpu.memory_space<vmem>>
      %dma_wait3A_267 = arith.constant 0 : i32
      %dma_wait3A_268 = arith.constant 0 : i32
      %dma_wait3A_269 = tpu.memref_slice %arg9[%dma_wait3A_267, %dma_wait3A_268] : memref<10240x48xf32, #tpu.memory_space<vmem_shared>> -> memref<10240x48xf32, #tpu.memory_space<vmem_shared>>
      tpu.wait_indirect_dma semaphore(%arg12 : memref<!tpu.dma_semaphore, #tpu.memory_space<semaphore_mem>>) src(%arg7 : memref<128x48xf32, #tpu.memory_space<vmem>>) dst(%dma_wait3A_269 : memref<10240x48xf32, #tpu.memory_space<vmem_shared>>)
      %add3A_270 = arith.constant 1 : i32
      %add3A_271 = arith.addi %add3A_49, %add3A_270 : i32
      %lt3A_272 = arith.constant 10 : i32
      %lt3A_273 = arith.cmpi slt, %add3A_271, %lt3A_272 : i32
      %convert_element_type3A_274 = arith.extui %lt3A_273 : i1 to i32
      %cond3A_275 = arith.constant 0 : i32
      %cond3A_276 = arith.cmpi ne, %convert_element_type3A_274, %cond3A_275 : i32
      scf.if %cond3A_276 {
        %dma_wait3A_576 = arith.constant 0 : i32
        %dma_wait3A_577 = tpu.memref_slice %arg3[%mul3A_24, %dma_wait3A_576] : memref<5120x128xi32, #tpu.memory_space<hbm>> -> memref<16x128xi32, #tpu.memory_space<hbm>>
        %dma_wait3A_578 = arith.constant 0 : i32
        %dma_wait3A_579 = tpu.memref_slice %arg3[%mul3A_24, %dma_wait3A_578] : memref<5120x128xi32, #tpu.memory_space<hbm>> -> memref<16x128xi32, #tpu.memory_space<hbm>>
        tpu.wait_dma2 semaphore(%arg15 : memref<!tpu.dma_semaphore, #tpu.memory_space<semaphore_mem>>) src(%dma_wait3A_579 : memref<16x128xi32, #tpu.memory_space<hbm>>) dst(%arg6 : memref<16x128xi32, #tpu.memory_space<vmem>>)
        %dma_start3A_580 = arith.constant 0 : i32
        %dma_start3A_581 = arith.constant 0 : i32
        %dma_start3A_582 = tpu.memref_slice %arg6[%dma_start3A_580, %dma_start3A_581] : memref<16x128xi32, #tpu.memory_space<vmem>> -> memref<1x128xi32, #tpu.memory_space<vmem>>
        %dma_start3A_583 = tpu.memref_squeeze %dma_start3A_582 : memref<1x128xi32, #tpu.memory_space<vmem>> -> memref<128xi32, #tpu.memory_space<vmem>>
        %dma_start3A_584 = arith.constant 0 : i32
        %dma_start3A_585 = arith.constant 0 : i32
        %dma_start3A_586 = tpu.memref_slice %arg2[%dma_start3A_584, %dma_start3A_585] : memref<10240x48xf32, #tpu.memory_space<hbm>> -> memref<10240x48xf32, #tpu.memory_space<hbm>>
        tpu.enqueue_indirect_dma source(%dma_start3A_586 : memref<10240x48xf32, #tpu.memory_space<hbm>>) target(%arg7 : memref<128x48xf32, #tpu.memory_space<vmem>>) offsets(%dma_start3A_583 : memref<128xi32, #tpu.memory_space<vmem>>) semaphore(%arg10 : memref<!tpu.dma_semaphore, #tpu.memory_space<semaphore_mem>>)
      } else {
      }
      %mul3A_277 = arith.constant 8 : i32
      %mul3A_278 = arith.muli %add3A_49, %mul3A_277 : i32
      %add3A_279 = arith.constant 7 : i32
      %add3A_280 = arith.addi %mul3A_278, %add3A_279 : i32
      %dma_wait3A_281 = arith.constant 7 : i32
      %dma_wait3A_282 = arith.constant 0 : i32
      %dma_wait3A_283 = tpu.memref_slice %arg5[%dma_wait3A_281, %dma_wait3A_282] : memref<16x128xi32, #tpu.memory_space<vmem>> -> memref<1x128xi32, #tpu.memory_space<vmem>>
      %dma_wait3A_284 = tpu.memref_squeeze %dma_wait3A_283 : memref<1x128xi32, #tpu.memory_space<vmem>> -> memref<128xi32, #tpu.memory_space<vmem>>
      %dma_wait3A_285 = arith.constant 0 : i32
      %dma_wait3A_286 = arith.constant 0 : i32
      %dma_wait3A_287 = tpu.memref_slice %arg2[%dma_wait3A_285, %dma_wait3A_286] : memref<10240x48xf32, #tpu.memory_space<hbm>> -> memref<10240x48xf32, #tpu.memory_space<hbm>>
      tpu.wait_indirect_dma semaphore(%arg11 : memref<!tpu.dma_semaphore, #tpu.memory_space<semaphore_mem>>) src(%dma_wait3A_287 : memref<10240x48xf32, #tpu.memory_space<hbm>>) dst(%arg8 : memref<128x48xf32, #tpu.memory_space<vmem>>)
      %dma_start3A_288 = arith.constant 15 : i32
      %dma_start3A_289 = arith.constant 0 : i32
      %dma_start3A_290 = tpu.memref_slice %arg5[%dma_start3A_288, %dma_start3A_289] : memref<16x128xi32, #tpu.memory_space<vmem>> -> memref<1x128xi32, #tpu.memory_space<vmem>>
      %dma_start3A_291 = tpu.memref_squeeze %dma_start3A_290 : memref<1x128xi32, #tpu.memory_space<vmem>> -> memref<128xi32, #tpu.memory_space<vmem>>
      %dma_start3A_292 = arith.constant 0 : i32
      %dma_start3A_293 = arith.constant 0 : i32
      %dma_start3A_294 = tpu.memref_slice %arg9[%dma_start3A_292, %dma_start3A_293] : memref<10240x48xf32, #tpu.memory_space<vmem_shared>> -> memref<10240x48xf32, #tpu.memory_space<vmem_shared>>
      tpu.enqueue_indirect_dma source(%arg8 : memref<128x48xf32, #tpu.memory_space<vmem>>) target(%dma_start3A_294 : memref<10240x48xf32, #tpu.memory_space<vmem_shared>>) offsets(%dma_start3A_291 : memref<128xi32, #tpu.memory_space<vmem>>) semaphore(%arg13 : memref<!tpu.dma_semaphore, #tpu.memory_space<semaphore_mem>>) {add = true}
      %dma_wait3A_295 = arith.constant 15 : i32
      %dma_wait3A_296 = arith.constant 0 : i32
      %dma_wait3A_297 = tpu.memref_slice %arg5[%dma_wait3A_295, %dma_wait3A_296] : memref<16x128xi32, #tpu.memory_space<vmem>> -> memref<1x128xi32, #tpu.memory_space<vmem>>
      %dma_wait3A_298 = tpu.memref_squeeze %dma_wait3A_297 : memref<1x128xi32, #tpu.memory_space<vmem>> -> memref<128xi32, #tpu.memory_space<vmem>>
      %dma_wait3A_299 = arith.constant 0 : i32
      %dma_wait3A_300 = arith.constant 0 : i32
      %dma_wait3A_301 = tpu.memref_slice %arg9[%dma_wait3A_299, %dma_wait3A_300] : memref<10240x48xf32, #tpu.memory_space<vmem_shared>> -> memref<10240x48xf32, #tpu.memory_space<vmem_shared>>
      tpu.wait_indirect_dma semaphore(%arg13 : memref<!tpu.dma_semaphore, #tpu.memory_space<semaphore_mem>>) src(%arg8 : memref<128x48xf32, #tpu.memory_space<vmem>>) dst(%dma_wait3A_301 : memref<10240x48xf32, #tpu.memory_space<vmem_shared>>)
      %add3A_302 = arith.constant 1 : i32
      %add3A_303 = arith.addi %add3A_49, %add3A_302 : i32
      %lt3A_304 = arith.constant 10 : i32
      %lt3A_305 = arith.cmpi slt, %add3A_303, %lt3A_304 : i32
      %convert_element_type3A_306 = arith.extui %lt3A_305 : i1 to i32
      %cond3A_307 = arith.constant 0 : i32
      %cond3A_308 = arith.cmpi ne, %convert_element_type3A_306, %cond3A_307 : i32
      scf.if %cond3A_308 {
        %dma_start3A_576 = arith.constant 1 : i32
        %dma_start3A_577 = arith.constant 0 : i32
        %dma_start3A_578 = tpu.memref_slice %arg6[%dma_start3A_576, %dma_start3A_577] : memref<16x128xi32, #tpu.memory_space<vmem>> -> memref<1x128xi32, #tpu.memory_space<vmem>>
        %dma_start3A_579 = tpu.memref_squeeze %dma_start3A_578 : memref<1x128xi32, #tpu.memory_space<vmem>> -> memref<128xi32, #tpu.memory_space<vmem>>
        %dma_start3A_580 = arith.constant 0 : i32
        %dma_start3A_581 = arith.constant 0 : i32
        %dma_start3A_582 = tpu.memref_slice %arg2[%dma_start3A_580, %dma_start3A_581] : memref<10240x48xf32, #tpu.memory_space<hbm>> -> memref<10240x48xf32, #tpu.memory_space<hbm>>
        tpu.enqueue_indirect_dma source(%dma_start3A_582 : memref<10240x48xf32, #tpu.memory_space<hbm>>) target(%arg8 : memref<128x48xf32, #tpu.memory_space<vmem>>) offsets(%dma_start3A_579 : memref<128xi32, #tpu.memory_space<vmem>>) semaphore(%arg11 : memref<!tpu.dma_semaphore, #tpu.memory_space<semaphore_mem>>)
      } else {
      }
      %mul3A_309 = arith.constant 2 : i32
      %mul3A_310 = arith.muli %mul3A_309, %scan3A_45 : i32
      %add3A_311 = arith.constant 1 : i32
      %add3A_312 = arith.addi %mul3A_310, %add3A_311 : i32
      %mul3A_313 = arith.constant 8 : i32
      %mul3A_314 = arith.muli %add3A_312, %mul3A_313 : i32
      %add3A_315 = arith.constant 0 : i32
      %add3A_316 = arith.addi %mul3A_314, %add3A_315 : i32
      %dma_wait3A_317 = arith.constant 0 : i32
      %dma_wait3A_318 = arith.constant 0 : i32
      %dma_wait3A_319 = tpu.memref_slice %arg6[%dma_wait3A_317, %dma_wait3A_318] : memref<16x128xi32, #tpu.memory_space<vmem>> -> memref<1x128xi32, #tpu.memory_space<vmem>>
      %dma_wait3A_320 = tpu.memref_squeeze %dma_wait3A_319 : memref<1x128xi32, #tpu.memory_space<vmem>> -> memref<128xi32, #tpu.memory_space<vmem>>
      %dma_wait3A_321 = arith.constant 0 : i32
      %dma_wait3A_322 = arith.constant 0 : i32
      %dma_wait3A_323 = tpu.memref_slice %arg2[%dma_wait3A_321, %dma_wait3A_322] : memref<10240x48xf32, #tpu.memory_space<hbm>> -> memref<10240x48xf32, #tpu.memory_space<hbm>>
      tpu.wait_indirect_dma semaphore(%arg10 : memref<!tpu.dma_semaphore, #tpu.memory_space<semaphore_mem>>) src(%dma_wait3A_323 : memref<10240x48xf32, #tpu.memory_space<hbm>>) dst(%arg7 : memref<128x48xf32, #tpu.memory_space<vmem>>)
      %dma_start3A_324 = arith.constant 8 : i32
      %dma_start3A_325 = arith.constant 0 : i32
      %dma_start3A_326 = tpu.memref_slice %arg6[%dma_start3A_324, %dma_start3A_325] : memref<16x128xi32, #tpu.memory_space<vmem>> -> memref<1x128xi32, #tpu.memory_space<vmem>>
      %dma_start3A_327 = tpu.memref_squeeze %dma_start3A_326 : memref<1x128xi32, #tpu.memory_space<vmem>> -> memref<128xi32, #tpu.memory_space<vmem>>
      %dma_start3A_328 = arith.constant 0 : i32
      %dma_start3A_329 = arith.constant 0 : i32
      %dma_start3A_330 = tpu.memref_slice %arg9[%dma_start3A_328, %dma_start3A_329] : memref<10240x48xf32, #tpu.memory_space<vmem_shared>> -> memref<10240x48xf32, #tpu.memory_space<vmem_shared>>
      tpu.enqueue_indirect_dma source(%arg7 : memref<128x48xf32, #tpu.memory_space<vmem>>) target(%dma_start3A_330 : memref<10240x48xf32, #tpu.memory_space<vmem_shared>>) offsets(%dma_start3A_327 : memref<128xi32, #tpu.memory_space<vmem>>) semaphore(%arg12 : memref<!tpu.dma_semaphore, #tpu.memory_space<semaphore_mem>>) {add = true}
      %dma_wait3A_331 = arith.constant 8 : i32
      %dma_wait3A_332 = arith.constant 0 : i32
      %dma_wait3A_333 = tpu.memref_slice %arg6[%dma_wait3A_331, %dma_wait3A_332] : memref<16x128xi32, #tpu.memory_space<vmem>> -> memref<1x128xi32, #tpu.memory_space<vmem>>
      %dma_wait3A_334 = tpu.memref_squeeze %dma_wait3A_333 : memref<1x128xi32, #tpu.memory_space<vmem>> -> memref<128xi32, #tpu.memory_space<vmem>>
      %dma_wait3A_335 = arith.constant 0 : i32
      %dma_wait3A_336 = arith.constant 0 : i32
      %dma_wait3A_337 = tpu.memref_slice %arg9[%dma_wait3A_335, %dma_wait3A_336] : memref<10240x48xf32, #tpu.memory_space<vmem_shared>> -> memref<10240x48xf32, #tpu.memory_space<vmem_shared>>
      tpu.wait_indirect_dma semaphore(%arg12 : memref<!tpu.dma_semaphore, #tpu.memory_space<semaphore_mem>>) src(%arg7 : memref<128x48xf32, #tpu.memory_space<vmem>>) dst(%dma_wait3A_337 : memref<10240x48xf32, #tpu.memory_space<vmem_shared>>)
      %dma_start3A_338 = arith.constant 2 : i32
      %dma_start3A_339 = arith.constant 0 : i32
      %dma_start3A_340 = tpu.memref_slice %arg6[%dma_start3A_338, %dma_start3A_339] : memref<16x128xi32, #tpu.memory_space<vmem>> -> memref<1x128xi32, #tpu.memory_space<vmem>>
      %dma_start3A_341 = tpu.memref_squeeze %dma_start3A_340 : memref<1x128xi32, #tpu.memory_space<vmem>> -> memref<128xi32, #tpu.memory_space<vmem>>
      %dma_start3A_342 = arith.constant 0 : i32
      %dma_start3A_343 = arith.constant 0 : i32
      %dma_start3A_344 = tpu.memref_slice %arg2[%dma_start3A_342, %dma_start3A_343] : memref<10240x48xf32, #tpu.memory_space<hbm>> -> memref<10240x48xf32, #tpu.memory_space<hbm>>
      tpu.enqueue_indirect_dma source(%dma_start3A_344 : memref<10240x48xf32, #tpu.memory_space<hbm>>) target(%arg7 : memref<128x48xf32, #tpu.memory_space<vmem>>) offsets(%dma_start3A_341 : memref<128xi32, #tpu.memory_space<vmem>>) semaphore(%arg10 : memref<!tpu.dma_semaphore, #tpu.memory_space<semaphore_mem>>)
      %mul3A_345 = arith.constant 8 : i32
      %mul3A_346 = arith.muli %add3A_312, %mul3A_345 : i32
      %add3A_347 = arith.constant 1 : i32
      %add3A_348 = arith.addi %mul3A_346, %add3A_347 : i32
      %dma_wait3A_349 = arith.constant 1 : i32
      %dma_wait3A_350 = arith.constant 0 : i32
      %dma_wait3A_351 = tpu.memref_slice %arg6[%dma_wait3A_349, %dma_wait3A_350] : memref<16x128xi32, #tpu.memory_space<vmem>> -> memref<1x128xi32, #tpu.memory_space<vmem>>
      %dma_wait3A_352 = tpu.memref_squeeze %dma_wait3A_351 : memref<1x128xi32, #tpu.memory_space<vmem>> -> memref<128xi32, #tpu.memory_space<vmem>>
      %dma_wait3A_353 = arith.constant 0 : i32
      %dma_wait3A_354 = arith.constant 0 : i32
      %dma_wait3A_355 = tpu.memref_slice %arg2[%dma_wait3A_353, %dma_wait3A_354] : memref<10240x48xf32, #tpu.memory_space<hbm>> -> memref<10240x48xf32, #tpu.memory_space<hbm>>
      tpu.wait_indirect_dma semaphore(%arg11 : memref<!tpu.dma_semaphore, #tpu.memory_space<semaphore_mem>>) src(%dma_wait3A_355 : memref<10240x48xf32, #tpu.memory_space<hbm>>) dst(%arg8 : memref<128x48xf32, #tpu.memory_space<vmem>>)
      %dma_start3A_356 = arith.constant 9 : i32
      %dma_start3A_357 = arith.constant 0 : i32
      %dma_start3A_358 = tpu.memref_slice %arg6[%dma_start3A_356, %dma_start3A_357] : memref<16x128xi32, #tpu.memory_space<vmem>> -> memref<1x128xi32, #tpu.memory_space<vmem>>
      %dma_start3A_359 = tpu.memref_squeeze %dma_start3A_358 : memref<1x128xi32, #tpu.memory_space<vmem>> -> memref<128xi32, #tpu.memory_space<vmem>>
      %dma_start3A_360 = arith.constant 0 : i32
      %dma_start3A_361 = arith.constant 0 : i32
      %dma_start3A_362 = tpu.memref_slice %arg9[%dma_start3A_360, %dma_start3A_361] : memref<10240x48xf32, #tpu.memory_space<vmem_shared>> -> memref<10240x48xf32, #tpu.memory_space<vmem_shared>>
      tpu.enqueue_indirect_dma source(%arg8 : memref<128x48xf32, #tpu.memory_space<vmem>>) target(%dma_start3A_362 : memref<10240x48xf32, #tpu.memory_space<vmem_shared>>) offsets(%dma_start3A_359 : memref<128xi32, #tpu.memory_space<vmem>>) semaphore(%arg13 : memref<!tpu.dma_semaphore, #tpu.memory_space<semaphore_mem>>) {add = true}
      %dma_wait3A_363 = arith.constant 9 : i32
      %dma_wait3A_364 = arith.constant 0 : i32
      %dma_wait3A_365 = tpu.memref_slice %arg6[%dma_wait3A_363, %dma_wait3A_364] : memref<16x128xi32, #tpu.memory_space<vmem>> -> memref<1x128xi32, #tpu.memory_space<vmem>>
      %dma_wait3A_366 = tpu.memref_squeeze %dma_wait3A_365 : memref<1x128xi32, #tpu.memory_space<vmem>> -> memref<128xi32, #tpu.memory_space<vmem>>
      %dma_wait3A_367 = arith.constant 0 : i32
      %dma_wait3A_368 = arith.constant 0 : i32
      %dma_wait3A_369 = tpu.memref_slice %arg9[%dma_wait3A_367, %dma_wait3A_368] : memref<10240x48xf32, #tpu.memory_space<vmem_shared>> -> memref<10240x48xf32, #tpu.memory_space<vmem_shared>>
      tpu.wait_indirect_dma semaphore(%arg13 : memref<!tpu.dma_semaphore, #tpu.memory_space<semaphore_mem>>) src(%arg8 : memref<128x48xf32, #tpu.memory_space<vmem>>) dst(%dma_wait3A_369 : memref<10240x48xf32, #tpu.memory_space<vmem_shared>>)
      %dma_start3A_370 = arith.constant 3 : i32
      %dma_start3A_371 = arith.constant 0 : i32
      %dma_start3A_372 = tpu.memref_slice %arg6[%dma_start3A_370, %dma_start3A_371] : memref<16x128xi32, #tpu.memory_space<vmem>> -> memref<1x128xi32, #tpu.memory_space<vmem>>
      %dma_start3A_373 = tpu.memref_squeeze %dma_start3A_372 : memref<1x128xi32, #tpu.memory_space<vmem>> -> memref<128xi32, #tpu.memory_space<vmem>>
      %dma_start3A_374 = arith.constant 0 : i32
      %dma_start3A_375 = arith.constant 0 : i32
      %dma_start3A_376 = tpu.memref_slice %arg2[%dma_start3A_374, %dma_start3A_375] : memref<10240x48xf32, #tpu.memory_space<hbm>> -> memref<10240x48xf32, #tpu.memory_space<hbm>>
      tpu.enqueue_indirect_dma source(%dma_start3A_376 : memref<10240x48xf32, #tpu.memory_space<hbm>>) target(%arg8 : memref<128x48xf32, #tpu.memory_space<vmem>>) offsets(%dma_start3A_373 : memref<128xi32, #tpu.memory_space<vmem>>) semaphore(%arg11 : memref<!tpu.dma_semaphore, #tpu.memory_space<semaphore_mem>>)
      %mul3A_377 = arith.constant 8 : i32
      %mul3A_378 = arith.muli %add3A_312, %mul3A_377 : i32
      %add3A_379 = arith.constant 2 : i32
      %add3A_380 = arith.addi %mul3A_378, %add3A_379 : i32
      %dma_wait3A_381 = arith.constant 2 : i32
      %dma_wait3A_382 = arith.constant 0 : i32
      %dma_wait3A_383 = tpu.memref_slice %arg6[%dma_wait3A_381, %dma_wait3A_382] : memref<16x128xi32, #tpu.memory_space<vmem>> -> memref<1x128xi32, #tpu.memory_space<vmem>>
      %dma_wait3A_384 = tpu.memref_squeeze %dma_wait3A_383 : memref<1x128xi32, #tpu.memory_space<vmem>> -> memref<128xi32, #tpu.memory_space<vmem>>
      %dma_wait3A_385 = arith.constant 0 : i32
      %dma_wait3A_386 = arith.constant 0 : i32
      %dma_wait3A_387 = tpu.memref_slice %arg2[%dma_wait3A_385, %dma_wait3A_386] : memref<10240x48xf32, #tpu.memory_space<hbm>> -> memref<10240x48xf32, #tpu.memory_space<hbm>>
      tpu.wait_indirect_dma semaphore(%arg10 : memref<!tpu.dma_semaphore, #tpu.memory_space<semaphore_mem>>) src(%dma_wait3A_387 : memref<10240x48xf32, #tpu.memory_space<hbm>>) dst(%arg7 : memref<128x48xf32, #tpu.memory_space<vmem>>)
      %dma_start3A_388 = arith.constant 10 : i32
      %dma_start3A_389 = arith.constant 0 : i32
      %dma_start3A_390 = tpu.memref_slice %arg6[%dma_start3A_388, %dma_start3A_389] : memref<16x128xi32, #tpu.memory_space<vmem>> -> memref<1x128xi32, #tpu.memory_space<vmem>>
      %dma_start3A_391 = tpu.memref_squeeze %dma_start3A_390 : memref<1x128xi32, #tpu.memory_space<vmem>> -> memref<128xi32, #tpu.memory_space<vmem>>
      %dma_start3A_392 = arith.constant 0 : i32
      %dma_start3A_393 = arith.constant 0 : i32
      %dma_start3A_394 = tpu.memref_slice %arg9[%dma_start3A_392, %dma_start3A_393] : memref<10240x48xf32, #tpu.memory_space<vmem_shared>> -> memref<10240x48xf32, #tpu.memory_space<vmem_shared>>
      tpu.enqueue_indirect_dma source(%arg7 : memref<128x48xf32, #tpu.memory_space<vmem>>) target(%dma_start3A_394 : memref<10240x48xf32, #tpu.memory_space<vmem_shared>>) offsets(%dma_start3A_391 : memref<128xi32, #tpu.memory_space<vmem>>) semaphore(%arg12 : memref<!tpu.dma_semaphore, #tpu.memory_space<semaphore_mem>>) {add = true}
      %add3A_395 = arith.constant 1 : i32
      %add3A_396 = arith.addi %add3A_312, %add3A_395 : i32
      %lt3A_397 = arith.constant 10 : i32
      %lt3A_398 = arith.cmpi slt, %add3A_396, %lt3A_397 : i32
      %convert_element_type3A_399 = arith.extui %lt3A_398 : i1 to i32
      %cond3A_400 = arith.constant 0 : i32
      %cond3A_401 = arith.cmpi ne, %convert_element_type3A_399, %cond3A_400 : i32
      scf.if %cond3A_401 {
        %add3A_576 = arith.constant 1 : i32
        %add3A_577 = arith.addi %add3A_312, %add3A_576 : i32
        %mul3A_578 = arith.constant 2 : i32
        %mul3A_579 = arith.muli %add3A_577, %mul3A_578 : i32
        %mul3A_580 = arith.constant 8 : i32
        %mul3A_581 = arith.muli %mul3A_579, %mul3A_580 : i32
        %add3A_582 = arith.addi %mul3A_24, %mul3A_581 : i32
        %dma_start3A_583 = arith.constant 0 : i32
        %dma_start3A_584 = tpu.memref_slice %arg3[%add3A_582, %dma_start3A_583] : memref<5120x128xi32, #tpu.memory_space<hbm>> -> memref<16x128xi32, #tpu.memory_space<hbm>>
        %dma_start3A_585 = arith.constant 0 : i32
        %dma_start3A_586 = tpu.memref_slice %arg3[%add3A_582, %dma_start3A_585] : memref<5120x128xi32, #tpu.memory_space<hbm>> -> memref<16x128xi32, #tpu.memory_space<hbm>>
        tpu.enqueue_dma source(%dma_start3A_586 : memref<16x128xi32, #tpu.memory_space<hbm>>) target(%arg5 : memref<16x128xi32, #tpu.memory_space<vmem>>) target_semaphore(%arg14 : memref<!tpu.dma_semaphore, #tpu.memory_space<semaphore_mem>>)
      } else {
      }
      %dma_wait3A_402 = arith.constant 10 : i32
      %dma_wait3A_403 = arith.constant 0 : i32
      %dma_wait3A_404 = tpu.memref_slice %arg6[%dma_wait3A_402, %dma_wait3A_403] : memref<16x128xi32, #tpu.memory_space<vmem>> -> memref<1x128xi32, #tpu.memory_space<vmem>>
      %dma_wait3A_405 = tpu.memref_squeeze %dma_wait3A_404 : memref<1x128xi32, #tpu.memory_space<vmem>> -> memref<128xi32, #tpu.memory_space<vmem>>
      %dma_wait3A_406 = arith.constant 0 : i32
      %dma_wait3A_407 = arith.constant 0 : i32
      %dma_wait3A_408 = tpu.memref_slice %arg9[%dma_wait3A_406, %dma_wait3A_407] : memref<10240x48xf32, #tpu.memory_space<vmem_shared>> -> memref<10240x48xf32, #tpu.memory_space<vmem_shared>>
      tpu.wait_indirect_dma semaphore(%arg12 : memref<!tpu.dma_semaphore, #tpu.memory_space<semaphore_mem>>) src(%arg7 : memref<128x48xf32, #tpu.memory_space<vmem>>) dst(%dma_wait3A_408 : memref<10240x48xf32, #tpu.memory_space<vmem_shared>>)
      %dma_start3A_409 = arith.constant 4 : i32
      %dma_start3A_410 = arith.constant 0 : i32
      %dma_start3A_411 = tpu.memref_slice %arg6[%dma_start3A_409, %dma_start3A_410] : memref<16x128xi32, #tpu.memory_space<vmem>> -> memref<1x128xi32, #tpu.memory_space<vmem>>
      %dma_start3A_412 = tpu.memref_squeeze %dma_start3A_411 : memref<1x128xi32, #tpu.memory_space<vmem>> -> memref<128xi32, #tpu.memory_space<vmem>>
      %dma_start3A_413 = arith.constant 0 : i32
      %dma_start3A_414 = arith.constant 0 : i32
      %dma_start3A_415 = tpu.memref_slice %arg2[%dma_start3A_413, %dma_start3A_414] : memref<10240x48xf32, #tpu.memory_space<hbm>> -> memref<10240x48xf32, #tpu.memory_space<hbm>>
      tpu.enqueue_indirect_dma source(%dma_start3A_415 : memref<10240x48xf32, #tpu.memory_space<hbm>>) target(%arg7 : memref<128x48xf32, #tpu.memory_space<vmem>>) offsets(%dma_start3A_412 : memref<128xi32, #tpu.memory_space<vmem>>) semaphore(%arg10 : memref<!tpu.dma_semaphore, #tpu.memory_space<semaphore_mem>>)
      %mul3A_416 = arith.constant 8 : i32
      %mul3A_417 = arith.muli %add3A_312, %mul3A_416 : i32
      %add3A_418 = arith.constant 3 : i32
      %add3A_419 = arith.addi %mul3A_417, %add3A_418 : i32
      %dma_wait3A_420 = arith.constant 3 : i32
      %dma_wait3A_421 = arith.constant 0 : i32
      %dma_wait3A_422 = tpu.memref_slice %arg6[%dma_wait3A_420, %dma_wait3A_421] : memref<16x128xi32, #tpu.memory_space<vmem>> -> memref<1x128xi32, #tpu.memory_space<vmem>>
      %dma_wait3A_423 = tpu.memref_squeeze %dma_wait3A_422 : memref<1x128xi32, #tpu.memory_space<vmem>> -> memref<128xi32, #tpu.memory_space<vmem>>
      %dma_wait3A_424 = arith.constant 0 : i32
      %dma_wait3A_425 = arith.constant 0 : i32
      %dma_wait3A_426 = tpu.memref_slice %arg2[%dma_wait3A_424, %dma_wait3A_425] : memref<10240x48xf32, #tpu.memory_space<hbm>> -> memref<10240x48xf32, #tpu.memory_space<hbm>>
      tpu.wait_indirect_dma semaphore(%arg11 : memref<!tpu.dma_semaphore, #tpu.memory_space<semaphore_mem>>) src(%dma_wait3A_426 : memref<10240x48xf32, #tpu.memory_space<hbm>>) dst(%arg8 : memref<128x48xf32, #tpu.memory_space<vmem>>)
      %dma_start3A_427 = arith.constant 11 : i32
      %dma_start3A_428 = arith.constant 0 : i32
      %dma_start3A_429 = tpu.memref_slice %arg6[%dma_start3A_427, %dma_start3A_428] : memref<16x128xi32, #tpu.memory_space<vmem>> -> memref<1x128xi32, #tpu.memory_space<vmem>>
      %dma_start3A_430 = tpu.memref_squeeze %dma_start3A_429 : memref<1x128xi32, #tpu.memory_space<vmem>> -> memref<128xi32, #tpu.memory_space<vmem>>
      %dma_start3A_431 = arith.constant 0 : i32
      %dma_start3A_432 = arith.constant 0 : i32
      %dma_start3A_433 = tpu.memref_slice %arg9[%dma_start3A_431, %dma_start3A_432] : memref<10240x48xf32, #tpu.memory_space<vmem_shared>> -> memref<10240x48xf32, #tpu.memory_space<vmem_shared>>
      tpu.enqueue_indirect_dma source(%arg8 : memref<128x48xf32, #tpu.memory_space<vmem>>) target(%dma_start3A_433 : memref<10240x48xf32, #tpu.memory_space<vmem_shared>>) offsets(%dma_start3A_430 : memref<128xi32, #tpu.memory_space<vmem>>) semaphore(%arg13 : memref<!tpu.dma_semaphore, #tpu.memory_space<semaphore_mem>>) {add = true}
      %dma_wait3A_434 = arith.constant 11 : i32
      %dma_wait3A_435 = arith.constant 0 : i32
      %dma_wait3A_436 = tpu.memref_slice %arg6[%dma_wait3A_434, %dma_wait3A_435] : memref<16x128xi32, #tpu.memory_space<vmem>> -> memref<1x128xi32, #tpu.memory_space<vmem>>
      %dma_wait3A_437 = tpu.memref_squeeze %dma_wait3A_436 : memref<1x128xi32, #tpu.memory_space<vmem>> -> memref<128xi32, #tpu.memory_space<vmem>>
      %dma_wait3A_438 = arith.constant 0 : i32
      %dma_wait3A_439 = arith.constant 0 : i32
      %dma_wait3A_440 = tpu.memref_slice %arg9[%dma_wait3A_438, %dma_wait3A_439] : memref<10240x48xf32, #tpu.memory_space<vmem_shared>> -> memref<10240x48xf32, #tpu.memory_space<vmem_shared>>
      tpu.wait_indirect_dma semaphore(%arg13 : memref<!tpu.dma_semaphore, #tpu.memory_space<semaphore_mem>>) src(%arg8 : memref<128x48xf32, #tpu.memory_space<vmem>>) dst(%dma_wait3A_440 : memref<10240x48xf32, #tpu.memory_space<vmem_shared>>)
      %dma_start3A_441 = arith.constant 5 : i32
      %dma_start3A_442 = arith.constant 0 : i32
      %dma_start3A_443 = tpu.memref_slice %arg6[%dma_start3A_441, %dma_start3A_442] : memref<16x128xi32, #tpu.memory_space<vmem>> -> memref<1x128xi32, #tpu.memory_space<vmem>>
      %dma_start3A_444 = tpu.memref_squeeze %dma_start3A_443 : memref<1x128xi32, #tpu.memory_space<vmem>> -> memref<128xi32, #tpu.memory_space<vmem>>
      %dma_start3A_445 = arith.constant 0 : i32
      %dma_start3A_446 = arith.constant 0 : i32
      %dma_start3A_447 = tpu.memref_slice %arg2[%dma_start3A_445, %dma_start3A_446] : memref<10240x48xf32, #tpu.memory_space<hbm>> -> memref<10240x48xf32, #tpu.memory_space<hbm>>
      tpu.enqueue_indirect_dma source(%dma_start3A_447 : memref<10240x48xf32, #tpu.memory_space<hbm>>) target(%arg8 : memref<128x48xf32, #tpu.memory_space<vmem>>) offsets(%dma_start3A_444 : memref<128xi32, #tpu.memory_space<vmem>>) semaphore(%arg11 : memref<!tpu.dma_semaphore, #tpu.memory_space<semaphore_mem>>)
      %mul3A_448 = arith.constant 8 : i32
      %mul3A_449 = arith.muli %add3A_312, %mul3A_448 : i32
      %add3A_450 = arith.constant 4 : i32
      %add3A_451 = arith.addi %mul3A_449, %add3A_450 : i32
      %dma_wait3A_452 = arith.constant 4 : i32
      %dma_wait3A_453 = arith.constant 0 : i32
      %dma_wait3A_454 = tpu.memref_slice %arg6[%dma_wait3A_452, %dma_wait3A_453] : memref<16x128xi32, #tpu.memory_space<vmem>> -> memref<1x128xi32, #tpu.memory_space<vmem>>
      %dma_wait3A_455 = tpu.memref_squeeze %dma_wait3A_454 : memref<1x128xi32, #tpu.memory_space<vmem>> -> memref<128xi32, #tpu.memory_space<vmem>>
      %dma_wait3A_456 = arith.constant 0 : i32
      %dma_wait3A_457 = arith.constant 0 : i32
      %dma_wait3A_458 = tpu.memref_slice %arg2[%dma_wait3A_456, %dma_wait3A_457] : memref<10240x48xf32, #tpu.memory_space<hbm>> -> memref<10240x48xf32, #tpu.memory_space<hbm>>
      tpu.wait_indirect_dma semaphore(%arg10 : memref<!tpu.dma_semaphore, #tpu.memory_space<semaphore_mem>>) src(%dma_wait3A_458 : memref<10240x48xf32, #tpu.memory_space<hbm>>) dst(%arg7 : memref<128x48xf32, #tpu.memory_space<vmem>>)
      %dma_start3A_459 = arith.constant 12 : i32
      %dma_start3A_460 = arith.constant 0 : i32
      %dma_start3A_461 = tpu.memref_slice %arg6[%dma_start3A_459, %dma_start3A_460] : memref<16x128xi32, #tpu.memory_space<vmem>> -> memref<1x128xi32, #tpu.memory_space<vmem>>
      %dma_start3A_462 = tpu.memref_squeeze %dma_start3A_461 : memref<1x128xi32, #tpu.memory_space<vmem>> -> memref<128xi32, #tpu.memory_space<vmem>>
      %dma_start3A_463 = arith.constant 0 : i32
      %dma_start3A_464 = arith.constant 0 : i32
      %dma_start3A_465 = tpu.memref_slice %arg9[%dma_start3A_463, %dma_start3A_464] : memref<10240x48xf32, #tpu.memory_space<vmem_shared>> -> memref<10240x48xf32, #tpu.memory_space<vmem_shared>>
      tpu.enqueue_indirect_dma source(%arg7 : memref<128x48xf32, #tpu.memory_space<vmem>>) target(%dma_start3A_465 : memref<10240x48xf32, #tpu.memory_space<vmem_shared>>) offsets(%dma_start3A_462 : memref<128xi32, #tpu.memory_space<vmem>>) semaphore(%arg12 : memref<!tpu.dma_semaphore, #tpu.memory_space<semaphore_mem>>) {add = true}
      %dma_wait3A_466 = arith.constant 12 : i32
      %dma_wait3A_467 = arith.constant 0 : i32
      %dma_wait3A_468 = tpu.memref_slice %arg6[%dma_wait3A_466, %dma_wait3A_467] : memref<16x128xi32, #tpu.memory_space<vmem>> -> memref<1x128xi32, #tpu.memory_space<vmem>>
      %dma_wait3A_469 = tpu.memref_squeeze %dma_wait3A_468 : memref<1x128xi32, #tpu.memory_space<vmem>> -> memref<128xi32, #tpu.memory_space<vmem>>
      %dma_wait3A_470 = arith.constant 0 : i32
      %dma_wait3A_471 = arith.constant 0 : i32
      %dma_wait3A_472 = tpu.memref_slice %arg9[%dma_wait3A_470, %dma_wait3A_471] : memref<10240x48xf32, #tpu.memory_space<vmem_shared>> -> memref<10240x48xf32, #tpu.memory_space<vmem_shared>>
      tpu.wait_indirect_dma semaphore(%arg12 : memref<!tpu.dma_semaphore, #tpu.memory_space<semaphore_mem>>) src(%arg7 : memref<128x48xf32, #tpu.memory_space<vmem>>) dst(%dma_wait3A_472 : memref<10240x48xf32, #tpu.memory_space<vmem_shared>>)
      %dma_start3A_473 = arith.constant 6 : i32
      %dma_start3A_474 = arith.constant 0 : i32
      %dma_start3A_475 = tpu.memref_slice %arg6[%dma_start3A_473, %dma_start3A_474] : memref<16x128xi32, #tpu.memory_space<vmem>> -> memref<1x128xi32, #tpu.memory_space<vmem>>
      %dma_start3A_476 = tpu.memref_squeeze %dma_start3A_475 : memref<1x128xi32, #tpu.memory_space<vmem>> -> memref<128xi32, #tpu.memory_space<vmem>>
      %dma_start3A_477 = arith.constant 0 : i32
      %dma_start3A_478 = arith.constant 0 : i32
      %dma_start3A_479 = tpu.memref_slice %arg2[%dma_start3A_477, %dma_start3A_478] : memref<10240x48xf32, #tpu.memory_space<hbm>> -> memref<10240x48xf32, #tpu.memory_space<hbm>>
      tpu.enqueue_indirect_dma source(%dma_start3A_479 : memref<10240x48xf32, #tpu.memory_space<hbm>>) target(%arg7 : memref<128x48xf32, #tpu.memory_space<vmem>>) offsets(%dma_start3A_476 : memref<128xi32, #tpu.memory_space<vmem>>) semaphore(%arg10 : memref<!tpu.dma_semaphore, #tpu.memory_space<semaphore_mem>>)
      %mul3A_480 = arith.constant 8 : i32
      %mul3A_481 = arith.muli %add3A_312, %mul3A_480 : i32
      %add3A_482 = arith.constant 5 : i32
      %add3A_483 = arith.addi %mul3A_481, %add3A_482 : i32
      %dma_wait3A_484 = arith.constant 5 : i32
      %dma_wait3A_485 = arith.constant 0 : i32
      %dma_wait3A_486 = tpu.memref_slice %arg6[%dma_wait3A_484, %dma_wait3A_485] : memref<16x128xi32, #tpu.memory_space<vmem>> -> memref<1x128xi32, #tpu.memory_space<vmem>>
      %dma_wait3A_487 = tpu.memref_squeeze %dma_wait3A_486 : memref<1x128xi32, #tpu.memory_space<vmem>> -> memref<128xi32, #tpu.memory_space<vmem>>
      %dma_wait3A_488 = arith.constant 0 : i32
      %dma_wait3A_489 = arith.constant 0 : i32
      %dma_wait3A_490 = tpu.memref_slice %arg2[%dma_wait3A_488, %dma_wait3A_489] : memref<10240x48xf32, #tpu.memory_space<hbm>> -> memref<10240x48xf32, #tpu.memory_space<hbm>>
      tpu.wait_indirect_dma semaphore(%arg11 : memref<!tpu.dma_semaphore, #tpu.memory_space<semaphore_mem>>) src(%dma_wait3A_490 : memref<10240x48xf32, #tpu.memory_space<hbm>>) dst(%arg8 : memref<128x48xf32, #tpu.memory_space<vmem>>)
      %dma_start3A_491 = arith.constant 13 : i32
      %dma_start3A_492 = arith.constant 0 : i32
      %dma_start3A_493 = tpu.memref_slice %arg6[%dma_start3A_491, %dma_start3A_492] : memref<16x128xi32, #tpu.memory_space<vmem>> -> memref<1x128xi32, #tpu.memory_space<vmem>>
      %dma_start3A_494 = tpu.memref_squeeze %dma_start3A_493 : memref<1x128xi32, #tpu.memory_space<vmem>> -> memref<128xi32, #tpu.memory_space<vmem>>
      %dma_start3A_495 = arith.constant 0 : i32
      %dma_start3A_496 = arith.constant 0 : i32
      %dma_start3A_497 = tpu.memref_slice %arg9[%dma_start3A_495, %dma_start3A_496] : memref<10240x48xf32, #tpu.memory_space<vmem_shared>> -> memref<10240x48xf32, #tpu.memory_space<vmem_shared>>
      tpu.enqueue_indirect_dma source(%arg8 : memref<128x48xf32, #tpu.memory_space<vmem>>) target(%dma_start3A_497 : memref<10240x48xf32, #tpu.memory_space<vmem_shared>>) offsets(%dma_start3A_494 : memref<128xi32, #tpu.memory_space<vmem>>) semaphore(%arg13 : memref<!tpu.dma_semaphore, #tpu.memory_space<semaphore_mem>>) {add = true}
      %dma_wait3A_498 = arith.constant 13 : i32
      %dma_wait3A_499 = arith.constant 0 : i32
      %dma_wait3A_500 = tpu.memref_slice %arg6[%dma_wait3A_498, %dma_wait3A_499] : memref<16x128xi32, #tpu.memory_space<vmem>> -> memref<1x128xi32, #tpu.memory_space<vmem>>
      %dma_wait3A_501 = tpu.memref_squeeze %dma_wait3A_500 : memref<1x128xi32, #tpu.memory_space<vmem>> -> memref<128xi32, #tpu.memory_space<vmem>>
      %dma_wait3A_502 = arith.constant 0 : i32
      %dma_wait3A_503 = arith.constant 0 : i32
      %dma_wait3A_504 = tpu.memref_slice %arg9[%dma_wait3A_502, %dma_wait3A_503] : memref<10240x48xf32, #tpu.memory_space<vmem_shared>> -> memref<10240x48xf32, #tpu.memory_space<vmem_shared>>
      tpu.wait_indirect_dma semaphore(%arg13 : memref<!tpu.dma_semaphore, #tpu.memory_space<semaphore_mem>>) src(%arg8 : memref<128x48xf32, #tpu.memory_space<vmem>>) dst(%dma_wait3A_504 : memref<10240x48xf32, #tpu.memory_space<vmem_shared>>)
      %dma_start3A_505 = arith.constant 7 : i32
      %dma_start3A_506 = arith.constant 0 : i32
      %dma_start3A_507 = tpu.memref_slice %arg6[%dma_start3A_505, %dma_start3A_506] : memref<16x128xi32, #tpu.memory_space<vmem>> -> memref<1x128xi32, #tpu.memory_space<vmem>>
      %dma_start3A_508 = tpu.memref_squeeze %dma_start3A_507 : memref<1x128xi32, #tpu.memory_space<vmem>> -> memref<128xi32, #tpu.memory_space<vmem>>
      %dma_start3A_509 = arith.constant 0 : i32
      %dma_start3A_510 = arith.constant 0 : i32
      %dma_start3A_511 = tpu.memref_slice %arg2[%dma_start3A_509, %dma_start3A_510] : memref<10240x48xf32, #tpu.memory_space<hbm>> -> memref<10240x48xf32, #tpu.memory_space<hbm>>
      tpu.enqueue_indirect_dma source(%dma_start3A_511 : memref<10240x48xf32, #tpu.memory_space<hbm>>) target(%arg8 : memref<128x48xf32, #tpu.memory_space<vmem>>) offsets(%dma_start3A_508 : memref<128xi32, #tpu.memory_space<vmem>>) semaphore(%arg11 : memref<!tpu.dma_semaphore, #tpu.memory_space<semaphore_mem>>)
      %mul3A_512 = arith.constant 8 : i32
      %mul3A_513 = arith.muli %add3A_312, %mul3A_512 : i32
      %add3A_514 = arith.constant 6 : i32
      %add3A_515 = arith.addi %mul3A_513, %add3A_514 : i32
      %dma_wait3A_516 = arith.constant 6 : i32
      %dma_wait3A_517 = arith.constant 0 : i32
      %dma_wait3A_518 = tpu.memref_slice %arg6[%dma_wait3A_516, %dma_wait3A_517] : memref<16x128xi32, #tpu.memory_space<vmem>> -> memref<1x128xi32, #tpu.memory_space<vmem>>
      %dma_wait3A_519 = tpu.memref_squeeze %dma_wait3A_518 : memref<1x128xi32, #tpu.memory_space<vmem>> -> memref<128xi32, #tpu.memory_space<vmem>>
      %dma_wait3A_520 = arith.constant 0 : i32
      %dma_wait3A_521 = arith.constant 0 : i32
      %dma_wait3A_522 = tpu.memref_slice %arg2[%dma_wait3A_520, %dma_wait3A_521] : memref<10240x48xf32, #tpu.memory_space<hbm>> -> memref<10240x48xf32, #tpu.memory_space<hbm>>
      tpu.wait_indirect_dma semaphore(%arg10 : memref<!tpu.dma_semaphore, #tpu.memory_space<semaphore_mem>>) src(%dma_wait3A_522 : memref<10240x48xf32, #tpu.memory_space<hbm>>) dst(%arg7 : memref<128x48xf32, #tpu.memory_space<vmem>>)
      %dma_start3A_523 = arith.constant 14 : i32
      %dma_start3A_524 = arith.constant 0 : i32
      %dma_start3A_525 = tpu.memref_slice %arg6[%dma_start3A_523, %dma_start3A_524] : memref<16x128xi32, #tpu.memory_space<vmem>> -> memref<1x128xi32, #tpu.memory_space<vmem>>
      %dma_start3A_526 = tpu.memref_squeeze %dma_start3A_525 : memref<1x128xi32, #tpu.memory_space<vmem>> -> memref<128xi32, #tpu.memory_space<vmem>>
      %dma_start3A_527 = arith.constant 0 : i32
      %dma_start3A_528 = arith.constant 0 : i32
      %dma_start3A_529 = tpu.memref_slice %arg9[%dma_start3A_527, %dma_start3A_528] : memref<10240x48xf32, #tpu.memory_space<vmem_shared>> -> memref<10240x48xf32, #tpu.memory_space<vmem_shared>>
      tpu.enqueue_indirect_dma source(%arg7 : memref<128x48xf32, #tpu.memory_space<vmem>>) target(%dma_start3A_529 : memref<10240x48xf32, #tpu.memory_space<vmem_shared>>) offsets(%dma_start3A_526 : memref<128xi32, #tpu.memory_space<vmem>>) semaphore(%arg12 : memref<!tpu.dma_semaphore, #tpu.memory_space<semaphore_mem>>) {add = true}
      %dma_wait3A_530 = arith.constant 14 : i32
      %dma_wait3A_531 = arith.constant 0 : i32
      %dma_wait3A_532 = tpu.memref_slice %arg6[%dma_wait3A_530, %dma_wait3A_531] : memref<16x128xi32, #tpu.memory_space<vmem>> -> memref<1x128xi32, #tpu.memory_space<vmem>>
      %dma_wait3A_533 = tpu.memref_squeeze %dma_wait3A_532 : memref<1x128xi32, #tpu.memory_space<vmem>> -> memref<128xi32, #tpu.memory_space<vmem>>
      %dma_wait3A_534 = arith.constant 0 : i32
      %dma_wait3A_535 = arith.constant 0 : i32
      %dma_wait3A_536 = tpu.memref_slice %arg9[%dma_wait3A_534, %dma_wait3A_535] : memref<10240x48xf32, #tpu.memory_space<vmem_shared>> -> memref<10240x48xf32, #tpu.memory_space<vmem_shared>>
      tpu.wait_indirect_dma semaphore(%arg12 : memref<!tpu.dma_semaphore, #tpu.memory_space<semaphore_mem>>) src(%arg7 : memref<128x48xf32, #tpu.memory_space<vmem>>) dst(%dma_wait3A_536 : memref<10240x48xf32, #tpu.memory_space<vmem_shared>>)
      %add3A_537 = arith.constant 1 : i32
      %add3A_538 = arith.addi %add3A_312, %add3A_537 : i32
      %lt3A_539 = arith.constant 10 : i32
      %lt3A_540 = arith.cmpi slt, %add3A_538, %lt3A_539 : i32
      %convert_element_type3A_541 = arith.extui %lt3A_540 : i1 to i32
      %cond3A_542 = arith.constant 0 : i32
      %cond3A_543 = arith.cmpi ne, %convert_element_type3A_541, %cond3A_542 : i32
      scf.if %cond3A_543 {
        %dma_wait3A_576 = arith.constant 0 : i32
        %dma_wait3A_577 = tpu.memref_slice %arg3[%mul3A_24, %dma_wait3A_576] : memref<5120x128xi32, #tpu.memory_space<hbm>> -> memref<16x128xi32, #tpu.memory_space<hbm>>
        %dma_wait3A_578 = arith.constant 0 : i32
        %dma_wait3A_579 = tpu.memref_slice %arg3[%mul3A_24, %dma_wait3A_578] : memref<5120x128xi32, #tpu.memory_space<hbm>> -> memref<16x128xi32, #tpu.memory_space<hbm>>
        tpu.wait_dma2 semaphore(%arg14 : memref<!tpu.dma_semaphore, #tpu.memory_space<semaphore_mem>>) src(%dma_wait3A_579 : memref<16x128xi32, #tpu.memory_space<hbm>>) dst(%arg5 : memref<16x128xi32, #tpu.memory_space<vmem>>)
        %dma_start3A_580 = arith.constant 0 : i32
        %dma_start3A_581 = arith.constant 0 : i32
        %dma_start3A_582 = tpu.memref_slice %arg5[%dma_start3A_580, %dma_start3A_581] : memref<16x128xi32, #tpu.memory_space<vmem>> -> memref<1x128xi32, #tpu.memory_space<vmem>>
        %dma_start3A_583 = tpu.memref_squeeze %dma_start3A_582 : memref<1x128xi32, #tpu.memory_space<vmem>> -> memref<128xi32, #tpu.memory_space<vmem>>
        %dma_start3A_584 = arith.constant 0 : i32
        %dma_start3A_585 = arith.constant 0 : i32
        %dma_start3A_586 = tpu.memref_slice %arg2[%dma_start3A_584, %dma_start3A_585] : memref<10240x48xf32, #tpu.memory_space<hbm>> -> memref<10240x48xf32, #tpu.memory_space<hbm>>
        tpu.enqueue_indirect_dma source(%dma_start3A_586 : memref<10240x48xf32, #tpu.memory_space<hbm>>) target(%arg7 : memref<128x48xf32, #tpu.memory_space<vmem>>) offsets(%dma_start3A_583 : memref<128xi32, #tpu.memory_space<vmem>>) semaphore(%arg10 : memref<!tpu.dma_semaphore, #tpu.memory_space<semaphore_mem>>)
      } else {
      }
      %mul3A_544 = arith.constant 8 : i32
      %mul3A_545 = arith.muli %add3A_312, %mul3A_544 : i32
      %add3A_546 = arith.constant 7 : i32
      %add3A_547 = arith.addi %mul3A_545, %add3A_546 : i32
      %dma_wait3A_548 = arith.constant 7 : i32
      %dma_wait3A_549 = arith.constant 0 : i32
      %dma_wait3A_550 = tpu.memref_slice %arg6[%dma_wait3A_548, %dma_wait3A_549] : memref<16x128xi32, #tpu.memory_space<vmem>> -> memref<1x128xi32, #tpu.memory_space<vmem>>
      %dma_wait3A_551 = tpu.memref_squeeze %dma_wait3A_550 : memref<1x128xi32, #tpu.memory_space<vmem>> -> memref<128xi32, #tpu.memory_space<vmem>>
      %dma_wait3A_552 = arith.constant 0 : i32
      %dma_wait3A_553 = arith.constant 0 : i32
      %dma_wait3A_554 = tpu.memref_slice %arg2[%dma_wait3A_552, %dma_wait3A_553] : memref<10240x48xf32, #tpu.memory_space<hbm>> -> memref<10240x48xf32, #tpu.memory_space<hbm>>
      tpu.wait_indirect_dma semaphore(%arg11 : memref<!tpu.dma_semaphore, #tpu.memory_space<semaphore_mem>>) src(%dma_wait3A_554 : memref<10240x48xf32, #tpu.memory_space<hbm>>) dst(%arg8 : memref<128x48xf32, #tpu.memory_space<vmem>>)
      %dma_start3A_555 = arith.constant 15 : i32
      %dma_start3A_556 = arith.constant 0 : i32
      %dma_start3A_557 = tpu.memref_slice %arg6[%dma_start3A_555, %dma_start3A_556] : memref<16x128xi32, #tpu.memory_space<vmem>> -> memref<1x128xi32, #tpu.memory_space<vmem>>
      %dma_start3A_558 = tpu.memref_squeeze %dma_start3A_557 : memref<1x128xi32, #tpu.memory_space<vmem>> -> memref<128xi32, #tpu.memory_space<vmem>>
      %dma_start3A_559 = arith.constant 0 : i32
      %dma_start3A_560 = arith.constant 0 : i32
      %dma_start3A_561 = tpu.memref_slice %arg9[%dma_start3A_559, %dma_start3A_560] : memref<10240x48xf32, #tpu.memory_space<vmem_shared>> -> memref<10240x48xf32, #tpu.memory_space<vmem_shared>>
      tpu.enqueue_indirect_dma source(%arg8 : memref<128x48xf32, #tpu.memory_space<vmem>>) target(%dma_start3A_561 : memref<10240x48xf32, #tpu.memory_space<vmem_shared>>) offsets(%dma_start3A_558 : memref<128xi32, #tpu.memory_space<vmem>>) semaphore(%arg13 : memref<!tpu.dma_semaphore, #tpu.memory_space<semaphore_mem>>) {add = true}
      %dma_wait3A_562 = arith.constant 15 : i32
      %dma_wait3A_563 = arith.constant 0 : i32
      %dma_wait3A_564 = tpu.memref_slice %arg6[%dma_wait3A_562, %dma_wait3A_563] : memref<16x128xi32, #tpu.memory_space<vmem>> -> memref<1x128xi32, #tpu.memory_space<vmem>>
      %dma_wait3A_565 = tpu.memref_squeeze %dma_wait3A_564 : memref<1x128xi32, #tpu.memory_space<vmem>> -> memref<128xi32, #tpu.memory_space<vmem>>
      %dma_wait3A_566 = arith.constant 0 : i32
      %dma_wait3A_567 = arith.constant 0 : i32
      %dma_wait3A_568 = tpu.memref_slice %arg9[%dma_wait3A_566, %dma_wait3A_567] : memref<10240x48xf32, #tpu.memory_space<vmem_shared>> -> memref<10240x48xf32, #tpu.memory_space<vmem_shared>>
      tpu.wait_indirect_dma semaphore(%arg13 : memref<!tpu.dma_semaphore, #tpu.memory_space<semaphore_mem>>) src(%arg8 : memref<128x48xf32, #tpu.memory_space<vmem>>) dst(%dma_wait3A_568 : memref<10240x48xf32, #tpu.memory_space<vmem_shared>>)
      %add3A_569 = arith.constant 1 : i32
      %add3A_570 = arith.addi %add3A_312, %add3A_569 : i32
      %lt3A_571 = arith.constant 10 : i32
      %lt3A_572 = arith.cmpi slt, %add3A_570, %lt3A_571 : i32
      %convert_element_type3A_573 = arith.extui %lt3A_572 : i1 to i32
      %cond3A_574 = arith.constant 0 : i32
      %cond3A_575 = arith.cmpi ne, %convert_element_type3A_573, %cond3A_574 : i32
      scf.if %cond3A_575 {
        %dma_start3A_576 = arith.constant 1 : i32
        %dma_start3A_577 = arith.constant 0 : i32
        %dma_start3A_578 = tpu.memref_slice %arg5[%dma_start3A_576, %dma_start3A_577] : memref<16x128xi32, #tpu.memory_space<vmem>> -> memref<1x128xi32, #tpu.memory_space<vmem>>
        %dma_start3A_579 = tpu.memref_squeeze %dma_start3A_578 : memref<1x128xi32, #tpu.memory_space<vmem>> -> memref<128xi32, #tpu.memory_space<vmem>>
        %dma_start3A_580 = arith.constant 0 : i32
        %dma_start3A_581 = arith.constant 0 : i32
        %dma_start3A_582 = tpu.memref_slice %arg2[%dma_start3A_580, %dma_start3A_581] : memref<10240x48xf32, #tpu.memory_space<hbm>> -> memref<10240x48xf32, #tpu.memory_space<hbm>>
        tpu.enqueue_indirect_dma source(%dma_start3A_582 : memref<10240x48xf32, #tpu.memory_space<hbm>>) target(%arg8 : memref<128x48xf32, #tpu.memory_space<vmem>>) offsets(%dma_start3A_579 : memref<128xi32, #tpu.memory_space<vmem>>) semaphore(%arg11 : memref<!tpu.dma_semaphore, #tpu.memory_space<semaphore_mem>>)
      } else {
      }
    }
    %scan3A_43 = arith.constant 5 : i32
    %barrier3A_44 = arith.constant 0 : index
    tpu.barrier barrier_id(%barrier3A_44)
    "tpu.region"() ({
      %run_scoped3A = tpu.sem_alloc : memref<!tpu.dma_semaphore, #tpu.memory_space<semaphore_mem>>
      %dma_start3A_45 = arith.constant 0 : i32
      %dma_start3A_46 = tpu.memref_slice %arg4[%arg0, %mul3A_4, %dma_start3A_45] : memref<2x10240x48xf32, #tpu.memory_space<hbm>> -> memref<1x640x48xf32, #tpu.memory_space<hbm>>
      %dma_start3A_47 = tpu.memref_squeeze %dma_start3A_46 : memref<1x640x48xf32, #tpu.memory_space<hbm>> -> memref<640x48xf32, #tpu.memory_space<hbm>>
      %dma_start3A_48 = arith.constant 0 : i32
      %dma_start3A_49 = tpu.memref_slice %arg9[%mul3A_4, %dma_start3A_48] : memref<10240x48xf32, #tpu.memory_space<vmem_shared>> -> memref<640x48xf32, #tpu.memory_space<vmem_shared>>
      tpu.enqueue_dma source(%dma_start3A_49 : memref<640x48xf32, #tpu.memory_space<vmem_shared>>) target(%dma_start3A_47 : memref<640x48xf32, #tpu.memory_space<hbm>>) target_semaphore(%run_scoped3A : memref<!tpu.dma_semaphore, #tpu.memory_space<semaphore_mem>>)
      %dma_wait3A = arith.constant 0 : i32
      %dma_wait3A_50 = tpu.memref_slice %arg4[%arg0, %mul3A_4, %dma_wait3A] : memref<2x10240x48xf32, #tpu.memory_space<hbm>> -> memref<1x640x48xf32, #tpu.memory_space<hbm>>
      %dma_wait3A_51 = tpu.memref_squeeze %dma_wait3A_50 : memref<1x640x48xf32, #tpu.memory_space<hbm>> -> memref<640x48xf32, #tpu.memory_space<hbm>>
      %dma_wait3A_52 = arith.constant 0 : i32
      %dma_wait3A_53 = tpu.memref_slice %arg9[%mul3A_4, %dma_wait3A_52] : memref<10240x48xf32, #tpu.memory_space<vmem_shared>> -> memref<640x48xf32, #tpu.memory_space<vmem_shared>>
      tpu.wait_dma2 semaphore(%run_scoped3A : memref<!tpu.dma_semaphore, #tpu.memory_space<semaphore_mem>>) src(%dma_wait3A_53 : memref<640x48xf32, #tpu.memory_space<vmem_shared>>) dst(%dma_wait3A_51 : memref<640x48xf32, #tpu.memory_space<hbm>>)
      tpu.yield
    }) : () -> ()
    return
  }
}

module attributes {stable_mosaic.version = 14 : i64} {
  func.func @_tc1_body(%arg0: i32, %arg1: memref<2x1024x128xf32, #tpu.memory_space<vmem>>, %arg2: memref<2x1024xf32, #tpu.memory_space<vmem>>, %arg3: memref<1024x128xf32, #tpu.memory_space<vmem>>, %arg4: memref<128x256xf32, #tpu.memory_space<vmem>>, %arg5: memref<128x256xf32, #tpu.memory_space<vmem>>, %arg6: memref<1x256xf32, #tpu.memory_space<vmem>>, %arg7: memref<256x128xf32, #tpu.memory_space<vmem>>, %arg8: memref<256x128xf32, #tpu.memory_space<vmem>>, %arg9: memref<1x128xf32, #tpu.memory_space<vmem>>, %arg10: memref<1024x128xf32, #tpu.memory_space<vmem>>, %arg11: memref<1024x128xf32, #tpu.memory_space<vmem>>) attributes {dimension_semantics = [#tpu.dimension_semantics<arbitrary>], iteration_bounds = array<i64: 10>, scalar_prefetch = 0 : i64, scratch_operands = 0 : i64, tpu.core_type = #tpu.core_type<tc>, window_params = [{transform_indices = @transform_0, window_bounds = array<i64: 2, 1024, 128>}, {transform_indices = @transform_1, window_bounds = array<i64: 2, 1024>}, {transform_indices = @transform_2, window_bounds = array<i64: 1024, 128>}, {pipeline_mode = #tpu.pipeline_mode<synchronous>, transform_indices = @transform_3, window_bounds = array<i64: 128, 256>}, {pipeline_mode = #tpu.pipeline_mode<synchronous>, transform_indices = @transform_4, window_bounds = array<i64: 128, 256>}, {pipeline_mode = #tpu.pipeline_mode<synchronous>, transform_indices = @transform_5, window_bounds = array<i64: 1, 256>}, {pipeline_mode = #tpu.pipeline_mode<synchronous>, transform_indices = @transform_6, window_bounds = array<i64: 256, 128>}, {pipeline_mode = #tpu.pipeline_mode<synchronous>, transform_indices = @transform_7, window_bounds = array<i64: 256, 128>}, {pipeline_mode = #tpu.pipeline_mode<synchronous>, transform_indices = @transform_8, window_bounds = array<i64: 1, 128>}, {transform_indices = @transform_9, window_bounds = array<i64: 1024, 128>}, {transform_indices = @transform_10, window_bounds = array<i64: 1024, 128>}]} {
    %get3A = arith.constant 0 : index
    %get3A_0 = arith.constant 0 : index
    %get3A_1 = vector.load %arg2[%get3A, %get3A_0] : memref<2x1024xf32, #tpu.memory_space<vmem>>, vector<1x1024xf32>
    %get3A_2 = vector.shape_cast %get3A_1 : vector<1x1024xf32> to vector<1024xf32>
    %get3A_3 = arith.constant 1 : index
    %get3A_4 = arith.constant 0 : index
    %get3A_5 = vector.load %arg2[%get3A_3, %get3A_4] : memref<2x1024xf32, #tpu.memory_space<vmem>>, vector<1x1024xf32>
    %get3A_6 = vector.shape_cast %get3A_5 : vector<1x1024xf32> to vector<1024xf32>
    %add3A = arith.addf %get3A_2, %get3A_6 : vector<1024xf32>
    %max3A = arith.constant 1.000000e+00 : f32
    %max3A_7 = vector.broadcast %max3A : f32 to vector<1024xf32>
    %max3A_8 = arith.maximumf %add3A, %max3A_7 : vector<1024xf32>
    %get3A_9 = arith.constant 0 : index
    %get3A_10 = arith.constant 0 : index
    %get3A_11 = arith.constant 0 : index
    %get3A_12 = vector.load %arg1[%get3A_9, %get3A_10, %get3A_11] : memref<2x1024x128xf32, #tpu.memory_space<vmem>>, vector<1x1024x128xf32>
    %get3A_13 = vector.shape_cast %get3A_12 : vector<1x1024x128xf32> to vector<1024x128xf32>
    %get3A_14 = arith.constant 1 : index
    %get3A_15 = arith.constant 0 : index
    %get3A_16 = arith.constant 0 : index
    %get3A_17 = vector.load %arg1[%get3A_14, %get3A_15, %get3A_16] : memref<2x1024x128xf32, #tpu.memory_space<vmem>>, vector<1x1024x128xf32>
    %get3A_18 = vector.shape_cast %get3A_17 : vector<1x1024x128xf32> to vector<1024x128xf32>
    %add3A_19 = arith.addf %get3A_13, %get3A_18 : vector<1024x128xf32>
    %broadcast_in_dim3A = vector.shape_cast %max3A_8 : vector<1024xf32> to vector<1024x1xf32>
    %div3A = vector.broadcast %broadcast_in_dim3A : vector<1024x1xf32> to vector<1024x128xf32>
    %div3A_20 = arith.divf %add3A_19, %div3A : vector<1024x128xf32>
    %get3A_21 = arith.constant 0 : index
    %get3A_22 = arith.constant 0 : index
    %get3A_23 = vector.load %arg4[%get3A_21, %get3A_22] : memref<128x256xf32, #tpu.memory_space<vmem>>, vector<128x256xf32>
    %dot_general3A = arith.constant dense<0.000000e+00> : vector<1024x256xf32>
    %dot_general3A_24 = tpu.matmul %div3A_20, %get3A_23, %dot_general3A {dimension_numbers = #tpu.dot_dimension_numbers<[1], [0], [0], [1], [0, 0, 1, 1], [], []>, transpose_lhs_hint = false} : vector<1024x128xf32>, vector<128x256xf32>, vector<1024x256xf32> -> vector<1024x256xf32>
    %get3A_25 = arith.constant 0 : index
    %get3A_26 = arith.constant 0 : index
    %get3A_27 = vector.load %arg3[%get3A_25, %get3A_26] : memref<1024x128xf32, #tpu.memory_space<vmem>>, vector<1024x128xf32>
    %get3A_28 = arith.constant 0 : index
    %get3A_29 = arith.constant 0 : index
    %get3A_30 = vector.load %arg5[%get3A_28, %get3A_29] : memref<128x256xf32, #tpu.memory_space<vmem>>, vector<128x256xf32>
    %dot_general3A_31 = arith.constant dense<0.000000e+00> : vector<1024x256xf32>
    %dot_general3A_32 = tpu.matmul %get3A_27, %get3A_30, %dot_general3A_31 {dimension_numbers = #tpu.dot_dimension_numbers<[1], [0], [0], [1], [0, 0, 1, 1], [], []>, transpose_lhs_hint = false} : vector<1024x128xf32>, vector<128x256xf32>, vector<1024x256xf32> -> vector<1024x256xf32>
    %add3A_33 = arith.addf %dot_general3A_24, %dot_general3A_32 : vector<1024x256xf32>
    %get3A_34 = arith.constant 0 : index
    %get3A_35 = arith.constant 0 : index
    %get3A_36 = vector.load %arg6[%get3A_34, %get3A_35] : memref<1x256xf32, #tpu.memory_space<vmem>>, vector<1x256xf32>
    %add3A_37 = vector.broadcast %get3A_36 : vector<1x256xf32> to vector<1024x256xf32>
    %add3A_38 = arith.addf %add3A_33, %add3A_37 : vector<1024x256xf32>
    %gt3A = arith.constant 0.000000e+00 : f32
    %gt3A_39 = vector.broadcast %gt3A : f32 to vector<1024x256xf32>
    %gt3A_40 = arith.cmpf ogt, %add3A_38, %gt3A_39 : vector<1024x256xf32>
    %mul3A = arith.constant 0.00999999977 : f32
    %mul3A_41 = vector.broadcast %mul3A : f32 to vector<1024x256xf32>
    %mul3A_42 = arith.mulf %mul3A_41, %add3A_38 : vector<1024x256xf32>
    %select_n3A = arith.select %gt3A_40, %add3A_38, %mul3A_42 : vector<1024x256xi1>, vector<1024x256xf32>
    %get3A_43 = arith.constant 0 : index
    %get3A_44 = arith.constant 0 : index
    %get3A_45 = vector.load %arg7[%get3A_43, %get3A_44] : memref<256x128xf32, #tpu.memory_space<vmem>>, vector<256x128xf32>
    %dot_general3A_46 = arith.constant dense<0.000000e+00> : vector<1024x128xf32>
    %dot_general3A_47 = tpu.matmul %select_n3A, %get3A_45, %dot_general3A_46 {dimension_numbers = #tpu.dot_dimension_numbers<[1], [0], [0], [1], [0, 0, 1, 1], [], []>, transpose_lhs_hint = false} : vector<1024x256xf32>, vector<256x128xf32>, vector<1024x128xf32> -> vector<1024x128xf32>
    %swap3A = arith.constant 0 : index
    %swap3A_48 = arith.constant 0 : index
    %swap3A_49 = vector.load %arg10[%swap3A, %swap3A_48] : memref<1024x128xf32, #tpu.memory_space<vmem>>, vector<1024x128xf32>
    tpu.vector_store %arg10[%swap3A, %swap3A_48], %dot_general3A_47 {strides = array<i32>} : memref<1024x128xf32, #tpu.memory_space<vmem>>, vector<1024x128xf32>,
    %get3A_50 = arith.constant 0 : index
    %get3A_51 = arith.constant 0 : index
    %get3A_52 = vector.load %arg8[%get3A_50, %get3A_51] : memref<256x128xf32, #tpu.memory_space<vmem>>, vector<256x128xf32>
    %dot_general3A_53 = arith.constant dense<0.000000e+00> : vector<1024x128xf32>
    %dot_general3A_54 = tpu.matmul %select_n3A, %get3A_52, %dot_general3A_53 {dimension_numbers = #tpu.dot_dimension_numbers<[1], [0], [0], [1], [0, 0, 1, 1], [], []>, transpose_lhs_hint = false} : vector<1024x256xf32>, vector<256x128xf32>, vector<1024x128xf32> -> vector<1024x128xf32>
    %get3A_55 = arith.constant 0 : index
    %get3A_56 = arith.constant 0 : index
    %get3A_57 = vector.load %arg9[%get3A_55, %get3A_56] : memref<1x128xf32, #tpu.memory_space<vmem>>, vector<1x128xf32>
    %add3A_58 = vector.broadcast %get3A_57 : vector<1x128xf32> to vector<1024x128xf32>
    %add3A_59 = arith.addf %dot_general3A_54, %add3A_58 : vector<1024x128xf32>
    %swap3A_60 = arith.constant 0 : index
    %swap3A_61 = arith.constant 0 : index
    %swap3A_62 = vector.load %arg11[%swap3A_60, %swap3A_61] : memref<1024x128xf32, #tpu.memory_space<vmem>>, vector<1024x128xf32>
    tpu.vector_store %arg11[%swap3A_60, %swap3A_61], %add3A_59 {strides = array<i32>} : memref<1024x128xf32, #tpu.memory_space<vmem>>, vector<1024x128xf32>,
    return
  }
  func.func @transform_0(%arg0: i32) -> (i32, i32, i32) {
    %c0_i32 = arith.constant 0 : i32
    %c0_i32_0 = arith.constant 0 : i32
    %c0_i32_1 = arith.constant 0 : i32
    return %c0_i32, %arg0, %c0_i32_0 : i32, i32, i32
  }
  func.func @transform_1(%arg0: i32) -> (i32, i32) {
    %c0_i32 = arith.constant 0 : i32
    %c0_i32_0 = arith.constant 0 : i32
    return %c0_i32, %arg0 : i32, i32
  }
  func.func @transform_2(%arg0: i32) -> (i32, i32) {
    %c0_i32 = arith.constant 0 : i32
    %c0_i32_0 = arith.constant 0 : i32
    return %arg0, %c0_i32 : i32, i32
  }
  func.func @transform_3(%arg0: i32) -> (i32, i32) {
    %c0_i32 = arith.constant 0 : i32
    %c0_i32_0 = arith.constant 0 : i32
    %c0_i32_1 = arith.constant 0 : i32
    return %c0_i32, %c0_i32_0 : i32, i32
  }
  func.func @transform_4(%arg0: i32) -> (i32, i32) {
    %c0_i32 = arith.constant 0 : i32
    %c0_i32_0 = arith.constant 0 : i32
    %c0_i32_1 = arith.constant 0 : i32
    return %c0_i32, %c0_i32_0 : i32, i32
  }
  func.func @transform_5(%arg0: i32) -> (i32, i32) {
    %c0_i32 = arith.constant 0 : i32
    %c0_i32_0 = arith.constant 0 : i32
    %c0_i32_1 = arith.constant 0 : i32
    return %c0_i32, %c0_i32_0 : i32, i32
  }
  func.func @transform_6(%arg0: i32) -> (i32, i32) {
    %c0_i32 = arith.constant 0 : i32
    %c0_i32_0 = arith.constant 0 : i32
    %c0_i32_1 = arith.constant 0 : i32
    return %c0_i32, %c0_i32_0 : i32, i32
  }
  func.func @transform_7(%arg0: i32) -> (i32, i32) {
    %c0_i32 = arith.constant 0 : i32
    %c0_i32_0 = arith.constant 0 : i32
    %c0_i32_1 = arith.constant 0 : i32
    return %c0_i32, %c0_i32_0 : i32, i32
  }
  func.func @transform_8(%arg0: i32) -> (i32, i32) {
    %c0_i32 = arith.constant 0 : i32
    %c0_i32_0 = arith.constant 0 : i32
    %c0_i32_1 = arith.constant 0 : i32
    return %c0_i32, %c0_i32_0 : i32, i32
  }
  func.func @transform_9(%arg0: i32) -> (i32, i32) {
    %c0_i32 = arith.constant 0 : i32
    %c0_i32_0 = arith.constant 0 : i32
    return %arg0, %c0_i32 : i32, i32
  }
  func.func @transform_10(%arg0: i32) -> (i32, i32) {
    %c0_i32 = arith.constant 0 : i32
    %c0_i32_0 = arith.constant 0 : i32
    return %arg0, %c0_i32 : i32, i32
  }
}

module attributes {stable_mosaic.version = 14 : i64} {
  func.func @_tc2_body(%arg0: i32, %arg1: memref<2x1024x128xf32, #tpu.memory_space<vmem>>, %arg2: memref<2x1024xf32, #tpu.memory_space<vmem>>, %arg3: memref<1024x128xf32, #tpu.memory_space<vmem>>, %arg4: memref<128x48xf32, #tpu.memory_space<vmem>>, %arg5: memref<128x40xf32, #tpu.memory_space<vmem>>, %arg6: memref<1x40xf32, #tpu.memory_space<vmem>>, %arg7: memref<1024x48xf32, #tpu.memory_space<vmem>>, %arg8: memref<1024x40xf32, #tpu.memory_space<vmem>>) attributes {dimension_semantics = [#tpu.dimension_semantics<arbitrary>], iteration_bounds = array<i64: 10>, scalar_prefetch = 0 : i64, scratch_operands = 0 : i64, tpu.core_type = #tpu.core_type<tc>, window_params = [{transform_indices = @transform_0, window_bounds = array<i64: 2, 1024, 128>}, {transform_indices = @transform_1, window_bounds = array<i64: 2, 1024>}, {transform_indices = @transform_2, window_bounds = array<i64: 1024, 128>}, {pipeline_mode = #tpu.pipeline_mode<synchronous>, transform_indices = @transform_3, window_bounds = array<i64: 128, 48>}, {pipeline_mode = #tpu.pipeline_mode<synchronous>, transform_indices = @transform_4, window_bounds = array<i64: 128, 40>}, {pipeline_mode = #tpu.pipeline_mode<synchronous>, transform_indices = @transform_5, window_bounds = array<i64: 1, 40>}, {transform_indices = @transform_6, window_bounds = array<i64: 1024, 48>}, {transform_indices = @transform_7, window_bounds = array<i64: 1024, 40>}]} {
    %get3A = arith.constant 0 : index
    %get3A_0 = arith.constant 0 : index
    %get3A_1 = vector.load %arg2[%get3A, %get3A_0] : memref<2x1024xf32, #tpu.memory_space<vmem>>, vector<1x1024xf32>
    %get3A_2 = vector.shape_cast %get3A_1 : vector<1x1024xf32> to vector<1024xf32>
    %get3A_3 = arith.constant 1 : index
    %get3A_4 = arith.constant 0 : index
    %get3A_5 = vector.load %arg2[%get3A_3, %get3A_4] : memref<2x1024xf32, #tpu.memory_space<vmem>>, vector<1x1024xf32>
    %get3A_6 = vector.shape_cast %get3A_5 : vector<1x1024xf32> to vector<1024xf32>
    %add3A = arith.addf %get3A_2, %get3A_6 : vector<1024xf32>
    %max3A = arith.constant 1.000000e+00 : f32
    %max3A_7 = vector.broadcast %max3A : f32 to vector<1024xf32>
    %max3A_8 = arith.maximumf %add3A, %max3A_7 : vector<1024xf32>
    %get3A_9 = arith.constant 0 : index
    %get3A_10 = arith.constant 0 : index
    %get3A_11 = arith.constant 0 : index
    %get3A_12 = vector.load %arg1[%get3A_9, %get3A_10, %get3A_11] : memref<2x1024x128xf32, #tpu.memory_space<vmem>>, vector<1x1024x128xf32>
    %get3A_13 = vector.shape_cast %get3A_12 : vector<1x1024x128xf32> to vector<1024x128xf32>
    %get3A_14 = arith.constant 1 : index
    %get3A_15 = arith.constant 0 : index
    %get3A_16 = arith.constant 0 : index
    %get3A_17 = vector.load %arg1[%get3A_14, %get3A_15, %get3A_16] : memref<2x1024x128xf32, #tpu.memory_space<vmem>>, vector<1x1024x128xf32>
    %get3A_18 = vector.shape_cast %get3A_17 : vector<1x1024x128xf32> to vector<1024x128xf32>
    %add3A_19 = arith.addf %get3A_13, %get3A_18 : vector<1024x128xf32>
    %broadcast_in_dim3A = vector.shape_cast %max3A_8 : vector<1024xf32> to vector<1024x1xf32>
    %div3A = vector.broadcast %broadcast_in_dim3A : vector<1024x1xf32> to vector<1024x128xf32>
    %div3A_20 = arith.divf %add3A_19, %div3A : vector<1024x128xf32>
    %get3A_21 = arith.constant 0 : index
    %get3A_22 = arith.constant 0 : index
    %get3A_23 = vector.load %arg3[%get3A_21, %get3A_22] : memref<1024x128xf32, #tpu.memory_space<vmem>>, vector<1024x128xf32>
    %add3A_24 = arith.addf %div3A_20, %get3A_23 : vector<1024x128xf32>
    %gt3A = arith.constant 0.000000e+00 : f32
    %gt3A_25 = vector.broadcast %gt3A : f32 to vector<1024x128xf32>
    %gt3A_26 = arith.cmpf ogt, %add3A_24, %gt3A_25 : vector<1024x128xf32>
    %mul3A = arith.constant 0.00999999977 : f32
    %mul3A_27 = vector.broadcast %mul3A : f32 to vector<1024x128xf32>
    %mul3A_28 = arith.mulf %mul3A_27, %add3A_24 : vector<1024x128xf32>
    %select_n3A = arith.select %gt3A_26, %add3A_24, %mul3A_28 : vector<1024x128xi1>, vector<1024x128xf32>
    %get3A_29 = arith.constant 0 : index
    %get3A_30 = arith.constant 0 : index
    %get3A_31 = vector.load %arg4[%get3A_29, %get3A_30] : memref<128x48xf32, #tpu.memory_space<vmem>>, vector<128x48xf32>
    %dot_general3A = arith.constant dense<0.000000e+00> : vector<1024x48xf32>
    %dot_general3A_32 = tpu.matmul %select_n3A, %get3A_31, %dot_general3A {dimension_numbers = #tpu.dot_dimension_numbers<[1], [0], [0], [1], [0, 0, 1, 1], [], []>, transpose_lhs_hint = false} : vector<1024x128xf32>, vector<128x48xf32>, vector<1024x48xf32> -> vector<1024x48xf32>
    %swap3A = arith.constant 0 : index
    %swap3A_33 = arith.constant 0 : index
    %swap3A_34 = vector.load %arg7[%swap3A, %swap3A_33] : memref<1024x48xf32, #tpu.memory_space<vmem>>, vector<1024x48xf32>
    tpu.vector_store %arg7[%swap3A, %swap3A_33], %dot_general3A_32 {strides = array<i32>} : memref<1024x48xf32, #tpu.memory_space<vmem>>, vector<1024x48xf32>,
    %get3A_35 = arith.constant 0 : index
    %get3A_36 = arith.constant 0 : index
    %get3A_37 = vector.load %arg5[%get3A_35, %get3A_36] : memref<128x40xf32, #tpu.memory_space<vmem>>, vector<128x40xf32>
    %dot_general3A_38 = arith.constant dense<0.000000e+00> : vector<1024x40xf32>
    %dot_general3A_39 = tpu.matmul %select_n3A, %get3A_37, %dot_general3A_38 {dimension_numbers = #tpu.dot_dimension_numbers<[1], [0], [0], [1], [0, 0, 1, 1], [], []>, transpose_lhs_hint = false} : vector<1024x128xf32>, vector<128x40xf32>, vector<1024x40xf32> -> vector<1024x40xf32>
    %get3A_40 = arith.constant 0 : index
    %get3A_41 = arith.constant 0 : index
    %get3A_42 = vector.load %arg6[%get3A_40, %get3A_41] : memref<1x40xf32, #tpu.memory_space<vmem>>, vector<1x40xf32>
    %add3A_43 = vector.broadcast %get3A_42 : vector<1x40xf32> to vector<1024x40xf32>
    %add3A_44 = arith.addf %dot_general3A_39, %add3A_43 : vector<1024x40xf32>
    %swap3A_45 = arith.constant 0 : index
    %swap3A_46 = arith.constant 0 : index
    %swap3A_47 = vector.load %arg8[%swap3A_45, %swap3A_46] : memref<1024x40xf32, #tpu.memory_space<vmem>>, vector<1024x40xf32>
    tpu.vector_store %arg8[%swap3A_45, %swap3A_46], %add3A_44 {strides = array<i32>} : memref<1024x40xf32, #tpu.memory_space<vmem>>, vector<1024x40xf32>,
    return
  }
  func.func @transform_0(%arg0: i32) -> (i32, i32, i32) {
    %c0_i32 = arith.constant 0 : i32
    %c0_i32_0 = arith.constant 0 : i32
    %c0_i32_1 = arith.constant 0 : i32
    return %c0_i32, %arg0, %c0_i32_0 : i32, i32, i32
  }
  func.func @transform_1(%arg0: i32) -> (i32, i32) {
    %c0_i32 = arith.constant 0 : i32
    %c0_i32_0 = arith.constant 0 : i32
    return %c0_i32, %arg0 : i32, i32
  }
  func.func @transform_2(%arg0: i32) -> (i32, i32) {
    %c0_i32 = arith.constant 0 : i32
    %c0_i32_0 = arith.constant 0 : i32
    return %arg0, %c0_i32 : i32, i32
  }
  func.func @transform_3(%arg0: i32) -> (i32, i32) {
    %c0_i32 = arith.constant 0 : i32
    %c0_i32_0 = arith.constant 0 : i32
    %c0_i32_1 = arith.constant 0 : i32
    return %c0_i32, %c0_i32_0 : i32, i32
  }
  func.func @transform_4(%arg0: i32) -> (i32, i32) {
    %c0_i32 = arith.constant 0 : i32
    %c0_i32_0 = arith.constant 0 : i32
    %c0_i32_1 = arith.constant 0 : i32
    return %c0_i32, %c0_i32_0 : i32, i32
  }
  func.func @transform_5(%arg0: i32) -> (i32, i32) {
    %c0_i32 = arith.constant 0 : i32
    %c0_i32_0 = arith.constant 0 : i32
    %c0_i32_1 = arith.constant 0 : i32
    return %c0_i32, %c0_i32_0 : i32, i32
  }
  func.func @transform_6(%arg0: i32) -> (i32, i32) {
    %c0_i32 = arith.constant 0 : i32
    %c0_i32_0 = arith.constant 0 : i32
    return %arg0, %c0_i32 : i32, i32
  }
  func.func @transform_7(%arg0: i32) -> (i32, i32) {
    %c0_i32 = arith.constant 0 : i32
    %c0_i32_0 = arith.constant 0 : i32
    return %arg0, %c0_i32 : i32, i32
  }
}

module attributes {stable_mosaic.version = 14 : i64} {
  func.func @_tc3_body(%arg0: i32, %arg1: memref<2x1024x48xf32, #tpu.memory_space<vmem>>, %arg2: memref<2x1024xf32, #tpu.memory_space<vmem>>, %arg3: memref<1024x40xf32, #tpu.memory_space<vmem>>, %arg4: memref<1024x40xf32, #tpu.memory_space<vmem>>) attributes {dimension_semantics = [#tpu.dimension_semantics<arbitrary>], iteration_bounds = array<i64: 10>, scalar_prefetch = 0 : i64, scratch_operands = 0 : i64, tpu.core_type = #tpu.core_type<tc>, window_params = [{transform_indices = @transform_0, window_bounds = array<i64: 2, 1024, 48>}, {transform_indices = @transform_1, window_bounds = array<i64: 2, 1024>}, {transform_indices = @transform_2, window_bounds = array<i64: 1024, 40>}, {transform_indices = @transform_3, window_bounds = array<i64: 1024, 40>}]} {
    %get3A = arith.constant 0 : index
    %get3A_0 = arith.constant 0 : index
    %get3A_1 = vector.load %arg2[%get3A, %get3A_0] : memref<2x1024xf32, #tpu.memory_space<vmem>>, vector<1x1024xf32>
    %get3A_2 = vector.shape_cast %get3A_1 : vector<1x1024xf32> to vector<1024xf32>
    %get3A_3 = arith.constant 1 : index
    %get3A_4 = arith.constant 0 : index
    %get3A_5 = vector.load %arg2[%get3A_3, %get3A_4] : memref<2x1024xf32, #tpu.memory_space<vmem>>, vector<1x1024xf32>
    %get3A_6 = vector.shape_cast %get3A_5 : vector<1x1024xf32> to vector<1024xf32>
    %add3A = arith.addf %get3A_2, %get3A_6 : vector<1024xf32>
    %max3A = arith.constant 1.000000e+00 : f32
    %max3A_7 = vector.broadcast %max3A : f32 to vector<1024xf32>
    %max3A_8 = arith.maximumf %add3A, %max3A_7 : vector<1024xf32>
    %get3A_9 = arith.constant 0 : index
    %get3A_10 = arith.constant 0 : index
    %get3A_11 = arith.constant 0 : index
    %get3A_12 = vector.load %arg1[%get3A_9, %get3A_10, %get3A_11] : memref<2x1024x48xf32, #tpu.memory_space<vmem>>, vector<1x1024x48xf32>
    %get3A_13 = vector.shape_cast %get3A_12 : vector<1x1024x48xf32> to vector<1024x48xf32>
    %get3A_14 = arith.constant 1 : index
    %get3A_15 = arith.constant 0 : index
    %get3A_16 = arith.constant 0 : index
    %get3A_17 = vector.load %arg1[%get3A_14, %get3A_15, %get3A_16] : memref<2x1024x48xf32, #tpu.memory_space<vmem>>, vector<1x1024x48xf32>
    %get3A_18 = vector.shape_cast %get3A_17 : vector<1x1024x48xf32> to vector<1024x48xf32>
    %add3A_19 = arith.addf %get3A_13, %get3A_18 : vector<1024x48xf32>
    %slice3A = vector.extract_strided_slice %add3A_19 {offsets = [0, 0], sizes = [1024, 40], strides = [1, 1]} : vector<1024x48xf32> to vector<1024x40xf32>
    %broadcast_in_dim3A = vector.shape_cast %max3A_8 : vector<1024xf32> to vector<1024x1xf32>
    %div3A = vector.broadcast %broadcast_in_dim3A : vector<1024x1xf32> to vector<1024x40xf32>
    %div3A_20 = arith.divf %slice3A, %div3A : vector<1024x40xf32>
    %get3A_21 = arith.constant 0 : index
    %get3A_22 = arith.constant 0 : index
    %get3A_23 = vector.load %arg3[%get3A_21, %get3A_22] : memref<1024x40xf32, #tpu.memory_space<vmem>>, vector<1024x40xf32>
    %add3A_24 = arith.addf %div3A_20, %get3A_23 : vector<1024x40xf32>
    %reduce_max3A = arith.constant dense<0xFF800000> : vector<1024xf32>
    %reduce_max3A_25 = vector.multi_reduction <maximumf>, %add3A_24, %reduce_max3A [1] : vector<1024x40xf32> to vector<1024xf32>
    %broadcast_in_dim3A_26 = vector.shape_cast %reduce_max3A_25 : vector<1024xf32> to vector<1024x1xf32>
    %sub3A = vector.broadcast %broadcast_in_dim3A_26 : vector<1024x1xf32> to vector<1024x40xf32>
    %sub3A_27 = arith.subf %add3A_24, %sub3A : vector<1024x40xf32>
    %exp3A = math.exp %sub3A_27 : vector<1024x40xf32>
    %reduce_sum3A = arith.constant dense<0.000000e+00> : vector<1024xf32>
    %reduce_sum3A_28 = vector.multi_reduction <add>, %exp3A, %reduce_sum3A [1] : vector<1024x40xf32> to vector<1024xf32>
    %broadcast_in_dim3A_29 = vector.shape_cast %reduce_sum3A_28 : vector<1024xf32> to vector<1024x1xf32>
    %log3A = math.log %broadcast_in_dim3A_29 : vector<1024x1xf32>
    %sub3A_30 = vector.broadcast %broadcast_in_dim3A_26 : vector<1024x1xf32> to vector<1024x40xf32>
    %sub3A_31 = arith.subf %add3A_24, %sub3A_30 : vector<1024x40xf32>
    %sub3A_32 = vector.broadcast %log3A : vector<1024x1xf32> to vector<1024x40xf32>
    %sub3A_33 = arith.subf %sub3A_31, %sub3A_32 : vector<1024x40xf32>
    %swap3A = arith.constant 0 : index
    %swap3A_34 = arith.constant 0 : index
    %swap3A_35 = vector.load %arg4[%swap3A, %swap3A_34] : memref<1024x40xf32, #tpu.memory_space<vmem>>, vector<1024x40xf32>
    tpu.vector_store %arg4[%swap3A, %swap3A_34], %sub3A_33 {strides = array<i32>} : memref<1024x40xf32, #tpu.memory_space<vmem>>, vector<1024x40xf32>,
    return
  }
  func.func @transform_0(%arg0: i32) -> (i32, i32, i32) {
    %c0_i32 = arith.constant 0 : i32
    %c0_i32_0 = arith.constant 0 : i32
    %c0_i32_1 = arith.constant 0 : i32
    return %c0_i32, %arg0, %c0_i32_0 : i32, i32, i32
  }
  func.func @transform_1(%arg0: i32) -> (i32, i32) {
    %c0_i32 = arith.constant 0 : i32
    %c0_i32_0 = arith.constant 0 : i32
    return %c0_i32, %arg0 : i32, i32
  }
  func.func @transform_2(%arg0: i32) -> (i32, i32) {
    %c0_i32 = arith.constant 0 : i32
    %c0_i32_0 = arith.constant 0 : i32
    return %arg0, %c0_i32 : i32, i32
  }
  func.func @transform_3(%arg0: i32) -> (i32, i32) {
    %c0_i32 = arith.constant 0 : i32
    %c0_i32_0 = arith.constant 0 : i32
    return %arg0, %c0_i32 : i32, i32
  }
}

</mosaic_0001>

<sc_bundles>
// kernel: kernel.11.cloned.1.call-start
scs
__scs_entry_jumppad:
0x0: {  	(pc) =	sbr.rel $0x88, $3  }
0x1: {  	(tag) =	ssettag $0x0;
	lr =	simm.s32 $0x1  }
0x2: {  	[smem:$0x3F96] =	sst lr;
	_ =	strace $0xD0000000  }
0x3: {  	_ = 	snop  }
0x4: {  	_ = 	snop  }
0x5: {  	_ = 	snop  }
0x6: {  	_ = 	snop  }
0x7: {  	_ = 	snop  }
__scs_overlays_trampoline_lowered:
0x8: {  	[smem:$0x3FA5] =	sst s0  }
0x9: {  	[smem:$0x3FA6] =	sst s1  }
0xa: {  	[smem:$0x3FA7] =	sst s2  }
0xb: {  	[smem:$0x3FA8] =	sst s3  }
0xc: {  	[smem:$0x3FA9] =	sst s4  }
0xd: {  	[smem:$0x3FAA] =	sst s5  }
0xe: {  	[smem:$0x3FAB] =	sst s6  }
0xf: {  	[smem:$0x3FAC] =	sst s7  }
0x10: {  	[smem:$0x3FAD] =	sst s8  }
0x11: {  	[smem:$0x3FAE] =	sst s9;
	s0 =	simm.s32 @!p0 $0x0  }
0x12: {  	s1 =	sld [smem:$0x3F94];
	s0 =	simm.s32 @p0 $0x1  }
0x13: {  	[smem:$0x3FAF] =	sst s0;
	s0 =	simm.s32 @!p1 $0x0  }
0x14: {  	s2 =	sld [smem:$0x3F93];
	s0 =	simm.s32 @p1 $0x1  }
0x15: {  	[smem:$0x3FB0] =	sst s0;
	s0 =	simm.s32 @!p2 $0x0  }
0x16: {  	s3 =	sld [smem:$0x3FDB];
	s0 =	simm.s32 @p2 $0x1  }
0x17: {  	s4 =	simm.s32 $0x1BF5;
	[smem:$0x3FB2] =	sst s0  }
0x18: {  	s0 =	sld [smem:$0x3F95];
	_ =	swait.ge [sflag:s4], $0x0  }
0x19: {  	s7 =	sld [smem:$0x3F96]  }
0x1a: {  	s8 =	sadd.s32 $0xFFFFE003, lr  }
0x1b: {  	s9 =	sadd.s32 $0xFFFFFEF7, lr;
	s5 =	simm.s32 $0xFFFFFFFF;
	p2 =	slt.u32 s8, $0xFFFFF086  }
0x1c: {  	p1 =	slt.u32 s9, $0xF7A;
	s5 =	simm.s32 @!p2 $0x0  }
0x1d: {  	s5 =	simm.s32 @p1 $0x1;
	p0 =	seq.s32 s7, s2  }
0x1e: {  	s7 =	smul.u32 @!p0 $0xF7A, s2;
	p2 =	seq.s32 @!p0 s5, $0x0  }
0x1f: {  	s9 =	smul.u32 $0xF7A, s1;
	s8 =	simm.s32 @!p0 $0x1BF5;
	p2 =	por !p2, p0  }
0x20: {  	[sflag:s8] =	ssyncset.s32 @!p0 $0xFFFFF086;
	s6 =	sadd.s32 @!p0 s3, s7;
	s7 =	simm.s32 @!p0 $0x108  }
0x21: {  	s3 =	sadd.s32 s3, s9;
	s6 =	sadd.s32 @!p0 $0x88, s6;
	s7 =	simm.s32 @p2 $0x1082  }
0x22: {  	[simem:s7], [sflag:s8] =	dma.local @!p0 [hbm:s6], $0xF7A  }
0x23: {  	s9 =	sor.u32 $0xD0000000, s2;
	s6 =	simm.s32 $0x108;
	_ =	swait.ge @!p0 [sflag:s8], $0x0  }
0x24: {  	s3 =	sadd.s32 $0x88, s3;
	s6 =	simm.s32 @!p1 $0x1082;
	[sflag:s4] =	ssyncset.s32 $0xFFFFF086  }
0x25: {  	[simem:s6], [sflag:s4] =	dma.local [hbm:s3], $0xF7A  }
0x26: {  	[smem:$0x3F96] =	sst s1;
	(tag) =	ssettag s2;
	_ =	strace s9  }
0x27: {  	s1 =	sld [smem:$0x3FA6]  }
0x28: {  	s2 =	sld [smem:$0x3FA7]  }
0x29: {  	s4 =	sld [smem:$0x3FA9]  }
0x2a: {  	p0 =	seq.s32 s5, $0x0;
	s5 =	sld [smem:$0x3FAA]  }
0x2b: {  	s6 =	sld [smem:$0x3FAB]  }
0x2c: {  	s7 =	sld [smem:$0x3FAC]  }
0x2d: {  	s3 =	simm.s32 $0x108;
	s8 =	sld [smem:$0x3FAD]  }
0x2e: {  	s3 =	simm.s32 @!p0 $0x1082;
	s9 =	sld [smem:$0x3FAE]  }
0x2f: {  	lr =	sadd.s32 s0, s3;
	s0 =	sld [smem:$0x3FA5]  }
0x30: {  	s3 =	sld [smem:$0x3FA8]  }
0x31: {  	[smem:$0x3FB1] =	sst s10  }
0x32: {  	s10 =	sld [smem:$0x3FAF];
	_ =	sdelay $0x3  }
0x33: {  	p0 =	seq.s32 s10, $0x1;
	s10 =	sld [smem:$0x3FB1];
	_ =	sdelay $0x3  }
0x34: {  	[smem:$0x3FB1] =	sst s10  }
0x35: {  	s10 =	sld [smem:$0x3FB0];
	_ =	sdelay $0x3  }
0x36: {  	p1 =	seq.s32 s10, $0x1;
	s10 =	sld [smem:$0x3FB1];
	_ =	sdelay $0x3  }
0x37: {  	[smem:$0x3FB1] =	sst s10  }
0x38: {  	s10 =	sld [smem:$0x3FB2]  }
0x39: {  	_ = 	snop;
	(pc) =	sbr.ind lr, $3  }
0x3a: {  	_ = 	snop  }
0x3b: {  	_ = 	snop  }
0x3c: {  	p2 =	seq.s32 s10, $0x1;
	s10 =	sld [smem:$0x3FB1]  }
0x3d: {  	_ =	shalt  }
0x3e: {  	_ =	shalt  }
0x3f: {  	_ =	shalt  }
0x40: {  	_ =	shalt  }
0x41: {  	_ =	shalt  }
0x42: {  	_ =	shalt  }
0x43: {  	_ =	shalt  }
0x44: {  	_ =	shalt  }
0x45: {  	_ =	shalt  }
0x46: {  	_ =	shalt  }
0x47: {  	_ =	shalt  }
0x48: {  	_ =	shalt  }
0x49: {  	_ =	shalt  }
0x4a: {  	_ =	shalt  }
0x4b: {  	_ =	shalt  }
0x4c: {  	_ =	shalt  }
0x4d: {  	_ =	shalt  }
0x4e: {  	_ =	shalt  }
0x4f: {  	_ =	shalt  }
0x50: {  	_ =	shalt  }
0x51: {  	_ =	shalt  }
0x52: {  	_ =	shalt  }
0x53: {  	_ =	shalt  }
0x54: {  	_ =	shalt  }
0x55: {  	_ =	shalt  }
0x56: {  	_ =	shalt  }
0x57: {  	_ =	shalt  }
0x58: {  	_ =	shalt  }
0x59: {  	_ =	shalt  }
0x5a: {  	_ =	shalt  }
0x5b: {  	_ =	shalt  }
0x5c: {  	_ =	shalt  }
0x5d: {  	_ =	shalt  }
0x5e: {  	_ =	shalt  }
0x5f: {  	_ =	shalt  }
0x60: {  	_ =	shalt  }
0x61: {  	_ =	shalt  }
0x62: {  	_ =	shalt  }
0x63: {  	_ =	shalt  }
0x64: {  	_ =	shalt  }
0x65: {  	_ =	shalt  }
0x66: {  	_ =	shalt  }
0x67: {  	_ =	shalt  }
0x68: {  	_ =	shalt  }
0x69: {  	_ =	shalt  }
0x6a: {  	_ =	shalt  }
0x6b: {  	_ =	shalt  }
0x6c: {  	_ =	shalt  }
0x6d: {  	_ =	shalt  }
0x6e: {  	_ =	shalt  }
0x6f: {  	_ =	shalt  }
0x70: {  	_ =	shalt  }
0x71: {  	_ =	shalt  }
0x72: {  	_ =	shalt  }
0x73: {  	_ =	shalt  }
0x74: {  	_ =	shalt  }
0x75: {  	_ =	shalt  }
0x76: {  	_ =	shalt  }
0x77: {  	_ =	shalt  }
0x78: {  	_ =	shalt  }
0x79: {  	_ =	shalt  }
0x7a: {  	_ =	shalt  }
0x7b: {  	_ =	shalt  }
0x7c: {  	_ =	shalt  }
0x7d: {  	_ =	shalt  }
0x7e: {  	_ =	shalt  }
0x7f: {  	_ =	shalt  }
0x80: {  	_ =	shalt  }
0x81: {  	_ =	shalt  }
0x82: {  	_ =	shalt  }
0x83: {  	_ =	shalt  }
0x84: {  	_ =	shalt  }
0x85: {  	_ =	shalt  }
0x86: {  	_ =	shalt  }
0x87: {  	_ =	shalt  }
.Lfunc_end0:
.L_simem_size_0:
called_computation.1_lowered:
.L_overlay_start_0:
0x88: {  	s2 =	sld [smem:$0x3FD9]  }
0x89: {  	s3 =	sld [smem:$0x3FFE];
	_ =	sdelay $0x1  }
0x8a: {  	s1 =	srdreg.scid  }
0x8b: {  	s0 =	sand.u32 $0x1, s1  }
0x8c: {  	s16 =	sshll.u32 s0, $0xA;
	s2 =	sadd.s32 s3, s2  }
0x8d: {  	s2 =	sadd.s32 s2, s16  }
0x8e: {  	[smem:$0x3FBD] =	sst s2  }
0x8f: {  	_ = 	snop  }
0x90: {  	(tm) =	ssettm $0x1  }
0x91: {  	s17 =	sld [smem:$0x3FFB];
	_ =	sdelay $0x3  }
0x92: {  	_ =	strace s17  }
0x93: {  	s2 =	sld [smem:$0x3FFC];
	_ =	sdelay $0x3  }
0x94: {  	_ =	strace s2  }
0x95: {  	s2 =	sld [smem:$0x3FFD];
	_ =	sdelay $0x3  }
0x96: {  	_ =	strace s2  }
0x97: {  	_ =	strace $0x8FFFFFFF  }
0x98: {  	s18 =	sld [smem:$0x3FDB];
	_ =	sdelay $0x1  }
0x99: {  	s19 =	simm.s32 $_scs_section_size  }
0x9a: {  	s4 =	simm.s32 $_size__tile_overlayer_lowered;
	s5 =	simm.s32 $_tile_overlayer_lowered  }
0x9b: {  	s22 =	simm.s32 $0x1BFF;
	s21 =	sshll.u32 s5, $0x1;
	s2 =	sadd.s32 s19, s18  }
0x9c: {  	s6 =	simm.s32 $0x0;
	s20 =	sshll.u32 s4, $0x1;
	s4 =	sadd.s32 s21, s2  }
0x9d: {  	[timem:s6], [sflag:s22] =	dma.local [hbm:s4], s20  }
0x9e: {  	_ =	swait.ge [sflag:s22], s20  }
0x9f: {  	s3 =	ssub.s32 $0x0, s20;
	[sflag:s22] =	ssyncset.done $0x0  }
0xa0: {  	[sflag:s22] =	ssyncadd.s32 s3;
	_ =	sdelay $0x1  }
0xa1: {  	s23 =	simm.s32 $0x1B8B  }
0xa2: {  	_ =	swait.ge [sflag:s23], $0x1  }
0xa3: {  	[sflag:s23] =	ssyncset.done $0x0  }
0xa4: {  	s25 =	simm.s32 $0x1B8E;
	s24 =	sld [smem:$0x3FFE];
	[sflag:s23] =	ssyncadd.s32 $0xFFFFFFFF  }
0xa5: {  	s26 =	simm.s32 $execute0_lowered;
	[smem:$0x3FD2] =	sst s25  }
0xa6: {  	s4 =	sshll.u32 s26, $0x1;
	_ =	strace $0x80000049;
	[dreg:$0x1] =	wrdreg $0xFFFFFFFF  }
0xa7: {  	s28 =	simm.s32 $_size_execute0_lowered;
	s2 =	sadd.s32 s2, s4;
	[dreg:$0x0] =	wrdreg $0x0  }
0xa8: {  	s4 =	sshll.u32 s28, $0x1;
	[dreg:$0x2] =	wrdreg s2  }
0xa9: {  	[dreg:$0x3] =	wrdreg s4  }
0xaa: {  	[dreg:$0x4] =	wrdreg $0xC0  }
0xab: {  	_ =	task [dreg:s6], $0x5FFFF  }
0xac: {  	[dreg:$0x1] =	wrdreg $0xFFFFFFFF  }
0xad: {  	[dreg:$0x0] =	wrdreg $0x60  }
0xae: {  	[dreg:$0x2] =	wrdreg s24  }
0xaf: {  	[dreg:$0x3] =	wrdreg $0x90000  }
0xb0: {  	[dreg:$0x4] =	wrdreg $0x9  }
0xb1: {  	_ =	task.clear_ibuf [dreg:s6], $0x5FFFF;
	_ =	strace $0x90000049  }
0xb2: {  	s29 =	simm.s32 $0x9;
	_ =	strace $0x8000004B  }
0xb3: {  	_ =	swait.ge [sflag:s29], $0x1  }
0xb4: {  	[sflag:s29] =	ssyncadd.s32 $0xFFFFFFFF  }
0xb5: {  	_ =	strace $0x9000004B  }
0xb6: {  	_ =	sfence  }
0xb7: {  	s30 =	sld [smem:$0x0];
	_ =	sdelay $0x2  }
0xb8: {  	s31 =	sshll.u32 s1, $0xD;
	s1 =	sshrl.u32 s1, $0x2  }
0xb9: {  	s3 =	sand.u32 $0x4000, s31;
	s1 =	sadd.s32 s1, s30  }
0xba: {  	s0 =	sor.u32 s3, s0;
	s1 =	sshll.u32 s1, $0x11  }
0xbb: {  	s0 =	sor.u32 s1, s0  }
0xbc: {  	s0 =	sadd.s32 $0x8F2B, s0  }
0xbd: {  	[sflag:s0] =	ssyncadd.remote.s32 $0x1  }
0xbe: {  	_ =	sfence.sel $0xFFFF  }
0xbf: {  	[dreg:$0x0] =	wrdreg $0xFFFFFFFF;
	(pc) =	sbr.abs _section_cstart, $3  }
0xc0: {  	[dreg:$0x1] =	wrdreg $0xFFFFFFFF  }
0xc1: {  	_ =	task.clear_ibuf [dreg:s6], $0x2FFFF;
	_ =	strace $0x9FFFFFFF  }
0xc2: {  	(tm) =	ssettm $0x7FFFFFFF  }
0xc3: {  	_ =	shalt  }
tec
execute0_lowered:
.L_overlay_start_1:
0x0: {  	(tag) =	ssettag $0x1  }
0x1: {  	s0 =	rddreg [dreg:$0x0]  }
0x2: {  	s1 =	rddreg [dreg:$0x1]  }
0x3: {  	s2 =	srdreg.scid;
	s3 =	simm.s32 $0x0;
	s10 =	stileid.u32  }
0x4: {  	s16 =	simm.s32 $0x1000;
	s18 =	simm.s32 $0x80;
	s30 =	simm.s32 $0x800  }
0x5: {  	s12 =	simm.s32 $0x6;
	s28 =	simm.s32 $0xA00;
	s29 =	simm.s32 $0xD80  }
0x6: {  	s31 =	simm.s32 $0xA80;
	s11 =	simm.s32 $0x5;
	s6 =	smul.u32 $0x14000, s10  }
0x7: {  	s14 =	simm.s32 $0x0;
	s2 =	sand.u32 $0x1, s2;
	s9 =	smul.u32 $0x50000, s10  }
0x8: {  	[smem:$0x7FF] =	sst s3;
	s4 =	sadd.s32 $0x17600, s0;
	s22 =	smul.u32 $0xA000, s10  }
0x9: {  	s20 =	sshll.u32 s10, $0x1;
	s5 =	smul.u32 $0x140000, s2;
	s19 =	ssub.s32 $0x2, s2  }
0xa: {  	s10 =	simm.s32 $0xF80;
	_ =	strace $0x8000004A;
	s8 =	sshrl.u32 s19, $0x1  }
0xb: {  	s21 =	sshrl.u32 s9, $0x2;
	s9 =	simm.s32 $0xF00;
	s5 =	sadd.s32 s6, s5  }
0xc: {  	s6 =	ssub.s32 s19, s8;
	s17 =	sadd.s32 s21, s1;
	s19 =	simm.s32 $0x5000  }
0xd: {  	s21 =	simm.s32 $0xC80;
	s8 =	sadd.s32 $0x4000, s17;
	[dreg:$0x3] =	wrdreg s17  }
0xe: {  	s7 =	sshrl.u32 s5, $0x3;
	s23 =	sadd.s32 $0x8000, s17;
	[dreg:$0x4] =	wrdreg s8  }
0xf: {  	s5 =	sadd.s32 $0x3600, s0;
	s24 =	sadd.s32 $0xC000, s17;
	[dreg:$0x5] =	wrdreg s23  }
0x10: {  	s25 =	sadd.s32 $0x10000, s17;
	s6 =	smax.u32 s6, $0x1;
	[dreg:$0x6] =	wrdreg s24  }
0x11: {  	s0 =	sadd.s32 s7, s0;
	s7 =	sor.u32 s2, s20;
	[dreg:$0x7] =	wrdreg s25  }
0x12: {  	s2 =	smul.u32 $0x5000, s2;
	[dreg:$0xa] =	wrdreg s6;
	s20 =	simm.s32 $0x1  }
0x13: {  	s24 =	simm.s32 $0x2;
	s23 =	simm.s32 $0x980;
	s7 =	smul.u32 $0xA00, s7  }
0x14: {  	s25 =	simm.s32 $0xD00;
	s0 =	sadd.s32 $0x3F600, s0;
	s2 =	sadd.s32 s2, s22  }
.Ltmp0:
0x15: {  	[dreg:$0x9] =	wrdreg s0;
	s7 =	sadd.s32 s5, s7;
	(pc) =	sbr.rel .LBB2_1-.Ltmp0, $4  }
0x16: {  	s26 =	sor.u32 $0x800, s2;
	s2 =	sadd.s32 $0x1000, s2;
	[dreg:$0x8] =	wrdreg s7  }
0x17: {  	s8 =	simm.s32 $0xB80;
	s22 =	simm.s32 $0x3;
	[dreg:$0xb] =	wrdreg s2  }
0x18: {  	s0 =	sshrl.u32 s26, $0x3;
	s26 =	simm.s32 $0x4;
	s2 =	simm.s32 $0xB00  }
0x19: {  	v0 =	vimm.f32 $0.0e+00;
	s7 =	simm.s32 $0xE80;
	s15 =	sadd.s32 s0, s5;
	s0 =	simm.s32 $0xE00  }
.LBB2_6:
0x1a: {  	_ =	swait.ge [sflag:s24], $0x4000  }
0x1b: {  	[sflag:s24] =	ssyncset.done $0x0  }
0x1c: {  	[sflag:s24] =	ssyncadd.s32 $0xFFFFC000  }
0x1d: {  	[spmem:s1] =	stream.indirect.scatter.add.f32 [tilespmem:s19], [sflag:$0x4], $0x80, s10, s18, $0xb8;
	[tilespmem:$0x1D000] =	vst v63  }
0x1e: {  	_ =	swait.ge [sflag:s26], $0x4000  }
0x1f: {  	[sflag:s26] =	ssyncset.done $0x0  }
0x20: {  	[sflag:s26] =	ssyncadd.s32 $0xFFFFC000  }
0x21: {  	s6 =	stileid.u32;
	[bflag:$0x0] =	sbarrier.arrive $0xFFFF  }
0x22: {  	s6 =	sshll.u32 s6, $0x6;
	s17 =	rddreg [dreg:$0x3]  }
0x23: {  	s6 =	sor.u32 $0x1C07, s6;
	s14 =	rddreg [dreg:$0x9];
	s13 =	sshrl.u32 s17, $0x3  }
0x24: {  	[hbm:s14], [sflag:s6] =	dma.local [spmem:s13], $0x2800  }
0x25: {  	s13 =	simm.s32 $0x7  }
0x26: {  	_ =	swait.ge [sflag:s13], $0x2800  }
0x27: {  	s6 =	rddreg [dreg:$0xc]  }
0x28: {  	s14 =	sadd.s32 $0x1, s6;
	s6 =	rddreg [dreg:$0xa]  }
0x29: {  	p0 =	sne.s32 s14, s6  }
.Ltmp1:
0x2a: {  	_ = 	snop;
	(pc) =	sbr.rel @!p0 .LBB2_7-.Ltmp1, $3  }
0x2b: {  	_ =	sdelay $0x1  }
0x2c: {  	[sflag:s13] =	ssyncset.done $0x0  }
0x2d: {  	[sflag:s13] =	ssyncadd.s32 $0xFFFFD800  }
.LBB2_1:
0x2e: {  	[dreg:$0xc] =	wrdreg s14;
	s13 =	simm.s32 $0x0;
	s14 =	simm.s32 $0x200  }
.LBB2_2:
0x2f: {  	p0 =	sne.s32 s14, $0xFE00;
	[tilespmem:s13+$0x1070] =	vst v0  }
0x30: {  	[tilespmem:s13+$0x1000] =	vst v0  }
0x31: {  	[tilespmem:s13+$0x1010] =	vst v0  }
.Ltmp2:
0x32: {  	[tilespmem:s13+$0x1020] =	vst v0;
	(pc) =	sbr.rel @p0 .LBB2_2-.Ltmp2, $4  }
0x33: {  	[tilespmem:s13+$0x1030] =	vst v0  }
0x34: {  	[tilespmem:s13+$0x1040] =	vst v0  }
0x35: {  	[tilespmem:s13+$0x1050] =	vst v0  }
0x36: {  	[tilespmem:s13+$0x1060] =	vst v0;
	s13 =	sshra.s32 s14, $0x2;
	s14 =	sadd.s32 $0x200, s14  }
0x37: {  	[tilespmem:s13+$0x1070] =	vst v0  }
0x38: {  	[tilespmem:s13+$0x1000] =	vst v0  }
0x39: {  	[tilespmem:s13+$0x1010] =	vst v0  }
0x3a: {  	[tilespmem:s13+$0x1020] =	vst v0  }
0x3b: {  	[tilespmem:s13+$0x1030] =	vst v0  }
0x3c: {  	[tilespmem:s13+$0x1040] =	vst v0  }
0x3d: {  	[tilespmem:s13+$0x1050] =	vst v0  }
0x3e: {  	[tilespmem:s13+$0x1060] =	vst v0;
	s14 =	simm.s32 $0x7  }
0x3f: {  	[spmem:s17] =	stream.linear.scatter [tilespmem:s16], [sflag:$0x7], $0x4000, $0x38;
	[tilespmem:$0x1D000] =	vst v63  }
0x40: {  	_ =	swait.ge [sflag:s14], $0x4000  }
0x41: {  	[sflag:s14] =	ssyncset.done $0x0  }
0x42: {  	s6 =	rddreg [dreg:$0x4];
	[sflag:s14] =	ssyncadd.s32 $0xFFFFC000  }
0x43: {  	[spmem:s6] =	stream.linear.scatter [tilespmem:s16], [sflag:$0x7], $0x4000, $0x38;
	[tilespmem:$0x1D000] =	vst v63  }
0x44: {  	_ =	swait.ge [sflag:s14], $0x4000  }
0x45: {  	[sflag:s14] =	ssyncset.done $0x0  }
0x46: {  	s13 =	rddreg [dreg:$0x5];
	[sflag:s14] =	ssyncadd.s32 $0xFFFFC000  }
0x47: {  	[spmem:s13] =	stream.linear.scatter [tilespmem:s16], [sflag:$0x7], $0x4000, $0x38;
	[tilespmem:$0x1D000] =	vst v63  }
0x48: {  	_ =	swait.ge [sflag:s14], $0x4000  }
0x49: {  	[sflag:s14] =	ssyncset.done $0x0  }
0x4a: {  	s17 =	rddreg [dreg:$0x6];
	[sflag:s14] =	ssyncadd.s32 $0xFFFFC000  }
0x4b: {  	[spmem:s17] =	stream.linear.scatter [tilespmem:s16], [sflag:$0x7], $0x4000, $0x38;
	[tilespmem:$0x1D000] =	vst v63  }
0x4c: {  	_ =	swait.ge [sflag:s14], $0x4000  }
0x4d: {  	[sflag:s14] =	ssyncset.done $0x0  }
0x4e: {  	s13 =	rddreg [dreg:$0x7];
	[sflag:s14] =	ssyncadd.s32 $0xFFFFC000  }
0x4f: {  	[spmem:s13] =	stream.linear.scatter [tilespmem:s16], [sflag:$0x7], $0x4000, $0x38;
	[tilespmem:$0x1D000] =	vst v63  }
0x50: {  	_ =	swait.ge [sflag:s14], $0x4000  }
0x51: {  	[sflag:s14] =	ssyncset.done $0x0  }
0x52: {  	[sflag:s14] =	ssyncadd.s32 $0xFFFFC000  }
0x53: {  	[bflag:$0x0] =	sbarrier.arrive $0xFFFF  }
0x54: {  	s13 =	simm.s32 $0x0;
	s17 =	rddreg [dreg:$0x8]  }
0x55: {  	[tilespmem:s13], [sflag:$0x7] =	stream.linear.gather [hbm4b:s17+s13], $0x800, $0x38;
	[tilespmem:$0x1D000] =	vst v63  }
0x56: {  	_ =	swait.ge [sflag:s14], $0x800  }
0x57: {  	[sflag:s14] =	ssyncset.done $0x0  }
0x58: {  	[sflag:s14] =	ssyncadd.s32 $0xFFFFF800  }
0x59: {  	[tilespmem:s16], [sflag:$0x1] =	stream.indirect.gather [hbm4b:s4+s18], $0x80, s13, s18, $0xb8;
	[tilespmem:$0x1D000] =	vst v63  }
0x5a: {  	s14 =	rddreg [dreg:$0xb]  }
0x5b: {  	[tilespmem:s19], [sflag:$0x2] =	stream.indirect.gather [hbm4b:s4+s18], $0x80, s18, s18, $0xb8;
	[tilespmem:$0x1D000] =	vst v63  }
.LBB2_4:
0x5c: {  	_ =	swait.ge [sflag:s20], $0x4000  }
0x5d: {  	[sflag:s20] =	ssyncset.done $0x0  }
0x5e: {  	s6 =	simm.s32 $0x400;
	[sflag:s20] =	ssyncadd.s32 $0xFFFFC000  }
0x5f: {  	[spmem:s1] =	stream.indirect.scatter.add.f32 [tilespmem:s16], [sflag:$0x3], $0x80, s6, s18, $0xb8;
	[tilespmem:$0x1D000] =	vst v63  }
0x60: {  	_ =	swait.ge [sflag:s22], $0x4000  }
0x61: {  	[sflag:s22] =	ssyncset.done $0x0  }
0x62: {  	s17 =	simm.s32 $0x100;
	[sflag:s22] =	ssyncadd.s32 $0xFFFFC000  }
0x63: {  	[tilespmem:s16], [sflag:$0x1] =	stream.indirect.gather [hbm4b:s4+s18], $0x80, s17, s18, $0xb8;
	[tilespmem:$0x1D000] =	vst v63  }
0x64: {  	_ =	swait.ge [sflag:s24], $0x4000  }
0x65: {  	[sflag:s24] =	ssyncset.done $0x0  }
0x66: {  	s17 =	simm.s32 $0x480;
	[sflag:s24] =	ssyncadd.s32 $0xFFFFC000  }
0x67: {  	[spmem:s1] =	stream.indirect.scatter.add.f32 [tilespmem:s19], [sflag:$0x4], $0x80, s17, s18, $0xb8;
	[tilespmem:$0x1D000] =	vst v63  }
0x68: {  	_ =	swait.ge [sflag:s26], $0x4000  }
0x69: {  	[sflag:s26] =	ssyncset.done $0x0  }
0x6a: {  	s17 =	simm.s32 $0x180;
	[sflag:s26] =	ssyncadd.s32 $0xFFFFC000  }
0x6b: {  	[tilespmem:s19], [sflag:$0x2] =	stream.indirect.gather [hbm4b:s4+s18], $0x80, s17, s18, $0xb8;
	[tilespmem:$0x1D000] =	vst v63  }
0x6c: {  	_ =	swait.ge [sflag:s20], $0x4000  }
0x6d: {  	[sflag:s20] =	ssyncset.done $0x0  }
0x6e: {  	s17 =	simm.s32 $0x500;
	[sflag:s20] =	ssyncadd.s32 $0xFFFFC000  }
0x6f: {  	[spmem:s1] =	stream.indirect.scatter.add.f32 [tilespmem:s16], [sflag:$0x3], $0x80, s17, s18, $0xb8;
	[tilespmem:$0x1D000] =	vst v63  }
0x70: {  	s17 =	sadd.s32 s13, s15  }
0x71: {  	[tilespmem:s30], [sflag:$0x6] =	stream.linear.gather [hbm4b:s17+s3], $0x800, $0x38;
	[tilespmem:$0x1D000] =	vst v63  }
0x72: {  	_ =	swait.ge [sflag:s22], $0x4000  }
0x73: {  	[sflag:s22] =	ssyncset.done $0x0  }
0x74: {  	s17 =	simm.s32 $0x200;
	[sflag:s22] =	ssyncadd.s32 $0xFFFFC000  }
0x75: {  	[tilespmem:s16], [sflag:$0x1] =	stream.indirect.gather [hbm4b:s4+s18], $0x80, s17, s18, $0xb8;
	[tilespmem:$0x1D000] =	vst v63  }
0x76: {  	_ =	swait.ge [sflag:s24], $0x4000  }
0x77: {  	[sflag:s24] =	ssyncset.done $0x0  }
0x78: {  	s17 =	simm.s32 $0x580;
	[sflag:s24] =	ssyncadd.s32 $0xFFFFC000  }
0x79: {  	[spmem:s1] =	stream.indirect.scatter.add.f32 [tilespmem:s19], [sflag:$0x4], $0x80, s17, s18, $0xb8;
	[tilespmem:$0x1D000] =	vst v63  }
0x7a: {  	_ =	swait.ge [sflag:s26], $0x4000  }
0x7b: {  	[sflag:s26] =	ssyncset.done $0x0  }
0x7c: {  	s17 =	simm.s32 $0x280;
	[sflag:s26] =	ssyncadd.s32 $0xFFFFC000  }
0x7d: {  	[tilespmem:s19], [sflag:$0x2] =	stream.indirect.gather [hbm4b:s4+s18], $0x80, s17, s18, $0xb8;
	[tilespmem:$0x1D000] =	vst v63  }
0x7e: {  	_ =	swait.ge [sflag:s20], $0x4000  }
0x7f: {  	[sflag:s20] =	ssyncset.done $0x0  }
0x80: {  	s17 =	simm.s32 $0x600;
	[sflag:s20] =	ssyncadd.s32 $0xFFFFC000  }
0x81: {  	[spmem:s1] =	stream.indirect.scatter.add.f32 [tilespmem:s16], [sflag:$0x3], $0x80, s17, s18, $0xb8;
	[tilespmem:$0x1D000] =	vst v63  }
0x82: {  	_ =	swait.ge [sflag:s22], $0x4000  }
0x83: {  	[sflag:s22] =	ssyncset.done $0x0  }
0x84: {  	s17 =	simm.s32 $0x300;
	[sflag:s22] =	ssyncadd.s32 $0xFFFFC000  }
0x85: {  	[tilespmem:s16], [sflag:$0x1] =	stream.indirect.gather [hbm4b:s4+s18], $0x80, s17, s18, $0xb8;
	[tilespmem:$0x1D000] =	vst v63  }
0x86: {  	_ =	swait.ge [sflag:s24], $0x4000  }
0x87: {  	[sflag:s24] =	ssyncset.done $0x0  }
0x88: {  	s17 =	simm.s32 $0x680;
	[sflag:s24] =	ssyncadd.s32 $0xFFFFC000  }
0x89: {  	[spmem:s1] =	stream.indirect.scatter.add.f32 [tilespmem:s19], [sflag:$0x4], $0x80, s17, s18, $0xb8;
	[tilespmem:$0x1D000] =	vst v63  }
0x8a: {  	_ =	swait.ge [sflag:s26], $0x4000  }
0x8b: {  	[sflag:s26] =	ssyncset.done $0x0  }
0x8c: {  	s17 =	simm.s32 $0x380;
	[sflag:s26] =	ssyncadd.s32 $0xFFFFC000  }
0x8d: {  	[tilespmem:s19], [sflag:$0x2] =	stream.indirect.gather [hbm4b:s4+s18], $0x80, s17, s18, $0xb8;
	[tilespmem:$0x1D000] =	vst v63  }
0x8e: {  	_ =	swait.ge [sflag:s20], $0x4000  }
0x8f: {  	[sflag:s20] =	ssyncset.done $0x0  }
0x90: {  	s17 =	simm.s32 $0x700;
	[sflag:s20] =	ssyncadd.s32 $0xFFFFC000  }
0x91: {  	[spmem:s1] =	stream.indirect.scatter.add.f32 [tilespmem:s16], [sflag:$0x3], $0x80, s17, s18, $0xb8;
	[tilespmem:$0x1D000] =	vst v63  }
0x92: {  	_ =	swait.ge [sflag:s22], $0x4000  }
0x93: {  	[sflag:s22] =	ssyncset.done $0x0  }
0x94: {  	[sflag:s22] =	ssyncadd.s32 $0xFFFFC000  }
0x95: {  	_ =	swait.ge [sflag:s12], $0x800  }
0x96: {  	[sflag:s12] =	ssyncset.done $0x0  }
0x97: {  	[sflag:s12] =	ssyncadd.s32 $0xFFFFF800  }
0x98: {  	[tilespmem:s16], [sflag:$0x1] =	stream.indirect.gather [hbm4b:s4+s18], $0x80, s30, s18, $0xb8;
	[tilespmem:$0x1D000] =	vst v63  }
0x99: {  	_ =	swait.ge [sflag:s24], $0x4000  }
0x9a: {  	[sflag:s24] =	ssyncset.done $0x0  }
0x9b: {  	s17 =	simm.s32 $0x780;
	[sflag:s24] =	ssyncadd.s32 $0xFFFFC000  }
0x9c: {  	[spmem:s1] =	stream.indirect.scatter.add.f32 [tilespmem:s19], [sflag:$0x4], $0x80, s17, s18, $0xb8;
	[tilespmem:$0x1D000] =	vst v63  }
0x9d: {  	_ =	swait.ge [sflag:s26], $0x4000  }
0x9e: {  	[sflag:s26] =	ssyncset.done $0x0  }
0x9f: {  	s17 =	simm.s32 $0x880;
	[sflag:s26] =	ssyncadd.s32 $0xFFFFC000  }
0xa0: {  	[tilespmem:s19], [sflag:$0x2] =	stream.indirect.gather [hbm4b:s4+s18], $0x80, s17, s18, $0xb8;
	[tilespmem:$0x1D000] =	vst v63  }
0xa1: {  	_ =	swait.ge [sflag:s20], $0x4000  }
0xa2: {  	[sflag:s20] =	ssyncset.done $0x0  }
0xa3: {  	s17 =	simm.s32 $0xC00;
	[sflag:s20] =	ssyncadd.s32 $0xFFFFC000  }
0xa4: {  	[spmem:s1] =	stream.indirect.scatter.add.f32 [tilespmem:s16], [sflag:$0x3], $0x80, s17, s18, $0xb8;
	[tilespmem:$0x1D000] =	vst v63  }
0xa5: {  	_ =	swait.ge [sflag:s22], $0x4000  }
0xa6: {  	[sflag:s22] =	ssyncset.done $0x0  }
0xa7: {  	s17 =	simm.s32 $0x900;
	[sflag:s22] =	ssyncadd.s32 $0xFFFFC000  }
0xa8: {  	[tilespmem:s16], [sflag:$0x1] =	stream.indirect.gather [hbm4b:s4+s18], $0x80, s17, s18, $0xb8;
	[tilespmem:$0x1D000] =	vst v63  }
0xa9: {  	_ =	swait.ge [sflag:s24], $0x4000  }
0xaa: {  	[sflag:s24] =	ssyncset.done $0x0  }
0xab: {  	[sflag:s24] =	ssyncadd.s32 $0xFFFFC000  }
0xac: {  	[spmem:s1] =	stream.indirect.scatter.add.f32 [tilespmem:s19], [sflag:$0x4], $0x80, s21, s18, $0xb8;
	[tilespmem:$0x1D000] =	vst v63  }
0xad: {  	_ =	swait.ge [sflag:s26], $0x4000  }
0xae: {  	[sflag:s26] =	ssyncset.done $0x0  }
0xaf: {  	[sflag:s26] =	ssyncadd.s32 $0xFFFFC000  }
0xb0: {  	[tilespmem:s19], [sflag:$0x2] =	stream.indirect.gather [hbm4b:s4+s18], $0x80, s23, s18, $0xb8;
	[tilespmem:$0x1D000] =	vst v63  }
0xb1: {  	_ =	swait.ge [sflag:s20], $0x4000  }
0xb2: {  	p0 =	seq.s32 s13, $0x800;
	[sflag:s20] =	ssyncset.done $0x0  }
0xb3: {  	s6 =	sshrl.u32 @!p0 s14, $0x3;
	[sflag:s20] =	ssyncadd.s32 $0xFFFFC000  }
0xb4: {  	[spmem:s1] =	stream.indirect.scatter.add.f32 [tilespmem:s16], [sflag:$0x3], $0x80, s25, s18, $0xb8;
	[tilespmem:$0x1D000] =	vst v63  }
0xb5: {  	s6 =	sadd.s32 @!p0 s5, s6;
	s17 =	simm.s32 @!p0 $0x0  }
0xb6: {  	[tilespmem:s17], [sflag:$0x5] =	stream.linear.gather @!p0 [hbm4b:s6+s17], $0x800, $0x38;
	[tilespmem:$0x1D000] =	vst v63  }
0xb7: {  	_ =	swait.ge [sflag:s22], $0x4000  }
0xb8: {  	[sflag:s22] =	ssyncset.done $0x0  }
0xb9: {  	[sflag:s22] =	ssyncadd.s32 $0xFFFFC000  }
0xba: {  	[tilespmem:s16], [sflag:$0x1] =	stream.indirect.gather [hbm4b:s4+s18], $0x80, s28, s18, $0xb8;
	[tilespmem:$0x1D000] =	vst v63  }
0xbb: {  	_ =	swait.ge [sflag:s24], $0x4000  }
0xbc: {  	[sflag:s24] =	ssyncset.done $0x0  }
0xbd: {  	[sflag:s24] =	ssyncadd.s32 $0xFFFFC000  }
0xbe: {  	[spmem:s1] =	stream.indirect.scatter.add.f32 [tilespmem:s19], [sflag:$0x4], $0x80, s29, s18, $0xb8;
	[tilespmem:$0x1D000] =	vst v63  }
0xbf: {  	_ =	swait.ge [sflag:s26], $0x4000  }
0xc0: {  	[sflag:s26] =	ssyncset.done $0x0  }
0xc1: {  	[sflag:s26] =	ssyncadd.s32 $0xFFFFC000  }
0xc2: {  	[tilespmem:s19], [sflag:$0x2] =	stream.indirect.gather [hbm4b:s4+s18], $0x80, s31, s18, $0xb8;
	[tilespmem:$0x1D000] =	vst v63  }
0xc3: {  	_ =	swait.ge [sflag:s20], $0x4000  }
0xc4: {  	[sflag:s20] =	ssyncset.done $0x0  }
0xc5: {  	[sflag:s20] =	ssyncadd.s32 $0xFFFFC000  }
0xc6: {  	[spmem:s1] =	stream.indirect.scatter.add.f32 [tilespmem:s16], [sflag:$0x3], $0x80, s0, s18, $0xb8;
	[tilespmem:$0x1D000] =	vst v63  }
0xc7: {  	_ =	swait.ge [sflag:s22], $0x4000  }
0xc8: {  	[sflag:s22] =	ssyncset.done $0x0  }
0xc9: {  	[sflag:s22] =	ssyncadd.s32 $0xFFFFC000  }
0xca: {  	[tilespmem:s16], [sflag:$0x1] =	stream.indirect.gather [hbm4b:s4+s18], $0x80, s2, s18, $0xb8;
	[tilespmem:$0x1D000] =	vst v63  }
0xcb: {  	_ =	swait.ge [sflag:s24], $0x4000  }
0xcc: {  	[sflag:s24] =	ssyncset.done $0x0  }
0xcd: {  	[sflag:s24] =	ssyncadd.s32 $0xFFFFC000  }
0xce: {  	[spmem:s1] =	stream.indirect.scatter.add.f32 [tilespmem:s19], [sflag:$0x4], $0x80, s7, s18, $0xb8;
	[tilespmem:$0x1D000] =	vst v63  }
0xcf: {  	_ =	swait.ge [sflag:s26], $0x4000  }
0xd0: {  	[sflag:s26] =	ssyncset.done $0x0  }
0xd1: {  	[sflag:s26] =	ssyncadd.s32 $0xFFFFC000  }
0xd2: {  	[tilespmem:s19], [sflag:$0x2] =	stream.indirect.gather [hbm4b:s4+s18], $0x80, s8, s18, $0xb8;
	[tilespmem:$0x1D000] =	vst v63  }
0xd3: {  	_ =	swait.ge [sflag:s20], $0x4000  }
0xd4: {  	[sflag:s20] =	ssyncset.done $0x0  }
.Ltmp3:
0xd5: {  	[sflag:s20] =	ssyncadd.s32 $0xFFFFC000;
	(pc) =	sbr.rel @p0 .LBB2_6-.Ltmp3, $4  }
0xd6: {  	[spmem:s1] =	stream.indirect.scatter.add.f32 [tilespmem:s16], [sflag:$0x3], $0x80, s9, s18, $0xb8;
	[tilespmem:$0x1D000] =	vst v63  }
0xd7: {  	_ =	swait.ge [sflag:s22], $0x4000  }
0xd8: {  	[sflag:s22] =	ssyncset.done $0x0  }
0xd9: {  	[sflag:s22] =	ssyncadd.s32 $0xFFFFC000  }
0xda: {  	_ =	swait.ge [sflag:s11], $0x800  }
0xdb: {  	[sflag:s11] =	ssyncset.done $0x0  }
0xdc: {  	[sflag:s11] =	ssyncadd.s32 $0xFFFFF800  }
0xdd: {  	[tilespmem:s16], [sflag:$0x1] =	stream.indirect.gather [hbm4b:s4+s18], $0x80, s3, s18, $0xb8;
	[tilespmem:$0x1D000] =	vst v63  }
0xde: {  	_ =	swait.ge [sflag:s24], $0x4000  }
0xdf: {  	[sflag:s24] =	ssyncset.done $0x0  }
0xe0: {  	[sflag:s24] =	ssyncadd.s32 $0xFFFFC000  }
0xe1: {  	[spmem:s1] =	stream.indirect.scatter.add.f32 [tilespmem:s19], [sflag:$0x4], $0x80, s10, s18, $0xb8;
	[tilespmem:$0x1D000] =	vst v63  }
.Ltmp4:
0xe2: {  	_ = 	snop;
	(pc) =	sbr.rel .LBB2_4-.Ltmp4, $4  }
0xe3: {  	_ =	swait.ge [sflag:s26], $0x4000  }
0xe4: {  	[sflag:s26] =	ssyncset.done $0x0  }
0xe5: {  	s14 =	sadd.s32 $0x1000, s14;
	s13 =	sadd.s32 $0x200, s13;
	[sflag:s26] =	ssyncadd.s32 $0xFFFFC000  }
0xe6: {  	[tilespmem:s19], [sflag:$0x2] =	stream.indirect.gather [hbm4b:s4+s18], $0x80, s18, s18, $0xb8;
	[tilespmem:$0x1D000] =	vst v63  }
.LBB2_7:
0xe7: {  	_ =	sfence.sel $0x180000  }
0xe8: {  	[bflag:$0x0] =	sbarrier.arrive $0xFFFF  }
0xe9: {  	_ =	strace $0x9000004A  }
0xea: {  	s0 =	stileid.u32;
	[bflag:$0x2] =	sbarrier.arrive $0xFFFF  }
0xeb: {  	p0 =	sne.s32 s0, $0x0;
	s0 =	rddreg [dreg:$0x2]  }
0xec: {  	s0 =	sadd.s32 @!p0 $0x100000, s0  }
0xed: {  	[sflag:s0] =	ssyncadd.tile.s32 @!p0 $0x1;
	_ =	shalt  }
.Lfunc_end2:
_tile_overlayer_lowered:
.L_overlay_start_2:
0xee: {  	(tag) =	ssettag $0x2  }
0xef: {  	s0 =	rddreg [dreg:$0x0];
	s2 =	stileid.u32  }
0xf0: {  	s1 =	rddreg [dreg:$0x1];
	p0 =	sne.s32 s2, $0x0  }
0xf1: {  	s3 =	rddreg [dreg:$0x2];
	[bflag:$0x3] =	sbarrier.arrive $0xFFFF;
	s2 =	simm.s32 @!p0 $0x1C07  }
0xf2: {  	[timem:s3], [sflag:s2] =	dma.local @!p0 [hbm:s0], s1  }
0xf3: {  	s0 =	simm.s32 @!p0 $0x7  }
0xf4: {  	_ =	swait.ge @!p0 [sflag:s0], s1  }
0xf5: {  	s1 =	ssub.s32 @!p0 $0x0, s1;
	[sflag:s0] =	ssyncset.done @!p0 $0x0  }
0xf6: {  	[sflag:s0] =	ssyncadd.s32 @!p0 s1  }
0xf7: {  	[bflag:$0x3] =	sbarrier.arrive $0xFFFF  }
0xf8: {  	_ =	shalt  }

// kernel: kernel.14.cloned.1.call-start
scs
__scs_entry_jumppad:
0x0: {  	(pc) =	sbr.rel $0x88, $3  }
0x1: {  	(tag) =	ssettag $0x0;
	lr =	simm.s32 $0x1  }
0x2: {  	[smem:$0x3F96] =	sst lr;
	_ =	strace $0xD0000000  }
0x3: {  	_ = 	snop  }
0x4: {  	_ = 	snop  }
0x5: {  	_ = 	snop  }
0x6: {  	_ = 	snop  }
0x7: {  	_ = 	snop  }
__scs_overlays_trampoline_lowered:
0x8: {  	[smem:$0x3FA5] =	sst s0  }
0x9: {  	[smem:$0x3FA6] =	sst s1  }
0xa: {  	[smem:$0x3FA7] =	sst s2  }
0xb: {  	[smem:$0x3FA8] =	sst s3  }
0xc: {  	[smem:$0x3FA9] =	sst s4  }
0xd: {  	[smem:$0x3FAA] =	sst s5  }
0xe: {  	[smem:$0x3FAB] =	sst s6  }
0xf: {  	[smem:$0x3FAC] =	sst s7  }
0x10: {  	[smem:$0x3FAD] =	sst s8  }
0x11: {  	[smem:$0x3FAE] =	sst s9;
	s0 =	simm.s32 @!p0 $0x0  }
0x12: {  	s1 =	sld [smem:$0x3F94];
	s0 =	simm.s32 @p0 $0x1  }
0x13: {  	[smem:$0x3FAF] =	sst s0;
	s0 =	simm.s32 @!p1 $0x0  }
0x14: {  	s2 =	sld [smem:$0x3F93];
	s0 =	simm.s32 @p1 $0x1  }
0x15: {  	[smem:$0x3FB0] =	sst s0;
	s0 =	simm.s32 @!p2 $0x0  }
0x16: {  	s3 =	sld [smem:$0x3FDB];
	s0 =	simm.s32 @p2 $0x1  }
0x17: {  	s4 =	simm.s32 $0x1BF5;
	[smem:$0x3FB2] =	sst s0  }
0x18: {  	s0 =	sld [smem:$0x3F95];
	_ =	swait.ge [sflag:s4], $0x0  }
0x19: {  	s7 =	sld [smem:$0x3F96]  }
0x1a: {  	s8 =	sadd.s32 $0xFFFFE003, lr  }
0x1b: {  	s9 =	sadd.s32 $0xFFFFFEF7, lr;
	s5 =	simm.s32 $0xFFFFFFFF;
	p2 =	slt.u32 s8, $0xFFFFF086  }
0x1c: {  	p1 =	slt.u32 s9, $0xF7A;
	s5 =	simm.s32 @!p2 $0x0  }
0x1d: {  	s5 =	simm.s32 @p1 $0x1;
	p0 =	seq.s32 s7, s2  }
0x1e: {  	s7 =	smul.u32 @!p0 $0xF7A, s2;
	p2 =	seq.s32 @!p0 s5, $0x0  }
0x1f: {  	s9 =	smul.u32 $0xF7A, s1;
	s8 =	simm.s32 @!p0 $0x1BF5;
	p2 =	por !p2, p0  }
0x20: {  	[sflag:s8] =	ssyncset.s32 @!p0 $0xFFFFF086;
	s6 =	sadd.s32 @!p0 s3, s7;
	s7 =	simm.s32 @!p0 $0x108  }
0x21: {  	s3 =	sadd.s32 s3, s9;
	s6 =	sadd.s32 @!p0 $0x88, s6;
	s7 =	simm.s32 @p2 $0x1082  }
0x22: {  	[simem:s7], [sflag:s8] =	dma.local @!p0 [hbm:s6], $0xF7A  }
0x23: {  	s9 =	sor.u32 $0xD0000000, s2;
	s6 =	simm.s32 $0x108;
	_ =	swait.ge @!p0 [sflag:s8], $0x0  }
0x24: {  	s3 =	sadd.s32 $0x88, s3;
	s6 =	simm.s32 @!p1 $0x1082;
	[sflag:s4] =	ssyncset.s32 $0xFFFFF086  }
0x25: {  	[simem:s6], [sflag:s4] =	dma.local [hbm:s3], $0xF7A  }
0x26: {  	[smem:$0x3F96] =	sst s1;
	(tag) =	ssettag s2;
	_ =	strace s9  }
0x27: {  	s1 =	sld [smem:$0x3FA6]  }
0x28: {  	s2 =	sld [smem:$0x3FA7]  }
0x29: {  	s4 =	sld [smem:$0x3FA9]  }
0x2a: {  	p0 =	seq.s32 s5, $0x0;
	s5 =	sld [smem:$0x3FAA]  }
0x2b: {  	s6 =	sld [smem:$0x3FAB]  }
0x2c: {  	s7 =	sld [smem:$0x3FAC]  }
0x2d: {  	s3 =	simm.s32 $0x108;
	s8 =	sld [smem:$0x3FAD]  }
0x2e: {  	s3 =	simm.s32 @!p0 $0x1082;
	s9 =	sld [smem:$0x3FAE]  }
0x2f: {  	lr =	sadd.s32 s0, s3;
	s0 =	sld [smem:$0x3FA5]  }
0x30: {  	s3 =	sld [smem:$0x3FA8]  }
0x31: {  	[smem:$0x3FB1] =	sst s10  }
0x32: {  	s10 =	sld [smem:$0x3FAF];
	_ =	sdelay $0x3  }
0x33: {  	p0 =	seq.s32 s10, $0x1;
	s10 =	sld [smem:$0x3FB1];
	_ =	sdelay $0x3  }
0x34: {  	[smem:$0x3FB1] =	sst s10  }
0x35: {  	s10 =	sld [smem:$0x3FB0];
	_ =	sdelay $0x3  }
0x36: {  	p1 =	seq.s32 s10, $0x1;
	s10 =	sld [smem:$0x3FB1];
	_ =	sdelay $0x3  }
0x37: {  	[smem:$0x3FB1] =	sst s10  }
0x38: {  	s10 =	sld [smem:$0x3FB2]  }
0x39: {  	_ = 	snop;
	(pc) =	sbr.ind lr, $3  }
0x3a: {  	_ = 	snop  }
0x3b: {  	_ = 	snop  }
0x3c: {  	p2 =	seq.s32 s10, $0x1;
	s10 =	sld [smem:$0x3FB1]  }
0x3d: {  	_ =	shalt  }
0x3e: {  	_ =	shalt  }
0x3f: {  	_ =	shalt  }
0x40: {  	_ =	shalt  }
0x41: {  	_ =	shalt  }
0x42: {  	_ =	shalt  }
0x43: {  	_ =	shalt  }
0x44: {  	_ =	shalt  }
0x45: {  	_ =	shalt  }
0x46: {  	_ =	shalt  }
0x47: {  	_ =	shalt  }
0x48: {  	_ =	shalt  }
0x49: {  	_ =	shalt  }
0x4a: {  	_ =	shalt  }
0x4b: {  	_ =	shalt  }
0x4c: {  	_ =	shalt  }
0x4d: {  	_ =	shalt  }
0x4e: {  	_ =	shalt  }
0x4f: {  	_ =	shalt  }
0x50: {  	_ =	shalt  }
0x51: {  	_ =	shalt  }
0x52: {  	_ =	shalt  }
0x53: {  	_ =	shalt  }
0x54: {  	_ =	shalt  }
0x55: {  	_ =	shalt  }
0x56: {  	_ =	shalt  }
0x57: {  	_ =	shalt  }
0x58: {  	_ =	shalt  }
0x59: {  	_ =	shalt  }
0x5a: {  	_ =	shalt  }
0x5b: {  	_ =	shalt  }
0x5c: {  	_ =	shalt  }
0x5d: {  	_ =	shalt  }
0x5e: {  	_ =	shalt  }
0x5f: {  	_ =	shalt  }
0x60: {  	_ =	shalt  }
0x61: {  	_ =	shalt  }
0x62: {  	_ =	shalt  }
0x63: {  	_ =	shalt  }
0x64: {  	_ =	shalt  }
0x65: {  	_ =	shalt  }
0x66: {  	_ =	shalt  }
0x67: {  	_ =	shalt  }
0x68: {  	_ =	shalt  }
0x69: {  	_ =	shalt  }
0x6a: {  	_ =	shalt  }
0x6b: {  	_ =	shalt  }
0x6c: {  	_ =	shalt  }
0x6d: {  	_ =	shalt  }
0x6e: {  	_ =	shalt  }
0x6f: {  	_ =	shalt  }
0x70: {  	_ =	shalt  }
0x71: {  	_ =	shalt  }
0x72: {  	_ =	shalt  }
0x73: {  	_ =	shalt  }
0x74: {  	_ =	shalt  }
0x75: {  	_ =	shalt  }
0x76: {  	_ =	shalt  }
0x77: {  	_ =	shalt  }
0x78: {  	_ =	shalt  }
0x79: {  	_ =	shalt  }
0x7a: {  	_ =	shalt  }
0x7b: {  	_ =	shalt  }
0x7c: {  	_ =	shalt  }
0x7d: {  	_ =	shalt  }
0x7e: {  	_ =	shalt  }
0x7f: {  	_ =	shalt  }
0x80: {  	_ =	shalt  }
0x81: {  	_ =	shalt  }
0x82: {  	_ =	shalt  }
0x83: {  	_ =	shalt  }
0x84: {  	_ =	shalt  }
0x85: {  	_ =	shalt  }
0x86: {  	_ =	shalt  }
0x87: {  	_ =	shalt  }
.Lfunc_end0:
.L_simem_size_0:
called_computation.2_lowered:
.L_overlay_start_0:
0x88: {  	s2 =	sld [smem:$0x3FD9]  }
0x89: {  	s3 =	sld [smem:$0x3FFE];
	_ =	sdelay $0x1  }
0x8a: {  	s1 =	srdreg.scid  }
0x8b: {  	s0 =	sand.u32 $0x1, s1  }
0x8c: {  	s16 =	sshll.u32 s0, $0xA;
	s2 =	sadd.s32 s3, s2  }
0x8d: {  	s2 =	sadd.s32 s2, s16  }
0x8e: {  	[smem:$0x3FBD] =	sst s2  }
0x8f: {  	_ = 	snop  }
0x90: {  	(tm) =	ssettm $0x1  }
0x91: {  	s17 =	sld [smem:$0x3FFB];
	_ =	sdelay $0x3  }
0x92: {  	_ =	strace s17  }
0x93: {  	s2 =	sld [smem:$0x3FFC];
	_ =	sdelay $0x3  }
0x94: {  	_ =	strace s2  }
0x95: {  	s2 =	sld [smem:$0x3FFD];
	_ =	sdelay $0x3  }
0x96: {  	_ =	strace s2  }
0x97: {  	_ =	strace $0x8FFFFFFF  }
0x98: {  	s18 =	sld [smem:$0x3FDB];
	_ =	sdelay $0x1  }
0x99: {  	s19 =	simm.s32 $_scs_section_size  }
0x9a: {  	s4 =	simm.s32 $_size__tile_overlayer_lowered;
	s5 =	simm.s32 $_tile_overlayer_lowered  }
0x9b: {  	s22 =	simm.s32 $0x1BFF;
	s21 =	sshll.u32 s5, $0x1;
	s2 =	sadd.s32 s19, s18  }
0x9c: {  	s6 =	simm.s32 $0x0;
	s20 =	sshll.u32 s4, $0x1;
	s4 =	sadd.s32 s21, s2  }
0x9d: {  	[timem:s6], [sflag:s22] =	dma.local [hbm:s4], s20  }
0x9e: {  	_ =	swait.ge [sflag:s22], s20  }
0x9f: {  	s3 =	ssub.s32 $0x0, s20;
	[sflag:s22] =	ssyncset.done $0x0  }
0xa0: {  	[sflag:s22] =	ssyncadd.s32 s3;
	_ =	sdelay $0x1  }
0xa1: {  	s23 =	simm.s32 $0x1B8B  }
0xa2: {  	_ =	swait.ge [sflag:s23], $0x1  }
0xa3: {  	[sflag:s23] =	ssyncset.done $0x0  }
0xa4: {  	s25 =	simm.s32 $0x1B8E;
	s24 =	sld [smem:$0x3FFE];
	[sflag:s23] =	ssyncadd.s32 $0xFFFFFFFF  }
0xa5: {  	s26 =	simm.s32 $execute0_lowered;
	[smem:$0x3FD2] =	sst s25  }
0xa6: {  	s4 =	sshll.u32 s26, $0x1;
	_ =	strace $0x8000004C;
	[dreg:$0x1] =	wrdreg $0xFFFFFFFF  }
0xa7: {  	s28 =	simm.s32 $_size_execute0_lowered;
	s2 =	sadd.s32 s2, s4;
	[dreg:$0x0] =	wrdreg $0x0  }
0xa8: {  	s4 =	sshll.u32 s28, $0x1;
	[dreg:$0x2] =	wrdreg s2  }
0xa9: {  	[dreg:$0x3] =	wrdreg s4  }
0xaa: {  	[dreg:$0x4] =	wrdreg $0xC0  }
0xab: {  	_ =	task [dreg:s6], $0x5FFFF  }
0xac: {  	[dreg:$0x1] =	wrdreg $0xFFFFFFFF  }
0xad: {  	[dreg:$0x0] =	wrdreg $0x60  }
0xae: {  	[dreg:$0x2] =	wrdreg s24  }
0xaf: {  	[dreg:$0x3] =	wrdreg $0x40000  }
0xb0: {  	[dreg:$0x4] =	wrdreg $0x9  }
0xb1: {  	_ =	task.clear_ibuf [dreg:s6], $0x5FFFF;
	_ =	strace $0x9000004C  }
0xb2: {  	s29 =	simm.s32 $0x9;
	_ =	strace $0x8000004E  }
0xb3: {  	_ =	swait.ge [sflag:s29], $0x1  }
0xb4: {  	[sflag:s29] =	ssyncadd.s32 $0xFFFFFFFF  }
0xb5: {  	_ =	strace $0x9000004E  }
0xb6: {  	_ =	sfence  }
0xb7: {  	s30 =	sld [smem:$0x0];
	_ =	sdelay $0x2  }
0xb8: {  	s31 =	sshll.u32 s1, $0xD;
	s1 =	sshrl.u32 s1, $0x2  }
0xb9: {  	s3 =	sand.u32 $0x4000, s31;
	s1 =	sadd.s32 s1, s30  }
0xba: {  	s0 =	sor.u32 s3, s0;
	s1 =	sshll.u32 s1, $0x11  }
0xbb: {  	s0 =	sor.u32 s1, s0  }
0xbc: {  	s0 =	sadd.s32 $0x8F2B, s0  }
0xbd: {  	[sflag:s0] =	ssyncadd.remote.s32 $0x1  }
0xbe: {  	_ =	sfence.sel $0xFFFF  }
0xbf: {  	[dreg:$0x0] =	wrdreg $0xFFFFFFFF;
	(pc) =	sbr.abs _section_cstart, $3  }
0xc0: {  	[dreg:$0x1] =	wrdreg $0xFFFFFFFF  }
0xc1: {  	_ =	task.clear_ibuf [dreg:s6], $0x2FFFF;
	_ =	strace $0x9FFFFFFF  }
0xc2: {  	(tm) =	ssettm $0x7FFFFFFF  }
0xc3: {  	_ =	shalt  }
tec
execute0_lowered:
.L_overlay_start_1:
0x0: {  	(tag) =	ssettag $0x1  }
0x1: {  	s0 =	rddreg [dreg:$0x0]  }
0x2: {  	s2 =	rddreg [dreg:$0x1];
	s1 =	srdreg.scid  }
0x3: {  	s11 =	stileid.u32;
	s3 =	simm.s32 $0x0;
	s30 =	simm.s32 $0x800  }
0x4: {  	s12 =	simm.s32 $0x6;
	s28 =	simm.s32 $0xA00;
	s29 =	simm.s32 $0xD80  }
0x5: {  	s31 =	simm.s32 $0xA80;
	s14 =	simm.s32 $0x0;
	s1 =	sand.u32 $0x1, s1  }
0x6: {  	s6 =	smul.u32 $0x7800, s11;
	[smem:$0x7FF] =	sst s3;
	s4 =	sadd.s32 $0x17600, s0  }
0x7: {  	s5 =	sadd.s32 $0x3600, s0;
	s10 =	smul.u32 $0x1E000, s11;
	s18 =	sshll.u32 s11, $0x1  }
0x8: {  	s20 =	smul.u32 $0xA000, s11;
	s11 =	simm.s32 $0x5;
	s8 =	ssub.s32 $0x2, s1  }
0x9: {  	s7 =	smul.u32 $0x78000, s1;
	_ =	strace $0x8000004D;
	s9 =	sshrl.u32 s8, $0x1  }
0xa: {  	s19 =	sshrl.u32 s10, $0x2;
	s17 =	sadd.s32 s6, s2;
	s10 =	simm.s32 $0xF80  }
0xb: {  	s7 =	sadd.s32 s6, s7;
	s16 =	ssub.s32 s8, s9;
	s8 =	sor.u32 s1, s18  }
0xc: {  	s21 =	sadd.s32 s19, s2;
	s1 =	smul.u32 $0x5000, s1;
	s18 =	simm.s32 $0x80  }
0xd: {  	s19 =	simm.s32 $0x2800;
	[dreg:$0x3] =	wrdreg s17;
	s9 =	sadd.s32 $0x1800, s21  }
0xe: {  	s7 =	sshrl.u32 s7, $0x3;
	s22 =	sadd.s32 $0x3000, s21;
	[dreg:$0x4] =	wrdreg s9  }
0xf: {  	s8 =	smul.u32 $0xA00, s8;
	s23 =	sadd.s32 $0x4800, s21;
	[dreg:$0x5] =	wrdreg s22  }
0x10: {  	s6 =	sadd.s32 $0x6000, s21;
	s26 =	smax.u32 s16, $0x1;
	[dreg:$0x6] =	wrdreg s23  }
0x11: {  	s16 =	simm.s32 $0x1000;
	s21 =	simm.s32 $0xC80;
	[dreg:$0x7] =	wrdreg s6  }
0x12: {  	s0 =	sadd.s32 s7, s0;
	s1 =	sadd.s32 s1, s20;
	[dreg:$0xa] =	wrdreg s26  }
0x13: {  	s20 =	simm.s32 $0x1;
	s22 =	simm.s32 $0x3;
	s26 =	simm.s32 $0x4  }
0x14: {  	s23 =	simm.s32 $0x980;
	s7 =	simm.s32 $0xE80;
	s24 =	sadd.s32 s5, s8  }
.Ltmp0:
0x15: {  	s0 =	sadd.s32 $0x26600, s0;
	[dreg:$0x8] =	wrdreg s24;
	(pc) =	sbr.rel .LBB2_1-.Ltmp0, $4  }
0x16: {  	s25 =	sor.u32 $0x800, s1;
	s1 =	sadd.s32 $0x1000, s1;
	[dreg:$0x9] =	wrdreg s0  }
0x17: {  	s9 =	simm.s32 $0xF00;
	s8 =	simm.s32 $0xB80;
	[dreg:$0xb] =	wrdreg s1  }
0x18: {  	s0 =	sshrl.u32 s25, $0x3;
	s24 =	simm.s32 $0x2;
	s25 =	simm.s32 $0xD00  }
0x19: {  	v0 =	vimm.f32 $0.0e+00;
	s1 =	simm.s32 $0xB00;
	s15 =	sadd.s32 s0, s5;
	s0 =	simm.s32 $0xE00  }
.LBB2_6:
0x1a: {  	_ =	swait.ge [sflag:s24], $0x1800  }
0x1b: {  	[sflag:s24] =	ssyncset.done $0x0  }
0x1c: {  	[sflag:s24] =	ssyncadd.s32 $0xFFFFE800  }
0x1d: {  	[spmem:s2] =	stream.indirect.scatter.add.f32 [tilespmem:s19], [sflag:$0x4], $0x30, s10, s18, $0xb8;
	[tilespmem:$0xB800] =	vst v63  }
0x1e: {  	_ =	swait.ge [sflag:s26], $0x1800  }
0x1f: {  	[sflag:s26] =	ssyncset.done $0x0  }
0x20: {  	[sflag:s26] =	ssyncadd.s32 $0xFFFFE800  }
0x21: {  	s6 =	stileid.u32;
	[bflag:$0x0] =	sbarrier.arrive $0xFFFF  }
0x22: {  	s6 =	sshll.u32 s6, $0x6;
	s17 =	rddreg [dreg:$0x3]  }
0x23: {  	s6 =	sor.u32 $0x1C07, s6;
	s14 =	rddreg [dreg:$0x9];
	s13 =	sshrl.u32 s17, $0x3  }
0x24: {  	[hbm:s14], [sflag:s6] =	dma.local [spmem:s13], $0xF00  }
0x25: {  	s13 =	simm.s32 $0x7  }
0x26: {  	_ =	swait.ge [sflag:s13], $0xF00  }
0x27: {  	s6 =	rddreg [dreg:$0xc]  }
0x28: {  	s14 =	sadd.s32 $0x1, s6;
	s6 =	rddreg [dreg:$0xa]  }
0x29: {  	p0 =	sne.s32 s14, s6  }
.Ltmp1:
0x2a: {  	_ = 	snop;
	(pc) =	sbr.rel @!p0 .LBB2_7-.Ltmp1, $3  }
0x2b: {  	_ =	sdelay $0x1  }
0x2c: {  	[sflag:s13] =	ssyncset.done $0x0  }
0x2d: {  	[sflag:s13] =	ssyncadd.s32 $0xFFFFF100  }
.LBB2_1:
0x2e: {  	[dreg:$0xc] =	wrdreg s14;
	s13 =	simm.s32 $0xC0;
	s14 =	simm.s32 $0x0  }
.LBB2_2:
0x2f: {  	p0 =	sne.s32 s13, $0x5F40;
	[tilespmem:s14+$0x1020] =	vst v0;
	s6 =	smov.u32 s13;
	s13 =	sadd.s32 $0xC0, s13  }
.Ltmp2:
0x30: {  	[tilespmem:s14+$0x1000] =	vst v0;
	(pc) =	sbr.rel @p0 .LBB2_2-.Ltmp2, $2  }
0x31: {  	[tilespmem:s14+$0x1010] =	vst v0;
	_ =	sdelay $0x2  }
0x32: {  	s14 =	sshra.s32 s6, $0x2  }
0x33: {  	[tilespmem:s14+$0x1020] =	vst v0  }
0x34: {  	[tilespmem:s14+$0x1000] =	vst v0  }
0x35: {  	[tilespmem:s14+$0x1010] =	vst v0;
	s14 =	simm.s32 $0x7  }
0x36: {  	[spmem:s17] =	stream.linear.scatter [tilespmem:s16], [sflag:$0x7], $0x1800, $0x38;
	[tilespmem:$0xB800] =	vst v63  }
0x37: {  	_ =	swait.ge [sflag:s14], $0x1800  }
0x38: {  	[sflag:s14] =	ssyncset.done $0x0  }
0x39: {  	s6 =	rddreg [dreg:$0x4];
	[sflag:s14] =	ssyncadd.s32 $0xFFFFE800  }
0x3a: {  	[spmem:s6] =	stream.linear.scatter [tilespmem:s16], [sflag:$0x7], $0x1800, $0x38;
	[tilespmem:$0xB800] =	vst v63  }
0x3b: {  	_ =	swait.ge [sflag:s14], $0x1800  }
0x3c: {  	[sflag:s14] =	ssyncset.done $0x0  }
0x3d: {  	s13 =	rddreg [dreg:$0x5];
	[sflag:s14] =	ssyncadd.s32 $0xFFFFE800  }
0x3e: {  	[spmem:s13] =	stream.linear.scatter [tilespmem:s16], [sflag:$0x7], $0x1800, $0x38;
	[tilespmem:$0xB800] =	vst v63  }
0x3f: {  	_ =	swait.ge [sflag:s14], $0x1800  }
0x40: {  	[sflag:s14] =	ssyncset.done $0x0  }
0x41: {  	s17 =	rddreg [dreg:$0x6];
	[sflag:s14] =	ssyncadd.s32 $0xFFFFE800  }
0x42: {  	[spmem:s17] =	stream.linear.scatter [tilespmem:s16], [sflag:$0x7], $0x1800, $0x38;
	[tilespmem:$0xB800] =	vst v63  }
0x43: {  	_ =	swait.ge [sflag:s14], $0x1800  }
0x44: {  	[sflag:s14] =	ssyncset.done $0x0  }
0x45: {  	s13 =	rddreg [dreg:$0x7];
	[sflag:s14] =	ssyncadd.s32 $0xFFFFE800  }
0x46: {  	[spmem:s13] =	stream.linear.scatter [tilespmem:s16], [sflag:$0x7], $0x1800, $0x38;
	[tilespmem:$0xB800] =	vst v63  }
0x47: {  	_ =	swait.ge [sflag:s14], $0x1800  }
0x48: {  	[sflag:s14] =	ssyncset.done $0x0  }
0x49: {  	[sflag:s14] =	ssyncadd.s32 $0xFFFFE800  }
0x4a: {  	[bflag:$0x0] =	sbarrier.arrive $0xFFFF  }
0x4b: {  	s13 =	simm.s32 $0x0;
	s17 =	rddreg [dreg:$0x8]  }
0x4c: {  	[tilespmem:s13], [sflag:$0x7] =	stream.linear.gather [hbm4b:s17+s13], $0x800, $0x38;
	[tilespmem:$0xB800] =	vst v63  }
0x4d: {  	_ =	swait.ge [sflag:s14], $0x800  }
0x4e: {  	[sflag:s14] =	ssyncset.done $0x0  }
0x4f: {  	[sflag:s14] =	ssyncadd.s32 $0xFFFFF800  }
0x50: {  	[tilespmem:s16], [sflag:$0x1] =	stream.indirect.gather [hbm4b:s4+s18], $0x30, s13, s18, $0xb8;
	[tilespmem:$0xB800] =	vst v63  }
0x51: {  	s14 =	rddreg [dreg:$0xb]  }
0x52: {  	[tilespmem:s19], [sflag:$0x2] =	stream.indirect.gather [hbm4b:s4+s18], $0x30, s18, s18, $0xb8;
	[tilespmem:$0xB800] =	vst v63  }
.LBB2_4:
0x53: {  	_ =	swait.ge [sflag:s20], $0x1800  }
0x54: {  	[sflag:s20] =	ssyncset.done $0x0  }
0x55: {  	s6 =	simm.s32 $0x400;
	[sflag:s20] =	ssyncadd.s32 $0xFFFFE800  }
0x56: {  	[spmem:s2] =	stream.indirect.scatter.add.f32 [tilespmem:s16], [sflag:$0x3], $0x30, s6, s18, $0xb8;
	[tilespmem:$0xB800] =	vst v63  }
0x57: {  	_ =	swait.ge [sflag:s22], $0x1800  }
0x58: {  	[sflag:s22] =	ssyncset.done $0x0  }
0x59: {  	s17 =	simm.s32 $0x100;
	[sflag:s22] =	ssyncadd.s32 $0xFFFFE800  }
0x5a: {  	[tilespmem:s16], [sflag:$0x1] =	stream.indirect.gather [hbm4b:s4+s18], $0x30, s17, s18, $0xb8;
	[tilespmem:$0xB800] =	vst v63  }
0x5b: {  	_ =	swait.ge [sflag:s24], $0x1800  }
0x5c: {  	[sflag:s24] =	ssyncset.done $0x0  }
0x5d: {  	s17 =	simm.s32 $0x480;
	[sflag:s24] =	ssyncadd.s32 $0xFFFFE800  }
0x5e: {  	[spmem:s2] =	stream.indirect.scatter.add.f32 [tilespmem:s19], [sflag:$0x4], $0x30, s17, s18, $0xb8;
	[tilespmem:$0xB800] =	vst v63  }
0x5f: {  	_ =	swait.ge [sflag:s26], $0x1800  }
0x60: {  	[sflag:s26] =	ssyncset.done $0x0  }
0x61: {  	s17 =	simm.s32 $0x180;
	[sflag:s26] =	ssyncadd.s32 $0xFFFFE800  }
0x62: {  	[tilespmem:s19], [sflag:$0x2] =	stream.indirect.gather [hbm4b:s4+s18], $0x30, s17, s18, $0xb8;
	[tilespmem:$0xB800] =	vst v63  }
0x63: {  	_ =	swait.ge [sflag:s20], $0x1800  }
0x64: {  	[sflag:s20] =	ssyncset.done $0x0  }
0x65: {  	s17 =	simm.s32 $0x500;
	[sflag:s20] =	ssyncadd.s32 $0xFFFFE800  }
0x66: {  	[spmem:s2] =	stream.indirect.scatter.add.f32 [tilespmem:s16], [sflag:$0x3], $0x30, s17, s18, $0xb8;
	[tilespmem:$0xB800] =	vst v63  }
0x67: {  	s17 =	sadd.s32 s13, s15  }
0x68: {  	[tilespmem:s30], [sflag:$0x6] =	stream.linear.gather [hbm4b:s17+s3], $0x800, $0x38;
	[tilespmem:$0xB800] =	vst v63  }
0x69: {  	_ =	swait.ge [sflag:s22], $0x1800  }
0x6a: {  	[sflag:s22] =	ssyncset.done $0x0  }
0x6b: {  	s17 =	simm.s32 $0x200;
	[sflag:s22] =	ssyncadd.s32 $0xFFFFE800  }
0x6c: {  	[tilespmem:s16], [sflag:$0x1] =	stream.indirect.gather [hbm4b:s4+s18], $0x30, s17, s18, $0xb8;
	[tilespmem:$0xB800] =	vst v63  }
0x6d: {  	_ =	swait.ge [sflag:s24], $0x1800  }
0x6e: {  	[sflag:s24] =	ssyncset.done $0x0  }
0x6f: {  	s17 =	simm.s32 $0x580;
	[sflag:s24] =	ssyncadd.s32 $0xFFFFE800  }
0x70: {  	[spmem:s2] =	stream.indirect.scatter.add.f32 [tilespmem:s19], [sflag:$0x4], $0x30, s17, s18, $0xb8;
	[tilespmem:$0xB800] =	vst v63  }
0x71: {  	_ =	swait.ge [sflag:s26], $0x1800  }
0x72: {  	[sflag:s26] =	ssyncset.done $0x0  }
0x73: {  	s17 =	simm.s32 $0x280;
	[sflag:s26] =	ssyncadd.s32 $0xFFFFE800  }
0x74: {  	[tilespmem:s19], [sflag:$0x2] =	stream.indirect.gather [hbm4b:s4+s18], $0x30, s17, s18, $0xb8;
	[tilespmem:$0xB800] =	vst v63  }
0x75: {  	_ =	swait.ge [sflag:s20], $0x1800  }
0x76: {  	[sflag:s20] =	ssyncset.done $0x0  }
0x77: {  	s17 =	simm.s32 $0x600;
	[sflag:s20] =	ssyncadd.s32 $0xFFFFE800  }
0x78: {  	[spmem:s2] =	stream.indirect.scatter.add.f32 [tilespmem:s16], [sflag:$0x3], $0x30, s17, s18, $0xb8;
	[tilespmem:$0xB800] =	vst v63  }
0x79: {  	_ =	swait.ge [sflag:s22], $0x1800  }
0x7a: {  	[sflag:s22] =	ssyncset.done $0x0  }
0x7b: {  	s17 =	simm.s32 $0x300;
	[sflag:s22] =	ssyncadd.s32 $0xFFFFE800  }
0x7c: {  	[tilespmem:s16], [sflag:$0x1] =	stream.indirect.gather [hbm4b:s4+s18], $0x30, s17, s18, $0xb8;
	[tilespmem:$0xB800] =	vst v63  }
0x7d: {  	_ =	swait.ge [sflag:s24], $0x1800  }
0x7e: {  	[sflag:s24] =	ssyncset.done $0x0  }
0x7f: {  	s17 =	simm.s32 $0x680;
	[sflag:s24] =	ssyncadd.s32 $0xFFFFE800  }
0x80: {  	[spmem:s2] =	stream.indirect.scatter.add.f32 [tilespmem:s19], [sflag:$0x4], $0x30, s17, s18, $0xb8;
	[tilespmem:$0xB800] =	vst v63  }
0x81: {  	_ =	swait.ge [sflag:s26], $0x1800  }
0x82: {  	[sflag:s26] =	ssyncset.done $0x0  }
0x83: {  	s17 =	simm.s32 $0x380;
	[sflag:s26] =	ssyncadd.s32 $0xFFFFE800  }
0x84: {  	[tilespmem:s19], [sflag:$0x2] =	stream.indirect.gather [hbm4b:s4+s18], $0x30, s17, s18, $0xb8;
	[tilespmem:$0xB800] =	vst v63  }
0x85: {  	_ =	swait.ge [sflag:s20], $0x1800  }
0x86: {  	[sflag:s20] =	ssyncset.done $0x0  }
0x87: {  	s17 =	simm.s32 $0x700;
	[sflag:s20] =	ssyncadd.s32 $0xFFFFE800  }
0x88: {  	[spmem:s2] =	stream.indirect.scatter.add.f32 [tilespmem:s16], [sflag:$0x3], $0x30, s17, s18, $0xb8;
	[tilespmem:$0xB800] =	vst v63  }
0x89: {  	_ =	swait.ge [sflag:s22], $0x1800  }
0x8a: {  	[sflag:s22] =	ssyncset.done $0x0  }
0x8b: {  	[sflag:s22] =	ssyncadd.s32 $0xFFFFE800  }
0x8c: {  	_ =	swait.ge [sflag:s12], $0x800  }
0x8d: {  	[sflag:s12] =	ssyncset.done $0x0  }
0x8e: {  	[sflag:s12] =	ssyncadd.s32 $0xFFFFF800  }
0x8f: {  	[tilespmem:s16], [sflag:$0x1] =	stream.indirect.gather [hbm4b:s4+s18], $0x30, s30, s18, $0xb8;
	[tilespmem:$0xB800] =	vst v63  }
0x90: {  	_ =	swait.ge [sflag:s24], $0x1800  }
0x91: {  	[sflag:s24] =	ssyncset.done $0x0  }
0x92: {  	s17 =	simm.s32 $0x780;
	[sflag:s24] =	ssyncadd.s32 $0xFFFFE800  }
0x93: {  	[spmem:s2] =	stream.indirect.scatter.add.f32 [tilespmem:s19], [sflag:$0x4], $0x30, s17, s18, $0xb8;
	[tilespmem:$0xB800] =	vst v63  }
0x94: {  	_ =	swait.ge [sflag:s26], $0x1800  }
0x95: {  	[sflag:s26] =	ssyncset.done $0x0  }
0x96: {  	s17 =	simm.s32 $0x880;
	[sflag:s26] =	ssyncadd.s32 $0xFFFFE800  }
0x97: {  	[tilespmem:s19], [sflag:$0x2] =	stream.indirect.gather [hbm4b:s4+s18], $0x30, s17, s18, $0xb8;
	[tilespmem:$0xB800] =	vst v63  }
0x98: {  	_ =	swait.ge [sflag:s20], $0x1800  }
0x99: {  	[sflag:s20] =	ssyncset.done $0x0  }
0x9a: {  	s17 =	simm.s32 $0xC00;
	[sflag:s20] =	ssyncadd.s32 $0xFFFFE800  }
0x9b: {  	[spmem:s2] =	stream.indirect.scatter.add.f32 [tilespmem:s16], [sflag:$0x3], $0x30, s17, s18, $0xb8;
	[tilespmem:$0xB800] =	vst v63  }
0x9c: {  	_ =	swait.ge [sflag:s22], $0x1800  }
0x9d: {  	[sflag:s22] =	ssyncset.done $0x0  }
0x9e: {  	s17 =	simm.s32 $0x900;
	[sflag:s22] =	ssyncadd.s32 $0xFFFFE800  }
0x9f: {  	[tilespmem:s16], [sflag:$0x1] =	stream.indirect.gather [hbm4b:s4+s18], $0x30, s17, s18, $0xb8;
	[tilespmem:$0xB800] =	vst v63  }
0xa0: {  	_ =	swait.ge [sflag:s24], $0x1800  }
0xa1: {  	[sflag:s24] =	ssyncset.done $0x0  }
0xa2: {  	[sflag:s24] =	ssyncadd.s32 $0xFFFFE800  }
0xa3: {  	[spmem:s2] =	stream.indirect.scatter.add.f32 [tilespmem:s19], [sflag:$0x4], $0x30, s21, s18, $0xb8;
	[tilespmem:$0xB800] =	vst v63  }
0xa4: {  	_ =	swait.ge [sflag:s26], $0x1800  }
0xa5: {  	[sflag:s26] =	ssyncset.done $0x0  }
0xa6: {  	[sflag:s26] =	ssyncadd.s32 $0xFFFFE800  }
0xa7: {  	[tilespmem:s19], [sflag:$0x2] =	stream.indirect.gather [hbm4b:s4+s18], $0x30, s23, s18, $0xb8;
	[tilespmem:$0xB800] =	vst v63  }
0xa8: {  	_ =	swait.ge [sflag:s20], $0x1800  }
0xa9: {  	p0 =	seq.s32 s13, $0x800;
	[sflag:s20] =	ssyncset.done $0x0  }
0xaa: {  	s6 =	sshrl.u32 @!p0 s14, $0x3;
	[sflag:s20] =	ssyncadd.s32 $0xFFFFE800  }
0xab: {  	[spmem:s2] =	stream.indirect.scatter.add.f32 [tilespmem:s16], [sflag:$0x3], $0x30, s25, s18, $0xb8;
	[tilespmem:$0xB800] =	vst v63  }
0xac: {  	s6 =	sadd.s32 @!p0 s5, s6;
	s17 =	simm.s32 @!p0 $0x0  }
0xad: {  	[tilespmem:s17], [sflag:$0x5] =	stream.linear.gather @!p0 [hbm4b:s6+s17], $0x800, $0x38;
	[tilespmem:$0xB800] =	vst v63  }
0xae: {  	_ =	swait.ge [sflag:s22], $0x1800  }
0xaf: {  	[sflag:s22] =	ssyncset.done $0x0  }
0xb0: {  	[sflag:s22] =	ssyncadd.s32 $0xFFFFE800  }
0xb1: {  	[tilespmem:s16], [sflag:$0x1] =	stream.indirect.gather [hbm4b:s4+s18], $0x30, s28, s18, $0xb8;
	[tilespmem:$0xB800] =	vst v63  }
0xb2: {  	_ =	swait.ge [sflag:s24], $0x1800  }
0xb3: {  	[sflag:s24] =	ssyncset.done $0x0  }
0xb4: {  	[sflag:s24] =	ssyncadd.s32 $0xFFFFE800  }
0xb5: {  	[spmem:s2] =	stream.indirect.scatter.add.f32 [tilespmem:s19], [sflag:$0x4], $0x30, s29, s18, $0xb8;
	[tilespmem:$0xB800] =	vst v63  }
0xb6: {  	_ =	swait.ge [sflag:s26], $0x1800  }
0xb7: {  	[sflag:s26] =	ssyncset.done $0x0  }
0xb8: {  	[sflag:s26] =	ssyncadd.s32 $0xFFFFE800  }
0xb9: {  	[tilespmem:s19], [sflag:$0x2] =	stream.indirect.gather [hbm4b:s4+s18], $0x30, s31, s18, $0xb8;
	[tilespmem:$0xB800] =	vst v63  }
0xba: {  	_ =	swait.ge [sflag:s20], $0x1800  }
0xbb: {  	[sflag:s20] =	ssyncset.done $0x0  }
0xbc: {  	[sflag:s20] =	ssyncadd.s32 $0xFFFFE800  }
0xbd: {  	[spmem:s2] =	stream.indirect.scatter.add.f32 [tilespmem:s16], [sflag:$0x3], $0x30, s0, s18, $0xb8;
	[tilespmem:$0xB800] =	vst v63  }
0xbe: {  	_ =	swait.ge [sflag:s22], $0x1800  }
0xbf: {  	[sflag:s22] =	ssyncset.done $0x0  }
0xc0: {  	[sflag:s22] =	ssyncadd.s32 $0xFFFFE800  }
0xc1: {  	[tilespmem:s16], [sflag:$0x1] =	stream.indirect.gather [hbm4b:s4+s18], $0x30, s1, s18, $0xb8;
	[tilespmem:$0xB800] =	vst v63  }
0xc2: {  	_ =	swait.ge [sflag:s24], $0x1800  }
0xc3: {  	[sflag:s24] =	ssyncset.done $0x0  }
0xc4: {  	[sflag:s24] =	ssyncadd.s32 $0xFFFFE800  }
0xc5: {  	[spmem:s2] =	stream.indirect.scatter.add.f32 [tilespmem:s19], [sflag:$0x4], $0x30, s7, s18, $0xb8;
	[tilespmem:$0xB800] =	vst v63  }
0xc6: {  	_ =	swait.ge [sflag:s26], $0x1800  }
0xc7: {  	[sflag:s26] =	ssyncset.done $0x0  }
0xc8: {  	[sflag:s26] =	ssyncadd.s32 $0xFFFFE800  }
0xc9: {  	[tilespmem:s19], [sflag:$0x2] =	stream.indirect.gather [hbm4b:s4+s18], $0x30, s8, s18, $0xb8;
	[tilespmem:$0xB800] =	vst v63  }
0xca: {  	_ =	swait.ge [sflag:s20], $0x1800  }
0xcb: {  	[sflag:s20] =	ssyncset.done $0x0  }
.Ltmp3:
0xcc: {  	[sflag:s20] =	ssyncadd.s32 $0xFFFFE800;
	(pc) =	sbr.rel @p0 .LBB2_6-.Ltmp3, $4  }
0xcd: {  	[spmem:s2] =	stream.indirect.scatter.add.f32 [tilespmem:s16], [sflag:$0x3], $0x30, s9, s18, $0xb8;
	[tilespmem:$0xB800] =	vst v63  }
0xce: {  	_ =	swait.ge [sflag:s22], $0x1800  }
0xcf: {  	[sflag:s22] =	ssyncset.done $0x0  }
0xd0: {  	[sflag:s22] =	ssyncadd.s32 $0xFFFFE800  }
0xd1: {  	_ =	swait.ge [sflag:s11], $0x800  }
0xd2: {  	[sflag:s11] =	ssyncset.done $0x0  }
0xd3: {  	[sflag:s11] =	ssyncadd.s32 $0xFFFFF800  }
0xd4: {  	[tilespmem:s16], [sflag:$0x1] =	stream.indirect.gather [hbm4b:s4+s18], $0x30, s3, s18, $0xb8;
	[tilespmem:$0xB800] =	vst v63  }
0xd5: {  	_ =	swait.ge [sflag:s24], $0x1800  }
0xd6: {  	[sflag:s24] =	ssyncset.done $0x0  }
0xd7: {  	[sflag:s24] =	ssyncadd.s32 $0xFFFFE800  }
0xd8: {  	[spmem:s2] =	stream.indirect.scatter.add.f32 [tilespmem:s19], [sflag:$0x4], $0x30, s10, s18, $0xb8;
	[tilespmem:$0xB800] =	vst v63  }
.Ltmp4:
0xd9: {  	_ = 	snop;
	(pc) =	sbr.rel .LBB2_4-.Ltmp4, $4  }
0xda: {  	_ =	swait.ge [sflag:s26], $0x1800  }
0xdb: {  	[sflag:s26] =	ssyncset.done $0x0  }
0xdc: {  	s14 =	sadd.s32 $0x1000, s14;
	s13 =	sadd.s32 $0x200, s13;
	[sflag:s26] =	ssyncadd.s32 $0xFFFFE800  }
0xdd: {  	[tilespmem:s19], [sflag:$0x2] =	stream.indirect.gather [hbm4b:s4+s18], $0x30, s18, s18, $0xb8;
	[tilespmem:$0xB800] =	vst v63  }
.LBB2_7:
0xde: {  	_ =	sfence.sel $0x180000  }
0xdf: {  	[bflag:$0x0] =	sbarrier.arrive $0xFFFF  }
0xe0: {  	_ =	strace $0x9000004D  }
0xe1: {  	s0 =	stileid.u32;
	[bflag:$0x2] =	sbarrier.arrive $0xFFFF  }
0xe2: {  	p0 =	sne.s32 s0, $0x0;
	s0 =	rddreg [dreg:$0x2]  }
0xe3: {  	s0 =	sadd.s32 @!p0 $0x100000, s0  }
0xe4: {  	[sflag:s0] =	ssyncadd.tile.s32 @!p0 $0x1;
	_ =	shalt  }
.Lfunc_end2:
_tile_overlayer_lowered:
.L_overlay_start_2:
0xe5: {  	(tag) =	ssettag $0x2  }
0xe6: {  	s0 =	rddreg [dreg:$0x0];
	s2 =	stileid.u32  }
0xe7: {  	s1 =	rddreg [dreg:$0x1];
	p0 =	sne.s32 s2, $0x0  }
0xe8: {  	s3 =	rddreg [dreg:$0x2];
	[bflag:$0x3] =	sbarrier.arrive $0xFFFF;
	s2 =	simm.s32 @!p0 $0x1C07  }
0xe9: {  	[timem:s3], [sflag:s2] =	dma.local @!p0 [hbm:s0], s1  }
0xea: {  	s0 =	simm.s32 @!p0 $0x7  }
0xeb: {  	_ =	swait.ge @!p0 [sflag:s0], s1  }
0xec: {  	s1 =	ssub.s32 @!p0 $0x0, s1;
	[sflag:s0] =	ssyncset.done @!p0 $0x0  }
0xed: {  	[sflag:s0] =	ssyncadd.s32 @!p0 s1  }
0xee: {  	[bflag:$0x3] =	sbarrier.arrive $0xFFFF  }
0xef: {  	_ =	shalt  }

// kernel: kernel.8.cloned.1.call-start
scs
__scs_entry_jumppad:
0x0: {  	(pc) =	sbr.rel $0x88, $3  }
0x1: {  	(tag) =	ssettag $0x0;
	lr =	simm.s32 $0x1  }
0x2: {  	[smem:$0x3F96] =	sst lr;
	_ =	strace $0xD0000000  }
0x3: {  	_ = 	snop  }
0x4: {  	_ = 	snop  }
0x5: {  	_ = 	snop  }
0x6: {  	_ = 	snop  }
0x7: {  	_ = 	snop  }
__scs_overlays_trampoline_lowered:
0x8: {  	[smem:$0x3FA5] =	sst s0  }
0x9: {  	[smem:$0x3FA6] =	sst s1  }
0xa: {  	[smem:$0x3FA7] =	sst s2  }
0xb: {  	[smem:$0x3FA8] =	sst s3  }
0xc: {  	[smem:$0x3FA9] =	sst s4  }
0xd: {  	[smem:$0x3FAA] =	sst s5  }
0xe: {  	[smem:$0x3FAB] =	sst s6  }
0xf: {  	[smem:$0x3FAC] =	sst s7  }
0x10: {  	[smem:$0x3FAD] =	sst s8  }
0x11: {  	[smem:$0x3FAE] =	sst s9;
	s0 =	simm.s32 @!p0 $0x0  }
0x12: {  	s1 =	sld [smem:$0x3F94];
	s0 =	simm.s32 @p0 $0x1  }
0x13: {  	[smem:$0x3FAF] =	sst s0;
	s0 =	simm.s32 @!p1 $0x0  }
0x14: {  	s2 =	sld [smem:$0x3F93];
	s0 =	simm.s32 @p1 $0x1  }
0x15: {  	[smem:$0x3FB0] =	sst s0;
	s0 =	simm.s32 @!p2 $0x0  }
0x16: {  	s3 =	sld [smem:$0x3FDB];
	s0 =	simm.s32 @p2 $0x1  }
0x17: {  	s4 =	simm.s32 $0x1BF5;
	[smem:$0x3FB2] =	sst s0  }
0x18: {  	s0 =	sld [smem:$0x3F95];
	_ =	swait.ge [sflag:s4], $0x0  }
0x19: {  	s7 =	sld [smem:$0x3F96]  }
0x1a: {  	s8 =	sadd.s32 $0xFFFFE003, lr  }
0x1b: {  	s9 =	sadd.s32 $0xFFFFFEF7, lr;
	s5 =	simm.s32 $0xFFFFFFFF;
	p2 =	slt.u32 s8, $0xFFFFF086  }
0x1c: {  	p1 =	slt.u32 s9, $0xF7A;
	s5 =	simm.s32 @!p2 $0x0  }
0x1d: {  	s5 =	simm.s32 @p1 $0x1;
	p0 =	seq.s32 s7, s2  }
0x1e: {  	s7 =	smul.u32 @!p0 $0xF7A, s2;
	p2 =	seq.s32 @!p0 s5, $0x0  }
0x1f: {  	s9 =	smul.u32 $0xF7A, s1;
	s8 =	simm.s32 @!p0 $0x1BF5;
	p2 =	por !p2, p0  }
0x20: {  	[sflag:s8] =	ssyncset.s32 @!p0 $0xFFFFF086;
	s6 =	sadd.s32 @!p0 s3, s7;
	s7 =	simm.s32 @!p0 $0x108  }
0x21: {  	s3 =	sadd.s32 s3, s9;
	s6 =	sadd.s32 @!p0 $0x88, s6;
	s7 =	simm.s32 @p2 $0x1082  }
0x22: {  	[simem:s7], [sflag:s8] =	dma.local @!p0 [hbm:s6], $0xF7A  }
0x23: {  	s9 =	sor.u32 $0xD0000000, s2;
	s6 =	simm.s32 $0x108;
	_ =	swait.ge @!p0 [sflag:s8], $0x0  }
0x24: {  	s3 =	sadd.s32 $0x88, s3;
	s6 =	simm.s32 @!p1 $0x1082;
	[sflag:s4] =	ssyncset.s32 $0xFFFFF086  }
0x25: {  	[simem:s6], [sflag:s4] =	dma.local [hbm:s3], $0xF7A  }
0x26: {  	[smem:$0x3F96] =	sst s1;
	(tag) =	ssettag s2;
	_ =	strace s9  }
0x27: {  	s1 =	sld [smem:$0x3FA6]  }
0x28: {  	s2 =	sld [smem:$0x3FA7]  }
0x29: {  	s4 =	sld [smem:$0x3FA9]  }
0x2a: {  	p0 =	seq.s32 s5, $0x0;
	s5 =	sld [smem:$0x3FAA]  }
0x2b: {  	s6 =	sld [smem:$0x3FAB]  }
0x2c: {  	s7 =	sld [smem:$0x3FAC]  }
0x2d: {  	s3 =	simm.s32 $0x108;
	s8 =	sld [smem:$0x3FAD]  }
0x2e: {  	s3 =	simm.s32 @!p0 $0x1082;
	s9 =	sld [smem:$0x3FAE]  }
0x2f: {  	lr =	sadd.s32 s0, s3;
	s0 =	sld [smem:$0x3FA5]  }
0x30: {  	s3 =	sld [smem:$0x3FA8]  }
0x31: {  	[smem:$0x3FB1] =	sst s10  }
0x32: {  	s10 =	sld [smem:$0x3FAF];
	_ =	sdelay $0x3  }
0x33: {  	p0 =	seq.s32 s10, $0x1;
	s10 =	sld [smem:$0x3FB1];
	_ =	sdelay $0x3  }
0x34: {  	[smem:$0x3FB1] =	sst s10  }
0x35: {  	s10 =	sld [smem:$0x3FB0];
	_ =	sdelay $0x3  }
0x36: {  	p1 =	seq.s32 s10, $0x1;
	s10 =	sld [smem:$0x3FB1];
	_ =	sdelay $0x3  }
0x37: {  	[smem:$0x3FB1] =	sst s10  }
0x38: {  	s10 =	sld [smem:$0x3FB2]  }
0x39: {  	_ = 	snop;
	(pc) =	sbr.ind lr, $3  }
0x3a: {  	_ = 	snop  }
0x3b: {  	_ = 	snop  }
0x3c: {  	p2 =	seq.s32 s10, $0x1;
	s10 =	sld [smem:$0x3FB1]  }
0x3d: {  	_ =	shalt  }
0x3e: {  	_ =	shalt  }
0x3f: {  	_ =	shalt  }
0x40: {  	_ =	shalt  }
0x41: {  	_ =	shalt  }
0x42: {  	_ =	shalt  }
0x43: {  	_ =	shalt  }
0x44: {  	_ =	shalt  }
0x45: {  	_ =	shalt  }
0x46: {  	_ =	shalt  }
0x47: {  	_ =	shalt  }
0x48: {  	_ =	shalt  }
0x49: {  	_ =	shalt  }
0x4a: {  	_ =	shalt  }
0x4b: {  	_ =	shalt  }
0x4c: {  	_ =	shalt  }
0x4d: {  	_ =	shalt  }
0x4e: {  	_ =	shalt  }
0x4f: {  	_ =	shalt  }
0x50: {  	_ =	shalt  }
0x51: {  	_ =	shalt  }
0x52: {  	_ =	shalt  }
0x53: {  	_ =	shalt  }
0x54: {  	_ =	shalt  }
0x55: {  	_ =	shalt  }
0x56: {  	_ =	shalt  }
0x57: {  	_ =	shalt  }
0x58: {  	_ =	shalt  }
0x59: {  	_ =	shalt  }
0x5a: {  	_ =	shalt  }
0x5b: {  	_ =	shalt  }
0x5c: {  	_ =	shalt  }
0x5d: {  	_ =	shalt  }
0x5e: {  	_ =	shalt  }
0x5f: {  	_ =	shalt  }
0x60: {  	_ =	shalt  }
0x61: {  	_ =	shalt  }
0x62: {  	_ =	shalt  }
0x63: {  	_ =	shalt  }
0x64: {  	_ =	shalt  }
0x65: {  	_ =	shalt  }
0x66: {  	_ =	shalt  }
0x67: {  	_ =	shalt  }
0x68: {  	_ =	shalt  }
0x69: {  	_ =	shalt  }
0x6a: {  	_ =	shalt  }
0x6b: {  	_ =	shalt  }
0x6c: {  	_ =	shalt  }
0x6d: {  	_ =	shalt  }
0x6e: {  	_ =	shalt  }
0x6f: {  	_ =	shalt  }
0x70: {  	_ =	shalt  }
0x71: {  	_ =	shalt  }
0x72: {  	_ =	shalt  }
0x73: {  	_ =	shalt  }
0x74: {  	_ =	shalt  }
0x75: {  	_ =	shalt  }
0x76: {  	_ =	shalt  }
0x77: {  	_ =	shalt  }
0x78: {  	_ =	shalt  }
0x79: {  	_ =	shalt  }
0x7a: {  	_ =	shalt  }
0x7b: {  	_ =	shalt  }
0x7c: {  	_ =	shalt  }
0x7d: {  	_ =	shalt  }
0x7e: {  	_ =	shalt  }
0x7f: {  	_ =	shalt  }
0x80: {  	_ =	shalt  }
0x81: {  	_ =	shalt  }
0x82: {  	_ =	shalt  }
0x83: {  	_ =	shalt  }
0x84: {  	_ =	shalt  }
0x85: {  	_ =	shalt  }
0x86: {  	_ =	shalt  }
0x87: {  	_ =	shalt  }
.Lfunc_end0:
.L_simem_size_0:
called_computation_lowered:
.L_overlay_start_0:
0x88: {  	s2 =	sld [smem:$0x3FD9]  }
0x89: {  	s3 =	sld [smem:$0x3FFE];
	_ =	sdelay $0x1  }
0x8a: {  	s1 =	srdreg.scid  }
0x8b: {  	s0 =	sand.u32 $0x1, s1  }
0x8c: {  	s17 =	sshll.u32 s0, $0xA;
	s2 =	sadd.s32 s3, s2  }
0x8d: {  	s2 =	sadd.s32 s2, s17  }
0x8e: {  	[smem:$0x3FBD] =	sst s2  }
0x8f: {  	_ = 	snop  }
0x90: {  	s2 =	sld [smem:$0x3FD0];
	(tm) =	ssettm $0x1  }
0x91: {  	s18 =	sld [smem:$0x3FFB];
	_ =	sdelay $0x3  }
0x92: {  	_ =	strace s18  }
0x93: {  	s3 =	sld [smem:$0x3FFC];
	_ =	sdelay $0x3  }
0x94: {  	_ =	strace s3  }
0x95: {  	s3 =	sld [smem:$0x3FFD];
	_ =	sdelay $0x3  }
0x96: {  	_ =	strace s3  }
0x97: {  	_ =	strace $0x8FFFFFFF  }
0x98: {  	s19 =	sld [smem:$0x3FDB];
	_ =	sdelay $0x1  }
0x99: {  	s4 =	simm.s32 $_scs_section_size  }
0x9a: {  	s5 =	simm.s32 $_size__tile_overlayer_lowered;
	s6 =	simm.s32 $_tile_overlayer_lowered  }
0x9b: {  	s22 =	simm.s32 $0x1BFF;
	s21 =	sshll.u32 s6, $0x1;
	s3 =	sadd.s32 s4, s19  }
0x9c: {  	s7 =	simm.s32 $0x0;
	s20 =	sshll.u32 s5, $0x1;
	s5 =	sadd.s32 s21, s3  }
0x9d: {  	[timem:s7], [sflag:s22] =	dma.local [hbm:s5], s20  }
0x9e: {  	_ =	swait.ge [sflag:s22], s20  }
0x9f: {  	s4 =	ssub.s32 $0x0, s20;
	[sflag:s22] =	ssyncset.done $0x0  }
0xa0: {  	[sflag:s22] =	ssyncadd.s32 s4;
	_ =	sdelay $0x1  }
0xa1: {  	s23 =	simm.s32 $0x1B8B  }
0xa2: {  	_ =	swait.ge [sflag:s23], $0x1  }
0xa3: {  	[sflag:s23] =	ssyncset.done $0x0  }
0xa4: {  	s25 =	simm.s32 $0x1B8E;
	s24 =	sld [smem:$0x3FFE];
	[sflag:s23] =	ssyncadd.s32 $0xFFFFFFFF  }
0xa5: {  	s26 =	simm.s32 $execute0_lowered;
	[smem:$0x3FD2] =	sst s25  }
0xa6: {  	s5 =	sshll.u32 s26, $0x1;
	_ =	strace $0x80000046;
	[dreg:$0x1] =	wrdreg $0xFFFFFFFF  }
0xa7: {  	s28 =	simm.s32 $_size_execute0_lowered;
	s3 =	sadd.s32 s3, s5;
	[dreg:$0x0] =	wrdreg $0x0  }
0xa8: {  	s5 =	sshll.u32 s28, $0x1;
	[dreg:$0x2] =	wrdreg s3  }
0xa9: {  	[dreg:$0x3] =	wrdreg s5  }
0xaa: {  	[dreg:$0x4] =	wrdreg $0xC0  }
0xab: {  	_ =	task [dreg:s7], $0x5FFFF  }
0xac: {  	[dreg:$0x1] =	wrdreg $0xFFFFFFFF  }
0xad: {  	[dreg:$0x0] =	wrdreg $0x60  }
0xae: {  	[dreg:$0x2] =	wrdreg s24  }
0xaf: {  	[dreg:$0x3] =	wrdreg s2  }
0xb0: {  	[dreg:$0x4] =	wrdreg $0x90000  }
0xb1: {  	[dreg:$0x5] =	wrdreg $0x1D3000  }
0xb2: {  	[dreg:$0x6] =	wrdreg $0x9  }
0xb3: {  	_ =	task.clear_ibuf [dreg:s7], $0x7FFFF;
	_ =	strace $0x90000046  }
0xb4: {  	s29 =	simm.s32 $0x9;
	_ =	strace $0x80000048  }
0xb5: {  	_ =	swait.ge [sflag:s29], $0x1  }
0xb6: {  	[sflag:s29] =	ssyncadd.s32 $0xFFFFFFFF  }
0xb7: {  	_ =	strace $0x90000048  }
0xb8: {  	_ =	sfence  }
0xb9: {  	s30 =	sld [smem:$0x0];
	_ =	sdelay $0x2  }
0xba: {  	s31 =	sshll.u32 s1, $0xD;
	s1 =	sshrl.u32 s1, $0x2  }
0xbb: {  	s3 =	sand.u32 $0x4000, s31;
	s1 =	sadd.s32 s1, s30  }
0xbc: {  	s0 =	sor.u32 s3, s0;
	s1 =	sshll.u32 s1, $0x11  }
0xbd: {  	s0 =	sor.u32 s1, s0  }
0xbe: {  	s0 =	sadd.s32 $0x8F2B, s0  }
0xbf: {  	[sflag:s0] =	ssyncadd.remote.s32 $0x1  }
0xc0: {  	_ =	sfence.sel $0xFFFF  }
0xc1: {  	[dreg:$0x0] =	wrdreg $0xFFFFFFFF;
	(pc) =	sbr.abs _section_cstart, $3  }
0xc2: {  	[dreg:$0x1] =	wrdreg $0xFFFFFFFF  }
0xc3: {  	_ =	task.clear_ibuf [dreg:s7], $0x2FFFF;
	_ =	strace $0x9FFFFFFF  }
0xc4: {  	(tm) =	ssettm $0x7FFFFFFF  }
0xc5: {  	_ =	shalt  }
tec
execute0_lowered:
.L_overlay_start_1:
0x0: {  	(tag) =	ssettag $0x1  }
0x1: {  	s0 =	rddreg [dreg:$0x0]  }
0x2: {  	s1 =	rddreg [dreg:$0x1]  }
0x3: {  	s2 =	rddreg [dreg:$0x2]  }
0x4: {  	s4 =	srdreg.scid;
	s11 =	stileid.u32  }
0x5: {  	s3 =	rddreg [dreg:$0x3];
	s5 =	simm.s32 $0x0;
	s7 =	smul.u32 $0x14000, s11  }
0x6: {  	s28 =	simm.s32 $0x3;
	s30 =	simm.s32 $0x2;
	s14 =	smul.u32 $0x50000, s11  }
0x7: {  	s29 =	simm.s32 $0xE00;
	s4 =	sand.u32 $0x1, s4;
	s9 =	smul.u32 $0xA00, s11  }
0x8: {  	[smem:$0x7FF] =	sst s5;
	s5 =	sadd.s32 $0x17600, s0;
	s18 =	smul.u32 $0x500, s11  }
0x9: {  	s12 =	sadd.s32 $0x3600, s0;
	s8 =	sshll.u32 s11, $0x1;
	s21 =	smul.u32 $0xA000, s11  }
0xa: {  	s11 =	simm.s32 $0xD00;
	s6 =	smul.u32 $0x140000, s4;
	_ =	strace $0x80000047  }
0xb: {  	s15 =	ssub.s32 $0x2, s4;
	s8 =	sor.u32 s4, s8;
	s22 =	sshll.u32 s4, $0x7  }
0xc: {  	s4 =	smul.u32 $0x5000, s4;
	[dreg:$0x5] =	wrdreg s12;
	s10 =	sshrl.u32 s15, $0x1  }
0xd: {  	s16 =	smul.u32 $0xA00, s8;
	s9 =	sshrl.u32 s9, $0x2;
	s8 =	sor.u32 s22, s18  }
0xe: {  	s22 =	simm.s32 $0x80;
	s6 =	sadd.s32 s7, s6;
	s7 =	sshrl.u32 s14, $0x2  }
0xf: {  	s9 =	sadd.s32 s9, s3;
	s23 =	sshrl.u32 s8, $0x3;
	s4 =	sadd.s32 s4, s21  }
0x10: {  	s8 =	simm.s32 $0x800;
	s21 =	simm.s32 $0xC80;
	s14 =	simm.s32 $0xE80  }
0x11: {  	s6 =	sshrl.u32 s6, $0x3;
	s13 =	sadd.s32 s7, s2;
	[dreg:$0xb] =	wrdreg s9  }
0x12: {  	s7 =	sadd.s32 s12, s16;
	s24 =	sadd.s32 s1, s23;
	s25 =	sor.u32 $0x800, s4  }
0x13: {  	s31 =	sadd.s32 $0x1000, s4;
	s23 =	simm.s32 $0x5000;
	[dreg:$0x6] =	wrdreg s13  }
0x14: {  	s4 =	simm.s32 $0xC00;
	s16 =	simm.s32 $0xD80;
	[dreg:$0xc] =	wrdreg s7  }
0x15: {  	s9 =	simm.s32 $0xF00;
	s0 =	sadd.s32 s6, s0;
	[dreg:$0xe] =	wrdreg s24  }
0x16: {  	s6 =	ssub.s32 s15, s10;
	s17 =	sadd.s32 $0x4000, s13;
	[dreg:$0x10] =	wrdreg s31  }
0x17: {  	s19 =	sadd.s32 $0x8000, s13;
	s20 =	sadd.s32 $0xC000, s13;
	[dreg:$0x7] =	wrdreg s17  }
0x18: {  	s13 =	sadd.s32 $0x10000, s13;
	s24 =	simm.s32 $0x1;
	[dreg:$0x8] =	wrdreg s19  }
0x19: {  	s10 =	simm.s32 $0x580;
	s15 =	simm.s32 $0x680;
	[dreg:$0x9] =	wrdreg s20  }
0x1a: {  	s7 =	simm.s32 $0x780;
	[dreg:$0xa] =	wrdreg s13;
	s0 =	sadd.s32 $0x3F600, s0  }
.Ltmp0:
0x1b: {  	s26 =	smax.u32 s6, $0x1;
	s19 =	simm.s32 $0x1000;
	(pc) =	sbr.rel .LBB2_1-.Ltmp0, $4  }
0x1c: {  	s13 =	simm.s32 $0x600;
	s17 =	simm.s32 $0x700;
	s20 =	simm.s32 $0xF80  }
0x1d: {  	s6 =	simm.s32 $0x0;
	[dreg:$0xd] =	wrdreg s0;
	s0 =	sshrl.u32 s25, $0x3  }
0x1e: {  	[dreg:$0xf] =	wrdreg s26;
	s26 =	simm.s32 $0x1D000;
	s0 =	sadd.s32 s0, s12  }
0x1f: {  	v0 =	vimm.f32 $0.0e+00;
	v1 =	vimm.f32 $1.000000000e+00;
	s12 =	simm.s32 $0x6;
	[dreg:$0x11] =	wrdreg s0;
	s0 =	simm.s32 $0x4  }
.LBB2_6:
0x20: {  	s1 =	stileid.u32;
	[bflag:$0x0] =	sbarrier.arrive $0xFFFF  }
0x21: {  	s31 =	simm.s32 $0x7;
	s1 =	sshll.u32 s1, $0x6;
	s6 =	rddreg [dreg:$0x6]  }
0x22: {  	s18 =	rddreg [dreg:$0xd];
	s1 =	sor.u32 $0x1C07, s1;
	s6 =	sshrl.u32 s6, $0x3  }
0x23: {  	[hbm:s18], [sflag:s1] =	dma.local [spmem:s6], $0x2800  }
0x24: {  	_ =	swait.ge [sflag:s31], $0x2800  }
0x25: {  	s8 =	rddreg [dreg:$0xb]  }
0x26: {  	s25 =	simm.s32 $0x20;
	[sflag:s31] =	ssyncset.done $0x0;
	s18 =	rddreg [dreg:$0xe]  }
0x27: {  	[sflag:s31] =	ssyncadd.s32 $0xFFFFD800;
	s6 =	sshrl.u32 s8, $0x3;
	s8 =	simm.s32 $0x10  }
0x28: {  	[hbm:s18@s25], [sflag:s1] =	dma.strided [spmem:s6@s8], $0x50, s24, $0x10   }
0x29: {  	_ =	swait.ge [sflag:s31], $0x50  }
0x2a: {  	s18 =	rddreg [dreg:$0x12]  }
0x2b: {  	s25 =	rddreg [dreg:$0xf];
	s6 =	sadd.s32 $0x1, s18  }
0x2c: {  	p0 =	sne.s32 s6, s25  }
.Ltmp1:
0x2d: {  	_ = 	snop;
	(pc) =	sbr.rel @!p0 .LBB2_7-.Ltmp1, $3  }
0x2e: {  	_ =	sdelay $0x1  }
0x2f: {  	[sflag:s31] =	ssyncset.done $0x0  }
0x30: {  	s8 =	simm.s32 $0x800;
	[sflag:s31] =	ssyncadd.s32 $0xFFFFFFB0  }
.LBB2_1:
0x31: {  	[dreg:$0x12] =	wrdreg s6;
	s6 =	simm.s32 $0x0;
	s18 =	simm.s32 $0x200  }
.LBB2_2:
0x32: {  	p0 =	sne.s32 s18, $0xFE00;
	[tilespmem:s6+$0x1070] =	vst v0  }
0x33: {  	[tilespmem:s6+$0x1000] =	vst v0  }
0x34: {  	[tilespmem:s6+$0x1010] =	vst v0  }
.Ltmp2:
0x35: {  	[tilespmem:s6+$0x1020] =	vst v0;
	(pc) =	sbr.rel @p0 .LBB2_2-.Ltmp2, $4  }
0x36: {  	[tilespmem:s6+$0x1030] =	vst v0  }
0x37: {  	[tilespmem:s6+$0x1040] =	vst v0  }
0x38: {  	[tilespmem:s6+$0x1050] =	vst v0  }
0x39: {  	[tilespmem:s6+$0x1060] =	vst v0;
	s6 =	sshra.s32 s18, $0x2;
	s18 =	sadd.s32 $0x200, s18  }
0x3a: {  	[tilespmem:s6+$0x1070] =	vst v0  }
0x3b: {  	[tilespmem:s6+$0x1000] =	vst v0  }
0x3c: {  	[tilespmem:s6+$0x1010] =	vst v0  }
0x3d: {  	[tilespmem:s6+$0x1020] =	vst v0  }
0x3e: {  	[tilespmem:s6+$0x1030] =	vst v0  }
0x3f: {  	[tilespmem:s6+$0x1040] =	vst v0  }
0x40: {  	[tilespmem:s6+$0x1050] =	vst v0  }
0x41: {  	[tilespmem:s6+$0x1060] =	vst v0;
	s1 =	rddreg [dreg:$0x6];
	s18 =	simm.s32 $0x7  }
0x42: {  	[spmem:s1] =	stream.linear.scatter [tilespmem:s19], [sflag:$0x7], $0x4000, $0x38;
	[tilespmem:$0x1D580] =	vst v63  }
0x43: {  	_ =	swait.ge [sflag:s18], $0x4000  }
0x44: {  	[sflag:s18] =	ssyncset.done $0x0  }
0x45: {  	s31 =	rddreg [dreg:$0x7];
	[sflag:s18] =	ssyncadd.s32 $0xFFFFC000  }
0x46: {  	[spmem:s31] =	stream.linear.scatter [tilespmem:s19], [sflag:$0x7], $0x4000, $0x38;
	[tilespmem:$0x1D580] =	vst v63  }
0x47: {  	_ =	swait.ge [sflag:s18], $0x4000  }
0x48: {  	[sflag:s18] =	ssyncset.done $0x0  }
0x49: {  	s6 =	rddreg [dreg:$0x8];
	[sflag:s18] =	ssyncadd.s32 $0xFFFFC000  }
0x4a: {  	[spmem:s6] =	stream.linear.scatter [tilespmem:s19], [sflag:$0x7], $0x4000, $0x38;
	[tilespmem:$0x1D580] =	vst v63  }
0x4b: {  	_ =	swait.ge [sflag:s18], $0x4000  }
0x4c: {  	[sflag:s18] =	ssyncset.done $0x0  }
0x4d: {  	s25 =	rddreg [dreg:$0x9];
	[sflag:s18] =	ssyncadd.s32 $0xFFFFC000  }
0x4e: {  	[spmem:s25] =	stream.linear.scatter [tilespmem:s19], [sflag:$0x7], $0x4000, $0x38;
	[tilespmem:$0x1D580] =	vst v63  }
0x4f: {  	_ =	swait.ge [sflag:s18], $0x4000  }
0x50: {  	[sflag:s18] =	ssyncset.done $0x0  }
0x51: {  	s31 =	rddreg [dreg:$0xa];
	[sflag:s18] =	ssyncadd.s32 $0xFFFFC000  }
0x52: {  	[spmem:s31] =	stream.linear.scatter [tilespmem:s19], [sflag:$0x7], $0x4000, $0x38;
	[tilespmem:$0x1D580] =	vst v63  }
0x53: {  	_ =	swait.ge [sflag:s18], $0x4000  }
0x54: {  	[sflag:s18] =	ssyncset.done $0x0  }
0x55: {  	[sflag:s18] =	ssyncadd.s32 $0xFFFFC000  }
0x56: {  	[tilespmem:$0x1D080] =	vst v0  }
0x57: {  	[tilespmem:$0x1D090] =	vst v0  }
0x58: {  	[tilespmem:$0x1D0A0] =	vst v0  }
0x59: {  	[tilespmem:$0x1D0B0] =	vst v0  }
0x5a: {  	[tilespmem:$0x1D0C0] =	vst v0  }
0x5b: {  	[tilespmem:$0x1D0D0] =	vst v0  }
0x5c: {  	[tilespmem:$0x1D0E0] =	vst v0  }
0x5d: {  	[tilespmem:$0x1D0F0] =	vst v0  }
0x5e: {  	[tilespmem:$0x1D100] =	vst v0  }
0x5f: {  	[tilespmem:$0x1D110] =	vst v0  }
0x60: {  	[tilespmem:$0x1D120] =	vst v0  }
0x61: {  	[tilespmem:$0x1D130] =	vst v0  }
0x62: {  	[tilespmem:$0x1D140] =	vst v0  }
0x63: {  	[tilespmem:$0x1D150] =	vst v0  }
0x64: {  	[tilespmem:$0x1D160] =	vst v0  }
0x65: {  	[tilespmem:$0x1D170] =	vst v0  }
0x66: {  	[tilespmem:$0x1D180] =	vst v0  }
0x67: {  	[tilespmem:$0x1D190] =	vst v0  }
0x68: {  	[tilespmem:$0x1D1A0] =	vst v0  }
0x69: {  	[tilespmem:$0x1D1B0] =	vst v0  }
0x6a: {  	[tilespmem:$0x1D1C0] =	vst v0  }
0x6b: {  	[tilespmem:$0x1D1D0] =	vst v0  }
0x6c: {  	[tilespmem:$0x1D1E0] =	vst v0  }
0x6d: {  	[tilespmem:$0x1D1F0] =	vst v0  }
0x6e: {  	[tilespmem:$0x1D200] =	vst v0  }
0x6f: {  	[tilespmem:$0x1D210] =	vst v0  }
0x70: {  	[tilespmem:$0x1D220] =	vst v0  }
0x71: {  	[tilespmem:$0x1D230] =	vst v0  }
0x72: {  	[tilespmem:$0x1D240] =	vst v0  }
0x73: {  	[tilespmem:$0x1D250] =	vst v0  }
0x74: {  	[tilespmem:$0x1D260] =	vst v0  }
0x75: {  	[tilespmem:$0x1D270] =	vst v0  }
0x76: {  	[tilespmem:$0x1D280] =	vst v0  }
0x77: {  	[tilespmem:$0x1D290] =	vst v0  }
0x78: {  	[tilespmem:$0x1D2A0] =	vst v0  }
0x79: {  	[tilespmem:$0x1D2B0] =	vst v0  }
0x7a: {  	[tilespmem:$0x1D2C0] =	vst v0  }
0x7b: {  	[tilespmem:$0x1D2D0] =	vst v0  }
0x7c: {  	[tilespmem:$0x1D2E0] =	vst v0  }
0x7d: {  	[tilespmem:$0x1D2F0] =	vst v0  }
0x7e: {  	[tilespmem:$0x1D000] =	vst v1  }
0x7f: {  	[tilespmem:$0x1D010] =	vst v1  }
0x80: {  	[tilespmem:$0x1D020] =	vst v1  }
0x81: {  	[tilespmem:$0x1D030] =	vst v1  }
0x82: {  	[tilespmem:$0x1D040] =	vst v1  }
0x83: {  	[tilespmem:$0x1D050] =	vst v1  }
0x84: {  	[tilespmem:$0x1D060] =	vst v1  }
0x85: {  	s25 =	simm.s32 $0x1D080;
	s1 =	rddreg [dreg:$0xb];
	[tilespmem:$0x1D070] =	vst v1  }
0x86: {  	[spmem:s1] =	stream.linear.scatter [tilespmem:s25], [sflag:$0x7], $0x280, $0x38;
	[tilespmem:$0x1D580] =	vst v63  }
0x87: {  	_ =	swait.ge [sflag:s18], $0x280  }
0x88: {  	[sflag:s18] =	ssyncset.done $0x0  }
0x89: {  	[sflag:s18] =	ssyncadd.s32 $0xFFFFFD80  }
0x8a: {  	[bflag:$0x0] =	sbarrier.arrive $0xFFFF  }
0x8b: {  	s6 =	simm.s32 $0x0;
	s31 =	rddreg [dreg:$0xc]  }
0x8c: {  	[tilespmem:s6], [sflag:$0x7] =	stream.linear.gather [hbm4b:s31+s6], $0x800, $0x38;
	[tilespmem:$0x1D580] =	vst v63  }
0x8d: {  	_ =	swait.ge [sflag:s18], $0x800  }
0x8e: {  	[sflag:s18] =	ssyncset.done $0x0  }
0x8f: {  	[sflag:s18] =	ssyncadd.s32 $0xFFFFF800  }
0x90: {  	[tilespmem:s19], [sflag:$0x1] =	stream.indirect.gather [hbm4b:s5+s22], $0x80, s6, s22, $0xb8;
	[tilespmem:$0x1D580] =	vst v63  }
0x91: {  	s18 =	rddreg [dreg:$0x10]  }
0x92: {  	[tilespmem:s23], [sflag:$0x2] =	stream.indirect.gather [hbm4b:s5+s22], $0x80, s22, s22, $0xb8;
	[tilespmem:$0x1D580] =	vst v63  }
.LBB2_4:
0x93: {  	_ =	swait.ge [sflag:s24], $0x4000  }
0x94: {  	[sflag:s24] =	ssyncset.done $0x0  }
0x95: {  	s1 =	simm.s32 $0x400;
	[sflag:s24] =	ssyncadd.s32 $0xFFFFC000  }
0x96: {  	[spmem:s2] =	stream.indirect.scatter.add.f32 [tilespmem:s19], [sflag:$0x3], $0x80, s1, s22, $0xb8;
	[tilespmem:$0x1D580] =	vst v63  }
0x97: {  	_ = 	snop  }
0x98: {  	[spmem:s3] =	stream.indirect.scatter.add.f32 [tilespmem:s26], [sflag:$0x3], $0x1, s1, s22, $0xb8;
	[tilespmem:$0x1D580] =	vst v63  }
0x99: {  	_ =	swait.ge [sflag:s28], $0x4000  }
0x9a: {  	[sflag:s28] =	ssyncset.done $0x0  }
0x9b: {  	[sflag:s28] =	ssyncadd.s32 $0xFFFFC000  }
0x9c: {  	_ =	swait.ge [sflag:s28], $0x80  }
0x9d: {  	[sflag:s28] =	ssyncset.done $0x0  }
0x9e: {  	s25 =	simm.s32 $0x100;
	[sflag:s28] =	ssyncadd.s32 $0xFFFFFF80  }
0x9f: {  	[tilespmem:s19], [sflag:$0x1] =	stream.indirect.gather [hbm4b:s5+s22], $0x80, s25, s22, $0xb8;
	[tilespmem:$0x1D580] =	vst v63  }
0xa0: {  	_ =	swait.ge [sflag:s30], $0x4000  }
0xa1: {  	[sflag:s30] =	ssyncset.done $0x0  }
0xa2: {  	s31 =	simm.s32 $0x480;
	[sflag:s30] =	ssyncadd.s32 $0xFFFFC000  }
0xa3: {  	[spmem:s2] =	stream.indirect.scatter.add.f32 [tilespmem:s23], [sflag:$0x4], $0x80, s31, s22, $0xb8;
	[tilespmem:$0x1D580] =	vst v63  }
0xa4: {  	_ = 	snop  }
0xa5: {  	[spmem:s3] =	stream.indirect.scatter.add.f32 [tilespmem:s26], [sflag:$0x4], $0x1, s31, s22, $0xb8;
	[tilespmem:$0x1D580] =	vst v63  }
0xa6: {  	_ =	swait.ge [sflag:s0], $0x4000  }
0xa7: {  	[sflag:s0] =	ssyncset.done $0x0  }
0xa8: {  	[sflag:s0] =	ssyncadd.s32 $0xFFFFC000  }
0xa9: {  	_ =	swait.ge [sflag:s0], $0x80  }
0xaa: {  	[sflag:s0] =	ssyncset.done $0x0  }
0xab: {  	s25 =	simm.s32 $0x180;
	[sflag:s0] =	ssyncadd.s32 $0xFFFFFF80  }
0xac: {  	[tilespmem:s23], [sflag:$0x2] =	stream.indirect.gather [hbm4b:s5+s22], $0x80, s25, s22, $0xb8;
	[tilespmem:$0x1D580] =	vst v63  }
0xad: {  	_ =	swait.ge [sflag:s24], $0x4000  }
0xae: {  	[sflag:s24] =	ssyncset.done $0x0  }
0xaf: {  	s31 =	simm.s32 $0x500;
	[sflag:s24] =	ssyncadd.s32 $0xFFFFC000  }
0xb0: {  	[spmem:s2] =	stream.indirect.scatter.add.f32 [tilespmem:s19], [sflag:$0x3], $0x80, s31, s22, $0xb8;
	[tilespmem:$0x1D580] =	vst v63  }
0xb1: {  	s25 =	rddreg [dreg:$0x11]  }
0xb2: {  	[spmem:s3] =	stream.indirect.scatter.add.f32 [tilespmem:s26], [sflag:$0x3], $0x1, s31, s22, $0xb8;
	[tilespmem:$0x1D580] =	vst v63  }
0xb3: {  	s25 =	sadd.s32 s6, s25;
	s31 =	simm.s32 $0x0  }
0xb4: {  	[tilespmem:s8], [sflag:$0x6] =	stream.linear.gather [hbm4b:s25+s31], $0x800, $0x38;
	[tilespmem:$0x1D580] =	vst v63  }
0xb5: {  	_ =	swait.ge [sflag:s28], $0x4000  }
0xb6: {  	[sflag:s28] =	ssyncset.done $0x0  }
0xb7: {  	[sflag:s28] =	ssyncadd.s32 $0xFFFFC000  }
0xb8: {  	_ =	swait.ge [sflag:s28], $0x80  }
0xb9: {  	[sflag:s28] =	ssyncset.done $0x0  }
0xba: {  	s31 =	simm.s32 $0x200;
	[sflag:s28] =	ssyncadd.s32 $0xFFFFFF80  }
0xbb: {  	[tilespmem:s19], [sflag:$0x1] =	stream.indirect.gather [hbm4b:s5+s22], $0x80, s31, s22, $0xb8;
	[tilespmem:$0x1D580] =	vst v63  }
0xbc: {  	_ =	swait.ge [sflag:s30], $0x4000  }
0xbd: {  	[sflag:s30] =	ssyncset.done $0x0  }
0xbe: {  	[sflag:s30] =	ssyncadd.s32 $0xFFFFC000  }
0xbf: {  	[spmem:s2] =	stream.indirect.scatter.add.f32 [tilespmem:s23], [sflag:$0x4], $0x80, s10, s22, $0xb8;
	[tilespmem:$0x1D580] =	vst v63  }
0xc0: {  	_ = 	snop  }
0xc1: {  	[spmem:s3] =	stream.indirect.scatter.add.f32 [tilespmem:s26], [sflag:$0x4], $0x1, s10, s22, $0xb8;
	[tilespmem:$0x1D580] =	vst v63  }
0xc2: {  	_ =	swait.ge [sflag:s0], $0x4000  }
0xc3: {  	[sflag:s0] =	ssyncset.done $0x0  }
0xc4: {  	[sflag:s0] =	ssyncadd.s32 $0xFFFFC000  }
0xc5: {  	_ =	swait.ge [sflag:s0], $0x80  }
0xc6: {  	[sflag:s0] =	ssyncset.done $0x0  }
0xc7: {  	s25 =	simm.s32 $0x280;
	[sflag:s0] =	ssyncadd.s32 $0xFFFFFF80  }
0xc8: {  	[tilespmem:s23], [sflag:$0x2] =	stream.indirect.gather [hbm4b:s5+s22], $0x80, s25, s22, $0xb8;
	[tilespmem:$0x1D580] =	vst v63  }
0xc9: {  	_ =	swait.ge [sflag:s24], $0x4000  }
0xca: {  	[sflag:s24] =	ssyncset.done $0x0  }
0xcb: {  	[sflag:s24] =	ssyncadd.s32 $0xFFFFC000  }
0xcc: {  	[spmem:s2] =	stream.indirect.scatter.add.f32 [tilespmem:s19], [sflag:$0x3], $0x80, s13, s22, $0xb8;
	[tilespmem:$0x1D580] =	vst v63  }
0xcd: {  	_ = 	snop  }
0xce: {  	[spmem:s3] =	stream.indirect.scatter.add.f32 [tilespmem:s26], [sflag:$0x3], $0x1, s13, s22, $0xb8;
	[tilespmem:$0x1D580] =	vst v63  }
0xcf: {  	_ =	swait.ge [sflag:s28], $0x4000  }
0xd0: {  	[sflag:s28] =	ssyncset.done $0x0  }
0xd1: {  	[sflag:s28] =	ssyncadd.s32 $0xFFFFC000  }
0xd2: {  	_ =	swait.ge [sflag:s28], $0x80  }
0xd3: {  	[sflag:s28] =	ssyncset.done $0x0  }
0xd4: {  	s31 =	simm.s32 $0x300;
	[sflag:s28] =	ssyncadd.s32 $0xFFFFFF80  }
0xd5: {  	[tilespmem:s19], [sflag:$0x1] =	stream.indirect.gather [hbm4b:s5+s22], $0x80, s31, s22, $0xb8;
	[tilespmem:$0x1D580] =	vst v63  }
0xd6: {  	_ =	swait.ge [sflag:s30], $0x4000  }
0xd7: {  	[sflag:s30] =	ssyncset.done $0x0  }
0xd8: {  	[sflag:s30] =	ssyncadd.s32 $0xFFFFC000  }
0xd9: {  	[spmem:s2] =	stream.indirect.scatter.add.f32 [tilespmem:s23], [sflag:$0x4], $0x80, s15, s22, $0xb8;
	[tilespmem:$0x1D580] =	vst v63  }
0xda: {  	_ = 	snop  }
0xdb: {  	[spmem:s3] =	stream.indirect.scatter.add.f32 [tilespmem:s26], [sflag:$0x4], $0x1, s15, s22, $0xb8;
	[tilespmem:$0x1D580] =	vst v63  }
0xdc: {  	_ =	swait.ge [sflag:s0], $0x4000  }
0xdd: {  	[sflag:s0] =	ssyncset.done $0x0  }
0xde: {  	[sflag:s0] =	ssyncadd.s32 $0xFFFFC000  }
0xdf: {  	_ =	swait.ge [sflag:s0], $0x80  }
0xe0: {  	[sflag:s0] =	ssyncset.done $0x0  }
0xe1: {  	s25 =	simm.s32 $0x380;
	[sflag:s0] =	ssyncadd.s32 $0xFFFFFF80  }
0xe2: {  	[tilespmem:s23], [sflag:$0x2] =	stream.indirect.gather [hbm4b:s5+s22], $0x80, s25, s22, $0xb8;
	[tilespmem:$0x1D580] =	vst v63  }
0xe3: {  	_ =	swait.ge [sflag:s24], $0x4000  }
0xe4: {  	[sflag:s24] =	ssyncset.done $0x0  }
0xe5: {  	[sflag:s24] =	ssyncadd.s32 $0xFFFFC000  }
0xe6: {  	[spmem:s2] =	stream.indirect.scatter.add.f32 [tilespmem:s19], [sflag:$0x3], $0x80, s17, s22, $0xb8;
	[tilespmem:$0x1D580] =	vst v63  }
0xe7: {  	_ = 	snop  }
0xe8: {  	[spmem:s3] =	stream.indirect.scatter.add.f32 [tilespmem:s26], [sflag:$0x3], $0x1, s17, s22, $0xb8;
	[tilespmem:$0x1D580] =	vst v63  }
0xe9: {  	_ =	swait.ge [sflag:s28], $0x4000  }
0xea: {  	[sflag:s28] =	ssyncset.done $0x0  }
0xeb: {  	[sflag:s28] =	ssyncadd.s32 $0xFFFFC000  }
0xec: {  	_ =	swait.ge [sflag:s28], $0x80  }
0xed: {  	[sflag:s28] =	ssyncset.done $0x0  }
0xee: {  	[sflag:s28] =	ssyncadd.s32 $0xFFFFFF80  }
0xef: {  	_ =	swait.ge [sflag:s12], $0x800  }
0xf0: {  	[sflag:s12] =	ssyncset.done $0x0  }
0xf1: {  	[sflag:s12] =	ssyncadd.s32 $0xFFFFF800  }
0xf2: {  	[tilespmem:s19], [sflag:$0x1] =	stream.indirect.gather [hbm4b:s5+s22], $0x80, s8, s22, $0xb8;
	[tilespmem:$0x1D580] =	vst v63  }
0xf3: {  	_ =	swait.ge [sflag:s30], $0x4000  }
0xf4: {  	[sflag:s30] =	ssyncset.done $0x0  }
0xf5: {  	[sflag:s30] =	ssyncadd.s32 $0xFFFFC000  }
0xf6: {  	[spmem:s2] =	stream.indirect.scatter.add.f32 [tilespmem:s23], [sflag:$0x4], $0x80, s7, s22, $0xb8;
	[tilespmem:$0x1D580] =	vst v63  }
0xf7: {  	_ = 	snop  }
0xf8: {  	[spmem:s3] =	stream.indirect.scatter.add.f32 [tilespmem:s26], [sflag:$0x4], $0x1, s7, s22, $0xb8;
	[tilespmem:$0x1D580] =	vst v63  }
0xf9: {  	_ =	swait.ge [sflag:s0], $0x4000  }
0xfa: {  	[sflag:s0] =	ssyncset.done $0x0  }
0xfb: {  	[sflag:s0] =	ssyncadd.s32 $0xFFFFC000  }
0xfc: {  	_ =	swait.ge [sflag:s0], $0x80  }
0xfd: {  	[sflag:s0] =	ssyncset.done $0x0  }
0xfe: {  	s31 =	simm.s32 $0x880;
	[sflag:s0] =	ssyncadd.s32 $0xFFFFFF80  }
0xff: {  	[tilespmem:s23], [sflag:$0x2] =	stream.indirect.gather [hbm4b:s5+s22], $0x80, s31, s22, $0xb8;
	[tilespmem:$0x1D580] =	vst v63  }
0x100: {  	_ =	swait.ge [sflag:s24], $0x4000  }
0x101: {  	[sflag:s24] =	ssyncset.done $0x0  }
0x102: {  	[sflag:s24] =	ssyncadd.s32 $0xFFFFC000  }
0x103: {  	[spmem:s2] =	stream.indirect.scatter.add.f32 [tilespmem:s19], [sflag:$0x3], $0x80, s4, s22, $0xb8;
	[tilespmem:$0x1D580] =	vst v63  }
0x104: {  	_ = 	snop  }
0x105: {  	[spmem:s3] =	stream.indirect.scatter.add.f32 [tilespmem:s26], [sflag:$0x3], $0x1, s4, s22, $0xb8;
	[tilespmem:$0x1D580] =	vst v63  }
0x106: {  	_ =	swait.ge [sflag:s28], $0x4000  }
0x107: {  	[sflag:s28] =	ssyncset.done $0x0  }
0x108: {  	[sflag:s28] =	ssyncadd.s32 $0xFFFFC000  }
0x109: {  	_ =	swait.ge [sflag:s28], $0x80  }
0x10a: {  	[sflag:s28] =	ssyncset.done $0x0  }
0x10b: {  	s25 =	simm.s32 $0x900;
	[sflag:s28] =	ssyncadd.s32 $0xFFFFFF80  }
0x10c: {  	[tilespmem:s19], [sflag:$0x1] =	stream.indirect.gather [hbm4b:s5+s22], $0x80, s25, s22, $0xb8;
	[tilespmem:$0x1D580] =	vst v63  }
0x10d: {  	_ =	swait.ge [sflag:s30], $0x4000  }
0x10e: {  	[sflag:s30] =	ssyncset.done $0x0  }
0x10f: {  	[sflag:s30] =	ssyncadd.s32 $0xFFFFC000  }
0x110: {  	[spmem:s2] =	stream.indirect.scatter.add.f32 [tilespmem:s23], [sflag:$0x4], $0x80, s21, s22, $0xb8;
	[tilespmem:$0x1D580] =	vst v63  }
0x111: {  	_ = 	snop  }
0x112: {  	[spmem:s3] =	stream.indirect.scatter.add.f32 [tilespmem:s26], [sflag:$0x4], $0x1, s21, s22, $0xb8;
	[tilespmem:$0x1D580] =	vst v63  }
0x113: {  	_ =	swait.ge [sflag:s0], $0x4000  }
0x114: {  	[sflag:s0] =	ssyncset.done $0x0  }
0x115: {  	[sflag:s0] =	ssyncadd.s32 $0xFFFFC000  }
0x116: {  	_ =	swait.ge [sflag:s0], $0x80  }
0x117: {  	[sflag:s0] =	ssyncset.done $0x0  }
0x118: {  	s31 =	simm.s32 $0x980;
	[sflag:s0] =	ssyncadd.s32 $0xFFFFFF80  }
0x119: {  	[tilespmem:s23], [sflag:$0x2] =	stream.indirect.gather [hbm4b:s5+s22], $0x80, s31, s22, $0xb8;
	[tilespmem:$0x1D580] =	vst v63  }
0x11a: {  	_ =	swait.ge [sflag:s24], $0x4000  }
0x11b: {  	[sflag:s24] =	ssyncset.done $0x0  }
0x11c: {  	p0 =	seq.s32 s6, $0x800;
	[sflag:s24] =	ssyncadd.s32 $0xFFFFC000  }
0x11d: {  	[spmem:s2] =	stream.indirect.scatter.add.f32 [tilespmem:s19], [sflag:$0x3], $0x80, s11, s22, $0xb8;
	[tilespmem:$0x1D580] =	vst v63  }
0x11e: {  	s25 =	sshrl.u32 @!p0 s18, $0x3;
	s1 =	rddreg [dreg:$0x5]  }
0x11f: {  	[spmem:s3] =	stream.indirect.scatter.add.f32 [tilespmem:s26], [sflag:$0x3], $0x1, s11, s22, $0xb8;
	[tilespmem:$0x1D580] =	vst v63  }
0x120: {  	s31 =	simm.s32 @!p0 $0x0;
	s25 =	sadd.s32 @!p0 s1, s25  }
0x121: {  	[tilespmem:s31], [sflag:$0x5] =	stream.linear.gather @!p0 [hbm4b:s25+s31], $0x800, $0x38;
	[tilespmem:$0x1D580] =	vst v63  }
0x122: {  	_ =	swait.ge [sflag:s28], $0x4000  }
0x123: {  	[sflag:s28] =	ssyncset.done $0x0  }
0x124: {  	[sflag:s28] =	ssyncadd.s32 $0xFFFFC000  }
0x125: {  	_ =	swait.ge [sflag:s28], $0x80  }
0x126: {  	[sflag:s28] =	ssyncset.done $0x0  }
0x127: {  	s25 =	simm.s32 $0xA00;
	[sflag:s28] =	ssyncadd.s32 $0xFFFFFF80  }
0x128: {  	[tilespmem:s19], [sflag:$0x1] =	stream.indirect.gather [hbm4b:s5+s22], $0x80, s25, s22, $0xb8;
	[tilespmem:$0x1D580] =	vst v63  }
0x129: {  	_ =	swait.ge [sflag:s30], $0x4000  }
0x12a: {  	[sflag:s30] =	ssyncset.done $0x0  }
0x12b: {  	[sflag:s30] =	ssyncadd.s32 $0xFFFFC000  }
0x12c: {  	[spmem:s2] =	stream.indirect.scatter.add.f32 [tilespmem:s23], [sflag:$0x4], $0x80, s16, s22, $0xb8;
	[tilespmem:$0x1D580] =	vst v63  }
0x12d: {  	_ = 	snop  }
0x12e: {  	[spmem:s3] =	stream.indirect.scatter.add.f32 [tilespmem:s26], [sflag:$0x4], $0x1, s16, s22, $0xb8;
	[tilespmem:$0x1D580] =	vst v63  }
0x12f: {  	_ =	swait.ge [sflag:s0], $0x4000  }
0x130: {  	[sflag:s0] =	ssyncset.done $0x0  }
0x131: {  	[sflag:s0] =	ssyncadd.s32 $0xFFFFC000  }
0x132: {  	_ =	swait.ge [sflag:s0], $0x80  }
0x133: {  	[sflag:s0] =	ssyncset.done $0x0  }
0x134: {  	s25 =	simm.s32 $0xA80;
	[sflag:s0] =	ssyncadd.s32 $0xFFFFFF80  }
0x135: {  	[tilespmem:s23], [sflag:$0x2] =	stream.indirect.gather [hbm4b:s5+s22], $0x80, s25, s22, $0xb8;
	[tilespmem:$0x1D580] =	vst v63  }
0x136: {  	_ =	swait.ge [sflag:s24], $0x4000  }
0x137: {  	[sflag:s24] =	ssyncset.done $0x0  }
0x138: {  	[sflag:s24] =	ssyncadd.s32 $0xFFFFC000  }
0x139: {  	[spmem:s2] =	stream.indirect.scatter.add.f32 [tilespmem:s19], [sflag:$0x3], $0x80, s29, s22, $0xb8;
	[tilespmem:$0x1D580] =	vst v63  }
0x13a: {  	_ = 	snop  }
0x13b: {  	[spmem:s3] =	stream.indirect.scatter.add.f32 [tilespmem:s26], [sflag:$0x3], $0x1, s29, s22, $0xb8;
	[tilespmem:$0x1D580] =	vst v63  }
0x13c: {  	_ =	swait.ge [sflag:s28], $0x4000  }
0x13d: {  	[sflag:s28] =	ssyncset.done $0x0  }
0x13e: {  	[sflag:s28] =	ssyncadd.s32 $0xFFFFC000  }
0x13f: {  	_ =	swait.ge [sflag:s28], $0x80  }
0x140: {  	[sflag:s28] =	ssyncset.done $0x0  }
0x141: {  	s25 =	simm.s32 $0xB00;
	[sflag:s28] =	ssyncadd.s32 $0xFFFFFF80  }
0x142: {  	[tilespmem:s19], [sflag:$0x1] =	stream.indirect.gather [hbm4b:s5+s22], $0x80, s25, s22, $0xb8;
	[tilespmem:$0x1D580] =	vst v63  }
0x143: {  	_ =	swait.ge [sflag:s30], $0x4000  }
0x144: {  	[sflag:s30] =	ssyncset.done $0x0  }
0x145: {  	[sflag:s30] =	ssyncadd.s32 $0xFFFFC000  }
0x146: {  	[spmem:s2] =	stream.indirect.scatter.add.f32 [tilespmem:s23], [sflag:$0x4], $0x80, s14, s22, $0xb8;
	[tilespmem:$0x1D580] =	vst v63  }
0x147: {  	_ = 	snop  }
0x148: {  	[spmem:s3] =	stream.indirect.scatter.add.f32 [tilespmem:s26], [sflag:$0x4], $0x1, s14, s22, $0xb8;
	[tilespmem:$0x1D580] =	vst v63  }
0x149: {  	_ =	swait.ge [sflag:s0], $0x4000  }
0x14a: {  	[sflag:s0] =	ssyncset.done $0x0  }
0x14b: {  	[sflag:s0] =	ssyncadd.s32 $0xFFFFC000  }
0x14c: {  	_ =	swait.ge [sflag:s0], $0x80  }
0x14d: {  	[sflag:s0] =	ssyncset.done $0x0  }
0x14e: {  	s25 =	simm.s32 $0xB80;
	[sflag:s0] =	ssyncadd.s32 $0xFFFFFF80  }
0x14f: {  	[tilespmem:s23], [sflag:$0x2] =	stream.indirect.gather [hbm4b:s5+s22], $0x80, s25, s22, $0xb8;
	[tilespmem:$0x1D580] =	vst v63  }
0x150: {  	_ =	swait.ge [sflag:s24], $0x4000  }
0x151: {  	[sflag:s24] =	ssyncset.done $0x0  }
0x152: {  	[sflag:s24] =	ssyncadd.s32 $0xFFFFC000  }
0x153: {  	[spmem:s2] =	stream.indirect.scatter.add.f32 [tilespmem:s19], [sflag:$0x3], $0x80, s9, s22, $0xb8;
	[tilespmem:$0x1D580] =	vst v63  }
0x154: {  	_ = 	snop  }
0x155: {  	[spmem:s3] =	stream.indirect.scatter.add.f32 [tilespmem:s26], [sflag:$0x3], $0x1, s9, s22, $0xb8;
	[tilespmem:$0x1D580] =	vst v63  }
0x156: {  	_ =	swait.ge [sflag:s28], $0x4000  }
0x157: {  	[sflag:s28] =	ssyncset.done $0x0  }
0x158: {  	[sflag:s28] =	ssyncadd.s32 $0xFFFFC000  }
0x159: {  	_ =	swait.ge [sflag:s28], $0x80  }
0x15a: {  	[sflag:s28] =	ssyncset.done $0x0  }
0x15b: {  	s25 =	simm.s32 @!p0 $0x5;
	[sflag:s28] =	ssyncadd.s32 $0xFFFFFF80  }
0x15c: {  	_ =	swait.ge @!p0 [sflag:s25], $0x800  }
0x15d: {  	[sflag:s25] =	ssyncset.done @!p0 $0x0  }
0x15e: {  	s1 =	simm.s32 @!p0 $0x1000;
	[sflag:s25] =	ssyncadd.s32 @!p0 $0xFFFFF800;
	s25 =	simm.s32 @!p0 $0x80  }
0x15f: {  	[tilespmem:s1], [sflag:$0x1] =	stream.indirect.gather @!p0 [hbm4b:s5+s25], $0x80, s31, s25, $0xb8;
	[tilespmem:$0x1D580] =	vst v63  }
0x160: {  	_ =	swait.ge [sflag:s30], $0x4000  }
0x161: {  	[sflag:s30] =	ssyncset.done $0x0  }
0x162: {  	[sflag:s30] =	ssyncadd.s32 $0xFFFFC000  }
0x163: {  	[spmem:s2] =	stream.indirect.scatter.add.f32 [tilespmem:s23], [sflag:$0x4], $0x80, s20, s22, $0xb8;
	[tilespmem:$0x1D580] =	vst v63  }
0x164: {  	_ = 	snop  }
0x165: {  	[spmem:s3] =	stream.indirect.scatter.add.f32 [tilespmem:s26], [sflag:$0x4], $0x1, s20, s22, $0xb8;
	[tilespmem:$0x1D580] =	vst v63  }
0x166: {  	_ =	swait.ge [sflag:s0], $0x4000  }
.Ltmp3:
0x167: {  	[sflag:s0] =	ssyncset.done $0x0;
	(pc) =	sbr.rel @p0 .LBB2_6-.Ltmp3, $4  }
0x168: {  	[sflag:s0] =	ssyncadd.s32 $0xFFFFC000  }
0x169: {  	_ =	swait.ge [sflag:s0], $0x80  }
0x16a: {  	[sflag:s0] =	ssyncset.done $0x0  }
0x16b: {  	[sflag:s0] =	ssyncadd.s32 $0xFFFFFF80  }
.Ltmp4:
0x16c: {  	(pc) =	sbr.rel .LBB2_4-.Ltmp4, $3  }
0x16d: {  	_ =	sdelay $0x1  }
0x16e: {  	[tilespmem:s23], [sflag:$0x2] =	stream.indirect.gather [hbm4b:s5+s22], $0x80, s22, s22, $0xb8;
	[tilespmem:$0x1D580] =	vst v63  }
0x16f: {  	s18 =	sadd.s32 $0x1000, s18;
	s6 =	sadd.s32 $0x200, s6  }
.LBB2_7:
0x170: {  	_ =	sfence.sel $0x180000  }
0x171: {  	[bflag:$0x0] =	sbarrier.arrive $0xFFFF  }
0x172: {  	_ =	strace $0x90000047  }
0x173: {  	s0 =	stileid.u32;
	[bflag:$0x2] =	sbarrier.arrive $0xFFFF  }
0x174: {  	p0 =	sne.s32 s0, $0x0;
	s0 =	rddreg [dreg:$0x4]  }
0x175: {  	s0 =	sadd.s32 @!p0 $0x100000, s0  }
0x176: {  	[sflag:s0] =	ssyncadd.tile.s32 @!p0 $0x1;
	_ =	shalt  }
.Lfunc_end2:
_tile_overlayer_lowered:
.L_overlay_start_2:
0x177: {  	(tag) =	ssettag $0x2  }
0x178: {  	s0 =	rddreg [dreg:$0x0];
	s2 =	stileid.u32  }
0x179: {  	s1 =	rddreg [dreg:$0x1];
	p0 =	sne.s32 s2, $0x0  }
0x17a: {  	s3 =	rddreg [dreg:$0x2];
	[bflag:$0x3] =	sbarrier.arrive $0xFFFF;
	s2 =	simm.s32 @!p0 $0x1C07  }
0x17b: {  	[timem:s3], [sflag:s2] =	dma.local @!p0 [hbm:s0], s1  }
0x17c: {  	s0 =	simm.s32 @!p0 $0x7  }
0x17d: {  	_ =	swait.ge @!p0 [sflag:s0], s1  }
0x17e: {  	s1 =	ssub.s32 @!p0 $0x0, s1;
	[sflag:s0] =	ssyncset.done @!p0 $0x0  }
0x17f: {  	[sflag:s0] =	ssyncadd.s32 @!p0 s1  }
0x180: {  	[bflag:$0x3] =	sbarrier.arrive $0xFFFF  }
0x181: {  	_ =	shalt  }

</sc_bundles>
